<compile_context>
chip_gen: v7x
topology: tpu7x:2x2x1
jax: 0.10.2.dev20260603
libtpu: 0.0.44.dev20260713+nightly
codegen_flags: <defaults>
</compile_context>

<pallas_src>
import functools

import jax
import jax.numpy as jnp
from jax import lax
from jax.experimental import pallas as pl
from jax.experimental.pallas import tpu as pltpu
from jax.experimental.pallas import tpu_sc as plsc

N_NODES = 10000
N_EDGES = 320000
D = 128
N_GRAPHS = 64
D_OUT = 16

NC = 2
NS = 16
NW = NC * NS
EC = 128

N_PAD = 10240
N_ROWCH = N_PAD // EC
ROWCH_PER_S = N_ROWCH // NS
E_PAD = 327680
N_CHUNKS = E_PAD // EC
CHUNKS_PER_W = N_CHUNKS // NW
HALF_W = CHUNKS_PER_W // 2

BLK = 1024
GRID = N_PAD // BLK


def _sc_segment_pass(with_deg: bool):
  mesh = plsc.VectorSubcoreMesh(core_axis_name="c", subcore_axis_name="s")
  out_type = [jax.ShapeDtypeStruct((NC, N_PAD, D), jnp.float32)]
  scratch = [
      pltpu.VMEM((HALF_W, EC), jnp.int32),
      pltpu.VMEM((HALF_W, EC), jnp.int32),
      pltpu.VMEM((EC, D), jnp.float32),
      pltpu.VMEM((EC, D), jnp.float32),
      pltpu.VMEM_SHARED((N_PAD, D), jnp.float32),
      pltpu.SemaphoreType.DMA,
      pltpu.SemaphoreType.DMA,
  ]
  if with_deg:
    out_type.append(jax.ShapeDtypeStruct((NC, N_PAD), jnp.float32))
    scratch += [
        pltpu.VMEM((EC,), jnp.float32),
        pltpu.VMEM((EC,), jnp.float32),
        pltpu.VMEM_SHARED((N_PAD,), jnp.float32),
    ]

  def body(y_hbm, src_hbm, dst_hbm, zeros_hbm, ones_hbm, *rest):
    if with_deg:
      (out_hbm, deg_hbm, src_v, dst_v, rows_a, rows_b, acc_sh,
       sem_a, sem_b, ones_v, zcol_v, deg_sh) = rest
    else:
      (out_hbm, src_v, dst_v, rows_a, rows_b, acc_sh, sem_a, sem_b) = rest
    cid = lax.axis_index("c")
    sid = lax.axis_index("s")
    wid = sid * NC + cid

    pltpu.sync_copy(zeros_hbm, rows_b)
    if with_deg:
      pltpu.sync_copy(ones_hbm, ones_v)
      pltpu.sync_copy(zeros_hbm.at[0, :], zcol_v)
    base = wid * CHUNKS_PER_W
    pltpu.sync_copy(src_hbm.at[pl.ds(base, HALF_W), :], src_v)
    pltpu.sync_copy(dst_hbm.at[pl.ds(base, HALF_W), :], dst_v)
    pltpu.async_copy(y_hbm.at[src_v.at[0]], rows_a, sem_a)
    for k in range(ROWCH_PER_S):
      r = sid + k * NS
      pltpu.sync_copy(rows_b, acc_sh.at[pl.ds(r * EC, EC), :])
      if with_deg:
        pltpu.sync_copy(zcol_v, deg_sh.at[pl.ds(r * EC, EC)])

    plsc.subcore_barrier()

    def fire(k, rows, sem):
      pltpu.async_copy(y_hbm.at[src_v.at[k]], rows, sem)

    def drain(rows, sem):
      pltpu.make_async_copy(y_hbm.at[src_v.at[0]], rows, sem).wait()

    def scat(k, rows):
      pltpu.sync_copy(rows, acc_sh.at[dst_v.at[k]], add=True)
      if with_deg:
        pltpu.sync_copy(ones_v, deg_sh.at[dst_v.at[k]], add=True)

    for half in range(2):
      if half > 0:
        pltpu.sync_copy(
            src_hbm.at[pl.ds(base + half * HALF_W, HALF_W), :], src_v)
        pltpu.sync_copy(
            dst_hbm.at[pl.ds(base + half * HALF_W, HALF_W), :], dst_v)
        fire(0, rows_a, sem_a)

      def edge_step(j, carry):
        k = j * 2
        fire(k + 1, rows_b, sem_b)
        drain(rows_a, sem_a)
        scat(k, rows_a)

        @pl.when(j < HALF_W // 2 - 1)
        def _():
          fire(k + 2, rows_a, sem_a)

        drain(rows_b, sem_b)
        scat(k + 1, rows_b)
        return carry

      lax.fori_loop(0, HALF_W // 2, edge_step, 0)
    plsc.subcore_barrier()

    for k in range(ROWCH_PER_S):
      r = sid + k * NS
      buf, sem = (rows_a, sem_a) if k % 2 == 0 else (rows_b, sem_b)
      if k >= 2:
        pltpu.make_async_copy(
            buf, out_hbm.at[cid, pl.ds(r * EC, EC), :], sem).wait()
      pltpu.sync_copy(acc_sh.at[pl.ds(r * EC, EC), :], buf)
      pltpu.async_copy(buf, out_hbm.at[cid, pl.ds(r * EC, EC), :], sem)
      if with_deg:
        pltpu.sync_copy(deg_sh.at[pl.ds(r * EC, EC)], ones_v)
        pltpu.sync_copy(ones_v, deg_hbm.at[cid, pl.ds(r * EC, EC)])
    for k in (ROWCH_PER_S - 2, ROWCH_PER_S - 1):
      r = sid + k * NS
      buf, sem = (rows_a, sem_a) if k % 2 == 0 else (rows_b, sem_b)
      pltpu.make_async_copy(
          buf, out_hbm.at[cid, pl.ds(r * EC, EC), :], sem).wait()

  return pl.kernel(
      body,
      out_type=tuple(out_type) if with_deg else out_type[0],
      mesh=mesh,
      scratch_types=scratch,
  )


def _lin_relu_kernel(x_ref, w_ref, b_ref, o_ref):
  o_ref[...] = jax.nn.relu(
      jnp.dot(x_ref[...], w_ref[...], preferred_element_type=jnp.float32)
      + b_ref[...])


def _node_linear(x, w, b):
  return pl.pallas_call(
      _lin_relu_kernel,
      grid=(GRID,),
      in_specs=[
          pl.BlockSpec((BLK, D), lambda i: (i, 0)),
          pl.BlockSpec((D, D), lambda i: (0, 0)),
          pl.BlockSpec((1, D), lambda i: (0, 0)),
      ],
      out_specs=pl.BlockSpec((BLK, D), lambda i: (i, 0)),
      out_shape=jax.ShapeDtypeStruct((N_PAD, D), jnp.float32),
  )(x, w, b.reshape(1, D))


def _combine_block(p_ref, deg_ref, x_ref, wt_ref, wb_ref, b_ref):
  psum = p_ref[0] + p_ref[1]
  dsum = deg_ref[0, 0, 0, :] + deg_ref[1, 0, 0, :]
  inv = 1.0 / jnp.maximum(dsum, 1.0)
  aggr = psum * inv[:, None]
  h = jax.nn.relu(
      jnp.dot(aggr, wt_ref[...], preferred_element_type=jnp.float32)
      + jnp.dot(x_ref[...], wb_ref[...], preferred_element_type=jnp.float32)
      + b_ref[...])
  nrm = jnp.sqrt(jnp.sum(h * h, axis=1, keepdims=True))
  return h / jnp.maximum(nrm, 1e-12)


def _combine2_kernel(p_ref, deg_ref, x_ref, wt_ref, wb_ref, b_ref,
                     w2_ref, b2_ref, h_ref, y2_ref):
  h = _combine_block(p_ref, deg_ref, x_ref, wt_ref, wb_ref, b_ref)
  h_ref[...] = h
  y2_ref[...] = jax.nn.relu(
      jnp.dot(h, w2_ref[...], preferred_element_type=jnp.float32)
      + b2_ref[...])


def _combine_and_next(p, deg, x, w_agg, b_agg, w_lin2, b_lin2):
  wt, wb = w_agg[:D], w_agg[D:]
  return pl.pallas_call(
      _combine2_kernel,
      grid=(GRID,),
      in_specs=[
          pl.BlockSpec((NC, BLK, D), lambda i: (0, i, 0)),
          pl.BlockSpec((NC, 1, 1, BLK), lambda i: (0, i, 0, 0)),
          pl.BlockSpec((BLK, D), lambda i: (i, 0)),
          pl.BlockSpec((D, D), lambda i: (0, 0)),
          pl.BlockSpec((D, D), lambda i: (0, 0)),
          pl.BlockSpec((1, D), lambda i: (0, 0)),
          pl.BlockSpec((D, D), lambda i: (0, 0)),
          pl.BlockSpec((1, D), lambda i: (0, 0)),
      ],
      out_specs=[
          pl.BlockSpec((BLK, D), lambda i: (i, 0)),
          pl.BlockSpec((BLK, D), lambda i: (i, 0)),
      ],
      out_shape=[
          jax.ShapeDtypeStruct((N_PAD, D), jnp.float32),
          jax.ShapeDtypeStruct((N_PAD, D), jnp.float32),
      ],
  )(p, deg.reshape(NC, GRID, 1, BLK), x, wt, wb, b_agg.reshape(1, D),
    w_lin2, b_lin2.reshape(1, D))


def _final_kernel(p_ref, deg_ref, x_ref, wt_ref, wb_ref, b_ref,
                  batch_ref, wp1_ref, bp1_ref, wp2_ref, bp2_ref,
                  o_ref, pool_ref):
  i = pl.program_id(0)
  h = _combine_block(p_ref, deg_ref, x_ref, wt_ref, wb_ref, b_ref)
  ids_col = batch_ref[0]

  @pl.when(i == 0)
  def _init():
    pool_ref[...] = jnp.full((N_GRAPHS, D), -jnp.inf, jnp.float32)

  lo = batch_ref[0, 0, 0]
  hi = batch_ref[0, BLK - 1, 0]
  neg = jnp.float32(-jnp.inf)
  for g in range(N_GRAPHS):
    @pl.when(jnp.logical_and(g >= lo, g <= hi))
    def _upd():
      m = ids_col == g
      mx = jnp.max(jnp.where(m, h, neg), axis=0)
      pool_ref[g, :] = jnp.maximum(pool_ref[g, :], mx)

  @pl.when(i == GRID - 1)
  def _fin():
    pooled = pool_ref[...]
    o1 = jnp.dot(pooled, wp1_ref[...],
                 preferred_element_type=jnp.float32) + bp1_ref[...]
    o2 = jnp.dot(o1, wp2_ref[...],
                 preferred_element_type=jnp.float32) + bp2_ref[...]
    z = o2 - jnp.max(o2, axis=1, keepdims=True)
    o_ref[...] = z - jnp.log(jnp.sum(jnp.exp(z), axis=1, keepdims=True))


def _final_stage(q, deg, h1, w_agg, b_agg, batch_col, wp1, bp1, wp2, bp2):
  wt, wb = w_agg[:D], w_agg[D:]
  return pl.pallas_call(
      _final_kernel,
      grid=(GRID,),
      in_specs=[
          pl.BlockSpec((NC, BLK, D), lambda i: (0, i, 0)),
          pl.BlockSpec((NC, 1, 1, BLK), lambda i: (0, i, 0, 0)),
          pl.BlockSpec((BLK, D), lambda i: (i, 0)),
          pl.BlockSpec((D, D), lambda i: (0, 0)),
          pl.BlockSpec((D, D), lambda i: (0, 0)),
          pl.BlockSpec((1, D), lambda i: (0, 0)),
          pl.BlockSpec((1, BLK, 1), lambda i: (i, 0, 0)),
          pl.BlockSpec((D, D), lambda i: (0, 0)),
          pl.BlockSpec((1, D), lambda i: (0, 0)),
          pl.BlockSpec((D, D_OUT), lambda i: (0, 0)),
          pl.BlockSpec((1, D_OUT), lambda i: (0, 0)),
      ],
      out_specs=pl.BlockSpec((N_GRAPHS, D_OUT), lambda i: (0, 0)),
      out_shape=jax.ShapeDtypeStruct((N_GRAPHS, D_OUT), jnp.float32),
      scratch_shapes=[pltpu.VMEM((N_GRAPHS, D), jnp.float32)],
  )(q, deg.reshape(NC, GRID, 1, BLK), h1, wt, wb, b_agg.reshape(1, D),
    batch_col, wp1, bp1.reshape(1, D),
    wp2, bp2.reshape(1, D_OUT))


def kernel(x, edge_index, batch,
           W_lin1, b_lin1, W_agg1, b_agg1,
           W_lin2, b_lin2, W_agg2, b_agg2,
           W_post1, b_post1, W_post2, b_post2):
  batch_col = jnp.pad(batch, (0, N_PAD - N_NODES),
                      constant_values=N_GRAPHS).reshape(GRID, BLK, 1)
  pad_iota = jnp.arange(E_PAD - N_EDGES, dtype=jnp.int32)
  src2d = jnp.concatenate(
      [edge_index[0], pad_iota % N_PAD]).reshape(N_CHUNKS, EC)
  dst2d = jnp.concatenate(
      [edge_index[1],
       N_NODES + pad_iota % (N_PAD - N_NODES)]).reshape(N_CHUNKS, EC)
  zeros = jnp.zeros((EC, D), jnp.float32)
  ones = jnp.ones((EC,), jnp.float32)

  y1 = _node_linear(x, W_lin1, b_lin1)
  p1, deg = _sc_segment_pass(True)(y1, src2d, dst2d, zeros, ones)
  h1, y2 = _combine_and_next(p1, deg, x, W_agg1, b_agg1, W_lin2, b_lin2)
  p2 = _sc_segment_pass(False)(y2, src2d, dst2d, zeros, ones)
  return _final_stage(p2, deg, h1, W_agg2, b_agg2, batch_col,
                      W_post1, b_post1, W_post2, b_post2)

# --- scband reference (transcript-rebuilt; emitter-appended) ---
"""Pipeline reference for scband-gnnstack-1434519076933 (READ-ONLY COPY).

The authoritative reference and input builder live on the scoring server;
editing this copy changes nothing except your own understanding.
"""

import jax, jax.numpy as jnp
import numpy as np

N_NODES = 10000
N_EDGES = 320000
D_IN = 128
D_HID = 128
D_OUT = 16
N_GRAPHS = 64


def setup_inputs(seed: int = 0) -> dict:
    key = jax.random.key(seed)
    ks = jax.random.split(key, 16)
    x = jax.random.normal(ks[0], (N_NODES, D_IN), dtype=jnp.float32)
    edge_index = jax.random.randint(ks[1], (2, N_EDGES), 0, N_NODES, dtype=jnp.int32)
    batch = jnp.sort(jax.random.randint(ks[2], (N_NODES,), 0, N_GRAPHS, dtype=jnp.int32))
    s = 0.05
    # layer 1: GraphSage(D_IN, D_HID)
    W_lin1 = jax.random.normal(ks[3], (D_IN, D_HID), dtype=jnp.float32) * s
    b_lin1 = jnp.zeros((D_HID,), dtype=jnp.float32)
    W_agg1 = jax.random.normal(ks[4], (D_IN + D_HID, D_HID), dtype=jnp.float32) * s
    b_agg1 = jnp.zeros((D_HID,), dtype=jnp.float32)
    # layer 2: GraphSage(D_HID, D_HID)
    W_lin2 = jax.random.normal(ks[5], (D_HID, D_HID), dtype=jnp.float32) * s
    b_lin2 = jnp.zeros((D_HID,), dtype=jnp.float32)
    W_agg2 = jax.random.normal(ks[6], (D_HID + D_HID, D_HID), dtype=jnp.float32) * s
    b_agg2 = jnp.zeros((D_HID,), dtype=jnp.float32)
    # post_mp: Linear(D_HID, D_HID) -> Dropout(0) -> Linear(D_HID, D_OUT)
    W_post1 = jax.random.normal(ks[7], (D_HID, D_HID), dtype=jnp.float32) * s
    b_post1 = jnp.zeros((D_HID,), dtype=jnp.float32)
    W_post2 = jax.random.normal(ks[8], (D_HID, D_OUT), dtype=jnp.float32) * s
    b_post2 = jnp.zeros((D_OUT,), dtype=jnp.float32)
    return {"x": x, "edge_index": edge_index, "batch": batch,
            "W_lin1": W_lin1, "b_lin1": b_lin1, "W_agg1": W_agg1, "b_agg1": b_agg1,
            "W_lin2": W_lin2, "b_lin2": b_lin2, "W_agg2": W_agg2, "b_agg2": b_agg2,
            "W_post1": W_post1, "b_post1": b_post1, "W_post2": W_post2, "b_post2": b_post2}


def _graphsage_layer(x, edge_index, W_lin, b_lin, W_agg, b_agg):
    # message: x_j = ReLU(Linear(x[src]))
    src = edge_index[0]
    dst = edge_index[1]
    msg = jax.nn.relu(jnp.take(x, src, axis=0) @ W_lin + b_lin)
    n = x.shape[0]
    # aggr='mean': segment mean over destination nodes
    summed = jax.ops.segment_sum(msg, dst, num_segments=n)
    cnt = jax.ops.segment_sum(jnp.ones((edge_index.shape[1],), dtype=x.dtype), dst, num_segments=n)
    aggr = summed / jnp.maximum(cnt, 1.0)[:, None]
    # update: ReLU(Linear(concat([aggr, x]))) then L2 normalize
    h = jax.nn.relu(jnp.concatenate([aggr, x], axis=-1) @ W_agg + b_agg)
    norm = jnp.linalg.norm(h, axis=1, keepdims=True)
    h = h / jnp.maximum(norm, 1e-12)
    return h


def reference(x, edge_index, batch,
              W_lin1, b_lin1, W_agg1, b_agg1,
              W_lin2, b_lin2, W_agg2, b_agg2,
              W_post1, b_post1, W_post2, b_post2):
    h = _graphsage_layer(x, edge_index, W_lin1, b_lin1, W_agg1, b_agg1)
    h = jax.nn.relu(h)  # dropout p=0 -> identity
    h = _graphsage_layer(h, edge_index, W_lin2, b_lin2, W_agg2, b_agg2)
    h = jax.nn.relu(h)
    pooled = jax.ops.segment_max(h, batch, num_segments=N_GRAPHS)
    out = pooled @ W_post1 + b_post1
    out = out @ W_post2 + b_post2
    return jax.nn.log_softmax(out, axis=1)

if __name__ == "__main__":
    import jax
    _d = setup_inputs()
    print(jax.jit(kernel)(*tuple(_d.values())))

</pallas_src>

<mosaic_0001>
#map = affine_map<(d0, d1) -> (0, 0)>
#map1 = affine_map<(d0, d1) -> (0)>
#map2 = affine_map<(d0, d1) -> (0, 0, 0)>
module attributes {stable_mosaic.version = 14 : i64} {
  func.func @body(%arg0: i32, %arg1: i32, %arg2: memref<10240x128xf32, #tpu.memory_space<hbm>>, %arg3: memref<2560x128xi32, #tpu.memory_space<hbm>>, %arg4: memref<2560x128xi32, #tpu.memory_space<hbm>>, %arg5: memref<128x128xf32, #tpu.memory_space<hbm>>, %arg6: memref<128xf32, #tpu.memory_space<hbm>>, %arg7: memref<2x10240x128xf32, #tpu.memory_space<hbm>>, %arg8: memref<2x10240xf32, #tpu.memory_space<hbm>>, %arg9: memref<40x128xi32, #tpu.memory_space<vmem>>, %arg10: memref<40x128xi32, #tpu.memory_space<vmem>>, %arg11: memref<128x128xf32, #tpu.memory_space<vmem>>, %arg12: memref<128x128xf32, #tpu.memory_space<vmem>>, %arg13: memref<10240x128xf32, #tpu.memory_space<vmem_shared>>, %arg14: memref<!tpu.dma_semaphore, #tpu.memory_space<semaphore_mem>>, %arg15: memref<!tpu.dma_semaphore, #tpu.memory_space<semaphore_mem>>, %arg16: memref<128xf32, #tpu.memory_space<vmem>>, %arg17: memref<128xf32, #tpu.memory_space<vmem>>, %arg18: memref<10240xf32, #tpu.memory_space<vmem_shared>>) attributes {dimension_semantics = [#tpu.dimension_semantics<core_parallel>, #tpu.dimension_semantics<subcore_parallel>], iteration_bounds = array<i64: 2, 16>, scalar_prefetch = 0 : i64, scratch_operands = 10 : i64, tpu.core_type = #tpu.core_type<sc_vector_subcore>, window_params = [{transform_indices = #map}, {transform_indices = #map}, {transform_indices = #map}, {transform_indices = #map}, {transform_indices = #map1}, {transform_indices = #map2}, {transform_indices = #map}]} {
    %mul3A = arith.constant 2 : i32
    %mul3A_0 = arith.muli %arg1, %mul3A : i32
    %add3A = arith.addi %mul3A_0, %arg0 : i32
    "tpu.region"() ({
      %run_scoped3A_185 = tpu.sem_alloc : memref<!tpu.dma_semaphore, #tpu.memory_space<semaphore_mem>>
      tpu.enqueue_dma source(%arg5 : memref<128x128xf32, #tpu.memory_space<hbm>>) target(%arg12 : memref<128x128xf32, #tpu.memory_space<vmem>>) target_semaphore(%run_scoped3A_185 : memref<!tpu.dma_semaphore, #tpu.memory_space<semaphore_mem>>)
      tpu.wait_dma2 semaphore(%run_scoped3A_185 : memref<!tpu.dma_semaphore, #tpu.memory_space<semaphore_mem>>) src(%arg5 : memref<128x128xf32, #tpu.memory_space<hbm>>) dst(%arg12 : memref<128x128xf32, #tpu.memory_space<vmem>>)
      tpu.yield
    }) : () -> ()
    "tpu.region"() ({
      %run_scoped3A_185 = tpu.sem_alloc : memref<!tpu.dma_semaphore, #tpu.memory_space<semaphore_mem>>
      tpu.enqueue_dma source(%arg6 : memref<128xf32, #tpu.memory_space<hbm>>) target(%arg16 : memref<128xf32, #tpu.memory_space<vmem>>) target_semaphore(%run_scoped3A_185 : memref<!tpu.dma_semaphore, #tpu.memory_space<semaphore_mem>>)
      tpu.wait_dma2 semaphore(%run_scoped3A_185 : memref<!tpu.dma_semaphore, #tpu.memory_space<semaphore_mem>>) src(%arg6 : memref<128xf32, #tpu.memory_space<hbm>>) dst(%arg16 : memref<128xf32, #tpu.memory_space<vmem>>)
      tpu.yield
    }) : () -> ()
    %run_scoped3A = arith.constant 0 : i32
    "tpu.region"() ({
      %run_scoped3A_185 = tpu.sem_alloc : memref<!tpu.dma_semaphore, #tpu.memory_space<semaphore_mem>>
      %dma_start3A_186 = arith.constant 0 : i32
      %dma_start3A_187 = tpu.memref_slice %arg5[%run_scoped3A, %dma_start3A_186] : memref<128x128xf32, #tpu.memory_space<hbm>> -> memref<1x128xf32, #tpu.memory_space<hbm>>
      %dma_start3A_188 = tpu.memref_squeeze %dma_start3A_187 : memref<1x128xf32, #tpu.memory_space<hbm>> -> memref<128xf32, #tpu.memory_space<hbm>>
      %dma_start3A_189 = arith.constant 0 : i32
      %dma_start3A_190 = tpu.memref_slice %arg5[%run_scoped3A, %dma_start3A_189] : memref<128x128xf32, #tpu.memory_space<hbm>> -> memref<1x128xf32, #tpu.memory_space<hbm>>
      %dma_start3A_191 = tpu.memref_squeeze %dma_start3A_190 : memref<1x128xf32, #tpu.memory_space<hbm>> -> memref<128xf32, #tpu.memory_space<hbm>>
      tpu.enqueue_dma source(%dma_start3A_191 : memref<128xf32, #tpu.memory_space<hbm>>) target(%arg17 : memref<128xf32, #tpu.memory_space<vmem>>) target_semaphore(%run_scoped3A_185 : memref<!tpu.dma_semaphore, #tpu.memory_space<semaphore_mem>>)
      %dma_wait3A_192 = arith.constant 0 : i32
      %dma_wait3A_193 = tpu.memref_slice %arg5[%run_scoped3A, %dma_wait3A_192] : memref<128x128xf32, #tpu.memory_space<hbm>> -> memref<1x128xf32, #tpu.memory_space<hbm>>
      %dma_wait3A_194 = tpu.memref_squeeze %dma_wait3A_193 : memref<1x128xf32, #tpu.memory_space<hbm>> -> memref<128xf32, #tpu.memory_space<hbm>>
      %dma_wait3A_195 = arith.constant 0 : i32
      %dma_wait3A_196 = tpu.memref_slice %arg5[%run_scoped3A, %dma_wait3A_195] : memref<128x128xf32, #tpu.memory_space<hbm>> -> memref<1x128xf32, #tpu.memory_space<hbm>>
      %dma_wait3A_197 = tpu.memref_squeeze %dma_wait3A_196 : memref<1x128xf32, #tpu.memory_space<hbm>> -> memref<128xf32, #tpu.memory_space<hbm>>
      tpu.wait_dma2 semaphore(%run_scoped3A_185 : memref<!tpu.dma_semaphore, #tpu.memory_space<semaphore_mem>>) src(%dma_wait3A_197 : memref<128xf32, #tpu.memory_space<hbm>>) dst(%arg17 : memref<128xf32, #tpu.memory_space<vmem>>)
      tpu.yield
    }) : () -> ()
    %mul3A_1 = arith.constant 80 : i32
    %mul3A_2 = arith.muli %add3A, %mul3A_1 : i32
    "tpu.region"() ({
      %run_scoped3A_185 = tpu.sem_alloc : memref<!tpu.dma_semaphore, #tpu.memory_space<semaphore_mem>>
      %dma_start3A_186 = arith.constant 0 : i32
      %dma_start3A_187 = tpu.memref_slice %arg3[%mul3A_2, %dma_start3A_186] : memref<2560x128xi32, #tpu.memory_space<hbm>> -> memref<40x128xi32, #tpu.memory_space<hbm>>
      %dma_start3A_188 = arith.constant 0 : i32
      %dma_start3A_189 = tpu.memref_slice %arg3[%mul3A_2, %dma_start3A_188] : memref<2560x128xi32, #tpu.memory_space<hbm>> -> memref<40x128xi32, #tpu.memory_space<hbm>>
      tpu.enqueue_dma source(%dma_start3A_189 : memref<40x128xi32, #tpu.memory_space<hbm>>) target(%arg9 : memref<40x128xi32, #tpu.memory_space<vmem>>) target_semaphore(%run_scoped3A_185 : memref<!tpu.dma_semaphore, #tpu.memory_space<semaphore_mem>>)
      %dma_wait3A_190 = arith.constant 0 : i32
      %dma_wait3A_191 = tpu.memref_slice %arg3[%mul3A_2, %dma_wait3A_190] : memref<2560x128xi32, #tpu.memory_space<hbm>> -> memref<40x128xi32, #tpu.memory_space<hbm>>
      %dma_wait3A_192 = arith.constant 0 : i32
      %dma_wait3A_193 = tpu.memref_slice %arg3[%mul3A_2, %dma_wait3A_192] : memref<2560x128xi32, #tpu.memory_space<hbm>> -> memref<40x128xi32, #tpu.memory_space<hbm>>
      tpu.wait_dma2 semaphore(%run_scoped3A_185 : memref<!tpu.dma_semaphore, #tpu.memory_space<semaphore_mem>>) src(%dma_wait3A_193 : memref<40x128xi32, #tpu.memory_space<hbm>>) dst(%arg9 : memref<40x128xi32, #tpu.memory_space<vmem>>)
      tpu.yield
    }) : () -> ()
    "tpu.region"() ({
      %run_scoped3A_185 = tpu.sem_alloc : memref<!tpu.dma_semaphore, #tpu.memory_space<semaphore_mem>>
      %dma_start3A_186 = arith.constant 0 : i32
      %dma_start3A_187 = tpu.memref_slice %arg4[%mul3A_2, %dma_start3A_186] : memref<2560x128xi32, #tpu.memory_space<hbm>> -> memref<40x128xi32, #tpu.memory_space<hbm>>
      %dma_start3A_188 = arith.constant 0 : i32
      %dma_start3A_189 = tpu.memref_slice %arg4[%mul3A_2, %dma_start3A_188] : memref<2560x128xi32, #tpu.memory_space<hbm>> -> memref<40x128xi32, #tpu.memory_space<hbm>>
      tpu.enqueue_dma source(%dma_start3A_189 : memref<40x128xi32, #tpu.memory_space<hbm>>) target(%arg10 : memref<40x128xi32, #tpu.memory_space<vmem>>) target_semaphore(%run_scoped3A_185 : memref<!tpu.dma_semaphore, #tpu.memory_space<semaphore_mem>>)
      %dma_wait3A_190 = arith.constant 0 : i32
      %dma_wait3A_191 = tpu.memref_slice %arg4[%mul3A_2, %dma_wait3A_190] : memref<2560x128xi32, #tpu.memory_space<hbm>> -> memref<40x128xi32, #tpu.memory_space<hbm>>
      %dma_wait3A_192 = arith.constant 0 : i32
      %dma_wait3A_193 = tpu.memref_slice %arg4[%mul3A_2, %dma_wait3A_192] : memref<2560x128xi32, #tpu.memory_space<hbm>> -> memref<40x128xi32, #tpu.memory_space<hbm>>
      tpu.wait_dma2 semaphore(%run_scoped3A_185 : memref<!tpu.dma_semaphore, #tpu.memory_space<semaphore_mem>>) src(%dma_wait3A_193 : memref<40x128xi32, #tpu.memory_space<hbm>>) dst(%arg10 : memref<40x128xi32, #tpu.memory_space<vmem>>)
      tpu.yield
    }) : () -> ()
    %dma_start3A = arith.constant 0 : i32
    %dma_start3A_3 = arith.constant 0 : i32
    %dma_start3A_4 = tpu.memref_slice %arg9[%dma_start3A, %dma_start3A_3] : memref<40x128xi32, #tpu.memory_space<vmem>> -> memref<1x128xi32, #tpu.memory_space<vmem>>
    %dma_start3A_5 = tpu.memref_squeeze %dma_start3A_4 : memref<1x128xi32, #tpu.memory_space<vmem>> -> memref<128xi32, #tpu.memory_space<vmem>>
    %dma_start3A_6 = arith.constant 0 : i32
    %dma_start3A_7 = arith.constant 0 : i32
    %dma_start3A_8 = tpu.memref_slice %arg2[%dma_start3A_6, %dma_start3A_7] : memref<10240x128xf32, #tpu.memory_space<hbm>> -> memref<10240x128xf32, #tpu.memory_space<hbm>>
    tpu.enqueue_indirect_dma source(%dma_start3A_8 : memref<10240x128xf32, #tpu.memory_space<hbm>>) target(%arg11 : memref<128x128xf32, #tpu.memory_space<vmem>>) offsets(%dma_start3A_5 : memref<128xi32, #tpu.memory_space<vmem>>) semaphore(%arg14 : memref<!tpu.dma_semaphore, #tpu.memory_space<semaphore_mem>>)
    %add3A_9 = arith.constant 0 : i32
    %add3A_10 = arith.addi %arg1, %add3A_9 : i32
    %mul3A_11 = arith.constant 128 : i32
    %mul3A_12 = arith.muli %add3A_10, %mul3A_11 : i32
    "tpu.region"() ({
      %run_scoped3A_185 = tpu.sem_alloc : memref<!tpu.dma_semaphore, #tpu.memory_space<semaphore_mem>>
      %dma_start3A_186 = arith.constant 0 : i32
      %dma_start3A_187 = tpu.memref_slice %arg13[%mul3A_12, %dma_start3A_186] : memref<10240x128xf32, #tpu.memory_space<vmem_shared>> -> memref<128x128xf32, #tpu.memory_space<vmem_shared>>
      %dma_start3A_188 = arith.constant 0 : i32
      %dma_start3A_189 = tpu.memref_slice %arg13[%mul3A_12, %dma_start3A_188] : memref<10240x128xf32, #tpu.memory_space<vmem_shared>> -> memref<128x128xf32, #tpu.memory_space<vmem_shared>>
      tpu.enqueue_dma source(%arg12 : memref<128x128xf32, #tpu.memory_space<vmem>>) target(%dma_start3A_189 : memref<128x128xf32, #tpu.memory_space<vmem_shared>>) target_semaphore(%run_scoped3A_185 : memref<!tpu.dma_semaphore, #tpu.memory_space<semaphore_mem>>)
      %dma_wait3A_190 = arith.constant 0 : i32
      %dma_wait3A_191 = tpu.memref_slice %arg13[%mul3A_12, %dma_wait3A_190] : memref<10240x128xf32, #tpu.memory_space<vmem_shared>> -> memref<128x128xf32, #tpu.memory_space<vmem_shared>>
      %dma_wait3A_192 = arith.constant 0 : i32
      %dma_wait3A_193 = tpu.memref_slice %arg13[%mul3A_12, %dma_wait3A_192] : memref<10240x128xf32, #tpu.memory_space<vmem_shared>> -> memref<128x128xf32, #tpu.memory_space<vmem_shared>>
      tpu.wait_dma2 semaphore(%run_scoped3A_185 : memref<!tpu.dma_semaphore, #tpu.memory_space<semaphore_mem>>) src(%arg12 : memref<128x128xf32, #tpu.memory_space<vmem>>) dst(%dma_wait3A_193 : memref<128x128xf32, #tpu.memory_space<vmem_shared>>)
      tpu.yield
    }) : () -> ()
    %mul3A_13 = arith.constant 128 : i32
    %mul3A_14 = arith.muli %add3A_10, %mul3A_13 : i32
    "tpu.region"() ({
      %run_scoped3A_185 = tpu.sem_alloc : memref<!tpu.dma_semaphore, #tpu.memory_space<semaphore_mem>>
      %dma_start3A_186 = tpu.memref_slice %arg18[%mul3A_14] : memref<10240xf32, #tpu.memory_space<vmem_shared>> -> memref<128xf32, #tpu.memory_space<vmem_shared>>
      %dma_start3A_187 = tpu.memref_slice %arg18[%mul3A_14] : memref<10240xf32, #tpu.memory_space<vmem_shared>> -> memref<128xf32, #tpu.memory_space<vmem_shared>>
      tpu.enqueue_dma source(%arg17 : memref<128xf32, #tpu.memory_space<vmem>>) target(%dma_start3A_187 : memref<128xf32, #tpu.memory_space<vmem_shared>>) target_semaphore(%run_scoped3A_185 : memref<!tpu.dma_semaphore, #tpu.memory_space<semaphore_mem>>)
      %dma_wait3A_188 = tpu.memref_slice %arg18[%mul3A_14] : memref<10240xf32, #tpu.memory_space<vmem_shared>> -> memref<128xf32, #tpu.memory_space<vmem_shared>>
      %dma_wait3A_189 = tpu.memref_slice %arg18[%mul3A_14] : memref<10240xf32, #tpu.memory_space<vmem_shared>> -> memref<128xf32, #tpu.memory_space<vmem_shared>>
      tpu.wait_dma2 semaphore(%run_scoped3A_185 : memref<!tpu.dma_semaphore, #tpu.memory_space<semaphore_mem>>) src(%arg17 : memref<128xf32, #tpu.memory_space<vmem>>) dst(%dma_wait3A_189 : memref<128xf32, #tpu.memory_space<vmem_shared>>)
      tpu.yield
    }) : () -> ()
    %add3A_15 = arith.constant 16 : i32
    %add3A_16 = arith.addi %arg1, %add3A_15 : i32
    %mul3A_17 = arith.constant 128 : i32
    %mul3A_18 = arith.muli %add3A_16, %mul3A_17 : i32
    "tpu.region"() ({
      %run_scoped3A_185 = tpu.sem_alloc : memref<!tpu.dma_semaphore, #tpu.memory_space<semaphore_mem>>
      %dma_start3A_186 = arith.constant 0 : i32
      %dma_start3A_187 = tpu.memref_slice %arg13[%mul3A_18, %dma_start3A_186] : memref<10240x128xf32, #tpu.memory_space<vmem_shared>> -> memref<128x128xf32, #tpu.memory_space<vmem_shared>>
      %dma_start3A_188 = arith.constant 0 : i32
      %dma_start3A_189 = tpu.memref_slice %arg13[%mul3A_18, %dma_start3A_188] : memref<10240x128xf32, #tpu.memory_space<vmem_shared>> -> memref<128x128xf32, #tpu.memory_space<vmem_shared>>
      tpu.enqueue_dma source(%arg12 : memref<128x128xf32, #tpu.memory_space<vmem>>) target(%dma_start3A_189 : memref<128x128xf32, #tpu.memory_space<vmem_shared>>) target_semaphore(%run_scoped3A_185 : memref<!tpu.dma_semaphore, #tpu.memory_space<semaphore_mem>>)
      %dma_wait3A_190 = arith.constant 0 : i32
      %dma_wait3A_191 = tpu.memref_slice %arg13[%mul3A_18, %dma_wait3A_190] : memref<10240x128xf32, #tpu.memory_space<vmem_shared>> -> memref<128x128xf32, #tpu.memory_space<vmem_shared>>
      %dma_wait3A_192 = arith.constant 0 : i32
      %dma_wait3A_193 = tpu.memref_slice %arg13[%mul3A_18, %dma_wait3A_192] : memref<10240x128xf32, #tpu.memory_space<vmem_shared>> -> memref<128x128xf32, #tpu.memory_space<vmem_shared>>
      tpu.wait_dma2 semaphore(%run_scoped3A_185 : memref<!tpu.dma_semaphore, #tpu.memory_space<semaphore_mem>>) src(%arg12 : memref<128x128xf32, #tpu.memory_space<vmem>>) dst(%dma_wait3A_193 : memref<128x128xf32, #tpu.memory_space<vmem_shared>>)
      tpu.yield
    }) : () -> ()
    %mul3A_19 = arith.constant 128 : i32
    %mul3A_20 = arith.muli %add3A_16, %mul3A_19 : i32
    "tpu.region"() ({
      %run_scoped3A_185 = tpu.sem_alloc : memref<!tpu.dma_semaphore, #tpu.memory_space<semaphore_mem>>
      %dma_start3A_186 = tpu.memref_slice %arg18[%mul3A_20] : memref<10240xf32, #tpu.memory_space<vmem_shared>> -> memref<128xf32, #tpu.memory_space<vmem_shared>>
      %dma_start3A_187 = tpu.memref_slice %arg18[%mul3A_20] : memref<10240xf32, #tpu.memory_space<vmem_shared>> -> memref<128xf32, #tpu.memory_space<vmem_shared>>
      tpu.enqueue_dma source(%arg17 : memref<128xf32, #tpu.memory_space<vmem>>) target(%dma_start3A_187 : memref<128xf32, #tpu.memory_space<vmem_shared>>) target_semaphore(%run_scoped3A_185 : memref<!tpu.dma_semaphore, #tpu.memory_space<semaphore_mem>>)
      %dma_wait3A_188 = tpu.memref_slice %arg18[%mul3A_20] : memref<10240xf32, #tpu.memory_space<vmem_shared>> -> memref<128xf32, #tpu.memory_space<vmem_shared>>
      %dma_wait3A_189 = tpu.memref_slice %arg18[%mul3A_20] : memref<10240xf32, #tpu.memory_space<vmem_shared>> -> memref<128xf32, #tpu.memory_space<vmem_shared>>
      tpu.wait_dma2 semaphore(%run_scoped3A_185 : memref<!tpu.dma_semaphore, #tpu.memory_space<semaphore_mem>>) src(%arg17 : memref<128xf32, #tpu.memory_space<vmem>>) dst(%dma_wait3A_189 : memref<128xf32, #tpu.memory_space<vmem_shared>>)
      tpu.yield
    }) : () -> ()
    %add3A_21 = arith.constant 32 : i32
    %add3A_22 = arith.addi %arg1, %add3A_21 : i32
    %mul3A_23 = arith.constant 128 : i32
    %mul3A_24 = arith.muli %add3A_22, %mul3A_23 : i32
    "tpu.region"() ({
      %run_scoped3A_185 = tpu.sem_alloc : memref<!tpu.dma_semaphore, #tpu.memory_space<semaphore_mem>>
      %dma_start3A_186 = arith.constant 0 : i32
      %dma_start3A_187 = tpu.memref_slice %arg13[%mul3A_24, %dma_start3A_186] : memref<10240x128xf32, #tpu.memory_space<vmem_shared>> -> memref<128x128xf32, #tpu.memory_space<vmem_shared>>
      %dma_start3A_188 = arith.constant 0 : i32
      %dma_start3A_189 = tpu.memref_slice %arg13[%mul3A_24, %dma_start3A_188] : memref<10240x128xf32, #tpu.memory_space<vmem_shared>> -> memref<128x128xf32, #tpu.memory_space<vmem_shared>>
      tpu.enqueue_dma source(%arg12 : memref<128x128xf32, #tpu.memory_space<vmem>>) target(%dma_start3A_189 : memref<128x128xf32, #tpu.memory_space<vmem_shared>>) target_semaphore(%run_scoped3A_185 : memref<!tpu.dma_semaphore, #tpu.memory_space<semaphore_mem>>)
      %dma_wait3A_190 = arith.constant 0 : i32
      %dma_wait3A_191 = tpu.memref_slice %arg13[%mul3A_24, %dma_wait3A_190] : memref<10240x128xf32, #tpu.memory_space<vmem_shared>> -> memref<128x128xf32, #tpu.memory_space<vmem_shared>>
      %dma_wait3A_192 = arith.constant 0 : i32
      %dma_wait3A_193 = tpu.memref_slice %arg13[%mul3A_24, %dma_wait3A_192] : memref<10240x128xf32, #tpu.memory_space<vmem_shared>> -> memref<128x128xf32, #tpu.memory_space<vmem_shared>>
      tpu.wait_dma2 semaphore(%run_scoped3A_185 : memref<!tpu.dma_semaphore, #tpu.memory_space<semaphore_mem>>) src(%arg12 : memref<128x128xf32, #tpu.memory_space<vmem>>) dst(%dma_wait3A_193 : memref<128x128xf32, #tpu.memory_space<vmem_shared>>)
      tpu.yield
    }) : () -> ()
    %mul3A_25 = arith.constant 128 : i32
    %mul3A_26 = arith.muli %add3A_22, %mul3A_25 : i32
    "tpu.region"() ({
      %run_scoped3A_185 = tpu.sem_alloc : memref<!tpu.dma_semaphore, #tpu.memory_space<semaphore_mem>>
      %dma_start3A_186 = tpu.memref_slice %arg18[%mul3A_26] : memref<10240xf32, #tpu.memory_space<vmem_shared>> -> memref<128xf32, #tpu.memory_space<vmem_shared>>
      %dma_start3A_187 = tpu.memref_slice %arg18[%mul3A_26] : memref<10240xf32, #tpu.memory_space<vmem_shared>> -> memref<128xf32, #tpu.memory_space<vmem_shared>>
      tpu.enqueue_dma source(%arg17 : memref<128xf32, #tpu.memory_space<vmem>>) target(%dma_start3A_187 : memref<128xf32, #tpu.memory_space<vmem_shared>>) target_semaphore(%run_scoped3A_185 : memref<!tpu.dma_semaphore, #tpu.memory_space<semaphore_mem>>)
      %dma_wait3A_188 = tpu.memref_slice %arg18[%mul3A_26] : memref<10240xf32, #tpu.memory_space<vmem_shared>> -> memref<128xf32, #tpu.memory_space<vmem_shared>>
      %dma_wait3A_189 = tpu.memref_slice %arg18[%mul3A_26] : memref<10240xf32, #tpu.memory_space<vmem_shared>> -> memref<128xf32, #tpu.memory_space<vmem_shared>>
      tpu.wait_dma2 semaphore(%run_scoped3A_185 : memref<!tpu.dma_semaphore, #tpu.memory_space<semaphore_mem>>) src(%arg17 : memref<128xf32, #tpu.memory_space<vmem>>) dst(%dma_wait3A_189 : memref<128xf32, #tpu.memory_space<vmem_shared>>)
      tpu.yield
    }) : () -> ()
    %add3A_27 = arith.constant 48 : i32
    %add3A_28 = arith.addi %arg1, %add3A_27 : i32
    %mul3A_29 = arith.constant 128 : i32
    %mul3A_30 = arith.muli %add3A_28, %mul3A_29 : i32
    "tpu.region"() ({
      %run_scoped3A_185 = tpu.sem_alloc : memref<!tpu.dma_semaphore, #tpu.memory_space<semaphore_mem>>
      %dma_start3A_186 = arith.constant 0 : i32
      %dma_start3A_187 = tpu.memref_slice %arg13[%mul3A_30, %dma_start3A_186] : memref<10240x128xf32, #tpu.memory_space<vmem_shared>> -> memref<128x128xf32, #tpu.memory_space<vmem_shared>>
      %dma_start3A_188 = arith.constant 0 : i32
      %dma_start3A_189 = tpu.memref_slice %arg13[%mul3A_30, %dma_start3A_188] : memref<10240x128xf32, #tpu.memory_space<vmem_shared>> -> memref<128x128xf32, #tpu.memory_space<vmem_shared>>
      tpu.enqueue_dma source(%arg12 : memref<128x128xf32, #tpu.memory_space<vmem>>) target(%dma_start3A_189 : memref<128x128xf32, #tpu.memory_space<vmem_shared>>) target_semaphore(%run_scoped3A_185 : memref<!tpu.dma_semaphore, #tpu.memory_space<semaphore_mem>>)
      %dma_wait3A_190 = arith.constant 0 : i32
      %dma_wait3A_191 = tpu.memref_slice %arg13[%mul3A_30, %dma_wait3A_190] : memref<10240x128xf32, #tpu.memory_space<vmem_shared>> -> memref<128x128xf32, #tpu.memory_space<vmem_shared>>
      %dma_wait3A_192 = arith.constant 0 : i32
      %dma_wait3A_193 = tpu.memref_slice %arg13[%mul3A_30, %dma_wait3A_192] : memref<10240x128xf32, #tpu.memory_space<vmem_shared>> -> memref<128x128xf32, #tpu.memory_space<vmem_shared>>
      tpu.wait_dma2 semaphore(%run_scoped3A_185 : memref<!tpu.dma_semaphore, #tpu.memory_space<semaphore_mem>>) src(%arg12 : memref<128x128xf32, #tpu.memory_space<vmem>>) dst(%dma_wait3A_193 : memref<128x128xf32, #tpu.memory_space<vmem_shared>>)
      tpu.yield
    }) : () -> ()
    %mul3A_31 = arith.constant 128 : i32
    %mul3A_32 = arith.muli %add3A_28, %mul3A_31 : i32
    "tpu.region"() ({
      %run_scoped3A_185 = tpu.sem_alloc : memref<!tpu.dma_semaphore, #tpu.memory_space<semaphore_mem>>
      %dma_start3A_186 = tpu.memref_slice %arg18[%mul3A_32] : memref<10240xf32, #tpu.memory_space<vmem_shared>> -> memref<128xf32, #tpu.memory_space<vmem_shared>>
      %dma_start3A_187 = tpu.memref_slice %arg18[%mul3A_32] : memref<10240xf32, #tpu.memory_space<vmem_shared>> -> memref<128xf32, #tpu.memory_space<vmem_shared>>
      tpu.enqueue_dma source(%arg17 : memref<128xf32, #tpu.memory_space<vmem>>) target(%dma_start3A_187 : memref<128xf32, #tpu.memory_space<vmem_shared>>) target_semaphore(%run_scoped3A_185 : memref<!tpu.dma_semaphore, #tpu.memory_space<semaphore_mem>>)
      %dma_wait3A_188 = tpu.memref_slice %arg18[%mul3A_32] : memref<10240xf32, #tpu.memory_space<vmem_shared>> -> memref<128xf32, #tpu.memory_space<vmem_shared>>
      %dma_wait3A_189 = tpu.memref_slice %arg18[%mul3A_32] : memref<10240xf32, #tpu.memory_space<vmem_shared>> -> memref<128xf32, #tpu.memory_space<vmem_shared>>
      tpu.wait_dma2 semaphore(%run_scoped3A_185 : memref<!tpu.dma_semaphore, #tpu.memory_space<semaphore_mem>>) src(%arg17 : memref<128xf32, #tpu.memory_space<vmem>>) dst(%dma_wait3A_189 : memref<128xf32, #tpu.memory_space<vmem_shared>>)
      tpu.yield
    }) : () -> ()
    %add3A_33 = arith.constant 64 : i32
    %add3A_34 = arith.addi %arg1, %add3A_33 : i32
    %mul3A_35 = arith.constant 128 : i32
    %mul3A_36 = arith.muli %add3A_34, %mul3A_35 : i32
    "tpu.region"() ({
      %run_scoped3A_185 = tpu.sem_alloc : memref<!tpu.dma_semaphore, #tpu.memory_space<semaphore_mem>>
      %dma_start3A_186 = arith.constant 0 : i32
      %dma_start3A_187 = tpu.memref_slice %arg13[%mul3A_36, %dma_start3A_186] : memref<10240x128xf32, #tpu.memory_space<vmem_shared>> -> memref<128x128xf32, #tpu.memory_space<vmem_shared>>
      %dma_start3A_188 = arith.constant 0 : i32
      %dma_start3A_189 = tpu.memref_slice %arg13[%mul3A_36, %dma_start3A_188] : memref<10240x128xf32, #tpu.memory_space<vmem_shared>> -> memref<128x128xf32, #tpu.memory_space<vmem_shared>>
      tpu.enqueue_dma source(%arg12 : memref<128x128xf32, #tpu.memory_space<vmem>>) target(%dma_start3A_189 : memref<128x128xf32, #tpu.memory_space<vmem_shared>>) target_semaphore(%run_scoped3A_185 : memref<!tpu.dma_semaphore, #tpu.memory_space<semaphore_mem>>)
      %dma_wait3A_190 = arith.constant 0 : i32
      %dma_wait3A_191 = tpu.memref_slice %arg13[%mul3A_36, %dma_wait3A_190] : memref<10240x128xf32, #tpu.memory_space<vmem_shared>> -> memref<128x128xf32, #tpu.memory_space<vmem_shared>>
      %dma_wait3A_192 = arith.constant 0 : i32
      %dma_wait3A_193 = tpu.memref_slice %arg13[%mul3A_36, %dma_wait3A_192] : memref<10240x128xf32, #tpu.memory_space<vmem_shared>> -> memref<128x128xf32, #tpu.memory_space<vmem_shared>>
      tpu.wait_dma2 semaphore(%run_scoped3A_185 : memref<!tpu.dma_semaphore, #tpu.memory_space<semaphore_mem>>) src(%arg12 : memref<128x128xf32, #tpu.memory_space<vmem>>) dst(%dma_wait3A_193 : memref<128x128xf32, #tpu.memory_space<vmem_shared>>)
      tpu.yield
    }) : () -> ()
    %mul3A_37 = arith.constant 128 : i32
    %mul3A_38 = arith.muli %add3A_34, %mul3A_37 : i32
    "tpu.region"() ({
      %run_scoped3A_185 = tpu.sem_alloc : memref<!tpu.dma_semaphore, #tpu.memory_space<semaphore_mem>>
      %dma_start3A_186 = tpu.memref_slice %arg18[%mul3A_38] : memref<10240xf32, #tpu.memory_space<vmem_shared>> -> memref<128xf32, #tpu.memory_space<vmem_shared>>
      %dma_start3A_187 = tpu.memref_slice %arg18[%mul3A_38] : memref<10240xf32, #tpu.memory_space<vmem_shared>> -> memref<128xf32, #tpu.memory_space<vmem_shared>>
      tpu.enqueue_dma source(%arg17 : memref<128xf32, #tpu.memory_space<vmem>>) target(%dma_start3A_187 : memref<128xf32, #tpu.memory_space<vmem_shared>>) target_semaphore(%run_scoped3A_185 : memref<!tpu.dma_semaphore, #tpu.memory_space<semaphore_mem>>)
      %dma_wait3A_188 = tpu.memref_slice %arg18[%mul3A_38] : memref<10240xf32, #tpu.memory_space<vmem_shared>> -> memref<128xf32, #tpu.memory_space<vmem_shared>>
      %dma_wait3A_189 = tpu.memref_slice %arg18[%mul3A_38] : memref<10240xf32, #tpu.memory_space<vmem_shared>> -> memref<128xf32, #tpu.memory_space<vmem_shared>>
      tpu.wait_dma2 semaphore(%run_scoped3A_185 : memref<!tpu.dma_semaphore, #tpu.memory_space<semaphore_mem>>) src(%arg17 : memref<128xf32, #tpu.memory_space<vmem>>) dst(%dma_wait3A_189 : memref<128xf32, #tpu.memory_space<vmem_shared>>)
      tpu.yield
    }) : () -> ()
    %barrier3A = arith.constant 0 : index
    tpu.barrier barrier_id(%barrier3A)
    %scan3A = arith.constant 0 : i32
    %scan3A_39 = arith.constant 0 : i32
    %scan3A_40 = arith.constant 20 : i32
    %scan3A_41 = arith.addi %scan3A_39, %scan3A_40 : i32
    %scan3A_42 = arith.constant 1 : i32
    scf.for %scan3A_185 = %scan3A_39 to %scan3A_41 step %scan3A_42  : i32 {
      %mul3A_186 = arith.constant 2 : i32
      %mul3A_187 = arith.muli %scan3A_185, %mul3A_186 : i32
      %add3A_188 = arith.constant 1 : i32
      %add3A_189 = arith.addi %mul3A_187, %add3A_188 : i32
      %dma_start3A_190 = arith.constant 0 : i32
      %dma_start3A_191 = tpu.memref_slice %arg9[%add3A_189, %dma_start3A_190] : memref<40x128xi32, #tpu.memory_space<vmem>> -> memref<1x128xi32, #tpu.memory_space<vmem>>
      %dma_start3A_192 = tpu.memref_squeeze %dma_start3A_191 : memref<1x128xi32, #tpu.memory_space<vmem>> -> memref<128xi32, #tpu.memory_space<vmem>>
      %dma_start3A_193 = arith.constant 0 : i32
      %dma_start3A_194 = arith.constant 0 : i32
      %dma_start3A_195 = tpu.memref_slice %arg2[%dma_start3A_193, %dma_start3A_194] : memref<10240x128xf32, #tpu.memory_space<hbm>> -> memref<10240x128xf32, #tpu.memory_space<hbm>>
      tpu.enqueue_indirect_dma source(%dma_start3A_195 : memref<10240x128xf32, #tpu.memory_space<hbm>>) target(%arg12 : memref<128x128xf32, #tpu.memory_space<vmem>>) offsets(%dma_start3A_192 : memref<128xi32, #tpu.memory_space<vmem>>) semaphore(%arg15 : memref<!tpu.dma_semaphore, #tpu.memory_space<semaphore_mem>>)
      %dma_wait3A_196 = arith.constant 0 : i32
      %dma_wait3A_197 = arith.constant 0 : i32
      %dma_wait3A_198 = tpu.memref_slice %arg9[%dma_wait3A_196, %dma_wait3A_197] : memref<40x128xi32, #tpu.memory_space<vmem>> -> memref<1x128xi32, #tpu.memory_space<vmem>>
      %dma_wait3A_199 = tpu.memref_squeeze %dma_wait3A_198 : memref<1x128xi32, #tpu.memory_space<vmem>> -> memref<128xi32, #tpu.memory_space<vmem>>
      %dma_wait3A_200 = arith.constant 0 : i32
      %dma_wait3A_201 = arith.constant 0 : i32
      %dma_wait3A_202 = tpu.memref_slice %arg2[%dma_wait3A_200, %dma_wait3A_201] : memref<10240x128xf32, #tpu.memory_space<hbm>> -> memref<10240x128xf32, #tpu.memory_space<hbm>>
      tpu.wait_indirect_dma semaphore(%arg14 : memref<!tpu.dma_semaphore, #tpu.memory_space<semaphore_mem>>) src(%dma_wait3A_202 : memref<10240x128xf32, #tpu.memory_space<hbm>>) dst(%arg11 : memref<128x128xf32, #tpu.memory_space<vmem>>)
      "tpu.region"() ({
        %run_scoped3A_214 = tpu.sem_alloc : memref<!tpu.dma_semaphore, #tpu.memory_space<semaphore_mem>>
        %dma_start3A_215 = arith.constant 0 : i32
        %dma_start3A_216 = tpu.memref_slice %arg10[%mul3A_187, %dma_start3A_215] : memref<40x128xi32, #tpu.memory_space<vmem>> -> memref<1x128xi32, #tpu.memory_space<vmem>>
        %dma_start3A_217 = tpu.memref_squeeze %dma_start3A_216 : memref<1x128xi32, #tpu.memory_space<vmem>> -> memref<128xi32, #tpu.memory_space<vmem>>
        %dma_start3A_218 = arith.constant 0 : i32
        %dma_start3A_219 = arith.constant 0 : i32
        %dma_start3A_220 = tpu.memref_slice %arg13[%dma_start3A_218, %dma_start3A_219] : memref<10240x128xf32, #tpu.memory_space<vmem_shared>> -> memref<10240x128xf32, #tpu.memory_space<vmem_shared>>
        tpu.enqueue_indirect_dma source(%arg11 : memref<128x128xf32, #tpu.memory_space<vmem>>) target(%dma_start3A_220 : memref<10240x128xf32, #tpu.memory_space<vmem_shared>>) offsets(%dma_start3A_217 : memref<128xi32, #tpu.memory_space<vmem>>) semaphore(%run_scoped3A_214 : memref<!tpu.dma_semaphore, #tpu.memory_space<semaphore_mem>>) {add = true}
        %dma_wait3A_221 = arith.constant 0 : i32
        %dma_wait3A_222 = tpu.memref_slice %arg10[%mul3A_187, %dma_wait3A_221] : memref<40x128xi32, #tpu.memory_space<vmem>> -> memref<1x128xi32, #tpu.memory_space<vmem>>
        %dma_wait3A_223 = tpu.memref_squeeze %dma_wait3A_222 : memref<1x128xi32, #tpu.memory_space<vmem>> -> memref<128xi32, #tpu.memory_space<vmem>>
        %dma_wait3A_224 = arith.constant 0 : i32
        %dma_wait3A_225 = arith.constant 0 : i32
        %dma_wait3A_226 = tpu.memref_slice %arg13[%dma_wait3A_224, %dma_wait3A_225] : memref<10240x128xf32, #tpu.memory_space<vmem_shared>> -> memref<10240x128xf32, #tpu.memory_space<vmem_shared>>
        tpu.wait_indirect_dma semaphore(%run_scoped3A_214 : memref<!tpu.dma_semaphore, #tpu.memory_space<semaphore_mem>>) src(%arg11 : memref<128x128xf32, #tpu.memory_space<vmem>>) dst(%dma_wait3A_226 : memref<10240x128xf32, #tpu.memory_space<vmem_shared>>)
        tpu.yield
      }) : () -> ()
      "tpu.region"() ({
        %run_scoped3A_214 = tpu.sem_alloc : memref<!tpu.dma_semaphore, #tpu.memory_space<semaphore_mem>>
        %dma_start3A_215 = arith.constant 0 : i32
        %dma_start3A_216 = tpu.memref_slice %arg10[%mul3A_187, %dma_start3A_215] : memref<40x128xi32, #tpu.memory_space<vmem>> -> memref<1x128xi32, #tpu.memory_space<vmem>>
        %dma_start3A_217 = tpu.memref_squeeze %dma_start3A_216 : memref<1x128xi32, #tpu.memory_space<vmem>> -> memref<128xi32, #tpu.memory_space<vmem>>
        %dma_start3A_218 = arith.constant 0 : i32
        %dma_start3A_219 = tpu.memref_slice %arg18[%dma_start3A_218] : memref<10240xf32, #tpu.memory_space<vmem_shared>> -> memref<10240xf32, #tpu.memory_space<vmem_shared>>
        tpu.enqueue_indirect_dma source(%arg16 : memref<128xf32, #tpu.memory_space<vmem>>) target(%dma_start3A_219 : memref<10240xf32, #tpu.memory_space<vmem_shared>>) offsets(%dma_start3A_217 : memref<128xi32, #tpu.memory_space<vmem>>) semaphore(%run_scoped3A_214 : memref<!tpu.dma_semaphore, #tpu.memory_space<semaphore_mem>>) {add = true}
        %dma_wait3A_220 = arith.constant 0 : i32
        %dma_wait3A_221 = tpu.memref_slice %arg10[%mul3A_187, %dma_wait3A_220] : memref<40x128xi32, #tpu.memory_space<vmem>> -> memref<1x128xi32, #tpu.memory_space<vmem>>
        %dma_wait3A_222 = tpu.memref_squeeze %dma_wait3A_221 : memref<1x128xi32, #tpu.memory_space<vmem>> -> memref<128xi32, #tpu.memory_space<vmem>>
        %dma_wait3A_223 = arith.constant 0 : i32
        %dma_wait3A_224 = tpu.memref_slice %arg18[%dma_wait3A_223] : memref<10240xf32, #tpu.memory_space<vmem_shared>> -> memref<10240xf32, #tpu.memory_space<vmem_shared>>
        tpu.wait_indirect_dma semaphore(%run_scoped3A_214 : memref<!tpu.dma_semaphore, #tpu.memory_space<semaphore_mem>>) src(%arg16 : memref<128xf32, #tpu.memory_space<vmem>>) dst(%dma_wait3A_224 : memref<10240xf32, #tpu.memory_space<vmem_shared>>)
        tpu.yield
      }) : () -> ()
      %lt3A = arith.constant 19 : i32
      %lt3A_203 = arith.cmpi slt, %scan3A_185, %lt3A : i32
      %convert_element_type3A = arith.extui %lt3A_203 : i1 to i32
      %cond3A = arith.constant 0 : i32
      %cond3A_204 = arith.cmpi ne, %convert_element_type3A, %cond3A : i32
      scf.if %cond3A_204 {
        %add3A_214 = arith.constant 2 : i32
        %add3A_215 = arith.addi %mul3A_187, %add3A_214 : i32
        %dma_start3A_216 = arith.constant 0 : i32
        %dma_start3A_217 = tpu.memref_slice %arg9[%add3A_215, %dma_start3A_216] : memref<40x128xi32, #tpu.memory_space<vmem>> -> memref<1x128xi32, #tpu.memory_space<vmem>>
        %dma_start3A_218 = tpu.memref_squeeze %dma_start3A_217 : memref<1x128xi32, #tpu.memory_space<vmem>> -> memref<128xi32, #tpu.memory_space<vmem>>
        %dma_start3A_219 = arith.constant 0 : i32
        %dma_start3A_220 = arith.constant 0 : i32
        %dma_start3A_221 = tpu.memref_slice %arg2[%dma_start3A_219, %dma_start3A_220] : memref<10240x128xf32, #tpu.memory_space<hbm>> -> memref<10240x128xf32, #tpu.memory_space<hbm>>
        tpu.enqueue_indirect_dma source(%dma_start3A_221 : memref<10240x128xf32, #tpu.memory_space<hbm>>) target(%arg11 : memref<128x128xf32, #tpu.memory_space<vmem>>) offsets(%dma_start3A_218 : memref<128xi32, #tpu.memory_space<vmem>>) semaphore(%arg14 : memref<!tpu.dma_semaphore, #tpu.memory_space<semaphore_mem>>)
      } else {
      }
      %dma_wait3A_205 = arith.constant 0 : i32
      %dma_wait3A_206 = arith.constant 0 : i32
      %dma_wait3A_207 = tpu.memref_slice %arg9[%dma_wait3A_205, %dma_wait3A_206] : memref<40x128xi32, #tpu.memory_space<vmem>> -> memref<1x128xi32, #tpu.memory_space<vmem>>
      %dma_wait3A_208 = tpu.memref_squeeze %dma_wait3A_207 : memref<1x128xi32, #tpu.memory_space<vmem>> -> memref<128xi32, #tpu.memory_space<vmem>>
      %dma_wait3A_209 = arith.constant 0 : i32
      %dma_wait3A_210 = arith.constant 0 : i32
      %dma_wait3A_211 = tpu.memref_slice %arg2[%dma_wait3A_209, %dma_wait3A_210] : memref<10240x128xf32, #tpu.memory_space<hbm>> -> memref<10240x128xf32, #tpu.memory_space<hbm>>
      tpu.wait_indirect_dma semaphore(%arg15 : memref<!tpu.dma_semaphore, #tpu.memory_space<semaphore_mem>>) src(%dma_wait3A_211 : memref<10240x128xf32, #tpu.memory_space<hbm>>) dst(%arg12 : memref<128x128xf32, #tpu.memory_space<vmem>>)
      %add3A_212 = arith.constant 1 : i32
      %add3A_213 = arith.addi %mul3A_187, %add3A_212 : i32
      "tpu.region"() ({
        %run_scoped3A_214 = tpu.sem_alloc : memref<!tpu.dma_semaphore, #tpu.memory_space<semaphore_mem>>
        %dma_start3A_215 = arith.constant 0 : i32
        %dma_start3A_216 = tpu.memref_slice %arg10[%add3A_213, %dma_start3A_215] : memref<40x128xi32, #tpu.memory_space<vmem>> -> memref<1x128xi32, #tpu.memory_space<vmem>>
        %dma_start3A_217 = tpu.memref_squeeze %dma_start3A_216 : memref<1x128xi32, #tpu.memory_space<vmem>> -> memref<128xi32, #tpu.memory_space<vmem>>
        %dma_start3A_218 = arith.constant 0 : i32
        %dma_start3A_219 = arith.constant 0 : i32
        %dma_start3A_220 = tpu.memref_slice %arg13[%dma_start3A_218, %dma_start3A_219] : memref<10240x128xf32, #tpu.memory_space<vmem_shared>> -> memref<10240x128xf32, #tpu.memory_space<vmem_shared>>
        tpu.enqueue_indirect_dma source(%arg12 : memref<128x128xf32, #tpu.memory_space<vmem>>) target(%dma_start3A_220 : memref<10240x128xf32, #tpu.memory_space<vmem_shared>>) offsets(%dma_start3A_217 : memref<128xi32, #tpu.memory_space<vmem>>) semaphore(%run_scoped3A_214 : memref<!tpu.dma_semaphore, #tpu.memory_space<semaphore_mem>>) {add = true}
        %dma_wait3A_221 = arith.constant 0 : i32
        %dma_wait3A_222 = tpu.memref_slice %arg10[%add3A_213, %dma_wait3A_221] : memref<40x128xi32, #tpu.memory_space<vmem>> -> memref<1x128xi32, #tpu.memory_space<vmem>>
        %dma_wait3A_223 = tpu.memref_squeeze %dma_wait3A_222 : memref<1x128xi32, #tpu.memory_space<vmem>> -> memref<128xi32, #tpu.memory_space<vmem>>
        %dma_wait3A_224 = arith.constant 0 : i32
        %dma_wait3A_225 = arith.constant 0 : i32
        %dma_wait3A_226 = tpu.memref_slice %arg13[%dma_wait3A_224, %dma_wait3A_225] : memref<10240x128xf32, #tpu.memory_space<vmem_shared>> -> memref<10240x128xf32, #tpu.memory_space<vmem_shared>>
        tpu.wait_indirect_dma semaphore(%run_scoped3A_214 : memref<!tpu.dma_semaphore, #tpu.memory_space<semaphore_mem>>) src(%arg12 : memref<128x128xf32, #tpu.memory_space<vmem>>) dst(%dma_wait3A_226 : memref<10240x128xf32, #tpu.memory_space<vmem_shared>>)
        tpu.yield
      }) : () -> ()
      "tpu.region"() ({
        %run_scoped3A_214 = tpu.sem_alloc : memref<!tpu.dma_semaphore, #tpu.memory_space<semaphore_mem>>
        %dma_start3A_215 = arith.constant 0 : i32
        %dma_start3A_216 = tpu.memref_slice %arg10[%add3A_213, %dma_start3A_215] : memref<40x128xi32, #tpu.memory_space<vmem>> -> memref<1x128xi32, #tpu.memory_space<vmem>>
        %dma_start3A_217 = tpu.memref_squeeze %dma_start3A_216 : memref<1x128xi32, #tpu.memory_space<vmem>> -> memref<128xi32, #tpu.memory_space<vmem>>
        %dma_start3A_218 = arith.constant 0 : i32
        %dma_start3A_219 = tpu.memref_slice %arg18[%dma_start3A_218] : memref<10240xf32, #tpu.memory_space<vmem_shared>> -> memref<10240xf32, #tpu.memory_space<vmem_shared>>
        tpu.enqueue_indirect_dma source(%arg16 : memref<128xf32, #tpu.memory_space<vmem>>) target(%dma_start3A_219 : memref<10240xf32, #tpu.memory_space<vmem_shared>>) offsets(%dma_start3A_217 : memref<128xi32, #tpu.memory_space<vmem>>) semaphore(%run_scoped3A_214 : memref<!tpu.dma_semaphore, #tpu.memory_space<semaphore_mem>>) {add = true}
        %dma_wait3A_220 = arith.constant 0 : i32
        %dma_wait3A_221 = tpu.memref_slice %arg10[%add3A_213, %dma_wait3A_220] : memref<40x128xi32, #tpu.memory_space<vmem>> -> memref<1x128xi32, #tpu.memory_space<vmem>>
        %dma_wait3A_222 = tpu.memref_squeeze %dma_wait3A_221 : memref<1x128xi32, #tpu.memory_space<vmem>> -> memref<128xi32, #tpu.memory_space<vmem>>
        %dma_wait3A_223 = arith.constant 0 : i32
        %dma_wait3A_224 = tpu.memref_slice %arg18[%dma_wait3A_223] : memref<10240xf32, #tpu.memory_space<vmem_shared>> -> memref<10240xf32, #tpu.memory_space<vmem_shared>>
        tpu.wait_indirect_dma semaphore(%run_scoped3A_214 : memref<!tpu.dma_semaphore, #tpu.memory_space<semaphore_mem>>) src(%arg16 : memref<128xf32, #tpu.memory_space<vmem>>) dst(%dma_wait3A_224 : memref<10240xf32, #tpu.memory_space<vmem_shared>>)
        tpu.yield
      }) : () -> ()
    }
    %scan3A_43 = arith.constant 20 : i32
    %add3A_44 = arith.constant 40 : i32
    %add3A_45 = arith.addi %mul3A_2, %add3A_44 : i32
    "tpu.region"() ({
      %run_scoped3A_185 = tpu.sem_alloc : memref<!tpu.dma_semaphore, #tpu.memory_space<semaphore_mem>>
      %dma_start3A_186 = arith.constant 0 : i32
      %dma_start3A_187 = tpu.memref_slice %arg3[%add3A_45, %dma_start3A_186] : memref<2560x128xi32, #tpu.memory_space<hbm>> -> memref<40x128xi32, #tpu.memory_space<hbm>>
      %dma_start3A_188 = arith.constant 0 : i32
      %dma_start3A_189 = tpu.memref_slice %arg3[%add3A_45, %dma_start3A_188] : memref<2560x128xi32, #tpu.memory_space<hbm>> -> memref<40x128xi32, #tpu.memory_space<hbm>>
      tpu.enqueue_dma source(%dma_start3A_189 : memref<40x128xi32, #tpu.memory_space<hbm>>) target(%arg9 : memref<40x128xi32, #tpu.memory_space<vmem>>) target_semaphore(%run_scoped3A_185 : memref<!tpu.dma_semaphore, #tpu.memory_space<semaphore_mem>>)
      %dma_wait3A_190 = arith.constant 0 : i32
      %dma_wait3A_191 = tpu.memref_slice %arg3[%add3A_45, %dma_wait3A_190] : memref<2560x128xi32, #tpu.memory_space<hbm>> -> memref<40x128xi32, #tpu.memory_space<hbm>>
      %dma_wait3A_192 = arith.constant 0 : i32
      %dma_wait3A_193 = tpu.memref_slice %arg3[%add3A_45, %dma_wait3A_192] : memref<2560x128xi32, #tpu.memory_space<hbm>> -> memref<40x128xi32, #tpu.memory_space<hbm>>
      tpu.wait_dma2 semaphore(%run_scoped3A_185 : memref<!tpu.dma_semaphore, #tpu.memory_space<semaphore_mem>>) src(%dma_wait3A_193 : memref<40x128xi32, #tpu.memory_space<hbm>>) dst(%arg9 : memref<40x128xi32, #tpu.memory_space<vmem>>)
      tpu.yield
    }) : () -> ()
    %add3A_46 = arith.constant 40 : i32
    %add3A_47 = arith.addi %mul3A_2, %add3A_46 : i32
    "tpu.region"() ({
      %run_scoped3A_185 = tpu.sem_alloc : memref<!tpu.dma_semaphore, #tpu.memory_space<semaphore_mem>>
      %dma_start3A_186 = arith.constant 0 : i32
      %dma_start3A_187 = tpu.memref_slice %arg4[%add3A_47, %dma_start3A_186] : memref<2560x128xi32, #tpu.memory_space<hbm>> -> memref<40x128xi32, #tpu.memory_space<hbm>>
      %dma_start3A_188 = arith.constant 0 : i32
      %dma_start3A_189 = tpu.memref_slice %arg4[%add3A_47, %dma_start3A_188] : memref<2560x128xi32, #tpu.memory_space<hbm>> -> memref<40x128xi32, #tpu.memory_space<hbm>>
      tpu.enqueue_dma source(%dma_start3A_189 : memref<40x128xi32, #tpu.memory_space<hbm>>) target(%arg10 : memref<40x128xi32, #tpu.memory_space<vmem>>) target_semaphore(%run_scoped3A_185 : memref<!tpu.dma_semaphore, #tpu.memory_space<semaphore_mem>>)
      %dma_wait3A_190 = arith.constant 0 : i32
      %dma_wait3A_191 = tpu.memref_slice %arg4[%add3A_47, %dma_wait3A_190] : memref<2560x128xi32, #tpu.memory_space<hbm>> -> memref<40x128xi32, #tpu.memory_space<hbm>>
      %dma_wait3A_192 = arith.constant 0 : i32
      %dma_wait3A_193 = tpu.memref_slice %arg4[%add3A_47, %dma_wait3A_192] : memref<2560x128xi32, #tpu.memory_space<hbm>> -> memref<40x128xi32, #tpu.memory_space<hbm>>
      tpu.wait_dma2 semaphore(%run_scoped3A_185 : memref<!tpu.dma_semaphore, #tpu.memory_space<semaphore_mem>>) src(%dma_wait3A_193 : memref<40x128xi32, #tpu.memory_space<hbm>>) dst(%arg10 : memref<40x128xi32, #tpu.memory_space<vmem>>)
      tpu.yield
    }) : () -> ()
    %dma_start3A_48 = arith.constant 0 : i32
    %dma_start3A_49 = arith.constant 0 : i32
    %dma_start3A_50 = tpu.memref_slice %arg9[%dma_start3A_48, %dma_start3A_49] : memref<40x128xi32, #tpu.memory_space<vmem>> -> memref<1x128xi32, #tpu.memory_space<vmem>>
    %dma_start3A_51 = tpu.memref_squeeze %dma_start3A_50 : memref<1x128xi32, #tpu.memory_space<vmem>> -> memref<128xi32, #tpu.memory_space<vmem>>
    %dma_start3A_52 = arith.constant 0 : i32
    %dma_start3A_53 = arith.constant 0 : i32
    %dma_start3A_54 = tpu.memref_slice %arg2[%dma_start3A_52, %dma_start3A_53] : memref<10240x128xf32, #tpu.memory_space<hbm>> -> memref<10240x128xf32, #tpu.memory_space<hbm>>
    tpu.enqueue_indirect_dma source(%dma_start3A_54 : memref<10240x128xf32, #tpu.memory_space<hbm>>) target(%arg11 : memref<128x128xf32, #tpu.memory_space<vmem>>) offsets(%dma_start3A_51 : memref<128xi32, #tpu.memory_space<vmem>>) semaphore(%arg14 : memref<!tpu.dma_semaphore, #tpu.memory_space<semaphore_mem>>)
    %scan3A_55 = arith.constant 0 : i32
    %scan3A_56 = arith.constant 0 : i32
    %scan3A_57 = arith.constant 20 : i32
    %scan3A_58 = arith.addi %scan3A_56, %scan3A_57 : i32
    %scan3A_59 = arith.constant 1 : i32
    scf.for %scan3A_185 = %scan3A_56 to %scan3A_58 step %scan3A_59  : i32 {
      %mul3A_186 = arith.constant 2 : i32
      %mul3A_187 = arith.muli %scan3A_185, %mul3A_186 : i32
      %add3A_188 = arith.constant 1 : i32
      %add3A_189 = arith.addi %mul3A_187, %add3A_188 : i32
      %dma_start3A_190 = arith.constant 0 : i32
      %dma_start3A_191 = tpu.memref_slice %arg9[%add3A_189, %dma_start3A_190] : memref<40x128xi32, #tpu.memory_space<vmem>> -> memref<1x128xi32, #tpu.memory_space<vmem>>
      %dma_start3A_192 = tpu.memref_squeeze %dma_start3A_191 : memref<1x128xi32, #tpu.memory_space<vmem>> -> memref<128xi32, #tpu.memory_space<vmem>>
      %dma_start3A_193 = arith.constant 0 : i32
      %dma_start3A_194 = arith.constant 0 : i32
      %dma_start3A_195 = tpu.memref_slice %arg2[%dma_start3A_193, %dma_start3A_194] : memref<10240x128xf32, #tpu.memory_space<hbm>> -> memref<10240x128xf32, #tpu.memory_space<hbm>>
      tpu.enqueue_indirect_dma source(%dma_start3A_195 : memref<10240x128xf32, #tpu.memory_space<hbm>>) target(%arg12 : memref<128x128xf32, #tpu.memory_space<vmem>>) offsets(%dma_start3A_192 : memref<128xi32, #tpu.memory_space<vmem>>) semaphore(%arg15 : memref<!tpu.dma_semaphore, #tpu.memory_space<semaphore_mem>>)
      %dma_wait3A_196 = arith.constant 0 : i32
      %dma_wait3A_197 = arith.constant 0 : i32
      %dma_wait3A_198 = tpu.memref_slice %arg9[%dma_wait3A_196, %dma_wait3A_197] : memref<40x128xi32, #tpu.memory_space<vmem>> -> memref<1x128xi32, #tpu.memory_space<vmem>>
      %dma_wait3A_199 = tpu.memref_squeeze %dma_wait3A_198 : memref<1x128xi32, #tpu.memory_space<vmem>> -> memref<128xi32, #tpu.memory_space<vmem>>
      %dma_wait3A_200 = arith.constant 0 : i32
      %dma_wait3A_201 = arith.constant 0 : i32
      %dma_wait3A_202 = tpu.memref_slice %arg2[%dma_wait3A_200, %dma_wait3A_201] : memref<10240x128xf32, #tpu.memory_space<hbm>> -> memref<10240x128xf32, #tpu.memory_space<hbm>>
      tpu.wait_indirect_dma semaphore(%arg14 : memref<!tpu.dma_semaphore, #tpu.memory_space<semaphore_mem>>) src(%dma_wait3A_202 : memref<10240x128xf32, #tpu.memory_space<hbm>>) dst(%arg11 : memref<128x128xf32, #tpu.memory_space<vmem>>)
      "tpu.region"() ({
        %run_scoped3A_214 = tpu.sem_alloc : memref<!tpu.dma_semaphore, #tpu.memory_space<semaphore_mem>>
        %dma_start3A_215 = arith.constant 0 : i32
        %dma_start3A_216 = tpu.memref_slice %arg10[%mul3A_187, %dma_start3A_215] : memref<40x128xi32, #tpu.memory_space<vmem>> -> memref<1x128xi32, #tpu.memory_space<vmem>>
        %dma_start3A_217 = tpu.memref_squeeze %dma_start3A_216 : memref<1x128xi32, #tpu.memory_space<vmem>> -> memref<128xi32, #tpu.memory_space<vmem>>
        %dma_start3A_218 = arith.constant 0 : i32
        %dma_start3A_219 = arith.constant 0 : i32
        %dma_start3A_220 = tpu.memref_slice %arg13[%dma_start3A_218, %dma_start3A_219] : memref<10240x128xf32, #tpu.memory_space<vmem_shared>> -> memref<10240x128xf32, #tpu.memory_space<vmem_shared>>
        tpu.enqueue_indirect_dma source(%arg11 : memref<128x128xf32, #tpu.memory_space<vmem>>) target(%dma_start3A_220 : memref<10240x128xf32, #tpu.memory_space<vmem_shared>>) offsets(%dma_start3A_217 : memref<128xi32, #tpu.memory_space<vmem>>) semaphore(%run_scoped3A_214 : memref<!tpu.dma_semaphore, #tpu.memory_space<semaphore_mem>>) {add = true}
        %dma_wait3A_221 = arith.constant 0 : i32
        %dma_wait3A_222 = tpu.memref_slice %arg10[%mul3A_187, %dma_wait3A_221] : memref<40x128xi32, #tpu.memory_space<vmem>> -> memref<1x128xi32, #tpu.memory_space<vmem>>
        %dma_wait3A_223 = tpu.memref_squeeze %dma_wait3A_222 : memref<1x128xi32, #tpu.memory_space<vmem>> -> memref<128xi32, #tpu.memory_space<vmem>>
        %dma_wait3A_224 = arith.constant 0 : i32
        %dma_wait3A_225 = arith.constant 0 : i32
        %dma_wait3A_226 = tpu.memref_slice %arg13[%dma_wait3A_224, %dma_wait3A_225] : memref<10240x128xf32, #tpu.memory_space<vmem_shared>> -> memref<10240x128xf32, #tpu.memory_space<vmem_shared>>
        tpu.wait_indirect_dma semaphore(%run_scoped3A_214 : memref<!tpu.dma_semaphore, #tpu.memory_space<semaphore_mem>>) src(%arg11 : memref<128x128xf32, #tpu.memory_space<vmem>>) dst(%dma_wait3A_226 : memref<10240x128xf32, #tpu.memory_space<vmem_shared>>)
        tpu.yield
      }) : () -> ()
      "tpu.region"() ({
        %run_scoped3A_214 = tpu.sem_alloc : memref<!tpu.dma_semaphore, #tpu.memory_space<semaphore_mem>>
        %dma_start3A_215 = arith.constant 0 : i32
        %dma_start3A_216 = tpu.memref_slice %arg10[%mul3A_187, %dma_start3A_215] : memref<40x128xi32, #tpu.memory_space<vmem>> -> memref<1x128xi32, #tpu.memory_space<vmem>>
        %dma_start3A_217 = tpu.memref_squeeze %dma_start3A_216 : memref<1x128xi32, #tpu.memory_space<vmem>> -> memref<128xi32, #tpu.memory_space<vmem>>
        %dma_start3A_218 = arith.constant 0 : i32
        %dma_start3A_219 = tpu.memref_slice %arg18[%dma_start3A_218] : memref<10240xf32, #tpu.memory_space<vmem_shared>> -> memref<10240xf32, #tpu.memory_space<vmem_shared>>
        tpu.enqueue_indirect_dma source(%arg16 : memref<128xf32, #tpu.memory_space<vmem>>) target(%dma_start3A_219 : memref<10240xf32, #tpu.memory_space<vmem_shared>>) offsets(%dma_start3A_217 : memref<128xi32, #tpu.memory_space<vmem>>) semaphore(%run_scoped3A_214 : memref<!tpu.dma_semaphore, #tpu.memory_space<semaphore_mem>>) {add = true}
        %dma_wait3A_220 = arith.constant 0 : i32
        %dma_wait3A_221 = tpu.memref_slice %arg10[%mul3A_187, %dma_wait3A_220] : memref<40x128xi32, #tpu.memory_space<vmem>> -> memref<1x128xi32, #tpu.memory_space<vmem>>
        %dma_wait3A_222 = tpu.memref_squeeze %dma_wait3A_221 : memref<1x128xi32, #tpu.memory_space<vmem>> -> memref<128xi32, #tpu.memory_space<vmem>>
        %dma_wait3A_223 = arith.constant 0 : i32
        %dma_wait3A_224 = tpu.memref_slice %arg18[%dma_wait3A_223] : memref<10240xf32, #tpu.memory_space<vmem_shared>> -> memref<10240xf32, #tpu.memory_space<vmem_shared>>
        tpu.wait_indirect_dma semaphore(%run_scoped3A_214 : memref<!tpu.dma_semaphore, #tpu.memory_space<semaphore_mem>>) src(%arg16 : memref<128xf32, #tpu.memory_space<vmem>>) dst(%dma_wait3A_224 : memref<10240xf32, #tpu.memory_space<vmem_shared>>)
        tpu.yield
      }) : () -> ()
      %lt3A = arith.constant 19 : i32
      %lt3A_203 = arith.cmpi slt, %scan3A_185, %lt3A : i32
      %convert_element_type3A = arith.extui %lt3A_203 : i1 to i32
      %cond3A = arith.constant 0 : i32
      %cond3A_204 = arith.cmpi ne, %convert_element_type3A, %cond3A : i32
      scf.if %cond3A_204 {
        %add3A_214 = arith.constant 2 : i32
        %add3A_215 = arith.addi %mul3A_187, %add3A_214 : i32
        %dma_start3A_216 = arith.constant 0 : i32
        %dma_start3A_217 = tpu.memref_slice %arg9[%add3A_215, %dma_start3A_216] : memref<40x128xi32, #tpu.memory_space<vmem>> -> memref<1x128xi32, #tpu.memory_space<vmem>>
        %dma_start3A_218 = tpu.memref_squeeze %dma_start3A_217 : memref<1x128xi32, #tpu.memory_space<vmem>> -> memref<128xi32, #tpu.memory_space<vmem>>
        %dma_start3A_219 = arith.constant 0 : i32
        %dma_start3A_220 = arith.constant 0 : i32
        %dma_start3A_221 = tpu.memref_slice %arg2[%dma_start3A_219, %dma_start3A_220] : memref<10240x128xf32, #tpu.memory_space<hbm>> -> memref<10240x128xf32, #tpu.memory_space<hbm>>
        tpu.enqueue_indirect_dma source(%dma_start3A_221 : memref<10240x128xf32, #tpu.memory_space<hbm>>) target(%arg11 : memref<128x128xf32, #tpu.memory_space<vmem>>) offsets(%dma_start3A_218 : memref<128xi32, #tpu.memory_space<vmem>>) semaphore(%arg14 : memref<!tpu.dma_semaphore, #tpu.memory_space<semaphore_mem>>)
      } else {
      }
      %dma_wait3A_205 = arith.constant 0 : i32
      %dma_wait3A_206 = arith.constant 0 : i32
      %dma_wait3A_207 = tpu.memref_slice %arg9[%dma_wait3A_205, %dma_wait3A_206] : memref<40x128xi32, #tpu.memory_space<vmem>> -> memref<1x128xi32, #tpu.memory_space<vmem>>
      %dma_wait3A_208 = tpu.memref_squeeze %dma_wait3A_207 : memref<1x128xi32, #tpu.memory_space<vmem>> -> memref<128xi32, #tpu.memory_space<vmem>>
      %dma_wait3A_209 = arith.constant 0 : i32
      %dma_wait3A_210 = arith.constant 0 : i32
      %dma_wait3A_211 = tpu.memref_slice %arg2[%dma_wait3A_209, %dma_wait3A_210] : memref<10240x128xf32, #tpu.memory_space<hbm>> -> memref<10240x128xf32, #tpu.memory_space<hbm>>
      tpu.wait_indirect_dma semaphore(%arg15 : memref<!tpu.dma_semaphore, #tpu.memory_space<semaphore_mem>>) src(%dma_wait3A_211 : memref<10240x128xf32, #tpu.memory_space<hbm>>) dst(%arg12 : memref<128x128xf32, #tpu.memory_space<vmem>>)
      %add3A_212 = arith.constant 1 : i32
      %add3A_213 = arith.addi %mul3A_187, %add3A_212 : i32
      "tpu.region"() ({
        %run_scoped3A_214 = tpu.sem_alloc : memref<!tpu.dma_semaphore, #tpu.memory_space<semaphore_mem>>
        %dma_start3A_215 = arith.constant 0 : i32
        %dma_start3A_216 = tpu.memref_slice %arg10[%add3A_213, %dma_start3A_215] : memref<40x128xi32, #tpu.memory_space<vmem>> -> memref<1x128xi32, #tpu.memory_space<vmem>>
        %dma_start3A_217 = tpu.memref_squeeze %dma_start3A_216 : memref<1x128xi32, #tpu.memory_space<vmem>> -> memref<128xi32, #tpu.memory_space<vmem>>
        %dma_start3A_218 = arith.constant 0 : i32
        %dma_start3A_219 = arith.constant 0 : i32
        %dma_start3A_220 = tpu.memref_slice %arg13[%dma_start3A_218, %dma_start3A_219] : memref<10240x128xf32, #tpu.memory_space<vmem_shared>> -> memref<10240x128xf32, #tpu.memory_space<vmem_shared>>
        tpu.enqueue_indirect_dma source(%arg12 : memref<128x128xf32, #tpu.memory_space<vmem>>) target(%dma_start3A_220 : memref<10240x128xf32, #tpu.memory_space<vmem_shared>>) offsets(%dma_start3A_217 : memref<128xi32, #tpu.memory_space<vmem>>) semaphore(%run_scoped3A_214 : memref<!tpu.dma_semaphore, #tpu.memory_space<semaphore_mem>>) {add = true}
        %dma_wait3A_221 = arith.constant 0 : i32
        %dma_wait3A_222 = tpu.memref_slice %arg10[%add3A_213, %dma_wait3A_221] : memref<40x128xi32, #tpu.memory_space<vmem>> -> memref<1x128xi32, #tpu.memory_space<vmem>>
        %dma_wait3A_223 = tpu.memref_squeeze %dma_wait3A_222 : memref<1x128xi32, #tpu.memory_space<vmem>> -> memref<128xi32, #tpu.memory_space<vmem>>
        %dma_wait3A_224 = arith.constant 0 : i32
        %dma_wait3A_225 = arith.constant 0 : i32
        %dma_wait3A_226 = tpu.memref_slice %arg13[%dma_wait3A_224, %dma_wait3A_225] : memref<10240x128xf32, #tpu.memory_space<vmem_shared>> -> memref<10240x128xf32, #tpu.memory_space<vmem_shared>>
        tpu.wait_indirect_dma semaphore(%run_scoped3A_214 : memref<!tpu.dma_semaphore, #tpu.memory_space<semaphore_mem>>) src(%arg12 : memref<128x128xf32, #tpu.memory_space<vmem>>) dst(%dma_wait3A_226 : memref<10240x128xf32, #tpu.memory_space<vmem_shared>>)
        tpu.yield
      }) : () -> ()
      "tpu.region"() ({
        %run_scoped3A_214 = tpu.sem_alloc : memref<!tpu.dma_semaphore, #tpu.memory_space<semaphore_mem>>
        %dma_start3A_215 = arith.constant 0 : i32
        %dma_start3A_216 = tpu.memref_slice %arg10[%add3A_213, %dma_start3A_215] : memref<40x128xi32, #tpu.memory_space<vmem>> -> memref<1x128xi32, #tpu.memory_space<vmem>>
        %dma_start3A_217 = tpu.memref_squeeze %dma_start3A_216 : memref<1x128xi32, #tpu.memory_space<vmem>> -> memref<128xi32, #tpu.memory_space<vmem>>
        %dma_start3A_218 = arith.constant 0 : i32
        %dma_start3A_219 = tpu.memref_slice %arg18[%dma_start3A_218] : memref<10240xf32, #tpu.memory_space<vmem_shared>> -> memref<10240xf32, #tpu.memory_space<vmem_shared>>
        tpu.enqueue_indirect_dma source(%arg16 : memref<128xf32, #tpu.memory_space<vmem>>) target(%dma_start3A_219 : memref<10240xf32, #tpu.memory_space<vmem_shared>>) offsets(%dma_start3A_217 : memref<128xi32, #tpu.memory_space<vmem>>) semaphore(%run_scoped3A_214 : memref<!tpu.dma_semaphore, #tpu.memory_space<semaphore_mem>>) {add = true}
        %dma_wait3A_220 = arith.constant 0 : i32
        %dma_wait3A_221 = tpu.memref_slice %arg10[%add3A_213, %dma_wait3A_220] : memref<40x128xi32, #tpu.memory_space<vmem>> -> memref<1x128xi32, #tpu.memory_space<vmem>>
        %dma_wait3A_222 = tpu.memref_squeeze %dma_wait3A_221 : memref<1x128xi32, #tpu.memory_space<vmem>> -> memref<128xi32, #tpu.memory_space<vmem>>
        %dma_wait3A_223 = arith.constant 0 : i32
        %dma_wait3A_224 = tpu.memref_slice %arg18[%dma_wait3A_223] : memref<10240xf32, #tpu.memory_space<vmem_shared>> -> memref<10240xf32, #tpu.memory_space<vmem_shared>>
        tpu.wait_indirect_dma semaphore(%run_scoped3A_214 : memref<!tpu.dma_semaphore, #tpu.memory_space<semaphore_mem>>) src(%arg16 : memref<128xf32, #tpu.memory_space<vmem>>) dst(%dma_wait3A_224 : memref<10240xf32, #tpu.memory_space<vmem_shared>>)
        tpu.yield
      }) : () -> ()
    }
    %scan3A_60 = arith.constant 20 : i32
    %barrier3A_61 = arith.constant 0 : index
    tpu.barrier barrier_id(%barrier3A_61)
    %add3A_62 = arith.constant 0 : i32
    %add3A_63 = arith.addi %arg1, %add3A_62 : i32
    %mul3A_64 = arith.constant 128 : i32
    %mul3A_65 = arith.muli %add3A_63, %mul3A_64 : i32
    "tpu.region"() ({
      %run_scoped3A_185 = tpu.sem_alloc : memref<!tpu.dma_semaphore, #tpu.memory_space<semaphore_mem>>
      %dma_start3A_186 = arith.constant 0 : i32
      %dma_start3A_187 = tpu.memref_slice %arg13[%mul3A_65, %dma_start3A_186] : memref<10240x128xf32, #tpu.memory_space<vmem_shared>> -> memref<128x128xf32, #tpu.memory_space<vmem_shared>>
      %dma_start3A_188 = arith.constant 0 : i32
      %dma_start3A_189 = tpu.memref_slice %arg13[%mul3A_65, %dma_start3A_188] : memref<10240x128xf32, #tpu.memory_space<vmem_shared>> -> memref<128x128xf32, #tpu.memory_space<vmem_shared>>
      tpu.enqueue_dma source(%dma_start3A_189 : memref<128x128xf32, #tpu.memory_space<vmem_shared>>) target(%arg11 : memref<128x128xf32, #tpu.memory_space<vmem>>) target_semaphore(%run_scoped3A_185 : memref<!tpu.dma_semaphore, #tpu.memory_space<semaphore_mem>>)
      %dma_wait3A_190 = arith.constant 0 : i32
      %dma_wait3A_191 = tpu.memref_slice %arg13[%mul3A_65, %dma_wait3A_190] : memref<10240x128xf32, #tpu.memory_space<vmem_shared>> -> memref<128x128xf32, #tpu.memory_space<vmem_shared>>
      %dma_wait3A_192 = arith.constant 0 : i32
      %dma_wait3A_193 = tpu.memref_slice %arg13[%mul3A_65, %dma_wait3A_192] : memref<10240x128xf32, #tpu.memory_space<vmem_shared>> -> memref<128x128xf32, #tpu.memory_space<vmem_shared>>
      tpu.wait_dma2 semaphore(%run_scoped3A_185 : memref<!tpu.dma_semaphore, #tpu.memory_space<semaphore_mem>>) src(%dma_wait3A_193 : memref<128x128xf32, #tpu.memory_space<vmem_shared>>) dst(%arg11 : memref<128x128xf32, #tpu.memory_space<vmem>>)
      tpu.yield
    }) : () -> ()
    %mul3A_66 = arith.constant 128 : i32
    %mul3A_67 = arith.muli %add3A_63, %mul3A_66 : i32
    %dma_start3A_68 = arith.constant 0 : i32
    %dma_start3A_69 = tpu.memref_slice %arg7[%arg0, %mul3A_67, %dma_start3A_68] : memref<2x10240x128xf32, #tpu.memory_space<hbm>> -> memref<1x128x128xf32, #tpu.memory_space<hbm>>
    %dma_start3A_70 = tpu.memref_squeeze %dma_start3A_69 : memref<1x128x128xf32, #tpu.memory_space<hbm>> -> memref<128x128xf32, #tpu.memory_space<hbm>>
    %dma_start3A_71 = arith.constant 0 : i32
    %dma_start3A_72 = tpu.memref_slice %arg7[%arg0, %mul3A_67, %dma_start3A_71] : memref<2x10240x128xf32, #tpu.memory_space<hbm>> -> memref<1x128x128xf32, #tpu.memory_space<hbm>>
    %dma_start3A_73 = tpu.memref_squeeze %dma_start3A_72 : memref<1x128x128xf32, #tpu.memory_space<hbm>> -> memref<128x128xf32, #tpu.memory_space<hbm>>
    tpu.enqueue_dma source(%arg11 : memref<128x128xf32, #tpu.memory_space<vmem>>) target(%dma_start3A_73 : memref<128x128xf32, #tpu.memory_space<hbm>>) target_semaphore(%arg14 : memref<!tpu.dma_semaphore, #tpu.memory_space<semaphore_mem>>)
    %mul3A_74 = arith.constant 128 : i32
    %mul3A_75 = arith.muli %add3A_63, %mul3A_74 : i32
    "tpu.region"() ({
      %run_scoped3A_185 = tpu.sem_alloc : memref<!tpu.dma_semaphore, #tpu.memory_space<semaphore_mem>>
      %dma_start3A_186 = tpu.memref_slice %arg18[%mul3A_75] : memref<10240xf32, #tpu.memory_space<vmem_shared>> -> memref<128xf32, #tpu.memory_space<vmem_shared>>
      %dma_start3A_187 = tpu.memref_slice %arg18[%mul3A_75] : memref<10240xf32, #tpu.memory_space<vmem_shared>> -> memref<128xf32, #tpu.memory_space<vmem_shared>>
      tpu.enqueue_dma source(%dma_start3A_187 : memref<128xf32, #tpu.memory_space<vmem_shared>>) target(%arg16 : memref<128xf32, #tpu.memory_space<vmem>>) target_semaphore(%run_scoped3A_185 : memref<!tpu.dma_semaphore, #tpu.memory_space<semaphore_mem>>)
      %dma_wait3A_188 = tpu.memref_slice %arg18[%mul3A_75] : memref<10240xf32, #tpu.memory_space<vmem_shared>> -> memref<128xf32, #tpu.memory_space<vmem_shared>>
      %dma_wait3A_189 = tpu.memref_slice %arg18[%mul3A_75] : memref<10240xf32, #tpu.memory_space<vmem_shared>> -> memref<128xf32, #tpu.memory_space<vmem_shared>>
      tpu.wait_dma2 semaphore(%run_scoped3A_185 : memref<!tpu.dma_semaphore, #tpu.memory_space<semaphore_mem>>) src(%dma_wait3A_189 : memref<128xf32, #tpu.memory_space<vmem_shared>>) dst(%arg16 : memref<128xf32, #tpu.memory_space<vmem>>)
      tpu.yield
    }) : () -> ()
    %mul3A_76 = arith.constant 128 : i32
    %mul3A_77 = arith.muli %add3A_63, %mul3A_76 : i32
    "tpu.region"() ({
      %run_scoped3A_185 = tpu.sem_alloc : memref<!tpu.dma_semaphore, #tpu.memory_space<semaphore_mem>>
      %dma_start3A_186 = tpu.memref_slice %arg8[%arg0, %mul3A_77] : memref<2x10240xf32, #tpu.memory_space<hbm>> -> memref<1x128xf32, #tpu.memory_space<hbm>>
      %dma_start3A_187 = tpu.memref_squeeze %dma_start3A_186 : memref<1x128xf32, #tpu.memory_space<hbm>> -> memref<128xf32, #tpu.memory_space<hbm>>
      %dma_start3A_188 = tpu.memref_slice %arg8[%arg0, %mul3A_77] : memref<2x10240xf32, #tpu.memory_space<hbm>> -> memref<1x128xf32, #tpu.memory_space<hbm>>
      %dma_start3A_189 = tpu.memref_squeeze %dma_start3A_188 : memref<1x128xf32, #tpu.memory_space<hbm>> -> memref<128xf32, #tpu.memory_space<hbm>>
      tpu.enqueue_dma source(%arg16 : memref<128xf32, #tpu.memory_space<vmem>>) target(%dma_start3A_189 : memref<128xf32, #tpu.memory_space<hbm>>) target_semaphore(%run_scoped3A_185 : memref<!tpu.dma_semaphore, #tpu.memory_space<semaphore_mem>>)
      %dma_wait3A_190 = tpu.memref_slice %arg8[%arg0, %mul3A_77] : memref<2x10240xf32, #tpu.memory_space<hbm>> -> memref<1x128xf32, #tpu.memory_space<hbm>>
      %dma_wait3A_191 = tpu.memref_squeeze %dma_wait3A_190 : memref<1x128xf32, #tpu.memory_space<hbm>> -> memref<128xf32, #tpu.memory_space<hbm>>
      %dma_wait3A_192 = tpu.memref_slice %arg8[%arg0, %mul3A_77] : memref<2x10240xf32, #tpu.memory_space<hbm>> -> memref<1x128xf32, #tpu.memory_space<hbm>>
      %dma_wait3A_193 = tpu.memref_squeeze %dma_wait3A_192 : memref<1x128xf32, #tpu.memory_space<hbm>> -> memref<128xf32, #tpu.memory_space<hbm>>
      tpu.wait_dma2 semaphore(%run_scoped3A_185 : memref<!tpu.dma_semaphore, #tpu.memory_space<semaphore_mem>>) src(%arg16 : memref<128xf32, #tpu.memory_space<vmem>>) dst(%dma_wait3A_193 : memref<128xf32, #tpu.memory_space<hbm>>)
      tpu.yield
    }) : () -> ()
    %add3A_78 = arith.constant 16 : i32
    %add3A_79 = arith.addi %arg1, %add3A_78 : i32
    %mul3A_80 = arith.constant 128 : i32
    %mul3A_81 = arith.muli %add3A_79, %mul3A_80 : i32
    "tpu.region"() ({
      %run_scoped3A_185 = tpu.sem_alloc : memref<!tpu.dma_semaphore, #tpu.memory_space<semaphore_mem>>
      %dma_start3A_186 = arith.constant 0 : i32
      %dma_start3A_187 = tpu.memref_slice %arg13[%mul3A_81, %dma_start3A_186] : memref<10240x128xf32, #tpu.memory_space<vmem_shared>> -> memref<128x128xf32, #tpu.memory_space<vmem_shared>>
      %dma_start3A_188 = arith.constant 0 : i32
      %dma_start3A_189 = tpu.memref_slice %arg13[%mul3A_81, %dma_start3A_188] : memref<10240x128xf32, #tpu.memory_space<vmem_shared>> -> memref<128x128xf32, #tpu.memory_space<vmem_shared>>
      tpu.enqueue_dma source(%dma_start3A_189 : memref<128x128xf32, #tpu.memory_space<vmem_shared>>) target(%arg12 : memref<128x128xf32, #tpu.memory_space<vmem>>) target_semaphore(%run_scoped3A_185 : memref<!tpu.dma_semaphore, #tpu.memory_space<semaphore_mem>>)
      %dma_wait3A_190 = arith.constant 0 : i32
      %dma_wait3A_191 = tpu.memref_slice %arg13[%mul3A_81, %dma_wait3A_190] : memref<10240x128xf32, #tpu.memory_space<vmem_shared>> -> memref<128x128xf32, #tpu.memory_space<vmem_shared>>
      %dma_wait3A_192 = arith.constant 0 : i32
      %dma_wait3A_193 = tpu.memref_slice %arg13[%mul3A_81, %dma_wait3A_192] : memref<10240x128xf32, #tpu.memory_space<vmem_shared>> -> memref<128x128xf32, #tpu.memory_space<vmem_shared>>
      tpu.wait_dma2 semaphore(%run_scoped3A_185 : memref<!tpu.dma_semaphore, #tpu.memory_space<semaphore_mem>>) src(%dma_wait3A_193 : memref<128x128xf32, #tpu.memory_space<vmem_shared>>) dst(%arg12 : memref<128x128xf32, #tpu.memory_space<vmem>>)
      tpu.yield
    }) : () -> ()
    %mul3A_82 = arith.constant 128 : i32
    %mul3A_83 = arith.muli %add3A_79, %mul3A_82 : i32
    %dma_start3A_84 = arith.constant 0 : i32
    %dma_start3A_85 = tpu.memref_slice %arg7[%arg0, %mul3A_83, %dma_start3A_84] : memref<2x10240x128xf32, #tpu.memory_space<hbm>> -> memref<1x128x128xf32, #tpu.memory_space<hbm>>
    %dma_start3A_86 = tpu.memref_squeeze %dma_start3A_85 : memref<1x128x128xf32, #tpu.memory_space<hbm>> -> memref<128x128xf32, #tpu.memory_space<hbm>>
    %dma_start3A_87 = arith.constant 0 : i32
    %dma_start3A_88 = tpu.memref_slice %arg7[%arg0, %mul3A_83, %dma_start3A_87] : memref<2x10240x128xf32, #tpu.memory_space<hbm>> -> memref<1x128x128xf32, #tpu.memory_space<hbm>>
    %dma_start3A_89 = tpu.memref_squeeze %dma_start3A_88 : memref<1x128x128xf32, #tpu.memory_space<hbm>> -> memref<128x128xf32, #tpu.memory_space<hbm>>
    tpu.enqueue_dma source(%arg12 : memref<128x128xf32, #tpu.memory_space<vmem>>) target(%dma_start3A_89 : memref<128x128xf32, #tpu.memory_space<hbm>>) target_semaphore(%arg15 : memref<!tpu.dma_semaphore, #tpu.memory_space<semaphore_mem>>)
    %mul3A_90 = arith.constant 128 : i32
    %mul3A_91 = arith.muli %add3A_79, %mul3A_90 : i32
    "tpu.region"() ({
      %run_scoped3A_185 = tpu.sem_alloc : memref<!tpu.dma_semaphore, #tpu.memory_space<semaphore_mem>>
      %dma_start3A_186 = tpu.memref_slice %arg18[%mul3A_91] : memref<10240xf32, #tpu.memory_space<vmem_shared>> -> memref<128xf32, #tpu.memory_space<vmem_shared>>
      %dma_start3A_187 = tpu.memref_slice %arg18[%mul3A_91] : memref<10240xf32, #tpu.memory_space<vmem_shared>> -> memref<128xf32, #tpu.memory_space<vmem_shared>>
      tpu.enqueue_dma source(%dma_start3A_187 : memref<128xf32, #tpu.memory_space<vmem_shared>>) target(%arg16 : memref<128xf32, #tpu.memory_space<vmem>>) target_semaphore(%run_scoped3A_185 : memref<!tpu.dma_semaphore, #tpu.memory_space<semaphore_mem>>)
      %dma_wait3A_188 = tpu.memref_slice %arg18[%mul3A_91] : memref<10240xf32, #tpu.memory_space<vmem_shared>> -> memref<128xf32, #tpu.memory_space<vmem_shared>>
      %dma_wait3A_189 = tpu.memref_slice %arg18[%mul3A_91] : memref<10240xf32, #tpu.memory_space<vmem_shared>> -> memref<128xf32, #tpu.memory_space<vmem_shared>>
      tpu.wait_dma2 semaphore(%run_scoped3A_185 : memref<!tpu.dma_semaphore, #tpu.memory_space<semaphore_mem>>) src(%dma_wait3A_189 : memref<128xf32, #tpu.memory_space<vmem_shared>>) dst(%arg16 : memref<128xf32, #tpu.memory_space<vmem>>)
      tpu.yield
    }) : () -> ()
    %mul3A_92 = arith.constant 128 : i32
    %mul3A_93 = arith.muli %add3A_79, %mul3A_92 : i32
    "tpu.region"() ({
      %run_scoped3A_185 = tpu.sem_alloc : memref<!tpu.dma_semaphore, #tpu.memory_space<semaphore_mem>>
      %dma_start3A_186 = tpu.memref_slice %arg8[%arg0, %mul3A_93] : memref<2x10240xf32, #tpu.memory_space<hbm>> -> memref<1x128xf32, #tpu.memory_space<hbm>>
      %dma_start3A_187 = tpu.memref_squeeze %dma_start3A_186 : memref<1x128xf32, #tpu.memory_space<hbm>> -> memref<128xf32, #tpu.memory_space<hbm>>
      %dma_start3A_188 = tpu.memref_slice %arg8[%arg0, %mul3A_93] : memref<2x10240xf32, #tpu.memory_space<hbm>> -> memref<1x128xf32, #tpu.memory_space<hbm>>
      %dma_start3A_189 = tpu.memref_squeeze %dma_start3A_188 : memref<1x128xf32, #tpu.memory_space<hbm>> -> memref<128xf32, #tpu.memory_space<hbm>>
      tpu.enqueue_dma source(%arg16 : memref<128xf32, #tpu.memory_space<vmem>>) target(%dma_start3A_189 : memref<128xf32, #tpu.memory_space<hbm>>) target_semaphore(%run_scoped3A_185 : memref<!tpu.dma_semaphore, #tpu.memory_space<semaphore_mem>>)
      %dma_wait3A_190 = tpu.memref_slice %arg8[%arg0, %mul3A_93] : memref<2x10240xf32, #tpu.memory_space<hbm>> -> memref<1x128xf32, #tpu.memory_space<hbm>>
      %dma_wait3A_191 = tpu.memref_squeeze %dma_wait3A_190 : memref<1x128xf32, #tpu.memory_space<hbm>> -> memref<128xf32, #tpu.memory_space<hbm>>
      %dma_wait3A_192 = tpu.memref_slice %arg8[%arg0, %mul3A_93] : memref<2x10240xf32, #tpu.memory_space<hbm>> -> memref<1x128xf32, #tpu.memory_space<hbm>>
      %dma_wait3A_193 = tpu.memref_squeeze %dma_wait3A_192 : memref<1x128xf32, #tpu.memory_space<hbm>> -> memref<128xf32, #tpu.memory_space<hbm>>
      tpu.wait_dma2 semaphore(%run_scoped3A_185 : memref<!tpu.dma_semaphore, #tpu.memory_space<semaphore_mem>>) src(%arg16 : memref<128xf32, #tpu.memory_space<vmem>>) dst(%dma_wait3A_193 : memref<128xf32, #tpu.memory_space<hbm>>)
      tpu.yield
    }) : () -> ()
    %add3A_94 = arith.constant 32 : i32
    %add3A_95 = arith.addi %arg1, %add3A_94 : i32
    %mul3A_96 = arith.constant 128 : i32
    %mul3A_97 = arith.muli %add3A_95, %mul3A_96 : i32
    %dma_wait3A = arith.constant 0 : i32
    %dma_wait3A_98 = tpu.memref_slice %arg7[%arg0, %mul3A_97, %dma_wait3A] : memref<2x10240x128xf32, #tpu.memory_space<hbm>> -> memref<1x128x128xf32, #tpu.memory_space<hbm>>
    %dma_wait3A_99 = tpu.memref_squeeze %dma_wait3A_98 : memref<1x128x128xf32, #tpu.memory_space<hbm>> -> memref<128x128xf32, #tpu.memory_space<hbm>>
    %dma_wait3A_100 = arith.constant 0 : i32
    %dma_wait3A_101 = tpu.memref_slice %arg7[%arg0, %mul3A_97, %dma_wait3A_100] : memref<2x10240x128xf32, #tpu.memory_space<hbm>> -> memref<1x128x128xf32, #tpu.memory_space<hbm>>
    %dma_wait3A_102 = tpu.memref_squeeze %dma_wait3A_101 : memref<1x128x128xf32, #tpu.memory_space<hbm>> -> memref<128x128xf32, #tpu.memory_space<hbm>>
    tpu.wait_dma2 semaphore(%arg14 : memref<!tpu.dma_semaphore, #tpu.memory_space<semaphore_mem>>) src(%arg11 : memref<128x128xf32, #tpu.memory_space<vmem>>) dst(%dma_wait3A_102 : memref<128x128xf32, #tpu.memory_space<hbm>>)
    %mul3A_103 = arith.constant 128 : i32
    %mul3A_104 = arith.muli %add3A_95, %mul3A_103 : i32
    "tpu.region"() ({
      %run_scoped3A_185 = tpu.sem_alloc : memref<!tpu.dma_semaphore, #tpu.memory_space<semaphore_mem>>
      %dma_start3A_186 = arith.constant 0 : i32
      %dma_start3A_187 = tpu.memref_slice %arg13[%mul3A_104, %dma_start3A_186] : memref<10240x128xf32, #tpu.memory_space<vmem_shared>> -> memref<128x128xf32, #tpu.memory_space<vmem_shared>>
      %dma_start3A_188 = arith.constant 0 : i32
      %dma_start3A_189 = tpu.memref_slice %arg13[%mul3A_104, %dma_start3A_188] : memref<10240x128xf32, #tpu.memory_space<vmem_shared>> -> memref<128x128xf32, #tpu.memory_space<vmem_shared>>
      tpu.enqueue_dma source(%dma_start3A_189 : memref<128x128xf32, #tpu.memory_space<vmem_shared>>) target(%arg11 : memref<128x128xf32, #tpu.memory_space<vmem>>) target_semaphore(%run_scoped3A_185 : memref<!tpu.dma_semaphore, #tpu.memory_space<semaphore_mem>>)
      %dma_wait3A_190 = arith.constant 0 : i32
      %dma_wait3A_191 = tpu.memref_slice %arg13[%mul3A_104, %dma_wait3A_190] : memref<10240x128xf32, #tpu.memory_space<vmem_shared>> -> memref<128x128xf32, #tpu.memory_space<vmem_shared>>
      %dma_wait3A_192 = arith.constant 0 : i32
      %dma_wait3A_193 = tpu.memref_slice %arg13[%mul3A_104, %dma_wait3A_192] : memref<10240x128xf32, #tpu.memory_space<vmem_shared>> -> memref<128x128xf32, #tpu.memory_space<vmem_shared>>
      tpu.wait_dma2 semaphore(%run_scoped3A_185 : memref<!tpu.dma_semaphore, #tpu.memory_space<semaphore_mem>>) src(%dma_wait3A_193 : memref<128x128xf32, #tpu.memory_space<vmem_shared>>) dst(%arg11 : memref<128x128xf32, #tpu.memory_space<vmem>>)
      tpu.yield
    }) : () -> ()
    %mul3A_105 = arith.constant 128 : i32
    %mul3A_106 = arith.muli %add3A_95, %mul3A_105 : i32
    %dma_start3A_107 = arith.constant 0 : i32
    %dma_start3A_108 = tpu.memref_slice %arg7[%arg0, %mul3A_106, %dma_start3A_107] : memref<2x10240x128xf32, #tpu.memory_space<hbm>> -> memref<1x128x128xf32, #tpu.memory_space<hbm>>
    %dma_start3A_109 = tpu.memref_squeeze %dma_start3A_108 : memref<1x128x128xf32, #tpu.memory_space<hbm>> -> memref<128x128xf32, #tpu.memory_space<hbm>>
    %dma_start3A_110 = arith.constant 0 : i32
    %dma_start3A_111 = tpu.memref_slice %arg7[%arg0, %mul3A_106, %dma_start3A_110] : memref<2x10240x128xf32, #tpu.memory_space<hbm>> -> memref<1x128x128xf32, #tpu.memory_space<hbm>>
    %dma_start3A_112 = tpu.memref_squeeze %dma_start3A_111 : memref<1x128x128xf32, #tpu.memory_space<hbm>> -> memref<128x128xf32, #tpu.memory_space<hbm>>
    tpu.enqueue_dma source(%arg11 : memref<128x128xf32, #tpu.memory_space<vmem>>) target(%dma_start3A_112 : memref<128x128xf32, #tpu.memory_space<hbm>>) target_semaphore(%arg14 : memref<!tpu.dma_semaphore, #tpu.memory_space<semaphore_mem>>)
    %mul3A_113 = arith.constant 128 : i32
    %mul3A_114 = arith.muli %add3A_95, %mul3A_113 : i32
    "tpu.region"() ({
      %run_scoped3A_185 = tpu.sem_alloc : memref<!tpu.dma_semaphore, #tpu.memory_space<semaphore_mem>>
      %dma_start3A_186 = tpu.memref_slice %arg18[%mul3A_114] : memref<10240xf32, #tpu.memory_space<vmem_shared>> -> memref<128xf32, #tpu.memory_space<vmem_shared>>
      %dma_start3A_187 = tpu.memref_slice %arg18[%mul3A_114] : memref<10240xf32, #tpu.memory_space<vmem_shared>> -> memref<128xf32, #tpu.memory_space<vmem_shared>>
      tpu.enqueue_dma source(%dma_start3A_187 : memref<128xf32, #tpu.memory_space<vmem_shared>>) target(%arg16 : memref<128xf32, #tpu.memory_space<vmem>>) target_semaphore(%run_scoped3A_185 : memref<!tpu.dma_semaphore, #tpu.memory_space<semaphore_mem>>)
      %dma_wait3A_188 = tpu.memref_slice %arg18[%mul3A_114] : memref<10240xf32, #tpu.memory_space<vmem_shared>> -> memref<128xf32, #tpu.memory_space<vmem_shared>>
      %dma_wait3A_189 = tpu.memref_slice %arg18[%mul3A_114] : memref<10240xf32, #tpu.memory_space<vmem_shared>> -> memref<128xf32, #tpu.memory_space<vmem_shared>>
      tpu.wait_dma2 semaphore(%run_scoped3A_185 : memref<!tpu.dma_semaphore, #tpu.memory_space<semaphore_mem>>) src(%dma_wait3A_189 : memref<128xf32, #tpu.memory_space<vmem_shared>>) dst(%arg16 : memref<128xf32, #tpu.memory_space<vmem>>)
      tpu.yield
    }) : () -> ()
    %mul3A_115 = arith.constant 128 : i32
    %mul3A_116 = arith.muli %add3A_95, %mul3A_115 : i32
    "tpu.region"() ({
      %run_scoped3A_185 = tpu.sem_alloc : memref<!tpu.dma_semaphore, #tpu.memory_space<semaphore_mem>>
      %dma_start3A_186 = tpu.memref_slice %arg8[%arg0, %mul3A_116] : memref<2x10240xf32, #tpu.memory_space<hbm>> -> memref<1x128xf32, #tpu.memory_space<hbm>>
      %dma_start3A_187 = tpu.memref_squeeze %dma_start3A_186 : memref<1x128xf32, #tpu.memory_space<hbm>> -> memref<128xf32, #tpu.memory_space<hbm>>
      %dma_start3A_188 = tpu.memref_slice %arg8[%arg0, %mul3A_116] : memref<2x10240xf32, #tpu.memory_space<hbm>> -> memref<1x128xf32, #tpu.memory_space<hbm>>
      %dma_start3A_189 = tpu.memref_squeeze %dma_start3A_188 : memref<1x128xf32, #tpu.memory_space<hbm>> -> memref<128xf32, #tpu.memory_space<hbm>>
      tpu.enqueue_dma source(%arg16 : memref<128xf32, #tpu.memory_space<vmem>>) target(%dma_start3A_189 : memref<128xf32, #tpu.memory_space<hbm>>) target_semaphore(%run_scoped3A_185 : memref<!tpu.dma_semaphore, #tpu.memory_space<semaphore_mem>>)
      %dma_wait3A_190 = tpu.memref_slice %arg8[%arg0, %mul3A_116] : memref<2x10240xf32, #tpu.memory_space<hbm>> -> memref<1x128xf32, #tpu.memory_space<hbm>>
      %dma_wait3A_191 = tpu.memref_squeeze %dma_wait3A_190 : memref<1x128xf32, #tpu.memory_space<hbm>> -> memref<128xf32, #tpu.memory_space<hbm>>
      %dma_wait3A_192 = tpu.memref_slice %arg8[%arg0, %mul3A_116] : memref<2x10240xf32, #tpu.memory_space<hbm>> -> memref<1x128xf32, #tpu.memory_space<hbm>>
      %dma_wait3A_193 = tpu.memref_squeeze %dma_wait3A_192 : memref<1x128xf32, #tpu.memory_space<hbm>> -> memref<128xf32, #tpu.memory_space<hbm>>
      tpu.wait_dma2 semaphore(%run_scoped3A_185 : memref<!tpu.dma_semaphore, #tpu.memory_space<semaphore_mem>>) src(%arg16 : memref<128xf32, #tpu.memory_space<vmem>>) dst(%dma_wait3A_193 : memref<128xf32, #tpu.memory_space<hbm>>)
      tpu.yield
    }) : () -> ()
    %add3A_117 = arith.constant 48 : i32
    %add3A_118 = arith.addi %arg1, %add3A_117 : i32
    %mul3A_119 = arith.constant 128 : i32
    %mul3A_120 = arith.muli %add3A_118, %mul3A_119 : i32
    %dma_wait3A_121 = arith.constant 0 : i32
    %dma_wait3A_122 = tpu.memref_slice %arg7[%arg0, %mul3A_120, %dma_wait3A_121] : memref<2x10240x128xf32, #tpu.memory_space<hbm>> -> memref<1x128x128xf32, #tpu.memory_space<hbm>>
    %dma_wait3A_123 = tpu.memref_squeeze %dma_wait3A_122 : memref<1x128x128xf32, #tpu.memory_space<hbm>> -> memref<128x128xf32, #tpu.memory_space<hbm>>
    %dma_wait3A_124 = arith.constant 0 : i32
    %dma_wait3A_125 = tpu.memref_slice %arg7[%arg0, %mul3A_120, %dma_wait3A_124] : memref<2x10240x128xf32, #tpu.memory_space<hbm>> -> memref<1x128x128xf32, #tpu.memory_space<hbm>>
    %dma_wait3A_126 = tpu.memref_squeeze %dma_wait3A_125 : memref<1x128x128xf32, #tpu.memory_space<hbm>> -> memref<128x128xf32, #tpu.memory_space<hbm>>
    tpu.wait_dma2 semaphore(%arg15 : memref<!tpu.dma_semaphore, #tpu.memory_space<semaphore_mem>>) src(%arg12 : memref<128x128xf32, #tpu.memory_space<vmem>>) dst(%dma_wait3A_126 : memref<128x128xf32, #tpu.memory_space<hbm>>)
    %mul3A_127 = arith.constant 128 : i32
    %mul3A_128 = arith.muli %add3A_118, %mul3A_127 : i32
    "tpu.region"() ({
      %run_scoped3A_185 = tpu.sem_alloc : memref<!tpu.dma_semaphore, #tpu.memory_space<semaphore_mem>>
      %dma_start3A_186 = arith.constant 0 : i32
      %dma_start3A_187 = tpu.memref_slice %arg13[%mul3A_128, %dma_start3A_186] : memref<10240x128xf32, #tpu.memory_space<vmem_shared>> -> memref<128x128xf32, #tpu.memory_space<vmem_shared>>
      %dma_start3A_188 = arith.constant 0 : i32
      %dma_start3A_189 = tpu.memref_slice %arg13[%mul3A_128, %dma_start3A_188] : memref<10240x128xf32, #tpu.memory_space<vmem_shared>> -> memref<128x128xf32, #tpu.memory_space<vmem_shared>>
      tpu.enqueue_dma source(%dma_start3A_189 : memref<128x128xf32, #tpu.memory_space<vmem_shared>>) target(%arg12 : memref<128x128xf32, #tpu.memory_space<vmem>>) target_semaphore(%run_scoped3A_185 : memref<!tpu.dma_semaphore, #tpu.memory_space<semaphore_mem>>)
      %dma_wait3A_190 = arith.constant 0 : i32
      %dma_wait3A_191 = tpu.memref_slice %arg13[%mul3A_128, %dma_wait3A_190] : memref<10240x128xf32, #tpu.memory_space<vmem_shared>> -> memref<128x128xf32, #tpu.memory_space<vmem_shared>>
      %dma_wait3A_192 = arith.constant 0 : i32
      %dma_wait3A_193 = tpu.memref_slice %arg13[%mul3A_128, %dma_wait3A_192] : memref<10240x128xf32, #tpu.memory_space<vmem_shared>> -> memref<128x128xf32, #tpu.memory_space<vmem_shared>>
      tpu.wait_dma2 semaphore(%run_scoped3A_185 : memref<!tpu.dma_semaphore, #tpu.memory_space<semaphore_mem>>) src(%dma_wait3A_193 : memref<128x128xf32, #tpu.memory_space<vmem_shared>>) dst(%arg12 : memref<128x128xf32, #tpu.memory_space<vmem>>)
      tpu.yield
    }) : () -> ()
    %mul3A_129 = arith.constant 128 : i32
    %mul3A_130 = arith.muli %add3A_118, %mul3A_129 : i32
    %dma_start3A_131 = arith.constant 0 : i32
    %dma_start3A_132 = tpu.memref_slice %arg7[%arg0, %mul3A_130, %dma_start3A_131] : memref<2x10240x128xf32, #tpu.memory_space<hbm>> -> memref<1x128x128xf32, #tpu.memory_space<hbm>>
    %dma_start3A_133 = tpu.memref_squeeze %dma_start3A_132 : memref<1x128x128xf32, #tpu.memory_space<hbm>> -> memref<128x128xf32, #tpu.memory_space<hbm>>
    %dma_start3A_134 = arith.constant 0 : i32
    %dma_start3A_135 = tpu.memref_slice %arg7[%arg0, %mul3A_130, %dma_start3A_134] : memref<2x10240x128xf32, #tpu.memory_space<hbm>> -> memref<1x128x128xf32, #tpu.memory_space<hbm>>
    %dma_start3A_136 = tpu.memref_squeeze %dma_start3A_135 : memref<1x128x128xf32, #tpu.memory_space<hbm>> -> memref<128x128xf32, #tpu.memory_space<hbm>>
    tpu.enqueue_dma source(%arg12 : memref<128x128xf32, #tpu.memory_space<vmem>>) target(%dma_start3A_136 : memref<128x128xf32, #tpu.memory_space<hbm>>) target_semaphore(%arg15 : memref<!tpu.dma_semaphore, #tpu.memory_space<semaphore_mem>>)
    %mul3A_137 = arith.constant 128 : i32
    %mul3A_138 = arith.muli %add3A_118, %mul3A_137 : i32
    "tpu.region"() ({
      %run_scoped3A_185 = tpu.sem_alloc : memref<!tpu.dma_semaphore, #tpu.memory_space<semaphore_mem>>
      %dma_start3A_186 = tpu.memref_slice %arg18[%mul3A_138] : memref<10240xf32, #tpu.memory_space<vmem_shared>> -> memref<128xf32, #tpu.memory_space<vmem_shared>>
      %dma_start3A_187 = tpu.memref_slice %arg18[%mul3A_138] : memref<10240xf32, #tpu.memory_space<vmem_shared>> -> memref<128xf32, #tpu.memory_space<vmem_shared>>
      tpu.enqueue_dma source(%dma_start3A_187 : memref<128xf32, #tpu.memory_space<vmem_shared>>) target(%arg16 : memref<128xf32, #tpu.memory_space<vmem>>) target_semaphore(%run_scoped3A_185 : memref<!tpu.dma_semaphore, #tpu.memory_space<semaphore_mem>>)
      %dma_wait3A_188 = tpu.memref_slice %arg18[%mul3A_138] : memref<10240xf32, #tpu.memory_space<vmem_shared>> -> memref<128xf32, #tpu.memory_space<vmem_shared>>
      %dma_wait3A_189 = tpu.memref_slice %arg18[%mul3A_138] : memref<10240xf32, #tpu.memory_space<vmem_shared>> -> memref<128xf32, #tpu.memory_space<vmem_shared>>
      tpu.wait_dma2 semaphore(%run_scoped3A_185 : memref<!tpu.dma_semaphore, #tpu.memory_space<semaphore_mem>>) src(%dma_wait3A_189 : memref<128xf32, #tpu.memory_space<vmem_shared>>) dst(%arg16 : memref<128xf32, #tpu.memory_space<vmem>>)
      tpu.yield
    }) : () -> ()
    %mul3A_139 = arith.constant 128 : i32
    %mul3A_140 = arith.muli %add3A_118, %mul3A_139 : i32
    "tpu.region"() ({
      %run_scoped3A_185 = tpu.sem_alloc : memref<!tpu.dma_semaphore, #tpu.memory_space<semaphore_mem>>
      %dma_start3A_186 = tpu.memref_slice %arg8[%arg0, %mul3A_140] : memref<2x10240xf32, #tpu.memory_space<hbm>> -> memref<1x128xf32, #tpu.memory_space<hbm>>
      %dma_start3A_187 = tpu.memref_squeeze %dma_start3A_186 : memref<1x128xf32, #tpu.memory_space<hbm>> -> memref<128xf32, #tpu.memory_space<hbm>>
      %dma_start3A_188 = tpu.memref_slice %arg8[%arg0, %mul3A_140] : memref<2x10240xf32, #tpu.memory_space<hbm>> -> memref<1x128xf32, #tpu.memory_space<hbm>>
      %dma_start3A_189 = tpu.memref_squeeze %dma_start3A_188 : memref<1x128xf32, #tpu.memory_space<hbm>> -> memref<128xf32, #tpu.memory_space<hbm>>
      tpu.enqueue_dma source(%arg16 : memref<128xf32, #tpu.memory_space<vmem>>) target(%dma_start3A_189 : memref<128xf32, #tpu.memory_space<hbm>>) target_semaphore(%run_scoped3A_185 : memref<!tpu.dma_semaphore, #tpu.memory_space<semaphore_mem>>)
      %dma_wait3A_190 = tpu.memref_slice %arg8[%arg0, %mul3A_140] : memref<2x10240xf32, #tpu.memory_space<hbm>> -> memref<1x128xf32, #tpu.memory_space<hbm>>
      %dma_wait3A_191 = tpu.memref_squeeze %dma_wait3A_190 : memref<1x128xf32, #tpu.memory_space<hbm>> -> memref<128xf32, #tpu.memory_space<hbm>>
      %dma_wait3A_192 = tpu.memref_slice %arg8[%arg0, %mul3A_140] : memref<2x10240xf32, #tpu.memory_space<hbm>> -> memref<1x128xf32, #tpu.memory_space<hbm>>
      %dma_wait3A_193 = tpu.memref_squeeze %dma_wait3A_192 : memref<1x128xf32, #tpu.memory_space<hbm>> -> memref<128xf32, #tpu.memory_space<hbm>>
      tpu.wait_dma2 semaphore(%run_scoped3A_185 : memref<!tpu.dma_semaphore, #tpu.memory_space<semaphore_mem>>) src(%arg16 : memref<128xf32, #tpu.memory_space<vmem>>) dst(%dma_wait3A_193 : memref<128xf32, #tpu.memory_space<hbm>>)
      tpu.yield
    }) : () -> ()
    %add3A_141 = arith.constant 64 : i32
    %add3A_142 = arith.addi %arg1, %add3A_141 : i32
    %mul3A_143 = arith.constant 128 : i32
    %mul3A_144 = arith.muli %add3A_142, %mul3A_143 : i32
    %dma_wait3A_145 = arith.constant 0 : i32
    %dma_wait3A_146 = tpu.memref_slice %arg7[%arg0, %mul3A_144, %dma_wait3A_145] : memref<2x10240x128xf32, #tpu.memory_space<hbm>> -> memref<1x128x128xf32, #tpu.memory_space<hbm>>
    %dma_wait3A_147 = tpu.memref_squeeze %dma_wait3A_146 : memref<1x128x128xf32, #tpu.memory_space<hbm>> -> memref<128x128xf32, #tpu.memory_space<hbm>>
    %dma_wait3A_148 = arith.constant 0 : i32
    %dma_wait3A_149 = tpu.memref_slice %arg7[%arg0, %mul3A_144, %dma_wait3A_148] : memref<2x10240x128xf32, #tpu.memory_space<hbm>> -> memref<1x128x128xf32, #tpu.memory_space<hbm>>
    %dma_wait3A_150 = tpu.memref_squeeze %dma_wait3A_149 : memref<1x128x128xf32, #tpu.memory_space<hbm>> -> memref<128x128xf32, #tpu.memory_space<hbm>>
    tpu.wait_dma2 semaphore(%arg14 : memref<!tpu.dma_semaphore, #tpu.memory_space<semaphore_mem>>) src(%arg11 : memref<128x128xf32, #tpu.memory_space<vmem>>) dst(%dma_wait3A_150 : memref<128x128xf32, #tpu.memory_space<hbm>>)
    %mul3A_151 = arith.constant 128 : i32
    %mul3A_152 = arith.muli %add3A_142, %mul3A_151 : i32
    "tpu.region"() ({
      %run_scoped3A_185 = tpu.sem_alloc : memref<!tpu.dma_semaphore, #tpu.memory_space<semaphore_mem>>
      %dma_start3A_186 = arith.constant 0 : i32
      %dma_start3A_187 = tpu.memref_slice %arg13[%mul3A_152, %dma_start3A_186] : memref<10240x128xf32, #tpu.memory_space<vmem_shared>> -> memref<128x128xf32, #tpu.memory_space<vmem_shared>>
      %dma_start3A_188 = arith.constant 0 : i32
      %dma_start3A_189 = tpu.memref_slice %arg13[%mul3A_152, %dma_start3A_188] : memref<10240x128xf32, #tpu.memory_space<vmem_shared>> -> memref<128x128xf32, #tpu.memory_space<vmem_shared>>
      tpu.enqueue_dma source(%dma_start3A_189 : memref<128x128xf32, #tpu.memory_space<vmem_shared>>) target(%arg11 : memref<128x128xf32, #tpu.memory_space<vmem>>) target_semaphore(%run_scoped3A_185 : memref<!tpu.dma_semaphore, #tpu.memory_space<semaphore_mem>>)
      %dma_wait3A_190 = arith.constant 0 : i32
      %dma_wait3A_191 = tpu.memref_slice %arg13[%mul3A_152, %dma_wait3A_190] : memref<10240x128xf32, #tpu.memory_space<vmem_shared>> -> memref<128x128xf32, #tpu.memory_space<vmem_shared>>
      %dma_wait3A_192 = arith.constant 0 : i32
      %dma_wait3A_193 = tpu.memref_slice %arg13[%mul3A_152, %dma_wait3A_192] : memref<10240x128xf32, #tpu.memory_space<vmem_shared>> -> memref<128x128xf32, #tpu.memory_space<vmem_shared>>
      tpu.wait_dma2 semaphore(%run_scoped3A_185 : memref<!tpu.dma_semaphore, #tpu.memory_space<semaphore_mem>>) src(%dma_wait3A_193 : memref<128x128xf32, #tpu.memory_space<vmem_shared>>) dst(%arg11 : memref<128x128xf32, #tpu.memory_space<vmem>>)
      tpu.yield
    }) : () -> ()
    %mul3A_153 = arith.constant 128 : i32
    %mul3A_154 = arith.muli %add3A_142, %mul3A_153 : i32
    %dma_start3A_155 = arith.constant 0 : i32
    %dma_start3A_156 = tpu.memref_slice %arg7[%arg0, %mul3A_154, %dma_start3A_155] : memref<2x10240x128xf32, #tpu.memory_space<hbm>> -> memref<1x128x128xf32, #tpu.memory_space<hbm>>
    %dma_start3A_157 = tpu.memref_squeeze %dma_start3A_156 : memref<1x128x128xf32, #tpu.memory_space<hbm>> -> memref<128x128xf32, #tpu.memory_space<hbm>>
    %dma_start3A_158 = arith.constant 0 : i32
    %dma_start3A_159 = tpu.memref_slice %arg7[%arg0, %mul3A_154, %dma_start3A_158] : memref<2x10240x128xf32, #tpu.memory_space<hbm>> -> memref<1x128x128xf32, #tpu.memory_space<hbm>>
    %dma_start3A_160 = tpu.memref_squeeze %dma_start3A_159 : memref<1x128x128xf32, #tpu.memory_space<hbm>> -> memref<128x128xf32, #tpu.memory_space<hbm>>
    tpu.enqueue_dma source(%arg11 : memref<128x128xf32, #tpu.memory_space<vmem>>) target(%dma_start3A_160 : memref<128x128xf32, #tpu.memory_space<hbm>>) target_semaphore(%arg14 : memref<!tpu.dma_semaphore, #tpu.memory_space<semaphore_mem>>)
    %mul3A_161 = arith.constant 128 : i32
    %mul3A_162 = arith.muli %add3A_142, %mul3A_161 : i32
    "tpu.region"() ({
      %run_scoped3A_185 = tpu.sem_alloc : memref<!tpu.dma_semaphore, #tpu.memory_space<semaphore_mem>>
      %dma_start3A_186 = tpu.memref_slice %arg18[%mul3A_162] : memref<10240xf32, #tpu.memory_space<vmem_shared>> -> memref<128xf32, #tpu.memory_space<vmem_shared>>
      %dma_start3A_187 = tpu.memref_slice %arg18[%mul3A_162] : memref<10240xf32, #tpu.memory_space<vmem_shared>> -> memref<128xf32, #tpu.memory_space<vmem_shared>>
      tpu.enqueue_dma source(%dma_start3A_187 : memref<128xf32, #tpu.memory_space<vmem_shared>>) target(%arg16 : memref<128xf32, #tpu.memory_space<vmem>>) target_semaphore(%run_scoped3A_185 : memref<!tpu.dma_semaphore, #tpu.memory_space<semaphore_mem>>)
      %dma_wait3A_188 = tpu.memref_slice %arg18[%mul3A_162] : memref<10240xf32, #tpu.memory_space<vmem_shared>> -> memref<128xf32, #tpu.memory_space<vmem_shared>>
      %dma_wait3A_189 = tpu.memref_slice %arg18[%mul3A_162] : memref<10240xf32, #tpu.memory_space<vmem_shared>> -> memref<128xf32, #tpu.memory_space<vmem_shared>>
      tpu.wait_dma2 semaphore(%run_scoped3A_185 : memref<!tpu.dma_semaphore, #tpu.memory_space<semaphore_mem>>) src(%dma_wait3A_189 : memref<128xf32, #tpu.memory_space<vmem_shared>>) dst(%arg16 : memref<128xf32, #tpu.memory_space<vmem>>)
      tpu.yield
    }) : () -> ()
    %mul3A_163 = arith.constant 128 : i32
    %mul3A_164 = arith.muli %add3A_142, %mul3A_163 : i32
    "tpu.region"() ({
      %run_scoped3A_185 = tpu.sem_alloc : memref<!tpu.dma_semaphore, #tpu.memory_space<semaphore_mem>>
      %dma_start3A_186 = tpu.memref_slice %arg8[%arg0, %mul3A_164] : memref<2x10240xf32, #tpu.memory_space<hbm>> -> memref<1x128xf32, #tpu.memory_space<hbm>>
      %dma_start3A_187 = tpu.memref_squeeze %dma_start3A_186 : memref<1x128xf32, #tpu.memory_space<hbm>> -> memref<128xf32, #tpu.memory_space<hbm>>
      %dma_start3A_188 = tpu.memref_slice %arg8[%arg0, %mul3A_164] : memref<2x10240xf32, #tpu.memory_space<hbm>> -> memref<1x128xf32, #tpu.memory_space<hbm>>
      %dma_start3A_189 = tpu.memref_squeeze %dma_start3A_188 : memref<1x128xf32, #tpu.memory_space<hbm>> -> memref<128xf32, #tpu.memory_space<hbm>>
      tpu.enqueue_dma source(%arg16 : memref<128xf32, #tpu.memory_space<vmem>>) target(%dma_start3A_189 : memref<128xf32, #tpu.memory_space<hbm>>) target_semaphore(%run_scoped3A_185 : memref<!tpu.dma_semaphore, #tpu.memory_space<semaphore_mem>>)
      %dma_wait3A_190 = tpu.memref_slice %arg8[%arg0, %mul3A_164] : memref<2x10240xf32, #tpu.memory_space<hbm>> -> memref<1x128xf32, #tpu.memory_space<hbm>>
      %dma_wait3A_191 = tpu.memref_squeeze %dma_wait3A_190 : memref<1x128xf32, #tpu.memory_space<hbm>> -> memref<128xf32, #tpu.memory_space<hbm>>
      %dma_wait3A_192 = tpu.memref_slice %arg8[%arg0, %mul3A_164] : memref<2x10240xf32, #tpu.memory_space<hbm>> -> memref<1x128xf32, #tpu.memory_space<hbm>>
      %dma_wait3A_193 = tpu.memref_squeeze %dma_wait3A_192 : memref<1x128xf32, #tpu.memory_space<hbm>> -> memref<128xf32, #tpu.memory_space<hbm>>
      tpu.wait_dma2 semaphore(%run_scoped3A_185 : memref<!tpu.dma_semaphore, #tpu.memory_space<semaphore_mem>>) src(%arg16 : memref<128xf32, #tpu.memory_space<vmem>>) dst(%dma_wait3A_193 : memref<128xf32, #tpu.memory_space<hbm>>)
      tpu.yield
    }) : () -> ()
    %add3A_165 = arith.constant 48 : i32
    %add3A_166 = arith.addi %arg1, %add3A_165 : i32
    %mul3A_167 = arith.constant 128 : i32
    %mul3A_168 = arith.muli %add3A_166, %mul3A_167 : i32
    %dma_wait3A_169 = arith.constant 0 : i32
    %dma_wait3A_170 = tpu.memref_slice %arg7[%arg0, %mul3A_168, %dma_wait3A_169] : memref<2x10240x128xf32, #tpu.memory_space<hbm>> -> memref<1x128x128xf32, #tpu.memory_space<hbm>>
    %dma_wait3A_171 = tpu.memref_squeeze %dma_wait3A_170 : memref<1x128x128xf32, #tpu.memory_space<hbm>> -> memref<128x128xf32, #tpu.memory_space<hbm>>
    %dma_wait3A_172 = arith.constant 0 : i32
    %dma_wait3A_173 = tpu.memref_slice %arg7[%arg0, %mul3A_168, %dma_wait3A_172] : memref<2x10240x128xf32, #tpu.memory_space<hbm>> -> memref<1x128x128xf32, #tpu.memory_space<hbm>>
    %dma_wait3A_174 = tpu.memref_squeeze %dma_wait3A_173 : memref<1x128x128xf32, #tpu.memory_space<hbm>> -> memref<128x128xf32, #tpu.memory_space<hbm>>
    tpu.wait_dma2 semaphore(%arg15 : memref<!tpu.dma_semaphore, #tpu.memory_space<semaphore_mem>>) src(%arg12 : memref<128x128xf32, #tpu.memory_space<vmem>>) dst(%dma_wait3A_174 : memref<128x128xf32, #tpu.memory_space<hbm>>)
    %add3A_175 = arith.constant 64 : i32
    %add3A_176 = arith.addi %arg1, %add3A_175 : i32
    %mul3A_177 = arith.constant 128 : i32
    %mul3A_178 = arith.muli %add3A_176, %mul3A_177 : i32
    %dma_wait3A_179 = arith.constant 0 : i32
    %dma_wait3A_180 = tpu.memref_slice %arg7[%arg0, %mul3A_178, %dma_wait3A_179] : memref<2x10240x128xf32, #tpu.memory_space<hbm>> -> memref<1x128x128xf32, #tpu.memory_space<hbm>>
    %dma_wait3A_181 = tpu.memref_squeeze %dma_wait3A_180 : memref<1x128x128xf32, #tpu.memory_space<hbm>> -> memref<128x128xf32, #tpu.memory_space<hbm>>
    %dma_wait3A_182 = arith.constant 0 : i32
    %dma_wait3A_183 = tpu.memref_slice %arg7[%arg0, %mul3A_178, %dma_wait3A_182] : memref<2x10240x128xf32, #tpu.memory_space<hbm>> -> memref<1x128x128xf32, #tpu.memory_space<hbm>>
    %dma_wait3A_184 = tpu.memref_squeeze %dma_wait3A_183 : memref<1x128x128xf32, #tpu.memory_space<hbm>> -> memref<128x128xf32, #tpu.memory_space<hbm>>
    tpu.wait_dma2 semaphore(%arg14 : memref<!tpu.dma_semaphore, #tpu.memory_space<semaphore_mem>>) src(%arg11 : memref<128x128xf32, #tpu.memory_space<vmem>>) dst(%dma_wait3A_184 : memref<128x128xf32, #tpu.memory_space<hbm>>)
    return
  }
}

#map = affine_map<(d0, d1) -> (0, 0)>
#map1 = affine_map<(d0, d1) -> (0)>
#map2 = affine_map<(d0, d1) -> (0, 0, 0)>
module attributes {stable_mosaic.version = 14 : i64} {
  func.func @body(%arg0: i32, %arg1: i32, %arg2: memref<10240x128xf32, #tpu.memory_space<hbm>>, %arg3: memref<2560x128xi32, #tpu.memory_space<hbm>>, %arg4: memref<2560x128xi32, #tpu.memory_space<hbm>>, %arg5: memref<128x128xf32, #tpu.memory_space<hbm>>, %arg6: memref<128xf32, #tpu.memory_space<hbm>>, %arg7: memref<2x10240x128xf32, #tpu.memory_space<hbm>>, %arg8: memref<40x128xi32, #tpu.memory_space<vmem>>, %arg9: memref<40x128xi32, #tpu.memory_space<vmem>>, %arg10: memref<128x128xf32, #tpu.memory_space<vmem>>, %arg11: memref<128x128xf32, #tpu.memory_space<vmem>>, %arg12: memref<10240x128xf32, #tpu.memory_space<vmem_shared>>, %arg13: memref<!tpu.dma_semaphore, #tpu.memory_space<semaphore_mem>>, %arg14: memref<!tpu.dma_semaphore, #tpu.memory_space<semaphore_mem>>) attributes {dimension_semantics = [#tpu.dimension_semantics<core_parallel>, #tpu.dimension_semantics<subcore_parallel>], iteration_bounds = array<i64: 2, 16>, scalar_prefetch = 0 : i64, scratch_operands = 7 : i64, tpu.core_type = #tpu.core_type<sc_vector_subcore>, window_params = [{transform_indices = #map}, {transform_indices = #map}, {transform_indices = #map}, {transform_indices = #map}, {transform_indices = #map1}, {transform_indices = #map2}]} {
    %mul3A = arith.constant 2 : i32
    %mul3A_0 = arith.muli %arg1, %mul3A : i32
    %add3A = arith.addi %mul3A_0, %arg0 : i32
    "tpu.region"() ({
      %run_scoped3A = tpu.sem_alloc : memref<!tpu.dma_semaphore, #tpu.memory_space<semaphore_mem>>
      tpu.enqueue_dma source(%arg5 : memref<128x128xf32, #tpu.memory_space<hbm>>) target(%arg11 : memref<128x128xf32, #tpu.memory_space<vmem>>) target_semaphore(%run_scoped3A : memref<!tpu.dma_semaphore, #tpu.memory_space<semaphore_mem>>)
      tpu.wait_dma2 semaphore(%run_scoped3A : memref<!tpu.dma_semaphore, #tpu.memory_space<semaphore_mem>>) src(%arg5 : memref<128x128xf32, #tpu.memory_space<hbm>>) dst(%arg11 : memref<128x128xf32, #tpu.memory_space<vmem>>)
      tpu.yield
    }) : () -> ()
    %mul3A_1 = arith.constant 80 : i32
    %mul3A_2 = arith.muli %add3A, %mul3A_1 : i32
    "tpu.region"() ({
      %run_scoped3A = tpu.sem_alloc : memref<!tpu.dma_semaphore, #tpu.memory_space<semaphore_mem>>
      %dma_start3A_155 = arith.constant 0 : i32
      %dma_start3A_156 = tpu.memref_slice %arg3[%mul3A_2, %dma_start3A_155] : memref<2560x128xi32, #tpu.memory_space<hbm>> -> memref<40x128xi32, #tpu.memory_space<hbm>>
      %dma_start3A_157 = arith.constant 0 : i32
      %dma_start3A_158 = tpu.memref_slice %arg3[%mul3A_2, %dma_start3A_157] : memref<2560x128xi32, #tpu.memory_space<hbm>> -> memref<40x128xi32, #tpu.memory_space<hbm>>
      tpu.enqueue_dma source(%dma_start3A_158 : memref<40x128xi32, #tpu.memory_space<hbm>>) target(%arg8 : memref<40x128xi32, #tpu.memory_space<vmem>>) target_semaphore(%run_scoped3A : memref<!tpu.dma_semaphore, #tpu.memory_space<semaphore_mem>>)
      %dma_wait3A_159 = arith.constant 0 : i32
      %dma_wait3A_160 = tpu.memref_slice %arg3[%mul3A_2, %dma_wait3A_159] : memref<2560x128xi32, #tpu.memory_space<hbm>> -> memref<40x128xi32, #tpu.memory_space<hbm>>
      %dma_wait3A_161 = arith.constant 0 : i32
      %dma_wait3A_162 = tpu.memref_slice %arg3[%mul3A_2, %dma_wait3A_161] : memref<2560x128xi32, #tpu.memory_space<hbm>> -> memref<40x128xi32, #tpu.memory_space<hbm>>
      tpu.wait_dma2 semaphore(%run_scoped3A : memref<!tpu.dma_semaphore, #tpu.memory_space<semaphore_mem>>) src(%dma_wait3A_162 : memref<40x128xi32, #tpu.memory_space<hbm>>) dst(%arg8 : memref<40x128xi32, #tpu.memory_space<vmem>>)
      tpu.yield
    }) : () -> ()
    "tpu.region"() ({
      %run_scoped3A = tpu.sem_alloc : memref<!tpu.dma_semaphore, #tpu.memory_space<semaphore_mem>>
      %dma_start3A_155 = arith.constant 0 : i32
      %dma_start3A_156 = tpu.memref_slice %arg4[%mul3A_2, %dma_start3A_155] : memref<2560x128xi32, #tpu.memory_space<hbm>> -> memref<40x128xi32, #tpu.memory_space<hbm>>
      %dma_start3A_157 = arith.constant 0 : i32
      %dma_start3A_158 = tpu.memref_slice %arg4[%mul3A_2, %dma_start3A_157] : memref<2560x128xi32, #tpu.memory_space<hbm>> -> memref<40x128xi32, #tpu.memory_space<hbm>>
      tpu.enqueue_dma source(%dma_start3A_158 : memref<40x128xi32, #tpu.memory_space<hbm>>) target(%arg9 : memref<40x128xi32, #tpu.memory_space<vmem>>) target_semaphore(%run_scoped3A : memref<!tpu.dma_semaphore, #tpu.memory_space<semaphore_mem>>)
      %dma_wait3A_159 = arith.constant 0 : i32
      %dma_wait3A_160 = tpu.memref_slice %arg4[%mul3A_2, %dma_wait3A_159] : memref<2560x128xi32, #tpu.memory_space<hbm>> -> memref<40x128xi32, #tpu.memory_space<hbm>>
      %dma_wait3A_161 = arith.constant 0 : i32
      %dma_wait3A_162 = tpu.memref_slice %arg4[%mul3A_2, %dma_wait3A_161] : memref<2560x128xi32, #tpu.memory_space<hbm>> -> memref<40x128xi32, #tpu.memory_space<hbm>>
      tpu.wait_dma2 semaphore(%run_scoped3A : memref<!tpu.dma_semaphore, #tpu.memory_space<semaphore_mem>>) src(%dma_wait3A_162 : memref<40x128xi32, #tpu.memory_space<hbm>>) dst(%arg9 : memref<40x128xi32, #tpu.memory_space<vmem>>)
      tpu.yield
    }) : () -> ()
    %dma_start3A = arith.constant 0 : i32
    %dma_start3A_3 = arith.constant 0 : i32
    %dma_start3A_4 = tpu.memref_slice %arg8[%dma_start3A, %dma_start3A_3] : memref<40x128xi32, #tpu.memory_space<vmem>> -> memref<1x128xi32, #tpu.memory_space<vmem>>
    %dma_start3A_5 = tpu.memref_squeeze %dma_start3A_4 : memref<1x128xi32, #tpu.memory_space<vmem>> -> memref<128xi32, #tpu.memory_space<vmem>>
    %dma_start3A_6 = arith.constant 0 : i32
    %dma_start3A_7 = arith.constant 0 : i32
    %dma_start3A_8 = tpu.memref_slice %arg2[%dma_start3A_6, %dma_start3A_7] : memref<10240x128xf32, #tpu.memory_space<hbm>> -> memref<10240x128xf32, #tpu.memory_space<hbm>>
    tpu.enqueue_indirect_dma source(%dma_start3A_8 : memref<10240x128xf32, #tpu.memory_space<hbm>>) target(%arg10 : memref<128x128xf32, #tpu.memory_space<vmem>>) offsets(%dma_start3A_5 : memref<128xi32, #tpu.memory_space<vmem>>) semaphore(%arg13 : memref<!tpu.dma_semaphore, #tpu.memory_space<semaphore_mem>>)
    %add3A_9 = arith.constant 0 : i32
    %add3A_10 = arith.addi %arg1, %add3A_9 : i32
    %mul3A_11 = arith.constant 128 : i32
    %mul3A_12 = arith.muli %add3A_10, %mul3A_11 : i32
    "tpu.region"() ({
      %run_scoped3A = tpu.sem_alloc : memref<!tpu.dma_semaphore, #tpu.memory_space<semaphore_mem>>
      %dma_start3A_155 = arith.constant 0 : i32
      %dma_start3A_156 = tpu.memref_slice %arg12[%mul3A_12, %dma_start3A_155] : memref<10240x128xf32, #tpu.memory_space<vmem_shared>> -> memref<128x128xf32, #tpu.memory_space<vmem_shared>>
      %dma_start3A_157 = arith.constant 0 : i32
      %dma_start3A_158 = tpu.memref_slice %arg12[%mul3A_12, %dma_start3A_157] : memref<10240x128xf32, #tpu.memory_space<vmem_shared>> -> memref<128x128xf32, #tpu.memory_space<vmem_shared>>
      tpu.enqueue_dma source(%arg11 : memref<128x128xf32, #tpu.memory_space<vmem>>) target(%dma_start3A_158 : memref<128x128xf32, #tpu.memory_space<vmem_shared>>) target_semaphore(%run_scoped3A : memref<!tpu.dma_semaphore, #tpu.memory_space<semaphore_mem>>)
      %dma_wait3A_159 = arith.constant 0 : i32
      %dma_wait3A_160 = tpu.memref_slice %arg12[%mul3A_12, %dma_wait3A_159] : memref<10240x128xf32, #tpu.memory_space<vmem_shared>> -> memref<128x128xf32, #tpu.memory_space<vmem_shared>>
      %dma_wait3A_161 = arith.constant 0 : i32
      %dma_wait3A_162 = tpu.memref_slice %arg12[%mul3A_12, %dma_wait3A_161] : memref<10240x128xf32, #tpu.memory_space<vmem_shared>> -> memref<128x128xf32, #tpu.memory_space<vmem_shared>>
      tpu.wait_dma2 semaphore(%run_scoped3A : memref<!tpu.dma_semaphore, #tpu.memory_space<semaphore_mem>>) src(%arg11 : memref<128x128xf32, #tpu.memory_space<vmem>>) dst(%dma_wait3A_162 : memref<128x128xf32, #tpu.memory_space<vmem_shared>>)
      tpu.yield
    }) : () -> ()
    %add3A_13 = arith.constant 16 : i32
    %add3A_14 = arith.addi %arg1, %add3A_13 : i32
    %mul3A_15 = arith.constant 128 : i32
    %mul3A_16 = arith.muli %add3A_14, %mul3A_15 : i32
    "tpu.region"() ({
      %run_scoped3A = tpu.sem_alloc : memref<!tpu.dma_semaphore, #tpu.memory_space<semaphore_mem>>
      %dma_start3A_155 = arith.constant 0 : i32
      %dma_start3A_156 = tpu.memref_slice %arg12[%mul3A_16, %dma_start3A_155] : memref<10240x128xf32, #tpu.memory_space<vmem_shared>> -> memref<128x128xf32, #tpu.memory_space<vmem_shared>>
      %dma_start3A_157 = arith.constant 0 : i32
      %dma_start3A_158 = tpu.memref_slice %arg12[%mul3A_16, %dma_start3A_157] : memref<10240x128xf32, #tpu.memory_space<vmem_shared>> -> memref<128x128xf32, #tpu.memory_space<vmem_shared>>
      tpu.enqueue_dma source(%arg11 : memref<128x128xf32, #tpu.memory_space<vmem>>) target(%dma_start3A_158 : memref<128x128xf32, #tpu.memory_space<vmem_shared>>) target_semaphore(%run_scoped3A : memref<!tpu.dma_semaphore, #tpu.memory_space<semaphore_mem>>)
      %dma_wait3A_159 = arith.constant 0 : i32
      %dma_wait3A_160 = tpu.memref_slice %arg12[%mul3A_16, %dma_wait3A_159] : memref<10240x128xf32, #tpu.memory_space<vmem_shared>> -> memref<128x128xf32, #tpu.memory_space<vmem_shared>>
      %dma_wait3A_161 = arith.constant 0 : i32
      %dma_wait3A_162 = tpu.memref_slice %arg12[%mul3A_16, %dma_wait3A_161] : memref<10240x128xf32, #tpu.memory_space<vmem_shared>> -> memref<128x128xf32, #tpu.memory_space<vmem_shared>>
      tpu.wait_dma2 semaphore(%run_scoped3A : memref<!tpu.dma_semaphore, #tpu.memory_space<semaphore_mem>>) src(%arg11 : memref<128x128xf32, #tpu.memory_space<vmem>>) dst(%dma_wait3A_162 : memref<128x128xf32, #tpu.memory_space<vmem_shared>>)
      tpu.yield
    }) : () -> ()
    %add3A_17 = arith.constant 32 : i32
    %add3A_18 = arith.addi %arg1, %add3A_17 : i32
    %mul3A_19 = arith.constant 128 : i32
    %mul3A_20 = arith.muli %add3A_18, %mul3A_19 : i32
    "tpu.region"() ({
      %run_scoped3A = tpu.sem_alloc : memref<!tpu.dma_semaphore, #tpu.memory_space<semaphore_mem>>
      %dma_start3A_155 = arith.constant 0 : i32
      %dma_start3A_156 = tpu.memref_slice %arg12[%mul3A_20, %dma_start3A_155] : memref<10240x128xf32, #tpu.memory_space<vmem_shared>> -> memref<128x128xf32, #tpu.memory_space<vmem_shared>>
      %dma_start3A_157 = arith.constant 0 : i32
      %dma_start3A_158 = tpu.memref_slice %arg12[%mul3A_20, %dma_start3A_157] : memref<10240x128xf32, #tpu.memory_space<vmem_shared>> -> memref<128x128xf32, #tpu.memory_space<vmem_shared>>
      tpu.enqueue_dma source(%arg11 : memref<128x128xf32, #tpu.memory_space<vmem>>) target(%dma_start3A_158 : memref<128x128xf32, #tpu.memory_space<vmem_shared>>) target_semaphore(%run_scoped3A : memref<!tpu.dma_semaphore, #tpu.memory_space<semaphore_mem>>)
      %dma_wait3A_159 = arith.constant 0 : i32
      %dma_wait3A_160 = tpu.memref_slice %arg12[%mul3A_20, %dma_wait3A_159] : memref<10240x128xf32, #tpu.memory_space<vmem_shared>> -> memref<128x128xf32, #tpu.memory_space<vmem_shared>>
      %dma_wait3A_161 = arith.constant 0 : i32
      %dma_wait3A_162 = tpu.memref_slice %arg12[%mul3A_20, %dma_wait3A_161] : memref<10240x128xf32, #tpu.memory_space<vmem_shared>> -> memref<128x128xf32, #tpu.memory_space<vmem_shared>>
      tpu.wait_dma2 semaphore(%run_scoped3A : memref<!tpu.dma_semaphore, #tpu.memory_space<semaphore_mem>>) src(%arg11 : memref<128x128xf32, #tpu.memory_space<vmem>>) dst(%dma_wait3A_162 : memref<128x128xf32, #tpu.memory_space<vmem_shared>>)
      tpu.yield
    }) : () -> ()
    %add3A_21 = arith.constant 48 : i32
    %add3A_22 = arith.addi %arg1, %add3A_21 : i32
    %mul3A_23 = arith.constant 128 : i32
    %mul3A_24 = arith.muli %add3A_22, %mul3A_23 : i32
    "tpu.region"() ({
      %run_scoped3A = tpu.sem_alloc : memref<!tpu.dma_semaphore, #tpu.memory_space<semaphore_mem>>
      %dma_start3A_155 = arith.constant 0 : i32
      %dma_start3A_156 = tpu.memref_slice %arg12[%mul3A_24, %dma_start3A_155] : memref<10240x128xf32, #tpu.memory_space<vmem_shared>> -> memref<128x128xf32, #tpu.memory_space<vmem_shared>>
      %dma_start3A_157 = arith.constant 0 : i32
      %dma_start3A_158 = tpu.memref_slice %arg12[%mul3A_24, %dma_start3A_157] : memref<10240x128xf32, #tpu.memory_space<vmem_shared>> -> memref<128x128xf32, #tpu.memory_space<vmem_shared>>
      tpu.enqueue_dma source(%arg11 : memref<128x128xf32, #tpu.memory_space<vmem>>) target(%dma_start3A_158 : memref<128x128xf32, #tpu.memory_space<vmem_shared>>) target_semaphore(%run_scoped3A : memref<!tpu.dma_semaphore, #tpu.memory_space<semaphore_mem>>)
      %dma_wait3A_159 = arith.constant 0 : i32
      %dma_wait3A_160 = tpu.memref_slice %arg12[%mul3A_24, %dma_wait3A_159] : memref<10240x128xf32, #tpu.memory_space<vmem_shared>> -> memref<128x128xf32, #tpu.memory_space<vmem_shared>>
      %dma_wait3A_161 = arith.constant 0 : i32
      %dma_wait3A_162 = tpu.memref_slice %arg12[%mul3A_24, %dma_wait3A_161] : memref<10240x128xf32, #tpu.memory_space<vmem_shared>> -> memref<128x128xf32, #tpu.memory_space<vmem_shared>>
      tpu.wait_dma2 semaphore(%run_scoped3A : memref<!tpu.dma_semaphore, #tpu.memory_space<semaphore_mem>>) src(%arg11 : memref<128x128xf32, #tpu.memory_space<vmem>>) dst(%dma_wait3A_162 : memref<128x128xf32, #tpu.memory_space<vmem_shared>>)
      tpu.yield
    }) : () -> ()
    %add3A_25 = arith.constant 64 : i32
    %add3A_26 = arith.addi %arg1, %add3A_25 : i32
    %mul3A_27 = arith.constant 128 : i32
    %mul3A_28 = arith.muli %add3A_26, %mul3A_27 : i32
    "tpu.region"() ({
      %run_scoped3A = tpu.sem_alloc : memref<!tpu.dma_semaphore, #tpu.memory_space<semaphore_mem>>
      %dma_start3A_155 = arith.constant 0 : i32
      %dma_start3A_156 = tpu.memref_slice %arg12[%mul3A_28, %dma_start3A_155] : memref<10240x128xf32, #tpu.memory_space<vmem_shared>> -> memref<128x128xf32, #tpu.memory_space<vmem_shared>>
      %dma_start3A_157 = arith.constant 0 : i32
      %dma_start3A_158 = tpu.memref_slice %arg12[%mul3A_28, %dma_start3A_157] : memref<10240x128xf32, #tpu.memory_space<vmem_shared>> -> memref<128x128xf32, #tpu.memory_space<vmem_shared>>
      tpu.enqueue_dma source(%arg11 : memref<128x128xf32, #tpu.memory_space<vmem>>) target(%dma_start3A_158 : memref<128x128xf32, #tpu.memory_space<vmem_shared>>) target_semaphore(%run_scoped3A : memref<!tpu.dma_semaphore, #tpu.memory_space<semaphore_mem>>)
      %dma_wait3A_159 = arith.constant 0 : i32
      %dma_wait3A_160 = tpu.memref_slice %arg12[%mul3A_28, %dma_wait3A_159] : memref<10240x128xf32, #tpu.memory_space<vmem_shared>> -> memref<128x128xf32, #tpu.memory_space<vmem_shared>>
      %dma_wait3A_161 = arith.constant 0 : i32
      %dma_wait3A_162 = tpu.memref_slice %arg12[%mul3A_28, %dma_wait3A_161] : memref<10240x128xf32, #tpu.memory_space<vmem_shared>> -> memref<128x128xf32, #tpu.memory_space<vmem_shared>>
      tpu.wait_dma2 semaphore(%run_scoped3A : memref<!tpu.dma_semaphore, #tpu.memory_space<semaphore_mem>>) src(%arg11 : memref<128x128xf32, #tpu.memory_space<vmem>>) dst(%dma_wait3A_162 : memref<128x128xf32, #tpu.memory_space<vmem_shared>>)
      tpu.yield
    }) : () -> ()
    %barrier3A = arith.constant 0 : index
    tpu.barrier barrier_id(%barrier3A)
    %scan3A = arith.constant 0 : i32
    %scan3A_29 = arith.constant 0 : i32
    %scan3A_30 = arith.constant 20 : i32
    %scan3A_31 = arith.addi %scan3A_29, %scan3A_30 : i32
    %scan3A_32 = arith.constant 1 : i32
    scf.for %scan3A_155 = %scan3A_29 to %scan3A_31 step %scan3A_32  : i32 {
      %mul3A_156 = arith.constant 2 : i32
      %mul3A_157 = arith.muli %scan3A_155, %mul3A_156 : i32
      %add3A_158 = arith.constant 1 : i32
      %add3A_159 = arith.addi %mul3A_157, %add3A_158 : i32
      %dma_start3A_160 = arith.constant 0 : i32
      %dma_start3A_161 = tpu.memref_slice %arg8[%add3A_159, %dma_start3A_160] : memref<40x128xi32, #tpu.memory_space<vmem>> -> memref<1x128xi32, #tpu.memory_space<vmem>>
      %dma_start3A_162 = tpu.memref_squeeze %dma_start3A_161 : memref<1x128xi32, #tpu.memory_space<vmem>> -> memref<128xi32, #tpu.memory_space<vmem>>
      %dma_start3A_163 = arith.constant 0 : i32
      %dma_start3A_164 = arith.constant 0 : i32
      %dma_start3A_165 = tpu.memref_slice %arg2[%dma_start3A_163, %dma_start3A_164] : memref<10240x128xf32, #tpu.memory_space<hbm>> -> memref<10240x128xf32, #tpu.memory_space<hbm>>
      tpu.enqueue_indirect_dma source(%dma_start3A_165 : memref<10240x128xf32, #tpu.memory_space<hbm>>) target(%arg11 : memref<128x128xf32, #tpu.memory_space<vmem>>) offsets(%dma_start3A_162 : memref<128xi32, #tpu.memory_space<vmem>>) semaphore(%arg14 : memref<!tpu.dma_semaphore, #tpu.memory_space<semaphore_mem>>)
      %dma_wait3A_166 = arith.constant 0 : i32
      %dma_wait3A_167 = arith.constant 0 : i32
      %dma_wait3A_168 = tpu.memref_slice %arg8[%dma_wait3A_166, %dma_wait3A_167] : memref<40x128xi32, #tpu.memory_space<vmem>> -> memref<1x128xi32, #tpu.memory_space<vmem>>
      %dma_wait3A_169 = tpu.memref_squeeze %dma_wait3A_168 : memref<1x128xi32, #tpu.memory_space<vmem>> -> memref<128xi32, #tpu.memory_space<vmem>>
      %dma_wait3A_170 = arith.constant 0 : i32
      %dma_wait3A_171 = arith.constant 0 : i32
      %dma_wait3A_172 = tpu.memref_slice %arg2[%dma_wait3A_170, %dma_wait3A_171] : memref<10240x128xf32, #tpu.memory_space<hbm>> -> memref<10240x128xf32, #tpu.memory_space<hbm>>
      tpu.wait_indirect_dma semaphore(%arg13 : memref<!tpu.dma_semaphore, #tpu.memory_space<semaphore_mem>>) src(%dma_wait3A_172 : memref<10240x128xf32, #tpu.memory_space<hbm>>) dst(%arg10 : memref<128x128xf32, #tpu.memory_space<vmem>>)
      "tpu.region"() ({
        %run_scoped3A = tpu.sem_alloc : memref<!tpu.dma_semaphore, #tpu.memory_space<semaphore_mem>>
        %dma_start3A_184 = arith.constant 0 : i32
        %dma_start3A_185 = tpu.memref_slice %arg9[%mul3A_157, %dma_start3A_184] : memref<40x128xi32, #tpu.memory_space<vmem>> -> memref<1x128xi32, #tpu.memory_space<vmem>>
        %dma_start3A_186 = tpu.memref_squeeze %dma_start3A_185 : memref<1x128xi32, #tpu.memory_space<vmem>> -> memref<128xi32, #tpu.memory_space<vmem>>
        %dma_start3A_187 = arith.constant 0 : i32
        %dma_start3A_188 = arith.constant 0 : i32
        %dma_start3A_189 = tpu.memref_slice %arg12[%dma_start3A_187, %dma_start3A_188] : memref<10240x128xf32, #tpu.memory_space<vmem_shared>> -> memref<10240x128xf32, #tpu.memory_space<vmem_shared>>
        tpu.enqueue_indirect_dma source(%arg10 : memref<128x128xf32, #tpu.memory_space<vmem>>) target(%dma_start3A_189 : memref<10240x128xf32, #tpu.memory_space<vmem_shared>>) offsets(%dma_start3A_186 : memref<128xi32, #tpu.memory_space<vmem>>) semaphore(%run_scoped3A : memref<!tpu.dma_semaphore, #tpu.memory_space<semaphore_mem>>) {add = true}
        %dma_wait3A_190 = arith.constant 0 : i32
        %dma_wait3A_191 = tpu.memref_slice %arg9[%mul3A_157, %dma_wait3A_190] : memref<40x128xi32, #tpu.memory_space<vmem>> -> memref<1x128xi32, #tpu.memory_space<vmem>>
        %dma_wait3A_192 = tpu.memref_squeeze %dma_wait3A_191 : memref<1x128xi32, #tpu.memory_space<vmem>> -> memref<128xi32, #tpu.memory_space<vmem>>
        %dma_wait3A_193 = arith.constant 0 : i32
        %dma_wait3A_194 = arith.constant 0 : i32
        %dma_wait3A_195 = tpu.memref_slice %arg12[%dma_wait3A_193, %dma_wait3A_194] : memref<10240x128xf32, #tpu.memory_space<vmem_shared>> -> memref<10240x128xf32, #tpu.memory_space<vmem_shared>>
        tpu.wait_indirect_dma semaphore(%run_scoped3A : memref<!tpu.dma_semaphore, #tpu.memory_space<semaphore_mem>>) src(%arg10 : memref<128x128xf32, #tpu.memory_space<vmem>>) dst(%dma_wait3A_195 : memref<10240x128xf32, #tpu.memory_space<vmem_shared>>)
        tpu.yield
      }) : () -> ()
      %lt3A = arith.constant 19 : i32
      %lt3A_173 = arith.cmpi slt, %scan3A_155, %lt3A : i32
      %convert_element_type3A = arith.extui %lt3A_173 : i1 to i32
      %cond3A = arith.constant 0 : i32
      %cond3A_174 = arith.cmpi ne, %convert_element_type3A, %cond3A : i32
      scf.if %cond3A_174 {
        %add3A_184 = arith.constant 2 : i32
        %add3A_185 = arith.addi %mul3A_157, %add3A_184 : i32
        %dma_start3A_186 = arith.constant 0 : i32
        %dma_start3A_187 = tpu.memref_slice %arg8[%add3A_185, %dma_start3A_186] : memref<40x128xi32, #tpu.memory_space<vmem>> -> memref<1x128xi32, #tpu.memory_space<vmem>>
        %dma_start3A_188 = tpu.memref_squeeze %dma_start3A_187 : memref<1x128xi32, #tpu.memory_space<vmem>> -> memref<128xi32, #tpu.memory_space<vmem>>
        %dma_start3A_189 = arith.constant 0 : i32
        %dma_start3A_190 = arith.constant 0 : i32
        %dma_start3A_191 = tpu.memref_slice %arg2[%dma_start3A_189, %dma_start3A_190] : memref<10240x128xf32, #tpu.memory_space<hbm>> -> memref<10240x128xf32, #tpu.memory_space<hbm>>
        tpu.enqueue_indirect_dma source(%dma_start3A_191 : memref<10240x128xf32, #tpu.memory_space<hbm>>) target(%arg10 : memref<128x128xf32, #tpu.memory_space<vmem>>) offsets(%dma_start3A_188 : memref<128xi32, #tpu.memory_space<vmem>>) semaphore(%arg13 : memref<!tpu.dma_semaphore, #tpu.memory_space<semaphore_mem>>)
      } else {
      }
      %dma_wait3A_175 = arith.constant 0 : i32
      %dma_wait3A_176 = arith.constant 0 : i32
      %dma_wait3A_177 = tpu.memref_slice %arg8[%dma_wait3A_175, %dma_wait3A_176] : memref<40x128xi32, #tpu.memory_space<vmem>> -> memref<1x128xi32, #tpu.memory_space<vmem>>
      %dma_wait3A_178 = tpu.memref_squeeze %dma_wait3A_177 : memref<1x128xi32, #tpu.memory_space<vmem>> -> memref<128xi32, #tpu.memory_space<vmem>>
      %dma_wait3A_179 = arith.constant 0 : i32
      %dma_wait3A_180 = arith.constant 0 : i32
      %dma_wait3A_181 = tpu.memref_slice %arg2[%dma_wait3A_179, %dma_wait3A_180] : memref<10240x128xf32, #tpu.memory_space<hbm>> -> memref<10240x128xf32, #tpu.memory_space<hbm>>
      tpu.wait_indirect_dma semaphore(%arg14 : memref<!tpu.dma_semaphore, #tpu.memory_space<semaphore_mem>>) src(%dma_wait3A_181 : memref<10240x128xf32, #tpu.memory_space<hbm>>) dst(%arg11 : memref<128x128xf32, #tpu.memory_space<vmem>>)
      %add3A_182 = arith.constant 1 : i32
      %add3A_183 = arith.addi %mul3A_157, %add3A_182 : i32
      "tpu.region"() ({
        %run_scoped3A = tpu.sem_alloc : memref<!tpu.dma_semaphore, #tpu.memory_space<semaphore_mem>>
        %dma_start3A_184 = arith.constant 0 : i32
        %dma_start3A_185 = tpu.memref_slice %arg9[%add3A_183, %dma_start3A_184] : memref<40x128xi32, #tpu.memory_space<vmem>> -> memref<1x128xi32, #tpu.memory_space<vmem>>
        %dma_start3A_186 = tpu.memref_squeeze %dma_start3A_185 : memref<1x128xi32, #tpu.memory_space<vmem>> -> memref<128xi32, #tpu.memory_space<vmem>>
        %dma_start3A_187 = arith.constant 0 : i32
        %dma_start3A_188 = arith.constant 0 : i32
        %dma_start3A_189 = tpu.memref_slice %arg12[%dma_start3A_187, %dma_start3A_188] : memref<10240x128xf32, #tpu.memory_space<vmem_shared>> -> memref<10240x128xf32, #tpu.memory_space<vmem_shared>>
        tpu.enqueue_indirect_dma source(%arg11 : memref<128x128xf32, #tpu.memory_space<vmem>>) target(%dma_start3A_189 : memref<10240x128xf32, #tpu.memory_space<vmem_shared>>) offsets(%dma_start3A_186 : memref<128xi32, #tpu.memory_space<vmem>>) semaphore(%run_scoped3A : memref<!tpu.dma_semaphore, #tpu.memory_space<semaphore_mem>>) {add = true}
        %dma_wait3A_190 = arith.constant 0 : i32
        %dma_wait3A_191 = tpu.memref_slice %arg9[%add3A_183, %dma_wait3A_190] : memref<40x128xi32, #tpu.memory_space<vmem>> -> memref<1x128xi32, #tpu.memory_space<vmem>>
        %dma_wait3A_192 = tpu.memref_squeeze %dma_wait3A_191 : memref<1x128xi32, #tpu.memory_space<vmem>> -> memref<128xi32, #tpu.memory_space<vmem>>
        %dma_wait3A_193 = arith.constant 0 : i32
        %dma_wait3A_194 = arith.constant 0 : i32
        %dma_wait3A_195 = tpu.memref_slice %arg12[%dma_wait3A_193, %dma_wait3A_194] : memref<10240x128xf32, #tpu.memory_space<vmem_shared>> -> memref<10240x128xf32, #tpu.memory_space<vmem_shared>>
        tpu.wait_indirect_dma semaphore(%run_scoped3A : memref<!tpu.dma_semaphore, #tpu.memory_space<semaphore_mem>>) src(%arg11 : memref<128x128xf32, #tpu.memory_space<vmem>>) dst(%dma_wait3A_195 : memref<10240x128xf32, #tpu.memory_space<vmem_shared>>)
        tpu.yield
      }) : () -> ()
    }
    %scan3A_33 = arith.constant 20 : i32
    %add3A_34 = arith.constant 40 : i32
    %add3A_35 = arith.addi %mul3A_2, %add3A_34 : i32
    "tpu.region"() ({
      %run_scoped3A = tpu.sem_alloc : memref<!tpu.dma_semaphore, #tpu.memory_space<semaphore_mem>>
      %dma_start3A_155 = arith.constant 0 : i32
      %dma_start3A_156 = tpu.memref_slice %arg3[%add3A_35, %dma_start3A_155] : memref<2560x128xi32, #tpu.memory_space<hbm>> -> memref<40x128xi32, #tpu.memory_space<hbm>>
      %dma_start3A_157 = arith.constant 0 : i32
      %dma_start3A_158 = tpu.memref_slice %arg3[%add3A_35, %dma_start3A_157] : memref<2560x128xi32, #tpu.memory_space<hbm>> -> memref<40x128xi32, #tpu.memory_space<hbm>>
      tpu.enqueue_dma source(%dma_start3A_158 : memref<40x128xi32, #tpu.memory_space<hbm>>) target(%arg8 : memref<40x128xi32, #tpu.memory_space<vmem>>) target_semaphore(%run_scoped3A : memref<!tpu.dma_semaphore, #tpu.memory_space<semaphore_mem>>)
      %dma_wait3A_159 = arith.constant 0 : i32
      %dma_wait3A_160 = tpu.memref_slice %arg3[%add3A_35, %dma_wait3A_159] : memref<2560x128xi32, #tpu.memory_space<hbm>> -> memref<40x128xi32, #tpu.memory_space<hbm>>
      %dma_wait3A_161 = arith.constant 0 : i32
      %dma_wait3A_162 = tpu.memref_slice %arg3[%add3A_35, %dma_wait3A_161] : memref<2560x128xi32, #tpu.memory_space<hbm>> -> memref<40x128xi32, #tpu.memory_space<hbm>>
      tpu.wait_dma2 semaphore(%run_scoped3A : memref<!tpu.dma_semaphore, #tpu.memory_space<semaphore_mem>>) src(%dma_wait3A_162 : memref<40x128xi32, #tpu.memory_space<hbm>>) dst(%arg8 : memref<40x128xi32, #tpu.memory_space<vmem>>)
      tpu.yield
    }) : () -> ()
    %add3A_36 = arith.constant 40 : i32
    %add3A_37 = arith.addi %mul3A_2, %add3A_36 : i32
    "tpu.region"() ({
      %run_scoped3A = tpu.sem_alloc : memref<!tpu.dma_semaphore, #tpu.memory_space<semaphore_mem>>
      %dma_start3A_155 = arith.constant 0 : i32
      %dma_start3A_156 = tpu.memref_slice %arg4[%add3A_37, %dma_start3A_155] : memref<2560x128xi32, #tpu.memory_space<hbm>> -> memref<40x128xi32, #tpu.memory_space<hbm>>
      %dma_start3A_157 = arith.constant 0 : i32
      %dma_start3A_158 = tpu.memref_slice %arg4[%add3A_37, %dma_start3A_157] : memref<2560x128xi32, #tpu.memory_space<hbm>> -> memref<40x128xi32, #tpu.memory_space<hbm>>
      tpu.enqueue_dma source(%dma_start3A_158 : memref<40x128xi32, #tpu.memory_space<hbm>>) target(%arg9 : memref<40x128xi32, #tpu.memory_space<vmem>>) target_semaphore(%run_scoped3A : memref<!tpu.dma_semaphore, #tpu.memory_space<semaphore_mem>>)
      %dma_wait3A_159 = arith.constant 0 : i32
      %dma_wait3A_160 = tpu.memref_slice %arg4[%add3A_37, %dma_wait3A_159] : memref<2560x128xi32, #tpu.memory_space<hbm>> -> memref<40x128xi32, #tpu.memory_space<hbm>>
      %dma_wait3A_161 = arith.constant 0 : i32
      %dma_wait3A_162 = tpu.memref_slice %arg4[%add3A_37, %dma_wait3A_161] : memref<2560x128xi32, #tpu.memory_space<hbm>> -> memref<40x128xi32, #tpu.memory_space<hbm>>
      tpu.wait_dma2 semaphore(%run_scoped3A : memref<!tpu.dma_semaphore, #tpu.memory_space<semaphore_mem>>) src(%dma_wait3A_162 : memref<40x128xi32, #tpu.memory_space<hbm>>) dst(%arg9 : memref<40x128xi32, #tpu.memory_space<vmem>>)
      tpu.yield
    }) : () -> ()
    %dma_start3A_38 = arith.constant 0 : i32
    %dma_start3A_39 = arith.constant 0 : i32
    %dma_start3A_40 = tpu.memref_slice %arg8[%dma_start3A_38, %dma_start3A_39] : memref<40x128xi32, #tpu.memory_space<vmem>> -> memref<1x128xi32, #tpu.memory_space<vmem>>
    %dma_start3A_41 = tpu.memref_squeeze %dma_start3A_40 : memref<1x128xi32, #tpu.memory_space<vmem>> -> memref<128xi32, #tpu.memory_space<vmem>>
    %dma_start3A_42 = arith.constant 0 : i32
    %dma_start3A_43 = arith.constant 0 : i32
    %dma_start3A_44 = tpu.memref_slice %arg2[%dma_start3A_42, %dma_start3A_43] : memref<10240x128xf32, #tpu.memory_space<hbm>> -> memref<10240x128xf32, #tpu.memory_space<hbm>>
    tpu.enqueue_indirect_dma source(%dma_start3A_44 : memref<10240x128xf32, #tpu.memory_space<hbm>>) target(%arg10 : memref<128x128xf32, #tpu.memory_space<vmem>>) offsets(%dma_start3A_41 : memref<128xi32, #tpu.memory_space<vmem>>) semaphore(%arg13 : memref<!tpu.dma_semaphore, #tpu.memory_space<semaphore_mem>>)
    %scan3A_45 = arith.constant 0 : i32
    %scan3A_46 = arith.constant 0 : i32
    %scan3A_47 = arith.constant 20 : i32
    %scan3A_48 = arith.addi %scan3A_46, %scan3A_47 : i32
    %scan3A_49 = arith.constant 1 : i32
    scf.for %scan3A_155 = %scan3A_46 to %scan3A_48 step %scan3A_49  : i32 {
      %mul3A_156 = arith.constant 2 : i32
      %mul3A_157 = arith.muli %scan3A_155, %mul3A_156 : i32
      %add3A_158 = arith.constant 1 : i32
      %add3A_159 = arith.addi %mul3A_157, %add3A_158 : i32
      %dma_start3A_160 = arith.constant 0 : i32
      %dma_start3A_161 = tpu.memref_slice %arg8[%add3A_159, %dma_start3A_160] : memref<40x128xi32, #tpu.memory_space<vmem>> -> memref<1x128xi32, #tpu.memory_space<vmem>>
      %dma_start3A_162 = tpu.memref_squeeze %dma_start3A_161 : memref<1x128xi32, #tpu.memory_space<vmem>> -> memref<128xi32, #tpu.memory_space<vmem>>
      %dma_start3A_163 = arith.constant 0 : i32
      %dma_start3A_164 = arith.constant 0 : i32
      %dma_start3A_165 = tpu.memref_slice %arg2[%dma_start3A_163, %dma_start3A_164] : memref<10240x128xf32, #tpu.memory_space<hbm>> -> memref<10240x128xf32, #tpu.memory_space<hbm>>
      tpu.enqueue_indirect_dma source(%dma_start3A_165 : memref<10240x128xf32, #tpu.memory_space<hbm>>) target(%arg11 : memref<128x128xf32, #tpu.memory_space<vmem>>) offsets(%dma_start3A_162 : memref<128xi32, #tpu.memory_space<vmem>>) semaphore(%arg14 : memref<!tpu.dma_semaphore, #tpu.memory_space<semaphore_mem>>)
      %dma_wait3A_166 = arith.constant 0 : i32
      %dma_wait3A_167 = arith.constant 0 : i32
      %dma_wait3A_168 = tpu.memref_slice %arg8[%dma_wait3A_166, %dma_wait3A_167] : memref<40x128xi32, #tpu.memory_space<vmem>> -> memref<1x128xi32, #tpu.memory_space<vmem>>
      %dma_wait3A_169 = tpu.memref_squeeze %dma_wait3A_168 : memref<1x128xi32, #tpu.memory_space<vmem>> -> memref<128xi32, #tpu.memory_space<vmem>>
      %dma_wait3A_170 = arith.constant 0 : i32
      %dma_wait3A_171 = arith.constant 0 : i32
      %dma_wait3A_172 = tpu.memref_slice %arg2[%dma_wait3A_170, %dma_wait3A_171] : memref<10240x128xf32, #tpu.memory_space<hbm>> -> memref<10240x128xf32, #tpu.memory_space<hbm>>
      tpu.wait_indirect_dma semaphore(%arg13 : memref<!tpu.dma_semaphore, #tpu.memory_space<semaphore_mem>>) src(%dma_wait3A_172 : memref<10240x128xf32, #tpu.memory_space<hbm>>) dst(%arg10 : memref<128x128xf32, #tpu.memory_space<vmem>>)
      "tpu.region"() ({
        %run_scoped3A = tpu.sem_alloc : memref<!tpu.dma_semaphore, #tpu.memory_space<semaphore_mem>>
        %dma_start3A_184 = arith.constant 0 : i32
        %dma_start3A_185 = tpu.memref_slice %arg9[%mul3A_157, %dma_start3A_184] : memref<40x128xi32, #tpu.memory_space<vmem>> -> memref<1x128xi32, #tpu.memory_space<vmem>>
        %dma_start3A_186 = tpu.memref_squeeze %dma_start3A_185 : memref<1x128xi32, #tpu.memory_space<vmem>> -> memref<128xi32, #tpu.memory_space<vmem>>
        %dma_start3A_187 = arith.constant 0 : i32
        %dma_start3A_188 = arith.constant 0 : i32
        %dma_start3A_189 = tpu.memref_slice %arg12[%dma_start3A_187, %dma_start3A_188] : memref<10240x128xf32, #tpu.memory_space<vmem_shared>> -> memref<10240x128xf32, #tpu.memory_space<vmem_shared>>
        tpu.enqueue_indirect_dma source(%arg10 : memref<128x128xf32, #tpu.memory_space<vmem>>) target(%dma_start3A_189 : memref<10240x128xf32, #tpu.memory_space<vmem_shared>>) offsets(%dma_start3A_186 : memref<128xi32, #tpu.memory_space<vmem>>) semaphore(%run_scoped3A : memref<!tpu.dma_semaphore, #tpu.memory_space<semaphore_mem>>) {add = true}
        %dma_wait3A_190 = arith.constant 0 : i32
        %dma_wait3A_191 = tpu.memref_slice %arg9[%mul3A_157, %dma_wait3A_190] : memref<40x128xi32, #tpu.memory_space<vmem>> -> memref<1x128xi32, #tpu.memory_space<vmem>>
        %dma_wait3A_192 = tpu.memref_squeeze %dma_wait3A_191 : memref<1x128xi32, #tpu.memory_space<vmem>> -> memref<128xi32, #tpu.memory_space<vmem>>
        %dma_wait3A_193 = arith.constant 0 : i32
        %dma_wait3A_194 = arith.constant 0 : i32
        %dma_wait3A_195 = tpu.memref_slice %arg12[%dma_wait3A_193, %dma_wait3A_194] : memref<10240x128xf32, #tpu.memory_space<vmem_shared>> -> memref<10240x128xf32, #tpu.memory_space<vmem_shared>>
        tpu.wait_indirect_dma semaphore(%run_scoped3A : memref<!tpu.dma_semaphore, #tpu.memory_space<semaphore_mem>>) src(%arg10 : memref<128x128xf32, #tpu.memory_space<vmem>>) dst(%dma_wait3A_195 : memref<10240x128xf32, #tpu.memory_space<vmem_shared>>)
        tpu.yield
      }) : () -> ()
      %lt3A = arith.constant 19 : i32
      %lt3A_173 = arith.cmpi slt, %scan3A_155, %lt3A : i32
      %convert_element_type3A = arith.extui %lt3A_173 : i1 to i32
      %cond3A = arith.constant 0 : i32
      %cond3A_174 = arith.cmpi ne, %convert_element_type3A, %cond3A : i32
      scf.if %cond3A_174 {
        %add3A_184 = arith.constant 2 : i32
        %add3A_185 = arith.addi %mul3A_157, %add3A_184 : i32
        %dma_start3A_186 = arith.constant 0 : i32
        %dma_start3A_187 = tpu.memref_slice %arg8[%add3A_185, %dma_start3A_186] : memref<40x128xi32, #tpu.memory_space<vmem>> -> memref<1x128xi32, #tpu.memory_space<vmem>>
        %dma_start3A_188 = tpu.memref_squeeze %dma_start3A_187 : memref<1x128xi32, #tpu.memory_space<vmem>> -> memref<128xi32, #tpu.memory_space<vmem>>
        %dma_start3A_189 = arith.constant 0 : i32
        %dma_start3A_190 = arith.constant 0 : i32
        %dma_start3A_191 = tpu.memref_slice %arg2[%dma_start3A_189, %dma_start3A_190] : memref<10240x128xf32, #tpu.memory_space<hbm>> -> memref<10240x128xf32, #tpu.memory_space<hbm>>
        tpu.enqueue_indirect_dma source(%dma_start3A_191 : memref<10240x128xf32, #tpu.memory_space<hbm>>) target(%arg10 : memref<128x128xf32, #tpu.memory_space<vmem>>) offsets(%dma_start3A_188 : memref<128xi32, #tpu.memory_space<vmem>>) semaphore(%arg13 : memref<!tpu.dma_semaphore, #tpu.memory_space<semaphore_mem>>)
      } else {
      }
      %dma_wait3A_175 = arith.constant 0 : i32
      %dma_wait3A_176 = arith.constant 0 : i32
      %dma_wait3A_177 = tpu.memref_slice %arg8[%dma_wait3A_175, %dma_wait3A_176] : memref<40x128xi32, #tpu.memory_space<vmem>> -> memref<1x128xi32, #tpu.memory_space<vmem>>
      %dma_wait3A_178 = tpu.memref_squeeze %dma_wait3A_177 : memref<1x128xi32, #tpu.memory_space<vmem>> -> memref<128xi32, #tpu.memory_space<vmem>>
      %dma_wait3A_179 = arith.constant 0 : i32
      %dma_wait3A_180 = arith.constant 0 : i32
      %dma_wait3A_181 = tpu.memref_slice %arg2[%dma_wait3A_179, %dma_wait3A_180] : memref<10240x128xf32, #tpu.memory_space<hbm>> -> memref<10240x128xf32, #tpu.memory_space<hbm>>
      tpu.wait_indirect_dma semaphore(%arg14 : memref<!tpu.dma_semaphore, #tpu.memory_space<semaphore_mem>>) src(%dma_wait3A_181 : memref<10240x128xf32, #tpu.memory_space<hbm>>) dst(%arg11 : memref<128x128xf32, #tpu.memory_space<vmem>>)
      %add3A_182 = arith.constant 1 : i32
      %add3A_183 = arith.addi %mul3A_157, %add3A_182 : i32
      "tpu.region"() ({
        %run_scoped3A = tpu.sem_alloc : memref<!tpu.dma_semaphore, #tpu.memory_space<semaphore_mem>>
        %dma_start3A_184 = arith.constant 0 : i32
        %dma_start3A_185 = tpu.memref_slice %arg9[%add3A_183, %dma_start3A_184] : memref<40x128xi32, #tpu.memory_space<vmem>> -> memref<1x128xi32, #tpu.memory_space<vmem>>
        %dma_start3A_186 = tpu.memref_squeeze %dma_start3A_185 : memref<1x128xi32, #tpu.memory_space<vmem>> -> memref<128xi32, #tpu.memory_space<vmem>>
        %dma_start3A_187 = arith.constant 0 : i32
        %dma_start3A_188 = arith.constant 0 : i32
        %dma_start3A_189 = tpu.memref_slice %arg12[%dma_start3A_187, %dma_start3A_188] : memref<10240x128xf32, #tpu.memory_space<vmem_shared>> -> memref<10240x128xf32, #tpu.memory_space<vmem_shared>>
        tpu.enqueue_indirect_dma source(%arg11 : memref<128x128xf32, #tpu.memory_space<vmem>>) target(%dma_start3A_189 : memref<10240x128xf32, #tpu.memory_space<vmem_shared>>) offsets(%dma_start3A_186 : memref<128xi32, #tpu.memory_space<vmem>>) semaphore(%run_scoped3A : memref<!tpu.dma_semaphore, #tpu.memory_space<semaphore_mem>>) {add = true}
        %dma_wait3A_190 = arith.constant 0 : i32
        %dma_wait3A_191 = tpu.memref_slice %arg9[%add3A_183, %dma_wait3A_190] : memref<40x128xi32, #tpu.memory_space<vmem>> -> memref<1x128xi32, #tpu.memory_space<vmem>>
        %dma_wait3A_192 = tpu.memref_squeeze %dma_wait3A_191 : memref<1x128xi32, #tpu.memory_space<vmem>> -> memref<128xi32, #tpu.memory_space<vmem>>
        %dma_wait3A_193 = arith.constant 0 : i32
        %dma_wait3A_194 = arith.constant 0 : i32
        %dma_wait3A_195 = tpu.memref_slice %arg12[%dma_wait3A_193, %dma_wait3A_194] : memref<10240x128xf32, #tpu.memory_space<vmem_shared>> -> memref<10240x128xf32, #tpu.memory_space<vmem_shared>>
        tpu.wait_indirect_dma semaphore(%run_scoped3A : memref<!tpu.dma_semaphore, #tpu.memory_space<semaphore_mem>>) src(%arg11 : memref<128x128xf32, #tpu.memory_space<vmem>>) dst(%dma_wait3A_195 : memref<10240x128xf32, #tpu.memory_space<vmem_shared>>)
        tpu.yield
      }) : () -> ()
    }
    %scan3A_50 = arith.constant 20 : i32
    %barrier3A_51 = arith.constant 0 : index
    tpu.barrier barrier_id(%barrier3A_51)
    %add3A_52 = arith.constant 0 : i32
    %add3A_53 = arith.addi %arg1, %add3A_52 : i32
    %mul3A_54 = arith.constant 128 : i32
    %mul3A_55 = arith.muli %add3A_53, %mul3A_54 : i32
    "tpu.region"() ({
      %run_scoped3A = tpu.sem_alloc : memref<!tpu.dma_semaphore, #tpu.memory_space<semaphore_mem>>
      %dma_start3A_155 = arith.constant 0 : i32
      %dma_start3A_156 = tpu.memref_slice %arg12[%mul3A_55, %dma_start3A_155] : memref<10240x128xf32, #tpu.memory_space<vmem_shared>> -> memref<128x128xf32, #tpu.memory_space<vmem_shared>>
      %dma_start3A_157 = arith.constant 0 : i32
      %dma_start3A_158 = tpu.memref_slice %arg12[%mul3A_55, %dma_start3A_157] : memref<10240x128xf32, #tpu.memory_space<vmem_shared>> -> memref<128x128xf32, #tpu.memory_space<vmem_shared>>
      tpu.enqueue_dma source(%dma_start3A_158 : memref<128x128xf32, #tpu.memory_space<vmem_shared>>) target(%arg10 : memref<128x128xf32, #tpu.memory_space<vmem>>) target_semaphore(%run_scoped3A : memref<!tpu.dma_semaphore, #tpu.memory_space<semaphore_mem>>)
      %dma_wait3A_159 = arith.constant 0 : i32
      %dma_wait3A_160 = tpu.memref_slice %arg12[%mul3A_55, %dma_wait3A_159] : memref<10240x128xf32, #tpu.memory_space<vmem_shared>> -> memref<128x128xf32, #tpu.memory_space<vmem_shared>>
      %dma_wait3A_161 = arith.constant 0 : i32
      %dma_wait3A_162 = tpu.memref_slice %arg12[%mul3A_55, %dma_wait3A_161] : memref<10240x128xf32, #tpu.memory_space<vmem_shared>> -> memref<128x128xf32, #tpu.memory_space<vmem_shared>>
      tpu.wait_dma2 semaphore(%run_scoped3A : memref<!tpu.dma_semaphore, #tpu.memory_space<semaphore_mem>>) src(%dma_wait3A_162 : memref<128x128xf32, #tpu.memory_space<vmem_shared>>) dst(%arg10 : memref<128x128xf32, #tpu.memory_space<vmem>>)
      tpu.yield
    }) : () -> ()
    %mul3A_56 = arith.constant 128 : i32
    %mul3A_57 = arith.muli %add3A_53, %mul3A_56 : i32
    %dma_start3A_58 = arith.constant 0 : i32
    %dma_start3A_59 = tpu.memref_slice %arg7[%arg0, %mul3A_57, %dma_start3A_58] : memref<2x10240x128xf32, #tpu.memory_space<hbm>> -> memref<1x128x128xf32, #tpu.memory_space<hbm>>
    %dma_start3A_60 = tpu.memref_squeeze %dma_start3A_59 : memref<1x128x128xf32, #tpu.memory_space<hbm>> -> memref<128x128xf32, #tpu.memory_space<hbm>>
    %dma_start3A_61 = arith.constant 0 : i32
    %dma_start3A_62 = tpu.memref_slice %arg7[%arg0, %mul3A_57, %dma_start3A_61] : memref<2x10240x128xf32, #tpu.memory_space<hbm>> -> memref<1x128x128xf32, #tpu.memory_space<hbm>>
    %dma_start3A_63 = tpu.memref_squeeze %dma_start3A_62 : memref<1x128x128xf32, #tpu.memory_space<hbm>> -> memref<128x128xf32, #tpu.memory_space<hbm>>
    tpu.enqueue_dma source(%arg10 : memref<128x128xf32, #tpu.memory_space<vmem>>) target(%dma_start3A_63 : memref<128x128xf32, #tpu.memory_space<hbm>>) target_semaphore(%arg13 : memref<!tpu.dma_semaphore, #tpu.memory_space<semaphore_mem>>)
    %add3A_64 = arith.constant 16 : i32
    %add3A_65 = arith.addi %arg1, %add3A_64 : i32
    %mul3A_66 = arith.constant 128 : i32
    %mul3A_67 = arith.muli %add3A_65, %mul3A_66 : i32
    "tpu.region"() ({
      %run_scoped3A = tpu.sem_alloc : memref<!tpu.dma_semaphore, #tpu.memory_space<semaphore_mem>>
      %dma_start3A_155 = arith.constant 0 : i32
      %dma_start3A_156 = tpu.memref_slice %arg12[%mul3A_67, %dma_start3A_155] : memref<10240x128xf32, #tpu.memory_space<vmem_shared>> -> memref<128x128xf32, #tpu.memory_space<vmem_shared>>
      %dma_start3A_157 = arith.constant 0 : i32
      %dma_start3A_158 = tpu.memref_slice %arg12[%mul3A_67, %dma_start3A_157] : memref<10240x128xf32, #tpu.memory_space<vmem_shared>> -> memref<128x128xf32, #tpu.memory_space<vmem_shared>>
      tpu.enqueue_dma source(%dma_start3A_158 : memref<128x128xf32, #tpu.memory_space<vmem_shared>>) target(%arg11 : memref<128x128xf32, #tpu.memory_space<vmem>>) target_semaphore(%run_scoped3A : memref<!tpu.dma_semaphore, #tpu.memory_space<semaphore_mem>>)
      %dma_wait3A_159 = arith.constant 0 : i32
      %dma_wait3A_160 = tpu.memref_slice %arg12[%mul3A_67, %dma_wait3A_159] : memref<10240x128xf32, #tpu.memory_space<vmem_shared>> -> memref<128x128xf32, #tpu.memory_space<vmem_shared>>
      %dma_wait3A_161 = arith.constant 0 : i32
      %dma_wait3A_162 = tpu.memref_slice %arg12[%mul3A_67, %dma_wait3A_161] : memref<10240x128xf32, #tpu.memory_space<vmem_shared>> -> memref<128x128xf32, #tpu.memory_space<vmem_shared>>
      tpu.wait_dma2 semaphore(%run_scoped3A : memref<!tpu.dma_semaphore, #tpu.memory_space<semaphore_mem>>) src(%dma_wait3A_162 : memref<128x128xf32, #tpu.memory_space<vmem_shared>>) dst(%arg11 : memref<128x128xf32, #tpu.memory_space<vmem>>)
      tpu.yield
    }) : () -> ()
    %mul3A_68 = arith.constant 128 : i32
    %mul3A_69 = arith.muli %add3A_65, %mul3A_68 : i32
    %dma_start3A_70 = arith.constant 0 : i32
    %dma_start3A_71 = tpu.memref_slice %arg7[%arg0, %mul3A_69, %dma_start3A_70] : memref<2x10240x128xf32, #tpu.memory_space<hbm>> -> memref<1x128x128xf32, #tpu.memory_space<hbm>>
    %dma_start3A_72 = tpu.memref_squeeze %dma_start3A_71 : memref<1x128x128xf32, #tpu.memory_space<hbm>> -> memref<128x128xf32, #tpu.memory_space<hbm>>
    %dma_start3A_73 = arith.constant 0 : i32
    %dma_start3A_74 = tpu.memref_slice %arg7[%arg0, %mul3A_69, %dma_start3A_73] : memref<2x10240x128xf32, #tpu.memory_space<hbm>> -> memref<1x128x128xf32, #tpu.memory_space<hbm>>
    %dma_start3A_75 = tpu.memref_squeeze %dma_start3A_74 : memref<1x128x128xf32, #tpu.memory_space<hbm>> -> memref<128x128xf32, #tpu.memory_space<hbm>>
    tpu.enqueue_dma source(%arg11 : memref<128x128xf32, #tpu.memory_space<vmem>>) target(%dma_start3A_75 : memref<128x128xf32, #tpu.memory_space<hbm>>) target_semaphore(%arg14 : memref<!tpu.dma_semaphore, #tpu.memory_space<semaphore_mem>>)
    %add3A_76 = arith.constant 32 : i32
    %add3A_77 = arith.addi %arg1, %add3A_76 : i32
    %mul3A_78 = arith.constant 128 : i32
    %mul3A_79 = arith.muli %add3A_77, %mul3A_78 : i32
    %dma_wait3A = arith.constant 0 : i32
    %dma_wait3A_80 = tpu.memref_slice %arg7[%arg0, %mul3A_79, %dma_wait3A] : memref<2x10240x128xf32, #tpu.memory_space<hbm>> -> memref<1x128x128xf32, #tpu.memory_space<hbm>>
    %dma_wait3A_81 = tpu.memref_squeeze %dma_wait3A_80 : memref<1x128x128xf32, #tpu.memory_space<hbm>> -> memref<128x128xf32, #tpu.memory_space<hbm>>
    %dma_wait3A_82 = arith.constant 0 : i32
    %dma_wait3A_83 = tpu.memref_slice %arg7[%arg0, %mul3A_79, %dma_wait3A_82] : memref<2x10240x128xf32, #tpu.memory_space<hbm>> -> memref<1x128x128xf32, #tpu.memory_space<hbm>>
    %dma_wait3A_84 = tpu.memref_squeeze %dma_wait3A_83 : memref<1x128x128xf32, #tpu.memory_space<hbm>> -> memref<128x128xf32, #tpu.memory_space<hbm>>
    tpu.wait_dma2 semaphore(%arg13 : memref<!tpu.dma_semaphore, #tpu.memory_space<semaphore_mem>>) src(%arg10 : memref<128x128xf32, #tpu.memory_space<vmem>>) dst(%dma_wait3A_84 : memref<128x128xf32, #tpu.memory_space<hbm>>)
    %mul3A_85 = arith.constant 128 : i32
    %mul3A_86 = arith.muli %add3A_77, %mul3A_85 : i32
    "tpu.region"() ({
      %run_scoped3A = tpu.sem_alloc : memref<!tpu.dma_semaphore, #tpu.memory_space<semaphore_mem>>
      %dma_start3A_155 = arith.constant 0 : i32
      %dma_start3A_156 = tpu.memref_slice %arg12[%mul3A_86, %dma_start3A_155] : memref<10240x128xf32, #tpu.memory_space<vmem_shared>> -> memref<128x128xf32, #tpu.memory_space<vmem_shared>>
      %dma_start3A_157 = arith.constant 0 : i32
      %dma_start3A_158 = tpu.memref_slice %arg12[%mul3A_86, %dma_start3A_157] : memref<10240x128xf32, #tpu.memory_space<vmem_shared>> -> memref<128x128xf32, #tpu.memory_space<vmem_shared>>
      tpu.enqueue_dma source(%dma_start3A_158 : memref<128x128xf32, #tpu.memory_space<vmem_shared>>) target(%arg10 : memref<128x128xf32, #tpu.memory_space<vmem>>) target_semaphore(%run_scoped3A : memref<!tpu.dma_semaphore, #tpu.memory_space<semaphore_mem>>)
      %dma_wait3A_159 = arith.constant 0 : i32
      %dma_wait3A_160 = tpu.memref_slice %arg12[%mul3A_86, %dma_wait3A_159] : memref<10240x128xf32, #tpu.memory_space<vmem_shared>> -> memref<128x128xf32, #tpu.memory_space<vmem_shared>>
      %dma_wait3A_161 = arith.constant 0 : i32
      %dma_wait3A_162 = tpu.memref_slice %arg12[%mul3A_86, %dma_wait3A_161] : memref<10240x128xf32, #tpu.memory_space<vmem_shared>> -> memref<128x128xf32, #tpu.memory_space<vmem_shared>>
      tpu.wait_dma2 semaphore(%run_scoped3A : memref<!tpu.dma_semaphore, #tpu.memory_space<semaphore_mem>>) src(%dma_wait3A_162 : memref<128x128xf32, #tpu.memory_space<vmem_shared>>) dst(%arg10 : memref<128x128xf32, #tpu.memory_space<vmem>>)
      tpu.yield
    }) : () -> ()
    %mul3A_87 = arith.constant 128 : i32
    %mul3A_88 = arith.muli %add3A_77, %mul3A_87 : i32
    %dma_start3A_89 = arith.constant 0 : i32
    %dma_start3A_90 = tpu.memref_slice %arg7[%arg0, %mul3A_88, %dma_start3A_89] : memref<2x10240x128xf32, #tpu.memory_space<hbm>> -> memref<1x128x128xf32, #tpu.memory_space<hbm>>
    %dma_start3A_91 = tpu.memref_squeeze %dma_start3A_90 : memref<1x128x128xf32, #tpu.memory_space<hbm>> -> memref<128x128xf32, #tpu.memory_space<hbm>>
    %dma_start3A_92 = arith.constant 0 : i32
    %dma_start3A_93 = tpu.memref_slice %arg7[%arg0, %mul3A_88, %dma_start3A_92] : memref<2x10240x128xf32, #tpu.memory_space<hbm>> -> memref<1x128x128xf32, #tpu.memory_space<hbm>>
    %dma_start3A_94 = tpu.memref_squeeze %dma_start3A_93 : memref<1x128x128xf32, #tpu.memory_space<hbm>> -> memref<128x128xf32, #tpu.memory_space<hbm>>
    tpu.enqueue_dma source(%arg10 : memref<128x128xf32, #tpu.memory_space<vmem>>) target(%dma_start3A_94 : memref<128x128xf32, #tpu.memory_space<hbm>>) target_semaphore(%arg13 : memref<!tpu.dma_semaphore, #tpu.memory_space<semaphore_mem>>)
    %add3A_95 = arith.constant 48 : i32
    %add3A_96 = arith.addi %arg1, %add3A_95 : i32
    %mul3A_97 = arith.constant 128 : i32
    %mul3A_98 = arith.muli %add3A_96, %mul3A_97 : i32
    %dma_wait3A_99 = arith.constant 0 : i32
    %dma_wait3A_100 = tpu.memref_slice %arg7[%arg0, %mul3A_98, %dma_wait3A_99] : memref<2x10240x128xf32, #tpu.memory_space<hbm>> -> memref<1x128x128xf32, #tpu.memory_space<hbm>>
    %dma_wait3A_101 = tpu.memref_squeeze %dma_wait3A_100 : memref<1x128x128xf32, #tpu.memory_space<hbm>> -> memref<128x128xf32, #tpu.memory_space<hbm>>
    %dma_wait3A_102 = arith.constant 0 : i32
    %dma_wait3A_103 = tpu.memref_slice %arg7[%arg0, %mul3A_98, %dma_wait3A_102] : memref<2x10240x128xf32, #tpu.memory_space<hbm>> -> memref<1x128x128xf32, #tpu.memory_space<hbm>>
    %dma_wait3A_104 = tpu.memref_squeeze %dma_wait3A_103 : memref<1x128x128xf32, #tpu.memory_space<hbm>> -> memref<128x128xf32, #tpu.memory_space<hbm>>
    tpu.wait_dma2 semaphore(%arg14 : memref<!tpu.dma_semaphore, #tpu.memory_space<semaphore_mem>>) src(%arg11 : memref<128x128xf32, #tpu.memory_space<vmem>>) dst(%dma_wait3A_104 : memref<128x128xf32, #tpu.memory_space<hbm>>)
    %mul3A_105 = arith.constant 128 : i32
    %mul3A_106 = arith.muli %add3A_96, %mul3A_105 : i32
    "tpu.region"() ({
      %run_scoped3A = tpu.sem_alloc : memref<!tpu.dma_semaphore, #tpu.memory_space<semaphore_mem>>
      %dma_start3A_155 = arith.constant 0 : i32
      %dma_start3A_156 = tpu.memref_slice %arg12[%mul3A_106, %dma_start3A_155] : memref<10240x128xf32, #tpu.memory_space<vmem_shared>> -> memref<128x128xf32, #tpu.memory_space<vmem_shared>>
      %dma_start3A_157 = arith.constant 0 : i32
      %dma_start3A_158 = tpu.memref_slice %arg12[%mul3A_106, %dma_start3A_157] : memref<10240x128xf32, #tpu.memory_space<vmem_shared>> -> memref<128x128xf32, #tpu.memory_space<vmem_shared>>
      tpu.enqueue_dma source(%dma_start3A_158 : memref<128x128xf32, #tpu.memory_space<vmem_shared>>) target(%arg11 : memref<128x128xf32, #tpu.memory_space<vmem>>) target_semaphore(%run_scoped3A : memref<!tpu.dma_semaphore, #tpu.memory_space<semaphore_mem>>)
      %dma_wait3A_159 = arith.constant 0 : i32
      %dma_wait3A_160 = tpu.memref_slice %arg12[%mul3A_106, %dma_wait3A_159] : memref<10240x128xf32, #tpu.memory_space<vmem_shared>> -> memref<128x128xf32, #tpu.memory_space<vmem_shared>>
      %dma_wait3A_161 = arith.constant 0 : i32
      %dma_wait3A_162 = tpu.memref_slice %arg12[%mul3A_106, %dma_wait3A_161] : memref<10240x128xf32, #tpu.memory_space<vmem_shared>> -> memref<128x128xf32, #tpu.memory_space<vmem_shared>>
      tpu.wait_dma2 semaphore(%run_scoped3A : memref<!tpu.dma_semaphore, #tpu.memory_space<semaphore_mem>>) src(%dma_wait3A_162 : memref<128x128xf32, #tpu.memory_space<vmem_shared>>) dst(%arg11 : memref<128x128xf32, #tpu.memory_space<vmem>>)
      tpu.yield
    }) : () -> ()
    %mul3A_107 = arith.constant 128 : i32
    %mul3A_108 = arith.muli %add3A_96, %mul3A_107 : i32
    %dma_start3A_109 = arith.constant 0 : i32
    %dma_start3A_110 = tpu.memref_slice %arg7[%arg0, %mul3A_108, %dma_start3A_109] : memref<2x10240x128xf32, #tpu.memory_space<hbm>> -> memref<1x128x128xf32, #tpu.memory_space<hbm>>
    %dma_start3A_111 = tpu.memref_squeeze %dma_start3A_110 : memref<1x128x128xf32, #tpu.memory_space<hbm>> -> memref<128x128xf32, #tpu.memory_space<hbm>>
    %dma_start3A_112 = arith.constant 0 : i32
    %dma_start3A_113 = tpu.memref_slice %arg7[%arg0, %mul3A_108, %dma_start3A_112] : memref<2x10240x128xf32, #tpu.memory_space<hbm>> -> memref<1x128x128xf32, #tpu.memory_space<hbm>>
    %dma_start3A_114 = tpu.memref_squeeze %dma_start3A_113 : memref<1x128x128xf32, #tpu.memory_space<hbm>> -> memref<128x128xf32, #tpu.memory_space<hbm>>
    tpu.enqueue_dma source(%arg11 : memref<128x128xf32, #tpu.memory_space<vmem>>) target(%dma_start3A_114 : memref<128x128xf32, #tpu.memory_space<hbm>>) target_semaphore(%arg14 : memref<!tpu.dma_semaphore, #tpu.memory_space<semaphore_mem>>)
    %add3A_115 = arith.constant 64 : i32
    %add3A_116 = arith.addi %arg1, %add3A_115 : i32
    %mul3A_117 = arith.constant 128 : i32
    %mul3A_118 = arith.muli %add3A_116, %mul3A_117 : i32
    %dma_wait3A_119 = arith.constant 0 : i32
    %dma_wait3A_120 = tpu.memref_slice %arg7[%arg0, %mul3A_118, %dma_wait3A_119] : memref<2x10240x128xf32, #tpu.memory_space<hbm>> -> memref<1x128x128xf32, #tpu.memory_space<hbm>>
    %dma_wait3A_121 = tpu.memref_squeeze %dma_wait3A_120 : memref<1x128x128xf32, #tpu.memory_space<hbm>> -> memref<128x128xf32, #tpu.memory_space<hbm>>
    %dma_wait3A_122 = arith.constant 0 : i32
    %dma_wait3A_123 = tpu.memref_slice %arg7[%arg0, %mul3A_118, %dma_wait3A_122] : memref<2x10240x128xf32, #tpu.memory_space<hbm>> -> memref<1x128x128xf32, #tpu.memory_space<hbm>>
    %dma_wait3A_124 = tpu.memref_squeeze %dma_wait3A_123 : memref<1x128x128xf32, #tpu.memory_space<hbm>> -> memref<128x128xf32, #tpu.memory_space<hbm>>
    tpu.wait_dma2 semaphore(%arg13 : memref<!tpu.dma_semaphore, #tpu.memory_space<semaphore_mem>>) src(%arg10 : memref<128x128xf32, #tpu.memory_space<vmem>>) dst(%dma_wait3A_124 : memref<128x128xf32, #tpu.memory_space<hbm>>)
    %mul3A_125 = arith.constant 128 : i32
    %mul3A_126 = arith.muli %add3A_116, %mul3A_125 : i32
    "tpu.region"() ({
      %run_scoped3A = tpu.sem_alloc : memref<!tpu.dma_semaphore, #tpu.memory_space<semaphore_mem>>
      %dma_start3A_155 = arith.constant 0 : i32
      %dma_start3A_156 = tpu.memref_slice %arg12[%mul3A_126, %dma_start3A_155] : memref<10240x128xf32, #tpu.memory_space<vmem_shared>> -> memref<128x128xf32, #tpu.memory_space<vmem_shared>>
      %dma_start3A_157 = arith.constant 0 : i32
      %dma_start3A_158 = tpu.memref_slice %arg12[%mul3A_126, %dma_start3A_157] : memref<10240x128xf32, #tpu.memory_space<vmem_shared>> -> memref<128x128xf32, #tpu.memory_space<vmem_shared>>
      tpu.enqueue_dma source(%dma_start3A_158 : memref<128x128xf32, #tpu.memory_space<vmem_shared>>) target(%arg10 : memref<128x128xf32, #tpu.memory_space<vmem>>) target_semaphore(%run_scoped3A : memref<!tpu.dma_semaphore, #tpu.memory_space<semaphore_mem>>)
      %dma_wait3A_159 = arith.constant 0 : i32
      %dma_wait3A_160 = tpu.memref_slice %arg12[%mul3A_126, %dma_wait3A_159] : memref<10240x128xf32, #tpu.memory_space<vmem_shared>> -> memref<128x128xf32, #tpu.memory_space<vmem_shared>>
      %dma_wait3A_161 = arith.constant 0 : i32
      %dma_wait3A_162 = tpu.memref_slice %arg12[%mul3A_126, %dma_wait3A_161] : memref<10240x128xf32, #tpu.memory_space<vmem_shared>> -> memref<128x128xf32, #tpu.memory_space<vmem_shared>>
      tpu.wait_dma2 semaphore(%run_scoped3A : memref<!tpu.dma_semaphore, #tpu.memory_space<semaphore_mem>>) src(%dma_wait3A_162 : memref<128x128xf32, #tpu.memory_space<vmem_shared>>) dst(%arg10 : memref<128x128xf32, #tpu.memory_space<vmem>>)
      tpu.yield
    }) : () -> ()
    %mul3A_127 = arith.constant 128 : i32
    %mul3A_128 = arith.muli %add3A_116, %mul3A_127 : i32
    %dma_start3A_129 = arith.constant 0 : i32
    %dma_start3A_130 = tpu.memref_slice %arg7[%arg0, %mul3A_128, %dma_start3A_129] : memref<2x10240x128xf32, #tpu.memory_space<hbm>> -> memref<1x128x128xf32, #tpu.memory_space<hbm>>
    %dma_start3A_131 = tpu.memref_squeeze %dma_start3A_130 : memref<1x128x128xf32, #tpu.memory_space<hbm>> -> memref<128x128xf32, #tpu.memory_space<hbm>>
    %dma_start3A_132 = arith.constant 0 : i32
    %dma_start3A_133 = tpu.memref_slice %arg7[%arg0, %mul3A_128, %dma_start3A_132] : memref<2x10240x128xf32, #tpu.memory_space<hbm>> -> memref<1x128x128xf32, #tpu.memory_space<hbm>>
    %dma_start3A_134 = tpu.memref_squeeze %dma_start3A_133 : memref<1x128x128xf32, #tpu.memory_space<hbm>> -> memref<128x128xf32, #tpu.memory_space<hbm>>
    tpu.enqueue_dma source(%arg10 : memref<128x128xf32, #tpu.memory_space<vmem>>) target(%dma_start3A_134 : memref<128x128xf32, #tpu.memory_space<hbm>>) target_semaphore(%arg13 : memref<!tpu.dma_semaphore, #tpu.memory_space<semaphore_mem>>)
    %add3A_135 = arith.constant 48 : i32
    %add3A_136 = arith.addi %arg1, %add3A_135 : i32
    %mul3A_137 = arith.constant 128 : i32
    %mul3A_138 = arith.muli %add3A_136, %mul3A_137 : i32
    %dma_wait3A_139 = arith.constant 0 : i32
    %dma_wait3A_140 = tpu.memref_slice %arg7[%arg0, %mul3A_138, %dma_wait3A_139] : memref<2x10240x128xf32, #tpu.memory_space<hbm>> -> memref<1x128x128xf32, #tpu.memory_space<hbm>>
    %dma_wait3A_141 = tpu.memref_squeeze %dma_wait3A_140 : memref<1x128x128xf32, #tpu.memory_space<hbm>> -> memref<128x128xf32, #tpu.memory_space<hbm>>
    %dma_wait3A_142 = arith.constant 0 : i32
    %dma_wait3A_143 = tpu.memref_slice %arg7[%arg0, %mul3A_138, %dma_wait3A_142] : memref<2x10240x128xf32, #tpu.memory_space<hbm>> -> memref<1x128x128xf32, #tpu.memory_space<hbm>>
    %dma_wait3A_144 = tpu.memref_squeeze %dma_wait3A_143 : memref<1x128x128xf32, #tpu.memory_space<hbm>> -> memref<128x128xf32, #tpu.memory_space<hbm>>
    tpu.wait_dma2 semaphore(%arg14 : memref<!tpu.dma_semaphore, #tpu.memory_space<semaphore_mem>>) src(%arg11 : memref<128x128xf32, #tpu.memory_space<vmem>>) dst(%dma_wait3A_144 : memref<128x128xf32, #tpu.memory_space<hbm>>)
    %add3A_145 = arith.constant 64 : i32
    %add3A_146 = arith.addi %arg1, %add3A_145 : i32
    %mul3A_147 = arith.constant 128 : i32
    %mul3A_148 = arith.muli %add3A_146, %mul3A_147 : i32
    %dma_wait3A_149 = arith.constant 0 : i32
    %dma_wait3A_150 = tpu.memref_slice %arg7[%arg0, %mul3A_148, %dma_wait3A_149] : memref<2x10240x128xf32, #tpu.memory_space<hbm>> -> memref<1x128x128xf32, #tpu.memory_space<hbm>>
    %dma_wait3A_151 = tpu.memref_squeeze %dma_wait3A_150 : memref<1x128x128xf32, #tpu.memory_space<hbm>> -> memref<128x128xf32, #tpu.memory_space<hbm>>
    %dma_wait3A_152 = arith.constant 0 : i32
    %dma_wait3A_153 = tpu.memref_slice %arg7[%arg0, %mul3A_148, %dma_wait3A_152] : memref<2x10240x128xf32, #tpu.memory_space<hbm>> -> memref<1x128x128xf32, #tpu.memory_space<hbm>>
    %dma_wait3A_154 = tpu.memref_squeeze %dma_wait3A_153 : memref<1x128x128xf32, #tpu.memory_space<hbm>> -> memref<128x128xf32, #tpu.memory_space<hbm>>
    tpu.wait_dma2 semaphore(%arg13 : memref<!tpu.dma_semaphore, #tpu.memory_space<semaphore_mem>>) src(%arg10 : memref<128x128xf32, #tpu.memory_space<vmem>>) dst(%dma_wait3A_154 : memref<128x128xf32, #tpu.memory_space<hbm>>)
    return
  }
}

module attributes {stable_mosaic.version = 14 : i64} {
  func.func @_lin_relu_kernel(%arg0: i32, %arg1: memref<1024x128xf32, #tpu.memory_space<vmem>>, %arg2: memref<128x128xf32, #tpu.memory_space<vmem>>, %arg3: memref<1x128xf32, #tpu.memory_space<vmem>>, %arg4: memref<1024x128xf32, #tpu.memory_space<vmem>>) attributes {dimension_semantics = [#tpu.dimension_semantics<arbitrary>], iteration_bounds = array<i64: 10>, scalar_prefetch = 0 : i64, scratch_operands = 0 : i64, tpu.core_type = #tpu.core_type<tc>, window_params = [{transform_indices = @transform_0, window_bounds = array<i64: 1024, 128>}, {pipeline_mode = #tpu.pipeline_mode<synchronous>, transform_indices = @transform_1, window_bounds = array<i64: 128, 128>}, {pipeline_mode = #tpu.pipeline_mode<synchronous>, transform_indices = @transform_2, window_bounds = array<i64: 1, 128>}, {transform_indices = @transform_3, window_bounds = array<i64: 1024, 128>}]} {
    %get3A = arith.constant 0 : index
    %get3A_0 = arith.constant 0 : index
    %get3A_1 = vector.load %arg1[%get3A, %get3A_0] : memref<1024x128xf32, #tpu.memory_space<vmem>>, vector<1024x128xf32>
    %get3A_2 = arith.constant 0 : index
    %get3A_3 = arith.constant 0 : index
    %get3A_4 = vector.load %arg2[%get3A_2, %get3A_3] : memref<128x128xf32, #tpu.memory_space<vmem>>, vector<128x128xf32>
    %dot_general3A = arith.constant dense<0.000000e+00> : vector<1024x128xf32>
    %dot_general3A_5 = tpu.matmul %get3A_1, %get3A_4, %dot_general3A {dimension_numbers = #tpu.dot_dimension_numbers<[1], [0], [0], [1], [0, 0, 1, 1], [], []>, transpose_lhs_hint = false} : vector<1024x128xf32>, vector<128x128xf32>, vector<1024x128xf32> -> vector<1024x128xf32>
    %get3A_6 = arith.constant 0 : index
    %get3A_7 = arith.constant 0 : index
    %get3A_8 = vector.load %arg3[%get3A_6, %get3A_7] : memref<1x128xf32, #tpu.memory_space<vmem>>, vector<1x128xf32>
    %add3A = vector.broadcast %get3A_8 : vector<1x128xf32> to vector<1024x128xf32>
    %add3A_9 = arith.addf %dot_general3A_5, %add3A : vector<1024x128xf32>
    %max3A = arith.constant 0.000000e+00 : f32
    %max3A_10 = vector.broadcast %max3A : f32 to vector<1024x128xf32>
    %max3A_11 = arith.maximumf %add3A_9, %max3A_10 : vector<1024x128xf32>
    %swap3A = arith.constant 0 : index
    %swap3A_12 = arith.constant 0 : index
    %swap3A_13 = vector.load %arg4[%swap3A, %swap3A_12] : memref<1024x128xf32, #tpu.memory_space<vmem>>, vector<1024x128xf32>
    tpu.vector_store %arg4[%swap3A, %swap3A_12], %max3A_11 {strides = array<i32>} : memref<1024x128xf32, #tpu.memory_space<vmem>>, vector<1024x128xf32>,
    return
  }
  func.func @transform_0(%arg0: i32) -> (i32, i32) {
    %c0_i32 = arith.constant 0 : i32
    %c0_i32_0 = arith.constant 0 : i32
    return %arg0, %c0_i32 : i32, i32
  }
  func.func @transform_1(%arg0: i32) -> (i32, i32) {
    %c0_i32 = arith.constant 0 : i32
    %c0_i32_0 = arith.constant 0 : i32
    %c0_i32_1 = arith.constant 0 : i32
    return %c0_i32, %c0_i32_0 : i32, i32
  }
  func.func @transform_2(%arg0: i32) -> (i32, i32) {
    %c0_i32 = arith.constant 0 : i32
    %c0_i32_0 = arith.constant 0 : i32
    %c0_i32_1 = arith.constant 0 : i32
    return %c0_i32, %c0_i32_0 : i32, i32
  }
  func.func @transform_3(%arg0: i32) -> (i32, i32) {
    %c0_i32 = arith.constant 0 : i32
    %c0_i32_0 = arith.constant 0 : i32
    return %arg0, %c0_i32 : i32, i32
  }
}

module attributes {stable_mosaic.version = 14 : i64} {
  func.func @_combine2_kernel(%arg0: i32, %arg1: memref<2x1024x128xf32, #tpu.memory_space<vmem>>, %arg2: memref<2x1x1x1024xf32, #tpu.memory_space<vmem>>, %arg3: memref<1024x128xf32, #tpu.memory_space<vmem>>, %arg4: memref<128x128xf32, #tpu.memory_space<vmem>>, %arg5: memref<128x128xf32, #tpu.memory_space<vmem>>, %arg6: memref<1x128xf32, #tpu.memory_space<vmem>>, %arg7: memref<128x128xf32, #tpu.memory_space<vmem>>, %arg8: memref<1x128xf32, #tpu.memory_space<vmem>>, %arg9: memref<1024x128xf32, #tpu.memory_space<vmem>>, %arg10: memref<1024x128xf32, #tpu.memory_space<vmem>>) attributes {dimension_semantics = [#tpu.dimension_semantics<arbitrary>], iteration_bounds = array<i64: 10>, scalar_prefetch = 0 : i64, scratch_operands = 0 : i64, tpu.core_type = #tpu.core_type<tc>, window_params = [{transform_indices = @transform_0, window_bounds = array<i64: 2, 1024, 128>}, {transform_indices = @transform_1, window_bounds = array<i64: 2, 1, 1, 1024>}, {transform_indices = @transform_2, window_bounds = array<i64: 1024, 128>}, {pipeline_mode = #tpu.pipeline_mode<synchronous>, transform_indices = @transform_3, window_bounds = array<i64: 128, 128>}, {pipeline_mode = #tpu.pipeline_mode<synchronous>, transform_indices = @transform_4, window_bounds = array<i64: 128, 128>}, {pipeline_mode = #tpu.pipeline_mode<synchronous>, transform_indices = @transform_5, window_bounds = array<i64: 1, 128>}, {pipeline_mode = #tpu.pipeline_mode<synchronous>, transform_indices = @transform_6, window_bounds = array<i64: 128, 128>}, {pipeline_mode = #tpu.pipeline_mode<synchronous>, transform_indices = @transform_7, window_bounds = array<i64: 1, 128>}, {transform_indices = @transform_8, window_bounds = array<i64: 1024, 128>}, {transform_indices = @transform_9, window_bounds = array<i64: 1024, 128>}]} {
    %get3A = arith.constant 0 : index
    %get3A_0 = arith.constant 0 : index
    %get3A_1 = arith.constant 0 : index
    %get3A_2 = vector.load %arg1[%get3A, %get3A_0, %get3A_1] : memref<2x1024x128xf32, #tpu.memory_space<vmem>>, vector<1x1024x128xf32>
    %get3A_3 = vector.shape_cast %get3A_2 : vector<1x1024x128xf32> to vector<1024x128xf32>
    %get3A_4 = arith.constant 1 : index
    %get3A_5 = arith.constant 0 : index
    %get3A_6 = arith.constant 0 : index
    %get3A_7 = vector.load %arg1[%get3A_4, %get3A_5, %get3A_6] : memref<2x1024x128xf32, #tpu.memory_space<vmem>>, vector<1x1024x128xf32>
    %get3A_8 = vector.shape_cast %get3A_7 : vector<1x1024x128xf32> to vector<1024x128xf32>
    %add3A = arith.addf %get3A_3, %get3A_8 : vector<1024x128xf32>
    %get3A_9 = arith.constant 0 : index
    %get3A_10 = arith.constant 0 : index
    %get3A_11 = arith.constant 0 : index
    %get3A_12 = arith.constant 0 : index
    %get3A_13 = vector.load %arg2[%get3A_9, %get3A_10, %get3A_11, %get3A_12] : memref<2x1x1x1024xf32, #tpu.memory_space<vmem>>, vector<1x1x1x1024xf32>
    %get3A_14 = vector.shape_cast %get3A_13 : vector<1x1x1x1024xf32> to vector<1024xf32>
    %get3A_15 = arith.constant 1 : index
    %get3A_16 = arith.constant 0 : index
    %get3A_17 = arith.constant 0 : index
    %get3A_18 = arith.constant 0 : index
    %get3A_19 = vector.load %arg2[%get3A_15, %get3A_16, %get3A_17, %get3A_18] : memref<2x1x1x1024xf32, #tpu.memory_space<vmem>>, vector<1x1x1x1024xf32>
    %get3A_20 = vector.shape_cast %get3A_19 : vector<1x1x1x1024xf32> to vector<1024xf32>
    %add3A_21 = arith.addf %get3A_14, %get3A_20 : vector<1024xf32>
    %max3A = arith.constant 1.000000e+00 : f32
    %max3A_22 = vector.broadcast %max3A : f32 to vector<1024xf32>
    %max3A_23 = arith.maximumf %add3A_21, %max3A_22 : vector<1024xf32>
    %div3A = arith.constant 1.000000e+00 : f32
    %div3A_24 = vector.broadcast %div3A : f32 to vector<1024xf32>
    %div3A_25 = arith.divf %div3A_24, %max3A_23 : vector<1024xf32>
    %broadcast_in_dim3A = vector.shape_cast %div3A_25 : vector<1024xf32> to vector<1024x1xf32>
    %mul3A = vector.broadcast %broadcast_in_dim3A : vector<1024x1xf32> to vector<1024x128xf32>
    %mul3A_26 = arith.mulf %add3A, %mul3A : vector<1024x128xf32>
    %get3A_27 = arith.constant 0 : index
    %get3A_28 = arith.constant 0 : index
    %get3A_29 = vector.load %arg4[%get3A_27, %get3A_28] : memref<128x128xf32, #tpu.memory_space<vmem>>, vector<128x128xf32>
    %dot_general3A = arith.constant dense<0.000000e+00> : vector<1024x128xf32>
    %dot_general3A_30 = tpu.matmul %mul3A_26, %get3A_29, %dot_general3A {dimension_numbers = #tpu.dot_dimension_numbers<[1], [0], [0], [1], [0, 0, 1, 1], [], []>, transpose_lhs_hint = false} : vector<1024x128xf32>, vector<128x128xf32>, vector<1024x128xf32> -> vector<1024x128xf32>
    %get3A_31 = arith.constant 0 : index
    %get3A_32 = arith.constant 0 : index
    %get3A_33 = vector.load %arg3[%get3A_31, %get3A_32] : memref<1024x128xf32, #tpu.memory_space<vmem>>, vector<1024x128xf32>
    %get3A_34 = arith.constant 0 : index
    %get3A_35 = arith.constant 0 : index
    %get3A_36 = vector.load %arg5[%get3A_34, %get3A_35] : memref<128x128xf32, #tpu.memory_space<vmem>>, vector<128x128xf32>
    %dot_general3A_37 = arith.constant dense<0.000000e+00> : vector<1024x128xf32>
    %dot_general3A_38 = tpu.matmul %get3A_33, %get3A_36, %dot_general3A_37 {dimension_numbers = #tpu.dot_dimension_numbers<[1], [0], [0], [1], [0, 0, 1, 1], [], []>, transpose_lhs_hint = false} : vector<1024x128xf32>, vector<128x128xf32>, vector<1024x128xf32> -> vector<1024x128xf32>
    %add3A_39 = arith.addf %dot_general3A_30, %dot_general3A_38 : vector<1024x128xf32>
    %get3A_40 = arith.constant 0 : index
    %get3A_41 = arith.constant 0 : index
    %get3A_42 = vector.load %arg6[%get3A_40, %get3A_41] : memref<1x128xf32, #tpu.memory_space<vmem>>, vector<1x128xf32>
    %add3A_43 = vector.broadcast %get3A_42 : vector<1x128xf32> to vector<1024x128xf32>
    %add3A_44 = arith.addf %add3A_39, %add3A_43 : vector<1024x128xf32>
    %max3A_45 = arith.constant 0.000000e+00 : f32
    %max3A_46 = vector.broadcast %max3A_45 : f32 to vector<1024x128xf32>
    %max3A_47 = arith.maximumf %add3A_44, %max3A_46 : vector<1024x128xf32>
    %mul3A_48 = arith.mulf %max3A_47, %max3A_47 : vector<1024x128xf32>
    %reduce_sum3A = arith.constant dense<0.000000e+00> : vector<1024xf32>
    %reduce_sum3A_49 = vector.multi_reduction <add>, %mul3A_48, %reduce_sum3A [1] : vector<1024x128xf32> to vector<1024xf32>
    %broadcast_in_dim3A_50 = vector.shape_cast %reduce_sum3A_49 : vector<1024xf32> to vector<1024x1xf32>
    %sqrt3A = math.sqrt %broadcast_in_dim3A_50 : vector<1024x1xf32>
    %max3A_51 = arith.constant 9.99999996E-13 : f32
    %max3A_52 = vector.broadcast %max3A_51 : f32 to vector<1024x1xf32>
    %max3A_53 = arith.maximumf %sqrt3A, %max3A_52 : vector<1024x1xf32>
    %div3A_54 = vector.broadcast %max3A_53 : vector<1024x1xf32> to vector<1024x128xf32>
    %div3A_55 = arith.divf %max3A_47, %div3A_54 : vector<1024x128xf32>
    %swap3A = arith.constant 0 : index
    %swap3A_56 = arith.constant 0 : index
    %swap3A_57 = vector.load %arg9[%swap3A, %swap3A_56] : memref<1024x128xf32, #tpu.memory_space<vmem>>, vector<1024x128xf32>
    tpu.vector_store %arg9[%swap3A, %swap3A_56], %div3A_55 {strides = array<i32>} : memref<1024x128xf32, #tpu.memory_space<vmem>>, vector<1024x128xf32>,
    %get3A_58 = arith.constant 0 : index
    %get3A_59 = arith.constant 0 : index
    %get3A_60 = vector.load %arg7[%get3A_58, %get3A_59] : memref<128x128xf32, #tpu.memory_space<vmem>>, vector<128x128xf32>
    %dot_general3A_61 = arith.constant dense<0.000000e+00> : vector<1024x128xf32>
    %dot_general3A_62 = tpu.matmul %div3A_55, %get3A_60, %dot_general3A_61 {dimension_numbers = #tpu.dot_dimension_numbers<[1], [0], [0], [1], [0, 0, 1, 1], [], []>, transpose_lhs_hint = false} : vector<1024x128xf32>, vector<128x128xf32>, vector<1024x128xf32> -> vector<1024x128xf32>
    %get3A_63 = arith.constant 0 : index
    %get3A_64 = arith.constant 0 : index
    %get3A_65 = vector.load %arg8[%get3A_63, %get3A_64] : memref<1x128xf32, #tpu.memory_space<vmem>>, vector<1x128xf32>
    %add3A_66 = vector.broadcast %get3A_65 : vector<1x128xf32> to vector<1024x128xf32>
    %add3A_67 = arith.addf %dot_general3A_62, %add3A_66 : vector<1024x128xf32>
    %max3A_68 = arith.constant 0.000000e+00 : f32
    %max3A_69 = vector.broadcast %max3A_68 : f32 to vector<1024x128xf32>
    %max3A_70 = arith.maximumf %add3A_67, %max3A_69 : vector<1024x128xf32>
    %swap3A_71 = arith.constant 0 : index
    %swap3A_72 = arith.constant 0 : index
    %swap3A_73 = vector.load %arg10[%swap3A_71, %swap3A_72] : memref<1024x128xf32, #tpu.memory_space<vmem>>, vector<1024x128xf32>
    tpu.vector_store %arg10[%swap3A_71, %swap3A_72], %max3A_70 {strides = array<i32>} : memref<1024x128xf32, #tpu.memory_space<vmem>>, vector<1024x128xf32>,
    return
  }
  func.func @transform_0(%arg0: i32) -> (i32, i32, i32) {
    %c0_i32 = arith.constant 0 : i32
    %c0_i32_0 = arith.constant 0 : i32
    %c0_i32_1 = arith.constant 0 : i32
    return %c0_i32, %arg0, %c0_i32_0 : i32, i32, i32
  }
  func.func @transform_1(%arg0: i32) -> (i32, i32, i32, i32) {
    %c0_i32 = arith.constant 0 : i32
    %c0_i32_0 = arith.constant 0 : i32
    %c0_i32_1 = arith.constant 0 : i32
    %c0_i32_2 = arith.constant 0 : i32
    return %c0_i32, %arg0, %c0_i32_0, %c0_i32_1 : i32, i32, i32, i32
  }
  func.func @transform_2(%arg0: i32) -> (i32, i32) {
    %c0_i32 = arith.constant 0 : i32
    %c0_i32_0 = arith.constant 0 : i32
    return %arg0, %c0_i32 : i32, i32
  }
  func.func @transform_3(%arg0: i32) -> (i32, i32) {
    %c0_i32 = arith.constant 0 : i32
    %c0_i32_0 = arith.constant 0 : i32
    %c0_i32_1 = arith.constant 0 : i32
    return %c0_i32, %c0_i32_0 : i32, i32
  }
  func.func @transform_4(%arg0: i32) -> (i32, i32) {
    %c0_i32 = arith.constant 0 : i32
    %c0_i32_0 = arith.constant 0 : i32
    %c0_i32_1 = arith.constant 0 : i32
    return %c0_i32, %c0_i32_0 : i32, i32
  }
  func.func @transform_5(%arg0: i32) -> (i32, i32) {
    %c0_i32 = arith.constant 0 : i32
    %c0_i32_0 = arith.constant 0 : i32
    %c0_i32_1 = arith.constant 0 : i32
    return %c0_i32, %c0_i32_0 : i32, i32
  }
  func.func @transform_6(%arg0: i32) -> (i32, i32) {
    %c0_i32 = arith.constant 0 : i32
    %c0_i32_0 = arith.constant 0 : i32
    %c0_i32_1 = arith.constant 0 : i32
    return %c0_i32, %c0_i32_0 : i32, i32
  }
  func.func @transform_7(%arg0: i32) -> (i32, i32) {
    %c0_i32 = arith.constant 0 : i32
    %c0_i32_0 = arith.constant 0 : i32
    %c0_i32_1 = arith.constant 0 : i32
    return %c0_i32, %c0_i32_0 : i32, i32
  }
  func.func @transform_8(%arg0: i32) -> (i32, i32) {
    %c0_i32 = arith.constant 0 : i32
    %c0_i32_0 = arith.constant 0 : i32
    return %arg0, %c0_i32 : i32, i32
  }
  func.func @transform_9(%arg0: i32) -> (i32, i32) {
    %c0_i32 = arith.constant 0 : i32
    %c0_i32_0 = arith.constant 0 : i32
    return %arg0, %c0_i32 : i32, i32
  }
}

module attributes {stable_mosaic.version = 14 : i64} {
  func.func @_final_kernel(%arg0: i32, %arg1: memref<2x1024x128xf32, #tpu.memory_space<vmem>>, %arg2: memref<2x1x1x1024xf32, #tpu.memory_space<vmem>>, %arg3: memref<1024x128xf32, #tpu.memory_space<vmem>>, %arg4: memref<128x128xf32, #tpu.memory_space<vmem>>, %arg5: memref<128x128xf32, #tpu.memory_space<vmem>>, %arg6: memref<1x128xf32, #tpu.memory_space<vmem>>, %arg7: memref<1x1024x1xi32, #tpu.memory_space<vmem>>, %arg8: memref<128x128xf32, #tpu.memory_space<vmem>>, %arg9: memref<1x128xf32, #tpu.memory_space<vmem>>, %arg10: memref<128x16xf32, #tpu.memory_space<vmem>>, %arg11: memref<1x16xf32, #tpu.memory_space<vmem>>, %arg12: memref<64x16xf32, #tpu.memory_space<vmem>>, %arg13: memref<64x128xf32, #tpu.memory_space<vmem>>) attributes {dimension_semantics = [#tpu.dimension_semantics<arbitrary>], iteration_bounds = array<i64: 10>, scalar_prefetch = 0 : i64, scratch_operands = 1 : i64, tpu.core_type = #tpu.core_type<tc>, window_params = [{transform_indices = @transform_0, window_bounds = array<i64: 2, 1024, 128>}, {transform_indices = @transform_1, window_bounds = array<i64: 2, 1, 1, 1024>}, {transform_indices = @transform_2, window_bounds = array<i64: 1024, 128>}, {pipeline_mode = #tpu.pipeline_mode<synchronous>, transform_indices = @transform_3, window_bounds = array<i64: 128, 128>}, {pipeline_mode = #tpu.pipeline_mode<synchronous>, transform_indices = @transform_4, window_bounds = array<i64: 128, 128>}, {pipeline_mode = #tpu.pipeline_mode<synchronous>, transform_indices = @transform_5, window_bounds = array<i64: 1, 128>}, {transform_indices = @transform_6, window_bounds = array<i64: 1, 1024, 1>}, {pipeline_mode = #tpu.pipeline_mode<synchronous>, transform_indices = @transform_7, window_bounds = array<i64: 128, 128>}, {pipeline_mode = #tpu.pipeline_mode<synchronous>, transform_indices = @transform_8, window_bounds = array<i64: 1, 128>}, {pipeline_mode = #tpu.pipeline_mode<synchronous>, transform_indices = @transform_9, window_bounds = array<i64: 128, 16>}, {pipeline_mode = #tpu.pipeline_mode<synchronous>, transform_indices = @transform_10, window_bounds = array<i64: 1, 16>}, {pipeline_mode = #tpu.pipeline_mode<synchronous>, transform_indices = @transform_11, window_bounds = array<i64: 64, 16>}]} {
    %get3A = arith.constant 0 : index
    %get3A_0 = arith.constant 0 : index
    %get3A_1 = arith.constant 0 : index
    %get3A_2 = vector.load %arg1[%get3A, %get3A_0, %get3A_1] : memref<2x1024x128xf32, #tpu.memory_space<vmem>>, vector<1x1024x128xf32>
    %get3A_3 = vector.shape_cast %get3A_2 : vector<1x1024x128xf32> to vector<1024x128xf32>
    %get3A_4 = arith.constant 1 : index
    %get3A_5 = arith.constant 0 : index
    %get3A_6 = arith.constant 0 : index
    %get3A_7 = vector.load %arg1[%get3A_4, %get3A_5, %get3A_6] : memref<2x1024x128xf32, #tpu.memory_space<vmem>>, vector<1x1024x128xf32>
    %get3A_8 = vector.shape_cast %get3A_7 : vector<1x1024x128xf32> to vector<1024x128xf32>
    %add3A = arith.addf %get3A_3, %get3A_8 : vector<1024x128xf32>
    %get3A_9 = arith.constant 0 : index
    %get3A_10 = arith.constant 0 : index
    %get3A_11 = arith.constant 0 : index
    %get3A_12 = arith.constant 0 : index
    %get3A_13 = vector.load %arg2[%get3A_9, %get3A_10, %get3A_11, %get3A_12] : memref<2x1x1x1024xf32, #tpu.memory_space<vmem>>, vector<1x1x1x1024xf32>
    %get3A_14 = vector.shape_cast %get3A_13 : vector<1x1x1x1024xf32> to vector<1024xf32>
    %get3A_15 = arith.constant 1 : index
    %get3A_16 = arith.constant 0 : index
    %get3A_17 = arith.constant 0 : index
    %get3A_18 = arith.constant 0 : index
    %get3A_19 = vector.load %arg2[%get3A_15, %get3A_16, %get3A_17, %get3A_18] : memref<2x1x1x1024xf32, #tpu.memory_space<vmem>>, vector<1x1x1x1024xf32>
    %get3A_20 = vector.shape_cast %get3A_19 : vector<1x1x1x1024xf32> to vector<1024xf32>
    %add3A_21 = arith.addf %get3A_14, %get3A_20 : vector<1024xf32>
    %max3A = arith.constant 1.000000e+00 : f32
    %max3A_22 = vector.broadcast %max3A : f32 to vector<1024xf32>
    %max3A_23 = arith.maximumf %add3A_21, %max3A_22 : vector<1024xf32>
    %div3A = arith.constant 1.000000e+00 : f32
    %div3A_24 = vector.broadcast %div3A : f32 to vector<1024xf32>
    %div3A_25 = arith.divf %div3A_24, %max3A_23 : vector<1024xf32>
    %broadcast_in_dim3A = vector.shape_cast %div3A_25 : vector<1024xf32> to vector<1024x1xf32>
    %mul3A = vector.broadcast %broadcast_in_dim3A : vector<1024x1xf32> to vector<1024x128xf32>
    %mul3A_26 = arith.mulf %add3A, %mul3A : vector<1024x128xf32>
    %get3A_27 = arith.constant 0 : index
    %get3A_28 = arith.constant 0 : index
    %get3A_29 = vector.load %arg4[%get3A_27, %get3A_28] : memref<128x128xf32, #tpu.memory_space<vmem>>, vector<128x128xf32>
    %dot_general3A = arith.constant dense<0.000000e+00> : vector<1024x128xf32>
    %dot_general3A_30 = tpu.matmul %mul3A_26, %get3A_29, %dot_general3A {dimension_numbers = #tpu.dot_dimension_numbers<[1], [0], [0], [1], [0, 0, 1, 1], [], []>, transpose_lhs_hint = false} : vector<1024x128xf32>, vector<128x128xf32>, vector<1024x128xf32> -> vector<1024x128xf32>
    %get3A_31 = arith.constant 0 : index
    %get3A_32 = arith.constant 0 : index
    %get3A_33 = vector.load %arg3[%get3A_31, %get3A_32] : memref<1024x128xf32, #tpu.memory_space<vmem>>, vector<1024x128xf32>
    %get3A_34 = arith.constant 0 : index
    %get3A_35 = arith.constant 0 : index
    %get3A_36 = vector.load %arg5[%get3A_34, %get3A_35] : memref<128x128xf32, #tpu.memory_space<vmem>>, vector<128x128xf32>
    %dot_general3A_37 = arith.constant dense<0.000000e+00> : vector<1024x128xf32>
    %dot_general3A_38 = tpu.matmul %get3A_33, %get3A_36, %dot_general3A_37 {dimension_numbers = #tpu.dot_dimension_numbers<[1], [0], [0], [1], [0, 0, 1, 1], [], []>, transpose_lhs_hint = false} : vector<1024x128xf32>, vector<128x128xf32>, vector<1024x128xf32> -> vector<1024x128xf32>
    %add3A_39 = arith.addf %dot_general3A_30, %dot_general3A_38 : vector<1024x128xf32>
    %get3A_40 = arith.constant 0 : index
    %get3A_41 = arith.constant 0 : index
    %get3A_42 = vector.load %arg6[%get3A_40, %get3A_41] : memref<1x128xf32, #tpu.memory_space<vmem>>, vector<1x128xf32>
    %add3A_43 = vector.broadcast %get3A_42 : vector<1x128xf32> to vector<1024x128xf32>
    %add3A_44 = arith.addf %add3A_39, %add3A_43 : vector<1024x128xf32>
    %max3A_45 = arith.constant 0.000000e+00 : f32
    %max3A_46 = vector.broadcast %max3A_45 : f32 to vector<1024x128xf32>
    %max3A_47 = arith.maximumf %add3A_44, %max3A_46 : vector<1024x128xf32>
    %mul3A_48 = arith.mulf %max3A_47, %max3A_47 : vector<1024x128xf32>
    %reduce_sum3A = arith.constant dense<0.000000e+00> : vector<1024xf32>
    %reduce_sum3A_49 = vector.multi_reduction <add>, %mul3A_48, %reduce_sum3A [1] : vector<1024x128xf32> to vector<1024xf32>
    %broadcast_in_dim3A_50 = vector.shape_cast %reduce_sum3A_49 : vector<1024xf32> to vector<1024x1xf32>
    %sqrt3A = math.sqrt %broadcast_in_dim3A_50 : vector<1024x1xf32>
    %max3A_51 = arith.constant 9.99999996E-13 : f32
    %max3A_52 = vector.broadcast %max3A_51 : f32 to vector<1024x1xf32>
    %max3A_53 = arith.maximumf %sqrt3A, %max3A_52 : vector<1024x1xf32>
    %div3A_54 = vector.broadcast %max3A_53 : vector<1024x1xf32> to vector<1024x128xf32>
    %div3A_55 = arith.divf %max3A_47, %div3A_54 : vector<1024x128xf32>
    %get3A_56 = arith.constant 0 : index
    %get3A_57 = arith.constant 0 : index
    %get3A_58 = arith.constant 0 : index
    %get3A_59 = vector.load %arg7[%get3A_56, %get3A_57, %get3A_58] : memref<1x1024x1xi32, #tpu.memory_space<vmem>>, vector<1x1024x1xi32>
    %get3A_60 = vector.shape_cast %get3A_59 : vector<1x1024x1xi32> to vector<1024x1xi32>
    %eq3A = arith.constant 0 : i32
    %eq3A_61 = arith.cmpi eq, %arg0, %eq3A : i32
    %convert_element_type3A = arith.extui %eq3A_61 : i1 to i32
    %cond3A = arith.constant 0 : i32
    %cond3A_62 = arith.cmpi ne, %convert_element_type3A, %cond3A : i32
    scf.if %cond3A_62 {
      %broadcast_in_dim3A_651 = arith.constant 0xFF800000 : f32
      %broadcast_in_dim3A_652 = vector.broadcast %broadcast_in_dim3A_651 : f32 to vector<64x128xf32>
      %swap3A = arith.constant 0 : index
      %swap3A_653 = arith.constant 0 : index
      %swap3A_654 = vector.load %arg13[%swap3A, %swap3A_653] : memref<64x128xf32, #tpu.memory_space<vmem>>, vector<64x128xf32>
      tpu.vector_store %arg13[%swap3A, %swap3A_653], %broadcast_in_dim3A_652 {strides = array<i32>} : memref<64x128xf32, #tpu.memory_space<vmem>>, vector<64x128xf32>,
    } else {
    }
    %get3A_63 = arith.constant 0 : index
    %get3A_64 = arith.constant 0 : index
    %get3A_65 = arith.constant 0 : index
    %get3A_66 = vector.load %arg7[%get3A_63, %get3A_64, %get3A_65] : memref<1x1024x1xi32, #tpu.memory_space<vmem>>, vector<1x1x1xi32>
    %get3A_67 = vector.extract %get3A_66[0, 0, 0] : i32 from vector<1x1x1xi32>
    %get3A_68 = arith.constant 0 : index
    %get3A_69 = arith.constant 1023 : index
    %get3A_70 = arith.constant 0 : index
    %get3A_71 = vector.load %arg7[%get3A_68, %get3A_69, %get3A_70] : memref<1x1024x1xi32, #tpu.memory_space<vmem>>, vector<1x1x1xi32>
    %get3A_72 = vector.extract %get3A_71[0, 0, 0] : i32 from vector<1x1x1xi32>
    %le3A = arith.constant 0 : i32
    %le3A_73 = arith.cmpi sle, %get3A_67, %le3A : i32
    %ge3A = arith.constant 0 : i32
    %ge3A_74 = arith.cmpi sge, %get3A_72, %ge3A : i32
    %and3A = arith.andi %le3A_73, %ge3A_74 : i1
    %convert_element_type3A_75 = arith.extui %and3A : i1 to i32
    %cond3A_76 = arith.constant 0xFF800000 : f32
    %cond3A_77 = arith.constant 0 : i32
    %cond3A_78 = arith.cmpi ne, %convert_element_type3A_75, %cond3A_77 : i32
    scf.if %cond3A_78 {
      %eq3A_651 = arith.constant 0 : i32
      %eq3A_652 = vector.broadcast %eq3A_651 : i32 to vector<1024x1xi32>
      %eq3A_653 = arith.cmpi eq, %get3A_60, %eq3A_652 : vector<1024x1xi32>
      %broadcast_in_dim3A_654 = vector.shape_cast %eq3A_653 : vector<1024x1xi1> to vector<1024x1xi1>
      %broadcast_in_dim3A_655 = vector.broadcast %broadcast_in_dim3A_654 : vector<1024x1xi1> to vector<1024x128xi1>
      %broadcast_in_dim3A_656 = vector.broadcast %cond3A_76 : f32 to vector<1024x128xf32>
      %select_n3A = arith.select %broadcast_in_dim3A_655, %div3A_55, %broadcast_in_dim3A_656 : vector<1024x128xi1>, vector<1024x128xf32>
      %reduce_max3A = arith.constant dense<0xFF800000> : vector<128xf32>
      %reduce_max3A_657 = vector.multi_reduction <maximumf>, %select_n3A, %reduce_max3A [0] : vector<1024x128xf32> to vector<128xf32>
      %get3A_658 = arith.constant 0 : index
      %get3A_659 = arith.constant 0 : index
      %get3A_660 = vector.load %arg13[%get3A_658, %get3A_659] : memref<64x128xf32, #tpu.memory_space<vmem>>, vector<1x128xf32>
      %get3A_661 = vector.shape_cast %get3A_660 : vector<1x128xf32> to vector<128xf32>
      %max3A_662 = arith.maximumf %get3A_661, %reduce_max3A_657 : vector<128xf32>
      %swap3A = arith.constant 0 : index
      %swap3A_663 = arith.constant 0 : index
      %swap3A_664 = vector.load %arg13[%swap3A, %swap3A_663] : memref<64x128xf32, #tpu.memory_space<vmem>>, vector<1x128xf32>
      %swap3A_665 = vector.shape_cast %swap3A_664 : vector<1x128xf32> to vector<128xf32>
      %swap3A_666 = vector.shape_cast %max3A_662 : vector<128xf32> to vector<1x128xf32>
      tpu.vector_store %arg13[%swap3A, %swap3A_663], %swap3A_666 {strides = array<i32>} : memref<64x128xf32, #tpu.memory_space<vmem>>, vector<1x128xf32>,
    } else {
    }
    %le3A_79 = arith.constant 1 : i32
    %le3A_80 = arith.cmpi sle, %get3A_67, %le3A_79 : i32
    %ge3A_81 = arith.constant 1 : i32
    %ge3A_82 = arith.cmpi sge, %get3A_72, %ge3A_81 : i32
    %and3A_83 = arith.andi %le3A_80, %ge3A_82 : i1
    %convert_element_type3A_84 = arith.extui %and3A_83 : i1 to i32
    %cond3A_85 = arith.constant 0xFF800000 : f32
    %cond3A_86 = arith.constant 0 : i32
    %cond3A_87 = arith.cmpi ne, %convert_element_type3A_84, %cond3A_86 : i32
    scf.if %cond3A_87 {
      %eq3A_651 = arith.constant 1 : i32
      %eq3A_652 = vector.broadcast %eq3A_651 : i32 to vector<1024x1xi32>
      %eq3A_653 = arith.cmpi eq, %get3A_60, %eq3A_652 : vector<1024x1xi32>
      %broadcast_in_dim3A_654 = vector.shape_cast %eq3A_653 : vector<1024x1xi1> to vector<1024x1xi1>
      %broadcast_in_dim3A_655 = vector.broadcast %broadcast_in_dim3A_654 : vector<1024x1xi1> to vector<1024x128xi1>
      %broadcast_in_dim3A_656 = vector.broadcast %cond3A_85 : f32 to vector<1024x128xf32>
      %select_n3A = arith.select %broadcast_in_dim3A_655, %div3A_55, %broadcast_in_dim3A_656 : vector<1024x128xi1>, vector<1024x128xf32>
      %reduce_max3A = arith.constant dense<0xFF800000> : vector<128xf32>
      %reduce_max3A_657 = vector.multi_reduction <maximumf>, %select_n3A, %reduce_max3A [0] : vector<1024x128xf32> to vector<128xf32>
      %get3A_658 = arith.constant 1 : index
      %get3A_659 = arith.constant 0 : index
      %get3A_660 = vector.load %arg13[%get3A_658, %get3A_659] : memref<64x128xf32, #tpu.memory_space<vmem>>, vector<1x128xf32>
      %get3A_661 = vector.shape_cast %get3A_660 : vector<1x128xf32> to vector<128xf32>
      %max3A_662 = arith.maximumf %get3A_661, %reduce_max3A_657 : vector<128xf32>
      %swap3A = arith.constant 1 : index
      %swap3A_663 = arith.constant 0 : index
      %swap3A_664 = vector.load %arg13[%swap3A, %swap3A_663] : memref<64x128xf32, #tpu.memory_space<vmem>>, vector<1x128xf32>
      %swap3A_665 = vector.shape_cast %swap3A_664 : vector<1x128xf32> to vector<128xf32>
      %swap3A_666 = vector.shape_cast %max3A_662 : vector<128xf32> to vector<1x128xf32>
      tpu.vector_store %arg13[%swap3A, %swap3A_663], %swap3A_666 {strides = array<i32>} : memref<64x128xf32, #tpu.memory_space<vmem>>, vector<1x128xf32>,
    } else {
    }
    %le3A_88 = arith.constant 2 : i32
    %le3A_89 = arith.cmpi sle, %get3A_67, %le3A_88 : i32
    %ge3A_90 = arith.constant 2 : i32
    %ge3A_91 = arith.cmpi sge, %get3A_72, %ge3A_90 : i32
    %and3A_92 = arith.andi %le3A_89, %ge3A_91 : i1
    %convert_element_type3A_93 = arith.extui %and3A_92 : i1 to i32
    %cond3A_94 = arith.constant 0xFF800000 : f32
    %cond3A_95 = arith.constant 0 : i32
    %cond3A_96 = arith.cmpi ne, %convert_element_type3A_93, %cond3A_95 : i32
    scf.if %cond3A_96 {
      %eq3A_651 = arith.constant 2 : i32
      %eq3A_652 = vector.broadcast %eq3A_651 : i32 to vector<1024x1xi32>
      %eq3A_653 = arith.cmpi eq, %get3A_60, %eq3A_652 : vector<1024x1xi32>
      %broadcast_in_dim3A_654 = vector.shape_cast %eq3A_653 : vector<1024x1xi1> to vector<1024x1xi1>
      %broadcast_in_dim3A_655 = vector.broadcast %broadcast_in_dim3A_654 : vector<1024x1xi1> to vector<1024x128xi1>
      %broadcast_in_dim3A_656 = vector.broadcast %cond3A_94 : f32 to vector<1024x128xf32>
      %select_n3A = arith.select %broadcast_in_dim3A_655, %div3A_55, %broadcast_in_dim3A_656 : vector<1024x128xi1>, vector<1024x128xf32>
      %reduce_max3A = arith.constant dense<0xFF800000> : vector<128xf32>
      %reduce_max3A_657 = vector.multi_reduction <maximumf>, %select_n3A, %reduce_max3A [0] : vector<1024x128xf32> to vector<128xf32>
      %get3A_658 = arith.constant 2 : index
      %get3A_659 = arith.constant 0 : index
      %get3A_660 = vector.load %arg13[%get3A_658, %get3A_659] : memref<64x128xf32, #tpu.memory_space<vmem>>, vector<1x128xf32>
      %get3A_661 = vector.shape_cast %get3A_660 : vector<1x128xf32> to vector<128xf32>
      %max3A_662 = arith.maximumf %get3A_661, %reduce_max3A_657 : vector<128xf32>
      %swap3A = arith.constant 2 : index
      %swap3A_663 = arith.constant 0 : index
      %swap3A_664 = vector.load %arg13[%swap3A, %swap3A_663] : memref<64x128xf32, #tpu.memory_space<vmem>>, vector<1x128xf32>
      %swap3A_665 = vector.shape_cast %swap3A_664 : vector<1x128xf32> to vector<128xf32>
      %swap3A_666 = vector.shape_cast %max3A_662 : vector<128xf32> to vector<1x128xf32>
      tpu.vector_store %arg13[%swap3A, %swap3A_663], %swap3A_666 {strides = array<i32>} : memref<64x128xf32, #tpu.memory_space<vmem>>, vector<1x128xf32>,
    } else {
    }
    %le3A_97 = arith.constant 3 : i32
    %le3A_98 = arith.cmpi sle, %get3A_67, %le3A_97 : i32
    %ge3A_99 = arith.constant 3 : i32
    %ge3A_100 = arith.cmpi sge, %get3A_72, %ge3A_99 : i32
    %and3A_101 = arith.andi %le3A_98, %ge3A_100 : i1
    %convert_element_type3A_102 = arith.extui %and3A_101 : i1 to i32
    %cond3A_103 = arith.constant 0xFF800000 : f32
    %cond3A_104 = arith.constant 0 : i32
    %cond3A_105 = arith.cmpi ne, %convert_element_type3A_102, %cond3A_104 : i32
    scf.if %cond3A_105 {
      %eq3A_651 = arith.constant 3 : i32
      %eq3A_652 = vector.broadcast %eq3A_651 : i32 to vector<1024x1xi32>
      %eq3A_653 = arith.cmpi eq, %get3A_60, %eq3A_652 : vector<1024x1xi32>
      %broadcast_in_dim3A_654 = vector.shape_cast %eq3A_653 : vector<1024x1xi1> to vector<1024x1xi1>
      %broadcast_in_dim3A_655 = vector.broadcast %broadcast_in_dim3A_654 : vector<1024x1xi1> to vector<1024x128xi1>
      %broadcast_in_dim3A_656 = vector.broadcast %cond3A_103 : f32 to vector<1024x128xf32>
      %select_n3A = arith.select %broadcast_in_dim3A_655, %div3A_55, %broadcast_in_dim3A_656 : vector<1024x128xi1>, vector<1024x128xf32>
      %reduce_max3A = arith.constant dense<0xFF800000> : vector<128xf32>
      %reduce_max3A_657 = vector.multi_reduction <maximumf>, %select_n3A, %reduce_max3A [0] : vector<1024x128xf32> to vector<128xf32>
      %get3A_658 = arith.constant 3 : index
      %get3A_659 = arith.constant 0 : index
      %get3A_660 = vector.load %arg13[%get3A_658, %get3A_659] : memref<64x128xf32, #tpu.memory_space<vmem>>, vector<1x128xf32>
      %get3A_661 = vector.shape_cast %get3A_660 : vector<1x128xf32> to vector<128xf32>
      %max3A_662 = arith.maximumf %get3A_661, %reduce_max3A_657 : vector<128xf32>
      %swap3A = arith.constant 3 : index
      %swap3A_663 = arith.constant 0 : index
      %swap3A_664 = vector.load %arg13[%swap3A, %swap3A_663] : memref<64x128xf32, #tpu.memory_space<vmem>>, vector<1x128xf32>
      %swap3A_665 = vector.shape_cast %swap3A_664 : vector<1x128xf32> to vector<128xf32>
      %swap3A_666 = vector.shape_cast %max3A_662 : vector<128xf32> to vector<1x128xf32>
      tpu.vector_store %arg13[%swap3A, %swap3A_663], %swap3A_666 {strides = array<i32>} : memref<64x128xf32, #tpu.memory_space<vmem>>, vector<1x128xf32>,
    } else {
    }
    %le3A_106 = arith.constant 4 : i32
    %le3A_107 = arith.cmpi sle, %get3A_67, %le3A_106 : i32
    %ge3A_108 = arith.constant 4 : i32
    %ge3A_109 = arith.cmpi sge, %get3A_72, %ge3A_108 : i32
    %and3A_110 = arith.andi %le3A_107, %ge3A_109 : i1
    %convert_element_type3A_111 = arith.extui %and3A_110 : i1 to i32
    %cond3A_112 = arith.constant 0xFF800000 : f32
    %cond3A_113 = arith.constant 0 : i32
    %cond3A_114 = arith.cmpi ne, %convert_element_type3A_111, %cond3A_113 : i32
    scf.if %cond3A_114 {
      %eq3A_651 = arith.constant 4 : i32
      %eq3A_652 = vector.broadcast %eq3A_651 : i32 to vector<1024x1xi32>
      %eq3A_653 = arith.cmpi eq, %get3A_60, %eq3A_652 : vector<1024x1xi32>
      %broadcast_in_dim3A_654 = vector.shape_cast %eq3A_653 : vector<1024x1xi1> to vector<1024x1xi1>
      %broadcast_in_dim3A_655 = vector.broadcast %broadcast_in_dim3A_654 : vector<1024x1xi1> to vector<1024x128xi1>
      %broadcast_in_dim3A_656 = vector.broadcast %cond3A_112 : f32 to vector<1024x128xf32>
      %select_n3A = arith.select %broadcast_in_dim3A_655, %div3A_55, %broadcast_in_dim3A_656 : vector<1024x128xi1>, vector<1024x128xf32>
      %reduce_max3A = arith.constant dense<0xFF800000> : vector<128xf32>
      %reduce_max3A_657 = vector.multi_reduction <maximumf>, %select_n3A, %reduce_max3A [0] : vector<1024x128xf32> to vector<128xf32>
      %get3A_658 = arith.constant 4 : index
      %get3A_659 = arith.constant 0 : index
      %get3A_660 = vector.load %arg13[%get3A_658, %get3A_659] : memref<64x128xf32, #tpu.memory_space<vmem>>, vector<1x128xf32>
      %get3A_661 = vector.shape_cast %get3A_660 : vector<1x128xf32> to vector<128xf32>
      %max3A_662 = arith.maximumf %get3A_661, %reduce_max3A_657 : vector<128xf32>
      %swap3A = arith.constant 4 : index
      %swap3A_663 = arith.constant 0 : index
      %swap3A_664 = vector.load %arg13[%swap3A, %swap3A_663] : memref<64x128xf32, #tpu.memory_space<vmem>>, vector<1x128xf32>
      %swap3A_665 = vector.shape_cast %swap3A_664 : vector<1x128xf32> to vector<128xf32>
      %swap3A_666 = vector.shape_cast %max3A_662 : vector<128xf32> to vector<1x128xf32>
      tpu.vector_store %arg13[%swap3A, %swap3A_663], %swap3A_666 {strides = array<i32>} : memref<64x128xf32, #tpu.memory_space<vmem>>, vector<1x128xf32>,
    } else {
    }
    %le3A_115 = arith.constant 5 : i32
    %le3A_116 = arith.cmpi sle, %get3A_67, %le3A_115 : i32
    %ge3A_117 = arith.constant 5 : i32
    %ge3A_118 = arith.cmpi sge, %get3A_72, %ge3A_117 : i32
    %and3A_119 = arith.andi %le3A_116, %ge3A_118 : i1
    %convert_element_type3A_120 = arith.extui %and3A_119 : i1 to i32
    %cond3A_121 = arith.constant 0xFF800000 : f32
    %cond3A_122 = arith.constant 0 : i32
    %cond3A_123 = arith.cmpi ne, %convert_element_type3A_120, %cond3A_122 : i32
    scf.if %cond3A_123 {
      %eq3A_651 = arith.constant 5 : i32
      %eq3A_652 = vector.broadcast %eq3A_651 : i32 to vector<1024x1xi32>
      %eq3A_653 = arith.cmpi eq, %get3A_60, %eq3A_652 : vector<1024x1xi32>
      %broadcast_in_dim3A_654 = vector.shape_cast %eq3A_653 : vector<1024x1xi1> to vector<1024x1xi1>
      %broadcast_in_dim3A_655 = vector.broadcast %broadcast_in_dim3A_654 : vector<1024x1xi1> to vector<1024x128xi1>
      %broadcast_in_dim3A_656 = vector.broadcast %cond3A_121 : f32 to vector<1024x128xf32>
      %select_n3A = arith.select %broadcast_in_dim3A_655, %div3A_55, %broadcast_in_dim3A_656 : vector<1024x128xi1>, vector<1024x128xf32>
      %reduce_max3A = arith.constant dense<0xFF800000> : vector<128xf32>
      %reduce_max3A_657 = vector.multi_reduction <maximumf>, %select_n3A, %reduce_max3A [0] : vector<1024x128xf32> to vector<128xf32>
      %get3A_658 = arith.constant 5 : index
      %get3A_659 = arith.constant 0 : index
      %get3A_660 = vector.load %arg13[%get3A_658, %get3A_659] : memref<64x128xf32, #tpu.memory_space<vmem>>, vector<1x128xf32>
      %get3A_661 = vector.shape_cast %get3A_660 : vector<1x128xf32> to vector<128xf32>
      %max3A_662 = arith.maximumf %get3A_661, %reduce_max3A_657 : vector<128xf32>
      %swap3A = arith.constant 5 : index
      %swap3A_663 = arith.constant 0 : index
      %swap3A_664 = vector.load %arg13[%swap3A, %swap3A_663] : memref<64x128xf32, #tpu.memory_space<vmem>>, vector<1x128xf32>
      %swap3A_665 = vector.shape_cast %swap3A_664 : vector<1x128xf32> to vector<128xf32>
      %swap3A_666 = vector.shape_cast %max3A_662 : vector<128xf32> to vector<1x128xf32>
      tpu.vector_store %arg13[%swap3A, %swap3A_663], %swap3A_666 {strides = array<i32>} : memref<64x128xf32, #tpu.memory_space<vmem>>, vector<1x128xf32>,
    } else {
    }
    %le3A_124 = arith.constant 6 : i32
    %le3A_125 = arith.cmpi sle, %get3A_67, %le3A_124 : i32
    %ge3A_126 = arith.constant 6 : i32
    %ge3A_127 = arith.cmpi sge, %get3A_72, %ge3A_126 : i32
    %and3A_128 = arith.andi %le3A_125, %ge3A_127 : i1
    %convert_element_type3A_129 = arith.extui %and3A_128 : i1 to i32
    %cond3A_130 = arith.constant 0xFF800000 : f32
    %cond3A_131 = arith.constant 0 : i32
    %cond3A_132 = arith.cmpi ne, %convert_element_type3A_129, %cond3A_131 : i32
    scf.if %cond3A_132 {
      %eq3A_651 = arith.constant 6 : i32
      %eq3A_652 = vector.broadcast %eq3A_651 : i32 to vector<1024x1xi32>
      %eq3A_653 = arith.cmpi eq, %get3A_60, %eq3A_652 : vector<1024x1xi32>
      %broadcast_in_dim3A_654 = vector.shape_cast %eq3A_653 : vector<1024x1xi1> to vector<1024x1xi1>
      %broadcast_in_dim3A_655 = vector.broadcast %broadcast_in_dim3A_654 : vector<1024x1xi1> to vector<1024x128xi1>
      %broadcast_in_dim3A_656 = vector.broadcast %cond3A_130 : f32 to vector<1024x128xf32>
      %select_n3A = arith.select %broadcast_in_dim3A_655, %div3A_55, %broadcast_in_dim3A_656 : vector<1024x128xi1>, vector<1024x128xf32>
      %reduce_max3A = arith.constant dense<0xFF800000> : vector<128xf32>
      %reduce_max3A_657 = vector.multi_reduction <maximumf>, %select_n3A, %reduce_max3A [0] : vector<1024x128xf32> to vector<128xf32>
      %get3A_658 = arith.constant 6 : index
      %get3A_659 = arith.constant 0 : index
      %get3A_660 = vector.load %arg13[%get3A_658, %get3A_659] : memref<64x128xf32, #tpu.memory_space<vmem>>, vector<1x128xf32>
      %get3A_661 = vector.shape_cast %get3A_660 : vector<1x128xf32> to vector<128xf32>
      %max3A_662 = arith.maximumf %get3A_661, %reduce_max3A_657 : vector<128xf32>
      %swap3A = arith.constant 6 : index
      %swap3A_663 = arith.constant 0 : index
      %swap3A_664 = vector.load %arg13[%swap3A, %swap3A_663] : memref<64x128xf32, #tpu.memory_space<vmem>>, vector<1x128xf32>
      %swap3A_665 = vector.shape_cast %swap3A_664 : vector<1x128xf32> to vector<128xf32>
      %swap3A_666 = vector.shape_cast %max3A_662 : vector<128xf32> to vector<1x128xf32>
      tpu.vector_store %arg13[%swap3A, %swap3A_663], %swap3A_666 {strides = array<i32>} : memref<64x128xf32, #tpu.memory_space<vmem>>, vector<1x128xf32>,
    } else {
    }
    %le3A_133 = arith.constant 7 : i32
    %le3A_134 = arith.cmpi sle, %get3A_67, %le3A_133 : i32
    %ge3A_135 = arith.constant 7 : i32
    %ge3A_136 = arith.cmpi sge, %get3A_72, %ge3A_135 : i32
    %and3A_137 = arith.andi %le3A_134, %ge3A_136 : i1
    %convert_element_type3A_138 = arith.extui %and3A_137 : i1 to i32
    %cond3A_139 = arith.constant 0xFF800000 : f32
    %cond3A_140 = arith.constant 0 : i32
    %cond3A_141 = arith.cmpi ne, %convert_element_type3A_138, %cond3A_140 : i32
    scf.if %cond3A_141 {
      %eq3A_651 = arith.constant 7 : i32
      %eq3A_652 = vector.broadcast %eq3A_651 : i32 to vector<1024x1xi32>
      %eq3A_653 = arith.cmpi eq, %get3A_60, %eq3A_652 : vector<1024x1xi32>
      %broadcast_in_dim3A_654 = vector.shape_cast %eq3A_653 : vector<1024x1xi1> to vector<1024x1xi1>
      %broadcast_in_dim3A_655 = vector.broadcast %broadcast_in_dim3A_654 : vector<1024x1xi1> to vector<1024x128xi1>
      %broadcast_in_dim3A_656 = vector.broadcast %cond3A_139 : f32 to vector<1024x128xf32>
      %select_n3A = arith.select %broadcast_in_dim3A_655, %div3A_55, %broadcast_in_dim3A_656 : vector<1024x128xi1>, vector<1024x128xf32>
      %reduce_max3A = arith.constant dense<0xFF800000> : vector<128xf32>
      %reduce_max3A_657 = vector.multi_reduction <maximumf>, %select_n3A, %reduce_max3A [0] : vector<1024x128xf32> to vector<128xf32>
      %get3A_658 = arith.constant 7 : index
      %get3A_659 = arith.constant 0 : index
      %get3A_660 = vector.load %arg13[%get3A_658, %get3A_659] : memref<64x128xf32, #tpu.memory_space<vmem>>, vector<1x128xf32>
      %get3A_661 = vector.shape_cast %get3A_660 : vector<1x128xf32> to vector<128xf32>
      %max3A_662 = arith.maximumf %get3A_661, %reduce_max3A_657 : vector<128xf32>
      %swap3A = arith.constant 7 : index
      %swap3A_663 = arith.constant 0 : index
      %swap3A_664 = vector.load %arg13[%swap3A, %swap3A_663] : memref<64x128xf32, #tpu.memory_space<vmem>>, vector<1x128xf32>
      %swap3A_665 = vector.shape_cast %swap3A_664 : vector<1x128xf32> to vector<128xf32>
      %swap3A_666 = vector.shape_cast %max3A_662 : vector<128xf32> to vector<1x128xf32>
      tpu.vector_store %arg13[%swap3A, %swap3A_663], %swap3A_666 {strides = array<i32>} : memref<64x128xf32, #tpu.memory_space<vmem>>, vector<1x128xf32>,
    } else {
    }
    %le3A_142 = arith.constant 8 : i32
    %le3A_143 = arith.cmpi sle, %get3A_67, %le3A_142 : i32
    %ge3A_144 = arith.constant 8 : i32
    %ge3A_145 = arith.cmpi sge, %get3A_72, %ge3A_144 : i32
    %and3A_146 = arith.andi %le3A_143, %ge3A_145 : i1
    %convert_element_type3A_147 = arith.extui %and3A_146 : i1 to i32
    %cond3A_148 = arith.constant 0xFF800000 : f32
    %cond3A_149 = arith.constant 0 : i32
    %cond3A_150 = arith.cmpi ne, %convert_element_type3A_147, %cond3A_149 : i32
    scf.if %cond3A_150 {
      %eq3A_651 = arith.constant 8 : i32
      %eq3A_652 = vector.broadcast %eq3A_651 : i32 to vector<1024x1xi32>
      %eq3A_653 = arith.cmpi eq, %get3A_60, %eq3A_652 : vector<1024x1xi32>
      %broadcast_in_dim3A_654 = vector.shape_cast %eq3A_653 : vector<1024x1xi1> to vector<1024x1xi1>
      %broadcast_in_dim3A_655 = vector.broadcast %broadcast_in_dim3A_654 : vector<1024x1xi1> to vector<1024x128xi1>
      %broadcast_in_dim3A_656 = vector.broadcast %cond3A_148 : f32 to vector<1024x128xf32>
      %select_n3A = arith.select %broadcast_in_dim3A_655, %div3A_55, %broadcast_in_dim3A_656 : vector<1024x128xi1>, vector<1024x128xf32>
      %reduce_max3A = arith.constant dense<0xFF800000> : vector<128xf32>
      %reduce_max3A_657 = vector.multi_reduction <maximumf>, %select_n3A, %reduce_max3A [0] : vector<1024x128xf32> to vector<128xf32>
      %get3A_658 = arith.constant 8 : index
      %get3A_659 = arith.constant 0 : index
      %get3A_660 = vector.load %arg13[%get3A_658, %get3A_659] : memref<64x128xf32, #tpu.memory_space<vmem>>, vector<1x128xf32>
      %get3A_661 = vector.shape_cast %get3A_660 : vector<1x128xf32> to vector<128xf32>
      %max3A_662 = arith.maximumf %get3A_661, %reduce_max3A_657 : vector<128xf32>
      %swap3A = arith.constant 8 : index
      %swap3A_663 = arith.constant 0 : index
      %swap3A_664 = vector.load %arg13[%swap3A, %swap3A_663] : memref<64x128xf32, #tpu.memory_space<vmem>>, vector<1x128xf32>
      %swap3A_665 = vector.shape_cast %swap3A_664 : vector<1x128xf32> to vector<128xf32>
      %swap3A_666 = vector.shape_cast %max3A_662 : vector<128xf32> to vector<1x128xf32>
      tpu.vector_store %arg13[%swap3A, %swap3A_663], %swap3A_666 {strides = array<i32>} : memref<64x128xf32, #tpu.memory_space<vmem>>, vector<1x128xf32>,
    } else {
    }
    %le3A_151 = arith.constant 9 : i32
    %le3A_152 = arith.cmpi sle, %get3A_67, %le3A_151 : i32
    %ge3A_153 = arith.constant 9 : i32
    %ge3A_154 = arith.cmpi sge, %get3A_72, %ge3A_153 : i32
    %and3A_155 = arith.andi %le3A_152, %ge3A_154 : i1
    %convert_element_type3A_156 = arith.extui %and3A_155 : i1 to i32
    %cond3A_157 = arith.constant 0xFF800000 : f32
    %cond3A_158 = arith.constant 0 : i32
    %cond3A_159 = arith.cmpi ne, %convert_element_type3A_156, %cond3A_158 : i32
    scf.if %cond3A_159 {
      %eq3A_651 = arith.constant 9 : i32
      %eq3A_652 = vector.broadcast %eq3A_651 : i32 to vector<1024x1xi32>
      %eq3A_653 = arith.cmpi eq, %get3A_60, %eq3A_652 : vector<1024x1xi32>
      %broadcast_in_dim3A_654 = vector.shape_cast %eq3A_653 : vector<1024x1xi1> to vector<1024x1xi1>
      %broadcast_in_dim3A_655 = vector.broadcast %broadcast_in_dim3A_654 : vector<1024x1xi1> to vector<1024x128xi1>
      %broadcast_in_dim3A_656 = vector.broadcast %cond3A_157 : f32 to vector<1024x128xf32>
      %select_n3A = arith.select %broadcast_in_dim3A_655, %div3A_55, %broadcast_in_dim3A_656 : vector<1024x128xi1>, vector<1024x128xf32>
      %reduce_max3A = arith.constant dense<0xFF800000> : vector<128xf32>
      %reduce_max3A_657 = vector.multi_reduction <maximumf>, %select_n3A, %reduce_max3A [0] : vector<1024x128xf32> to vector<128xf32>
      %get3A_658 = arith.constant 9 : index
      %get3A_659 = arith.constant 0 : index
      %get3A_660 = vector.load %arg13[%get3A_658, %get3A_659] : memref<64x128xf32, #tpu.memory_space<vmem>>, vector<1x128xf32>
      %get3A_661 = vector.shape_cast %get3A_660 : vector<1x128xf32> to vector<128xf32>
      %max3A_662 = arith.maximumf %get3A_661, %reduce_max3A_657 : vector<128xf32>
      %swap3A = arith.constant 9 : index
      %swap3A_663 = arith.constant 0 : index
      %swap3A_664 = vector.load %arg13[%swap3A, %swap3A_663] : memref<64x128xf32, #tpu.memory_space<vmem>>, vector<1x128xf32>
      %swap3A_665 = vector.shape_cast %swap3A_664 : vector<1x128xf32> to vector<128xf32>
      %swap3A_666 = vector.shape_cast %max3A_662 : vector<128xf32> to vector<1x128xf32>
      tpu.vector_store %arg13[%swap3A, %swap3A_663], %swap3A_666 {strides = array<i32>} : memref<64x128xf32, #tpu.memory_space<vmem>>, vector<1x128xf32>,
    } else {
    }
    %le3A_160 = arith.constant 10 : i32
    %le3A_161 = arith.cmpi sle, %get3A_67, %le3A_160 : i32
    %ge3A_162 = arith.constant 10 : i32
    %ge3A_163 = arith.cmpi sge, %get3A_72, %ge3A_162 : i32
    %and3A_164 = arith.andi %le3A_161, %ge3A_163 : i1
    %convert_element_type3A_165 = arith.extui %and3A_164 : i1 to i32
    %cond3A_166 = arith.constant 0xFF800000 : f32
    %cond3A_167 = arith.constant 0 : i32
    %cond3A_168 = arith.cmpi ne, %convert_element_type3A_165, %cond3A_167 : i32
    scf.if %cond3A_168 {
      %eq3A_651 = arith.constant 10 : i32
      %eq3A_652 = vector.broadcast %eq3A_651 : i32 to vector<1024x1xi32>
      %eq3A_653 = arith.cmpi eq, %get3A_60, %eq3A_652 : vector<1024x1xi32>
      %broadcast_in_dim3A_654 = vector.shape_cast %eq3A_653 : vector<1024x1xi1> to vector<1024x1xi1>
      %broadcast_in_dim3A_655 = vector.broadcast %broadcast_in_dim3A_654 : vector<1024x1xi1> to vector<1024x128xi1>
      %broadcast_in_dim3A_656 = vector.broadcast %cond3A_166 : f32 to vector<1024x128xf32>
      %select_n3A = arith.select %broadcast_in_dim3A_655, %div3A_55, %broadcast_in_dim3A_656 : vector<1024x128xi1>, vector<1024x128xf32>
      %reduce_max3A = arith.constant dense<0xFF800000> : vector<128xf32>
      %reduce_max3A_657 = vector.multi_reduction <maximumf>, %select_n3A, %reduce_max3A [0] : vector<1024x128xf32> to vector<128xf32>
      %get3A_658 = arith.constant 10 : index
      %get3A_659 = arith.constant 0 : index
      %get3A_660 = vector.load %arg13[%get3A_658, %get3A_659] : memref<64x128xf32, #tpu.memory_space<vmem>>, vector<1x128xf32>
      %get3A_661 = vector.shape_cast %get3A_660 : vector<1x128xf32> to vector<128xf32>
      %max3A_662 = arith.maximumf %get3A_661, %reduce_max3A_657 : vector<128xf32>
      %swap3A = arith.constant 10 : index
      %swap3A_663 = arith.constant 0 : index
      %swap3A_664 = vector.load %arg13[%swap3A, %swap3A_663] : memref<64x128xf32, #tpu.memory_space<vmem>>, vector<1x128xf32>
      %swap3A_665 = vector.shape_cast %swap3A_664 : vector<1x128xf32> to vector<128xf32>
      %swap3A_666 = vector.shape_cast %max3A_662 : vector<128xf32> to vector<1x128xf32>
      tpu.vector_store %arg13[%swap3A, %swap3A_663], %swap3A_666 {strides = array<i32>} : memref<64x128xf32, #tpu.memory_space<vmem>>, vector<1x128xf32>,
    } else {
    }
    %le3A_169 = arith.constant 11 : i32
    %le3A_170 = arith.cmpi sle, %get3A_67, %le3A_169 : i32
    %ge3A_171 = arith.constant 11 : i32
    %ge3A_172 = arith.cmpi sge, %get3A_72, %ge3A_171 : i32
    %and3A_173 = arith.andi %le3A_170, %ge3A_172 : i1
    %convert_element_type3A_174 = arith.extui %and3A_173 : i1 to i32
    %cond3A_175 = arith.constant 0xFF800000 : f32
    %cond3A_176 = arith.constant 0 : i32
    %cond3A_177 = arith.cmpi ne, %convert_element_type3A_174, %cond3A_176 : i32
    scf.if %cond3A_177 {
      %eq3A_651 = arith.constant 11 : i32
      %eq3A_652 = vector.broadcast %eq3A_651 : i32 to vector<1024x1xi32>
      %eq3A_653 = arith.cmpi eq, %get3A_60, %eq3A_652 : vector<1024x1xi32>
      %broadcast_in_dim3A_654 = vector.shape_cast %eq3A_653 : vector<1024x1xi1> to vector<1024x1xi1>
      %broadcast_in_dim3A_655 = vector.broadcast %broadcast_in_dim3A_654 : vector<1024x1xi1> to vector<1024x128xi1>
      %broadcast_in_dim3A_656 = vector.broadcast %cond3A_175 : f32 to vector<1024x128xf32>
      %select_n3A = arith.select %broadcast_in_dim3A_655, %div3A_55, %broadcast_in_dim3A_656 : vector<1024x128xi1>, vector<1024x128xf32>
      %reduce_max3A = arith.constant dense<0xFF800000> : vector<128xf32>
      %reduce_max3A_657 = vector.multi_reduction <maximumf>, %select_n3A, %reduce_max3A [0] : vector<1024x128xf32> to vector<128xf32>
      %get3A_658 = arith.constant 11 : index
      %get3A_659 = arith.constant 0 : index
      %get3A_660 = vector.load %arg13[%get3A_658, %get3A_659] : memref<64x128xf32, #tpu.memory_space<vmem>>, vector<1x128xf32>
      %get3A_661 = vector.shape_cast %get3A_660 : vector<1x128xf32> to vector<128xf32>
      %max3A_662 = arith.maximumf %get3A_661, %reduce_max3A_657 : vector<128xf32>
      %swap3A = arith.constant 11 : index
      %swap3A_663 = arith.constant 0 : index
      %swap3A_664 = vector.load %arg13[%swap3A, %swap3A_663] : memref<64x128xf32, #tpu.memory_space<vmem>>, vector<1x128xf32>
      %swap3A_665 = vector.shape_cast %swap3A_664 : vector<1x128xf32> to vector<128xf32>
      %swap3A_666 = vector.shape_cast %max3A_662 : vector<128xf32> to vector<1x128xf32>
      tpu.vector_store %arg13[%swap3A, %swap3A_663], %swap3A_666 {strides = array<i32>} : memref<64x128xf32, #tpu.memory_space<vmem>>, vector<1x128xf32>,
    } else {
    }
    %le3A_178 = arith.constant 12 : i32
    %le3A_179 = arith.cmpi sle, %get3A_67, %le3A_178 : i32
    %ge3A_180 = arith.constant 12 : i32
    %ge3A_181 = arith.cmpi sge, %get3A_72, %ge3A_180 : i32
    %and3A_182 = arith.andi %le3A_179, %ge3A_181 : i1
    %convert_element_type3A_183 = arith.extui %and3A_182 : i1 to i32
    %cond3A_184 = arith.constant 0xFF800000 : f32
    %cond3A_185 = arith.constant 0 : i32
    %cond3A_186 = arith.cmpi ne, %convert_element_type3A_183, %cond3A_185 : i32
    scf.if %cond3A_186 {
      %eq3A_651 = arith.constant 12 : i32
      %eq3A_652 = vector.broadcast %eq3A_651 : i32 to vector<1024x1xi32>
      %eq3A_653 = arith.cmpi eq, %get3A_60, %eq3A_652 : vector<1024x1xi32>
      %broadcast_in_dim3A_654 = vector.shape_cast %eq3A_653 : vector<1024x1xi1> to vector<1024x1xi1>
      %broadcast_in_dim3A_655 = vector.broadcast %broadcast_in_dim3A_654 : vector<1024x1xi1> to vector<1024x128xi1>
      %broadcast_in_dim3A_656 = vector.broadcast %cond3A_184 : f32 to vector<1024x128xf32>
      %select_n3A = arith.select %broadcast_in_dim3A_655, %div3A_55, %broadcast_in_dim3A_656 : vector<1024x128xi1>, vector<1024x128xf32>
      %reduce_max3A = arith.constant dense<0xFF800000> : vector<128xf32>
      %reduce_max3A_657 = vector.multi_reduction <maximumf>, %select_n3A, %reduce_max3A [0] : vector<1024x128xf32> to vector<128xf32>
      %get3A_658 = arith.constant 12 : index
      %get3A_659 = arith.constant 0 : index
      %get3A_660 = vector.load %arg13[%get3A_658, %get3A_659] : memref<64x128xf32, #tpu.memory_space<vmem>>, vector<1x128xf32>
      %get3A_661 = vector.shape_cast %get3A_660 : vector<1x128xf32> to vector<128xf32>
      %max3A_662 = arith.maximumf %get3A_661, %reduce_max3A_657 : vector<128xf32>
      %swap3A = arith.constant 12 : index
      %swap3A_663 = arith.constant 0 : index
      %swap3A_664 = vector.load %arg13[%swap3A, %swap3A_663] : memref<64x128xf32, #tpu.memory_space<vmem>>, vector<1x128xf32>
      %swap3A_665 = vector.shape_cast %swap3A_664 : vector<1x128xf32> to vector<128xf32>
      %swap3A_666 = vector.shape_cast %max3A_662 : vector<128xf32> to vector<1x128xf32>
      tpu.vector_store %arg13[%swap3A, %swap3A_663], %swap3A_666 {strides = array<i32>} : memref<64x128xf32, #tpu.memory_space<vmem>>, vector<1x128xf32>,
    } else {
    }
    %le3A_187 = arith.constant 13 : i32
    %le3A_188 = arith.cmpi sle, %get3A_67, %le3A_187 : i32
    %ge3A_189 = arith.constant 13 : i32
    %ge3A_190 = arith.cmpi sge, %get3A_72, %ge3A_189 : i32
    %and3A_191 = arith.andi %le3A_188, %ge3A_190 : i1
    %convert_element_type3A_192 = arith.extui %and3A_191 : i1 to i32
    %cond3A_193 = arith.constant 0xFF800000 : f32
    %cond3A_194 = arith.constant 0 : i32
    %cond3A_195 = arith.cmpi ne, %convert_element_type3A_192, %cond3A_194 : i32
    scf.if %cond3A_195 {
      %eq3A_651 = arith.constant 13 : i32
      %eq3A_652 = vector.broadcast %eq3A_651 : i32 to vector<1024x1xi32>
      %eq3A_653 = arith.cmpi eq, %get3A_60, %eq3A_652 : vector<1024x1xi32>
      %broadcast_in_dim3A_654 = vector.shape_cast %eq3A_653 : vector<1024x1xi1> to vector<1024x1xi1>
      %broadcast_in_dim3A_655 = vector.broadcast %broadcast_in_dim3A_654 : vector<1024x1xi1> to vector<1024x128xi1>
      %broadcast_in_dim3A_656 = vector.broadcast %cond3A_193 : f32 to vector<1024x128xf32>
      %select_n3A = arith.select %broadcast_in_dim3A_655, %div3A_55, %broadcast_in_dim3A_656 : vector<1024x128xi1>, vector<1024x128xf32>
      %reduce_max3A = arith.constant dense<0xFF800000> : vector<128xf32>
      %reduce_max3A_657 = vector.multi_reduction <maximumf>, %select_n3A, %reduce_max3A [0] : vector<1024x128xf32> to vector<128xf32>
      %get3A_658 = arith.constant 13 : index
      %get3A_659 = arith.constant 0 : index
      %get3A_660 = vector.load %arg13[%get3A_658, %get3A_659] : memref<64x128xf32, #tpu.memory_space<vmem>>, vector<1x128xf32>
      %get3A_661 = vector.shape_cast %get3A_660 : vector<1x128xf32> to vector<128xf32>
      %max3A_662 = arith.maximumf %get3A_661, %reduce_max3A_657 : vector<128xf32>
      %swap3A = arith.constant 13 : index
      %swap3A_663 = arith.constant 0 : index
      %swap3A_664 = vector.load %arg13[%swap3A, %swap3A_663] : memref<64x128xf32, #tpu.memory_space<vmem>>, vector<1x128xf32>
      %swap3A_665 = vector.shape_cast %swap3A_664 : vector<1x128xf32> to vector<128xf32>
      %swap3A_666 = vector.shape_cast %max3A_662 : vector<128xf32> to vector<1x128xf32>
      tpu.vector_store %arg13[%swap3A, %swap3A_663], %swap3A_666 {strides = array<i32>} : memref<64x128xf32, #tpu.memory_space<vmem>>, vector<1x128xf32>,
    } else {
    }
    %le3A_196 = arith.constant 14 : i32
    %le3A_197 = arith.cmpi sle, %get3A_67, %le3A_196 : i32
    %ge3A_198 = arith.constant 14 : i32
    %ge3A_199 = arith.cmpi sge, %get3A_72, %ge3A_198 : i32
    %and3A_200 = arith.andi %le3A_197, %ge3A_199 : i1
    %convert_element_type3A_201 = arith.extui %and3A_200 : i1 to i32
    %cond3A_202 = arith.constant 0xFF800000 : f32
    %cond3A_203 = arith.constant 0 : i32
    %cond3A_204 = arith.cmpi ne, %convert_element_type3A_201, %cond3A_203 : i32
    scf.if %cond3A_204 {
      %eq3A_651 = arith.constant 14 : i32
      %eq3A_652 = vector.broadcast %eq3A_651 : i32 to vector<1024x1xi32>
      %eq3A_653 = arith.cmpi eq, %get3A_60, %eq3A_652 : vector<1024x1xi32>
      %broadcast_in_dim3A_654 = vector.shape_cast %eq3A_653 : vector<1024x1xi1> to vector<1024x1xi1>
      %broadcast_in_dim3A_655 = vector.broadcast %broadcast_in_dim3A_654 : vector<1024x1xi1> to vector<1024x128xi1>
      %broadcast_in_dim3A_656 = vector.broadcast %cond3A_202 : f32 to vector<1024x128xf32>
      %select_n3A = arith.select %broadcast_in_dim3A_655, %div3A_55, %broadcast_in_dim3A_656 : vector<1024x128xi1>, vector<1024x128xf32>
      %reduce_max3A = arith.constant dense<0xFF800000> : vector<128xf32>
      %reduce_max3A_657 = vector.multi_reduction <maximumf>, %select_n3A, %reduce_max3A [0] : vector<1024x128xf32> to vector<128xf32>
      %get3A_658 = arith.constant 14 : index
      %get3A_659 = arith.constant 0 : index
      %get3A_660 = vector.load %arg13[%get3A_658, %get3A_659] : memref<64x128xf32, #tpu.memory_space<vmem>>, vector<1x128xf32>
      %get3A_661 = vector.shape_cast %get3A_660 : vector<1x128xf32> to vector<128xf32>
      %max3A_662 = arith.maximumf %get3A_661, %reduce_max3A_657 : vector<128xf32>
      %swap3A = arith.constant 14 : index
      %swap3A_663 = arith.constant 0 : index
      %swap3A_664 = vector.load %arg13[%swap3A, %swap3A_663] : memref<64x128xf32, #tpu.memory_space<vmem>>, vector<1x128xf32>
      %swap3A_665 = vector.shape_cast %swap3A_664 : vector<1x128xf32> to vector<128xf32>
      %swap3A_666 = vector.shape_cast %max3A_662 : vector<128xf32> to vector<1x128xf32>
      tpu.vector_store %arg13[%swap3A, %swap3A_663], %swap3A_666 {strides = array<i32>} : memref<64x128xf32, #tpu.memory_space<vmem>>, vector<1x128xf32>,
    } else {
    }
    %le3A_205 = arith.constant 15 : i32
    %le3A_206 = arith.cmpi sle, %get3A_67, %le3A_205 : i32
    %ge3A_207 = arith.constant 15 : i32
    %ge3A_208 = arith.cmpi sge, %get3A_72, %ge3A_207 : i32
    %and3A_209 = arith.andi %le3A_206, %ge3A_208 : i1
    %convert_element_type3A_210 = arith.extui %and3A_209 : i1 to i32
    %cond3A_211 = arith.constant 0xFF800000 : f32
    %cond3A_212 = arith.constant 0 : i32
    %cond3A_213 = arith.cmpi ne, %convert_element_type3A_210, %cond3A_212 : i32
    scf.if %cond3A_213 {
      %eq3A_651 = arith.constant 15 : i32
      %eq3A_652 = vector.broadcast %eq3A_651 : i32 to vector<1024x1xi32>
      %eq3A_653 = arith.cmpi eq, %get3A_60, %eq3A_652 : vector<1024x1xi32>
      %broadcast_in_dim3A_654 = vector.shape_cast %eq3A_653 : vector<1024x1xi1> to vector<1024x1xi1>
      %broadcast_in_dim3A_655 = vector.broadcast %broadcast_in_dim3A_654 : vector<1024x1xi1> to vector<1024x128xi1>
      %broadcast_in_dim3A_656 = vector.broadcast %cond3A_211 : f32 to vector<1024x128xf32>
      %select_n3A = arith.select %broadcast_in_dim3A_655, %div3A_55, %broadcast_in_dim3A_656 : vector<1024x128xi1>, vector<1024x128xf32>
      %reduce_max3A = arith.constant dense<0xFF800000> : vector<128xf32>
      %reduce_max3A_657 = vector.multi_reduction <maximumf>, %select_n3A, %reduce_max3A [0] : vector<1024x128xf32> to vector<128xf32>
      %get3A_658 = arith.constant 15 : index
      %get3A_659 = arith.constant 0 : index
      %get3A_660 = vector.load %arg13[%get3A_658, %get3A_659] : memref<64x128xf32, #tpu.memory_space<vmem>>, vector<1x128xf32>
      %get3A_661 = vector.shape_cast %get3A_660 : vector<1x128xf32> to vector<128xf32>
      %max3A_662 = arith.maximumf %get3A_661, %reduce_max3A_657 : vector<128xf32>
      %swap3A = arith.constant 15 : index
      %swap3A_663 = arith.constant 0 : index
      %swap3A_664 = vector.load %arg13[%swap3A, %swap3A_663] : memref<64x128xf32, #tpu.memory_space<vmem>>, vector<1x128xf32>
      %swap3A_665 = vector.shape_cast %swap3A_664 : vector<1x128xf32> to vector<128xf32>
      %swap3A_666 = vector.shape_cast %max3A_662 : vector<128xf32> to vector<1x128xf32>
      tpu.vector_store %arg13[%swap3A, %swap3A_663], %swap3A_666 {strides = array<i32>} : memref<64x128xf32, #tpu.memory_space<vmem>>, vector<1x128xf32>,
    } else {
    }
    %le3A_214 = arith.constant 16 : i32
    %le3A_215 = arith.cmpi sle, %get3A_67, %le3A_214 : i32
    %ge3A_216 = arith.constant 16 : i32
    %ge3A_217 = arith.cmpi sge, %get3A_72, %ge3A_216 : i32
    %and3A_218 = arith.andi %le3A_215, %ge3A_217 : i1
    %convert_element_type3A_219 = arith.extui %and3A_218 : i1 to i32
    %cond3A_220 = arith.constant 0xFF800000 : f32
    %cond3A_221 = arith.constant 0 : i32
    %cond3A_222 = arith.cmpi ne, %convert_element_type3A_219, %cond3A_221 : i32
    scf.if %cond3A_222 {
      %eq3A_651 = arith.constant 16 : i32
      %eq3A_652 = vector.broadcast %eq3A_651 : i32 to vector<1024x1xi32>
      %eq3A_653 = arith.cmpi eq, %get3A_60, %eq3A_652 : vector<1024x1xi32>
      %broadcast_in_dim3A_654 = vector.shape_cast %eq3A_653 : vector<1024x1xi1> to vector<1024x1xi1>
      %broadcast_in_dim3A_655 = vector.broadcast %broadcast_in_dim3A_654 : vector<1024x1xi1> to vector<1024x128xi1>
      %broadcast_in_dim3A_656 = vector.broadcast %cond3A_220 : f32 to vector<1024x128xf32>
      %select_n3A = arith.select %broadcast_in_dim3A_655, %div3A_55, %broadcast_in_dim3A_656 : vector<1024x128xi1>, vector<1024x128xf32>
      %reduce_max3A = arith.constant dense<0xFF800000> : vector<128xf32>
      %reduce_max3A_657 = vector.multi_reduction <maximumf>, %select_n3A, %reduce_max3A [0] : vector<1024x128xf32> to vector<128xf32>
      %get3A_658 = arith.constant 16 : index
      %get3A_659 = arith.constant 0 : index
      %get3A_660 = vector.load %arg13[%get3A_658, %get3A_659] : memref<64x128xf32, #tpu.memory_space<vmem>>, vector<1x128xf32>
      %get3A_661 = vector.shape_cast %get3A_660 : vector<1x128xf32> to vector<128xf32>
      %max3A_662 = arith.maximumf %get3A_661, %reduce_max3A_657 : vector<128xf32>
      %swap3A = arith.constant 16 : index
      %swap3A_663 = arith.constant 0 : index
      %swap3A_664 = vector.load %arg13[%swap3A, %swap3A_663] : memref<64x128xf32, #tpu.memory_space<vmem>>, vector<1x128xf32>
      %swap3A_665 = vector.shape_cast %swap3A_664 : vector<1x128xf32> to vector<128xf32>
      %swap3A_666 = vector.shape_cast %max3A_662 : vector<128xf32> to vector<1x128xf32>
      tpu.vector_store %arg13[%swap3A, %swap3A_663], %swap3A_666 {strides = array<i32>} : memref<64x128xf32, #tpu.memory_space<vmem>>, vector<1x128xf32>,
    } else {
    }
    %le3A_223 = arith.constant 17 : i32
    %le3A_224 = arith.cmpi sle, %get3A_67, %le3A_223 : i32
    %ge3A_225 = arith.constant 17 : i32
    %ge3A_226 = arith.cmpi sge, %get3A_72, %ge3A_225 : i32
    %and3A_227 = arith.andi %le3A_224, %ge3A_226 : i1
    %convert_element_type3A_228 = arith.extui %and3A_227 : i1 to i32
    %cond3A_229 = arith.constant 0xFF800000 : f32
    %cond3A_230 = arith.constant 0 : i32
    %cond3A_231 = arith.cmpi ne, %convert_element_type3A_228, %cond3A_230 : i32
    scf.if %cond3A_231 {
      %eq3A_651 = arith.constant 17 : i32
      %eq3A_652 = vector.broadcast %eq3A_651 : i32 to vector<1024x1xi32>
      %eq3A_653 = arith.cmpi eq, %get3A_60, %eq3A_652 : vector<1024x1xi32>
      %broadcast_in_dim3A_654 = vector.shape_cast %eq3A_653 : vector<1024x1xi1> to vector<1024x1xi1>
      %broadcast_in_dim3A_655 = vector.broadcast %broadcast_in_dim3A_654 : vector<1024x1xi1> to vector<1024x128xi1>
      %broadcast_in_dim3A_656 = vector.broadcast %cond3A_229 : f32 to vector<1024x128xf32>
      %select_n3A = arith.select %broadcast_in_dim3A_655, %div3A_55, %broadcast_in_dim3A_656 : vector<1024x128xi1>, vector<1024x128xf32>
      %reduce_max3A = arith.constant dense<0xFF800000> : vector<128xf32>
      %reduce_max3A_657 = vector.multi_reduction <maximumf>, %select_n3A, %reduce_max3A [0] : vector<1024x128xf32> to vector<128xf32>
      %get3A_658 = arith.constant 17 : index
      %get3A_659 = arith.constant 0 : index
      %get3A_660 = vector.load %arg13[%get3A_658, %get3A_659] : memref<64x128xf32, #tpu.memory_space<vmem>>, vector<1x128xf32>
      %get3A_661 = vector.shape_cast %get3A_660 : vector<1x128xf32> to vector<128xf32>
      %max3A_662 = arith.maximumf %get3A_661, %reduce_max3A_657 : vector<128xf32>
      %swap3A = arith.constant 17 : index
      %swap3A_663 = arith.constant 0 : index
      %swap3A_664 = vector.load %arg13[%swap3A, %swap3A_663] : memref<64x128xf32, #tpu.memory_space<vmem>>, vector<1x128xf32>
      %swap3A_665 = vector.shape_cast %swap3A_664 : vector<1x128xf32> to vector<128xf32>
      %swap3A_666 = vector.shape_cast %max3A_662 : vector<128xf32> to vector<1x128xf32>
      tpu.vector_store %arg13[%swap3A, %swap3A_663], %swap3A_666 {strides = array<i32>} : memref<64x128xf32, #tpu.memory_space<vmem>>, vector<1x128xf32>,
    } else {
    }
    %le3A_232 = arith.constant 18 : i32
    %le3A_233 = arith.cmpi sle, %get3A_67, %le3A_232 : i32
    %ge3A_234 = arith.constant 18 : i32
    %ge3A_235 = arith.cmpi sge, %get3A_72, %ge3A_234 : i32
    %and3A_236 = arith.andi %le3A_233, %ge3A_235 : i1
    %convert_element_type3A_237 = arith.extui %and3A_236 : i1 to i32
    %cond3A_238 = arith.constant 0xFF800000 : f32
    %cond3A_239 = arith.constant 0 : i32
    %cond3A_240 = arith.cmpi ne, %convert_element_type3A_237, %cond3A_239 : i32
    scf.if %cond3A_240 {
      %eq3A_651 = arith.constant 18 : i32
      %eq3A_652 = vector.broadcast %eq3A_651 : i32 to vector<1024x1xi32>
      %eq3A_653 = arith.cmpi eq, %get3A_60, %eq3A_652 : vector<1024x1xi32>
      %broadcast_in_dim3A_654 = vector.shape_cast %eq3A_653 : vector<1024x1xi1> to vector<1024x1xi1>
      %broadcast_in_dim3A_655 = vector.broadcast %broadcast_in_dim3A_654 : vector<1024x1xi1> to vector<1024x128xi1>
      %broadcast_in_dim3A_656 = vector.broadcast %cond3A_238 : f32 to vector<1024x128xf32>
      %select_n3A = arith.select %broadcast_in_dim3A_655, %div3A_55, %broadcast_in_dim3A_656 : vector<1024x128xi1>, vector<1024x128xf32>
      %reduce_max3A = arith.constant dense<0xFF800000> : vector<128xf32>
      %reduce_max3A_657 = vector.multi_reduction <maximumf>, %select_n3A, %reduce_max3A [0] : vector<1024x128xf32> to vector<128xf32>
      %get3A_658 = arith.constant 18 : index
      %get3A_659 = arith.constant 0 : index
      %get3A_660 = vector.load %arg13[%get3A_658, %get3A_659] : memref<64x128xf32, #tpu.memory_space<vmem>>, vector<1x128xf32>
      %get3A_661 = vector.shape_cast %get3A_660 : vector<1x128xf32> to vector<128xf32>
      %max3A_662 = arith.maximumf %get3A_661, %reduce_max3A_657 : vector<128xf32>
      %swap3A = arith.constant 18 : index
      %swap3A_663 = arith.constant 0 : index
      %swap3A_664 = vector.load %arg13[%swap3A, %swap3A_663] : memref<64x128xf32, #tpu.memory_space<vmem>>, vector<1x128xf32>
      %swap3A_665 = vector.shape_cast %swap3A_664 : vector<1x128xf32> to vector<128xf32>
      %swap3A_666 = vector.shape_cast %max3A_662 : vector<128xf32> to vector<1x128xf32>
      tpu.vector_store %arg13[%swap3A, %swap3A_663], %swap3A_666 {strides = array<i32>} : memref<64x128xf32, #tpu.memory_space<vmem>>, vector<1x128xf32>,
    } else {
    }
    %le3A_241 = arith.constant 19 : i32
    %le3A_242 = arith.cmpi sle, %get3A_67, %le3A_241 : i32
    %ge3A_243 = arith.constant 19 : i32
    %ge3A_244 = arith.cmpi sge, %get3A_72, %ge3A_243 : i32
    %and3A_245 = arith.andi %le3A_242, %ge3A_244 : i1
    %convert_element_type3A_246 = arith.extui %and3A_245 : i1 to i32
    %cond3A_247 = arith.constant 0xFF800000 : f32
    %cond3A_248 = arith.constant 0 : i32
    %cond3A_249 = arith.cmpi ne, %convert_element_type3A_246, %cond3A_248 : i32
    scf.if %cond3A_249 {
      %eq3A_651 = arith.constant 19 : i32
      %eq3A_652 = vector.broadcast %eq3A_651 : i32 to vector<1024x1xi32>
      %eq3A_653 = arith.cmpi eq, %get3A_60, %eq3A_652 : vector<1024x1xi32>
      %broadcast_in_dim3A_654 = vector.shape_cast %eq3A_653 : vector<1024x1xi1> to vector<1024x1xi1>
      %broadcast_in_dim3A_655 = vector.broadcast %broadcast_in_dim3A_654 : vector<1024x1xi1> to vector<1024x128xi1>
      %broadcast_in_dim3A_656 = vector.broadcast %cond3A_247 : f32 to vector<1024x128xf32>
      %select_n3A = arith.select %broadcast_in_dim3A_655, %div3A_55, %broadcast_in_dim3A_656 : vector<1024x128xi1>, vector<1024x128xf32>
      %reduce_max3A = arith.constant dense<0xFF800000> : vector<128xf32>
      %reduce_max3A_657 = vector.multi_reduction <maximumf>, %select_n3A, %reduce_max3A [0] : vector<1024x128xf32> to vector<128xf32>
      %get3A_658 = arith.constant 19 : index
      %get3A_659 = arith.constant 0 : index
      %get3A_660 = vector.load %arg13[%get3A_658, %get3A_659] : memref<64x128xf32, #tpu.memory_space<vmem>>, vector<1x128xf32>
      %get3A_661 = vector.shape_cast %get3A_660 : vector<1x128xf32> to vector<128xf32>
      %max3A_662 = arith.maximumf %get3A_661, %reduce_max3A_657 : vector<128xf32>
      %swap3A = arith.constant 19 : index
      %swap3A_663 = arith.constant 0 : index
      %swap3A_664 = vector.load %arg13[%swap3A, %swap3A_663] : memref<64x128xf32, #tpu.memory_space<vmem>>, vector<1x128xf32>
      %swap3A_665 = vector.shape_cast %swap3A_664 : vector<1x128xf32> to vector<128xf32>
      %swap3A_666 = vector.shape_cast %max3A_662 : vector<128xf32> to vector<1x128xf32>
      tpu.vector_store %arg13[%swap3A, %swap3A_663], %swap3A_666 {strides = array<i32>} : memref<64x128xf32, #tpu.memory_space<vmem>>, vector<1x128xf32>,
    } else {
    }
    %le3A_250 = arith.constant 20 : i32
    %le3A_251 = arith.cmpi sle, %get3A_67, %le3A_250 : i32
    %ge3A_252 = arith.constant 20 : i32
    %ge3A_253 = arith.cmpi sge, %get3A_72, %ge3A_252 : i32
    %and3A_254 = arith.andi %le3A_251, %ge3A_253 : i1
    %convert_element_type3A_255 = arith.extui %and3A_254 : i1 to i32
    %cond3A_256 = arith.constant 0xFF800000 : f32
    %cond3A_257 = arith.constant 0 : i32
    %cond3A_258 = arith.cmpi ne, %convert_element_type3A_255, %cond3A_257 : i32
    scf.if %cond3A_258 {
      %eq3A_651 = arith.constant 20 : i32
      %eq3A_652 = vector.broadcast %eq3A_651 : i32 to vector<1024x1xi32>
      %eq3A_653 = arith.cmpi eq, %get3A_60, %eq3A_652 : vector<1024x1xi32>
      %broadcast_in_dim3A_654 = vector.shape_cast %eq3A_653 : vector<1024x1xi1> to vector<1024x1xi1>
      %broadcast_in_dim3A_655 = vector.broadcast %broadcast_in_dim3A_654 : vector<1024x1xi1> to vector<1024x128xi1>
      %broadcast_in_dim3A_656 = vector.broadcast %cond3A_256 : f32 to vector<1024x128xf32>
      %select_n3A = arith.select %broadcast_in_dim3A_655, %div3A_55, %broadcast_in_dim3A_656 : vector<1024x128xi1>, vector<1024x128xf32>
      %reduce_max3A = arith.constant dense<0xFF800000> : vector<128xf32>
      %reduce_max3A_657 = vector.multi_reduction <maximumf>, %select_n3A, %reduce_max3A [0] : vector<1024x128xf32> to vector<128xf32>
      %get3A_658 = arith.constant 20 : index
      %get3A_659 = arith.constant 0 : index
      %get3A_660 = vector.load %arg13[%get3A_658, %get3A_659] : memref<64x128xf32, #tpu.memory_space<vmem>>, vector<1x128xf32>
      %get3A_661 = vector.shape_cast %get3A_660 : vector<1x128xf32> to vector<128xf32>
      %max3A_662 = arith.maximumf %get3A_661, %reduce_max3A_657 : vector<128xf32>
      %swap3A = arith.constant 20 : index
      %swap3A_663 = arith.constant 0 : index
      %swap3A_664 = vector.load %arg13[%swap3A, %swap3A_663] : memref<64x128xf32, #tpu.memory_space<vmem>>, vector<1x128xf32>
      %swap3A_665 = vector.shape_cast %swap3A_664 : vector<1x128xf32> to vector<128xf32>
      %swap3A_666 = vector.shape_cast %max3A_662 : vector<128xf32> to vector<1x128xf32>
      tpu.vector_store %arg13[%swap3A, %swap3A_663], %swap3A_666 {strides = array<i32>} : memref<64x128xf32, #tpu.memory_space<vmem>>, vector<1x128xf32>,
    } else {
    }
    %le3A_259 = arith.constant 21 : i32
    %le3A_260 = arith.cmpi sle, %get3A_67, %le3A_259 : i32
    %ge3A_261 = arith.constant 21 : i32
    %ge3A_262 = arith.cmpi sge, %get3A_72, %ge3A_261 : i32
    %and3A_263 = arith.andi %le3A_260, %ge3A_262 : i1
    %convert_element_type3A_264 = arith.extui %and3A_263 : i1 to i32
    %cond3A_265 = arith.constant 0xFF800000 : f32
    %cond3A_266 = arith.constant 0 : i32
    %cond3A_267 = arith.cmpi ne, %convert_element_type3A_264, %cond3A_266 : i32
    scf.if %cond3A_267 {
      %eq3A_651 = arith.constant 21 : i32
      %eq3A_652 = vector.broadcast %eq3A_651 : i32 to vector<1024x1xi32>
      %eq3A_653 = arith.cmpi eq, %get3A_60, %eq3A_652 : vector<1024x1xi32>
      %broadcast_in_dim3A_654 = vector.shape_cast %eq3A_653 : vector<1024x1xi1> to vector<1024x1xi1>
      %broadcast_in_dim3A_655 = vector.broadcast %broadcast_in_dim3A_654 : vector<1024x1xi1> to vector<1024x128xi1>
      %broadcast_in_dim3A_656 = vector.broadcast %cond3A_265 : f32 to vector<1024x128xf32>
      %select_n3A = arith.select %broadcast_in_dim3A_655, %div3A_55, %broadcast_in_dim3A_656 : vector<1024x128xi1>, vector<1024x128xf32>
      %reduce_max3A = arith.constant dense<0xFF800000> : vector<128xf32>
      %reduce_max3A_657 = vector.multi_reduction <maximumf>, %select_n3A, %reduce_max3A [0] : vector<1024x128xf32> to vector<128xf32>
      %get3A_658 = arith.constant 21 : index
      %get3A_659 = arith.constant 0 : index
      %get3A_660 = vector.load %arg13[%get3A_658, %get3A_659] : memref<64x128xf32, #tpu.memory_space<vmem>>, vector<1x128xf32>
      %get3A_661 = vector.shape_cast %get3A_660 : vector<1x128xf32> to vector<128xf32>
      %max3A_662 = arith.maximumf %get3A_661, %reduce_max3A_657 : vector<128xf32>
      %swap3A = arith.constant 21 : index
      %swap3A_663 = arith.constant 0 : index
      %swap3A_664 = vector.load %arg13[%swap3A, %swap3A_663] : memref<64x128xf32, #tpu.memory_space<vmem>>, vector<1x128xf32>
      %swap3A_665 = vector.shape_cast %swap3A_664 : vector<1x128xf32> to vector<128xf32>
      %swap3A_666 = vector.shape_cast %max3A_662 : vector<128xf32> to vector<1x128xf32>
      tpu.vector_store %arg13[%swap3A, %swap3A_663], %swap3A_666 {strides = array<i32>} : memref<64x128xf32, #tpu.memory_space<vmem>>, vector<1x128xf32>,
    } else {
    }
    %le3A_268 = arith.constant 22 : i32
    %le3A_269 = arith.cmpi sle, %get3A_67, %le3A_268 : i32
    %ge3A_270 = arith.constant 22 : i32
    %ge3A_271 = arith.cmpi sge, %get3A_72, %ge3A_270 : i32
    %and3A_272 = arith.andi %le3A_269, %ge3A_271 : i1
    %convert_element_type3A_273 = arith.extui %and3A_272 : i1 to i32
    %cond3A_274 = arith.constant 0xFF800000 : f32
    %cond3A_275 = arith.constant 0 : i32
    %cond3A_276 = arith.cmpi ne, %convert_element_type3A_273, %cond3A_275 : i32
    scf.if %cond3A_276 {
      %eq3A_651 = arith.constant 22 : i32
      %eq3A_652 = vector.broadcast %eq3A_651 : i32 to vector<1024x1xi32>
      %eq3A_653 = arith.cmpi eq, %get3A_60, %eq3A_652 : vector<1024x1xi32>
      %broadcast_in_dim3A_654 = vector.shape_cast %eq3A_653 : vector<1024x1xi1> to vector<1024x1xi1>
      %broadcast_in_dim3A_655 = vector.broadcast %broadcast_in_dim3A_654 : vector<1024x1xi1> to vector<1024x128xi1>
      %broadcast_in_dim3A_656 = vector.broadcast %cond3A_274 : f32 to vector<1024x128xf32>
      %select_n3A = arith.select %broadcast_in_dim3A_655, %div3A_55, %broadcast_in_dim3A_656 : vector<1024x128xi1>, vector<1024x128xf32>
      %reduce_max3A = arith.constant dense<0xFF800000> : vector<128xf32>
      %reduce_max3A_657 = vector.multi_reduction <maximumf>, %select_n3A, %reduce_max3A [0] : vector<1024x128xf32> to vector<128xf32>
      %get3A_658 = arith.constant 22 : index
      %get3A_659 = arith.constant 0 : index
      %get3A_660 = vector.load %arg13[%get3A_658, %get3A_659] : memref<64x128xf32, #tpu.memory_space<vmem>>, vector<1x128xf32>
      %get3A_661 = vector.shape_cast %get3A_660 : vector<1x128xf32> to vector<128xf32>
      %max3A_662 = arith.maximumf %get3A_661, %reduce_max3A_657 : vector<128xf32>
      %swap3A = arith.constant 22 : index
      %swap3A_663 = arith.constant 0 : index
      %swap3A_664 = vector.load %arg13[%swap3A, %swap3A_663] : memref<64x128xf32, #tpu.memory_space<vmem>>, vector<1x128xf32>
      %swap3A_665 = vector.shape_cast %swap3A_664 : vector<1x128xf32> to vector<128xf32>
      %swap3A_666 = vector.shape_cast %max3A_662 : vector<128xf32> to vector<1x128xf32>
      tpu.vector_store %arg13[%swap3A, %swap3A_663], %swap3A_666 {strides = array<i32>} : memref<64x128xf32, #tpu.memory_space<vmem>>, vector<1x128xf32>,
    } else {
    }
    %le3A_277 = arith.constant 23 : i32
    %le3A_278 = arith.cmpi sle, %get3A_67, %le3A_277 : i32
    %ge3A_279 = arith.constant 23 : i32
    %ge3A_280 = arith.cmpi sge, %get3A_72, %ge3A_279 : i32
    %and3A_281 = arith.andi %le3A_278, %ge3A_280 : i1
    %convert_element_type3A_282 = arith.extui %and3A_281 : i1 to i32
    %cond3A_283 = arith.constant 0xFF800000 : f32
    %cond3A_284 = arith.constant 0 : i32
    %cond3A_285 = arith.cmpi ne, %convert_element_type3A_282, %cond3A_284 : i32
    scf.if %cond3A_285 {
      %eq3A_651 = arith.constant 23 : i32
      %eq3A_652 = vector.broadcast %eq3A_651 : i32 to vector<1024x1xi32>
      %eq3A_653 = arith.cmpi eq, %get3A_60, %eq3A_652 : vector<1024x1xi32>
      %broadcast_in_dim3A_654 = vector.shape_cast %eq3A_653 : vector<1024x1xi1> to vector<1024x1xi1>
      %broadcast_in_dim3A_655 = vector.broadcast %broadcast_in_dim3A_654 : vector<1024x1xi1> to vector<1024x128xi1>
      %broadcast_in_dim3A_656 = vector.broadcast %cond3A_283 : f32 to vector<1024x128xf32>
      %select_n3A = arith.select %broadcast_in_dim3A_655, %div3A_55, %broadcast_in_dim3A_656 : vector<1024x128xi1>, vector<1024x128xf32>
      %reduce_max3A = arith.constant dense<0xFF800000> : vector<128xf32>
      %reduce_max3A_657 = vector.multi_reduction <maximumf>, %select_n3A, %reduce_max3A [0] : vector<1024x128xf32> to vector<128xf32>
      %get3A_658 = arith.constant 23 : index
      %get3A_659 = arith.constant 0 : index
      %get3A_660 = vector.load %arg13[%get3A_658, %get3A_659] : memref<64x128xf32, #tpu.memory_space<vmem>>, vector<1x128xf32>
      %get3A_661 = vector.shape_cast %get3A_660 : vector<1x128xf32> to vector<128xf32>
      %max3A_662 = arith.maximumf %get3A_661, %reduce_max3A_657 : vector<128xf32>
      %swap3A = arith.constant 23 : index
      %swap3A_663 = arith.constant 0 : index
      %swap3A_664 = vector.load %arg13[%swap3A, %swap3A_663] : memref<64x128xf32, #tpu.memory_space<vmem>>, vector<1x128xf32>
      %swap3A_665 = vector.shape_cast %swap3A_664 : vector<1x128xf32> to vector<128xf32>
      %swap3A_666 = vector.shape_cast %max3A_662 : vector<128xf32> to vector<1x128xf32>
      tpu.vector_store %arg13[%swap3A, %swap3A_663], %swap3A_666 {strides = array<i32>} : memref<64x128xf32, #tpu.memory_space<vmem>>, vector<1x128xf32>,
    } else {
    }
    %le3A_286 = arith.constant 24 : i32
    %le3A_287 = arith.cmpi sle, %get3A_67, %le3A_286 : i32
    %ge3A_288 = arith.constant 24 : i32
    %ge3A_289 = arith.cmpi sge, %get3A_72, %ge3A_288 : i32
    %and3A_290 = arith.andi %le3A_287, %ge3A_289 : i1
    %convert_element_type3A_291 = arith.extui %and3A_290 : i1 to i32
    %cond3A_292 = arith.constant 0xFF800000 : f32
    %cond3A_293 = arith.constant 0 : i32
    %cond3A_294 = arith.cmpi ne, %convert_element_type3A_291, %cond3A_293 : i32
    scf.if %cond3A_294 {
      %eq3A_651 = arith.constant 24 : i32
      %eq3A_652 = vector.broadcast %eq3A_651 : i32 to vector<1024x1xi32>
      %eq3A_653 = arith.cmpi eq, %get3A_60, %eq3A_652 : vector<1024x1xi32>
      %broadcast_in_dim3A_654 = vector.shape_cast %eq3A_653 : vector<1024x1xi1> to vector<1024x1xi1>
      %broadcast_in_dim3A_655 = vector.broadcast %broadcast_in_dim3A_654 : vector<1024x1xi1> to vector<1024x128xi1>
      %broadcast_in_dim3A_656 = vector.broadcast %cond3A_292 : f32 to vector<1024x128xf32>
      %select_n3A = arith.select %broadcast_in_dim3A_655, %div3A_55, %broadcast_in_dim3A_656 : vector<1024x128xi1>, vector<1024x128xf32>
      %reduce_max3A = arith.constant dense<0xFF800000> : vector<128xf32>
      %reduce_max3A_657 = vector.multi_reduction <maximumf>, %select_n3A, %reduce_max3A [0] : vector<1024x128xf32> to vector<128xf32>
      %get3A_658 = arith.constant 24 : index
      %get3A_659 = arith.constant 0 : index
      %get3A_660 = vector.load %arg13[%get3A_658, %get3A_659] : memref<64x128xf32, #tpu.memory_space<vmem>>, vector<1x128xf32>
      %get3A_661 = vector.shape_cast %get3A_660 : vector<1x128xf32> to vector<128xf32>
      %max3A_662 = arith.maximumf %get3A_661, %reduce_max3A_657 : vector<128xf32>
      %swap3A = arith.constant 24 : index
      %swap3A_663 = arith.constant 0 : index
      %swap3A_664 = vector.load %arg13[%swap3A, %swap3A_663] : memref<64x128xf32, #tpu.memory_space<vmem>>, vector<1x128xf32>
      %swap3A_665 = vector.shape_cast %swap3A_664 : vector<1x128xf32> to vector<128xf32>
      %swap3A_666 = vector.shape_cast %max3A_662 : vector<128xf32> to vector<1x128xf32>
      tpu.vector_store %arg13[%swap3A, %swap3A_663], %swap3A_666 {strides = array<i32>} : memref<64x128xf32, #tpu.memory_space<vmem>>, vector<1x128xf32>,
    } else {
    }
    %le3A_295 = arith.constant 25 : i32
    %le3A_296 = arith.cmpi sle, %get3A_67, %le3A_295 : i32
    %ge3A_297 = arith.constant 25 : i32
    %ge3A_298 = arith.cmpi sge, %get3A_72, %ge3A_297 : i32
    %and3A_299 = arith.andi %le3A_296, %ge3A_298 : i1
    %convert_element_type3A_300 = arith.extui %and3A_299 : i1 to i32
    %cond3A_301 = arith.constant 0xFF800000 : f32
    %cond3A_302 = arith.constant 0 : i32
    %cond3A_303 = arith.cmpi ne, %convert_element_type3A_300, %cond3A_302 : i32
    scf.if %cond3A_303 {
      %eq3A_651 = arith.constant 25 : i32
      %eq3A_652 = vector.broadcast %eq3A_651 : i32 to vector<1024x1xi32>
      %eq3A_653 = arith.cmpi eq, %get3A_60, %eq3A_652 : vector<1024x1xi32>
      %broadcast_in_dim3A_654 = vector.shape_cast %eq3A_653 : vector<1024x1xi1> to vector<1024x1xi1>
      %broadcast_in_dim3A_655 = vector.broadcast %broadcast_in_dim3A_654 : vector<1024x1xi1> to vector<1024x128xi1>
      %broadcast_in_dim3A_656 = vector.broadcast %cond3A_301 : f32 to vector<1024x128xf32>
      %select_n3A = arith.select %broadcast_in_dim3A_655, %div3A_55, %broadcast_in_dim3A_656 : vector<1024x128xi1>, vector<1024x128xf32>
      %reduce_max3A = arith.constant dense<0xFF800000> : vector<128xf32>
      %reduce_max3A_657 = vector.multi_reduction <maximumf>, %select_n3A, %reduce_max3A [0] : vector<1024x128xf32> to vector<128xf32>
      %get3A_658 = arith.constant 25 : index
      %get3A_659 = arith.constant 0 : index
      %get3A_660 = vector.load %arg13[%get3A_658, %get3A_659] : memref<64x128xf32, #tpu.memory_space<vmem>>, vector<1x128xf32>
      %get3A_661 = vector.shape_cast %get3A_660 : vector<1x128xf32> to vector<128xf32>
      %max3A_662 = arith.maximumf %get3A_661, %reduce_max3A_657 : vector<128xf32>
      %swap3A = arith.constant 25 : index
      %swap3A_663 = arith.constant 0 : index
      %swap3A_664 = vector.load %arg13[%swap3A, %swap3A_663] : memref<64x128xf32, #tpu.memory_space<vmem>>, vector<1x128xf32>
      %swap3A_665 = vector.shape_cast %swap3A_664 : vector<1x128xf32> to vector<128xf32>
      %swap3A_666 = vector.shape_cast %max3A_662 : vector<128xf32> to vector<1x128xf32>
      tpu.vector_store %arg13[%swap3A, %swap3A_663], %swap3A_666 {strides = array<i32>} : memref<64x128xf32, #tpu.memory_space<vmem>>, vector<1x128xf32>,
    } else {
    }
    %le3A_304 = arith.constant 26 : i32
    %le3A_305 = arith.cmpi sle, %get3A_67, %le3A_304 : i32
    %ge3A_306 = arith.constant 26 : i32
    %ge3A_307 = arith.cmpi sge, %get3A_72, %ge3A_306 : i32
    %and3A_308 = arith.andi %le3A_305, %ge3A_307 : i1
    %convert_element_type3A_309 = arith.extui %and3A_308 : i1 to i32
    %cond3A_310 = arith.constant 0xFF800000 : f32
    %cond3A_311 = arith.constant 0 : i32
    %cond3A_312 = arith.cmpi ne, %convert_element_type3A_309, %cond3A_311 : i32
    scf.if %cond3A_312 {
      %eq3A_651 = arith.constant 26 : i32
      %eq3A_652 = vector.broadcast %eq3A_651 : i32 to vector<1024x1xi32>
      %eq3A_653 = arith.cmpi eq, %get3A_60, %eq3A_652 : vector<1024x1xi32>
      %broadcast_in_dim3A_654 = vector.shape_cast %eq3A_653 : vector<1024x1xi1> to vector<1024x1xi1>
      %broadcast_in_dim3A_655 = vector.broadcast %broadcast_in_dim3A_654 : vector<1024x1xi1> to vector<1024x128xi1>
      %broadcast_in_dim3A_656 = vector.broadcast %cond3A_310 : f32 to vector<1024x128xf32>
      %select_n3A = arith.select %broadcast_in_dim3A_655, %div3A_55, %broadcast_in_dim3A_656 : vector<1024x128xi1>, vector<1024x128xf32>
      %reduce_max3A = arith.constant dense<0xFF800000> : vector<128xf32>
      %reduce_max3A_657 = vector.multi_reduction <maximumf>, %select_n3A, %reduce_max3A [0] : vector<1024x128xf32> to vector<128xf32>
      %get3A_658 = arith.constant 26 : index
      %get3A_659 = arith.constant 0 : index
      %get3A_660 = vector.load %arg13[%get3A_658, %get3A_659] : memref<64x128xf32, #tpu.memory_space<vmem>>, vector<1x128xf32>
      %get3A_661 = vector.shape_cast %get3A_660 : vector<1x128xf32> to vector<128xf32>
      %max3A_662 = arith.maximumf %get3A_661, %reduce_max3A_657 : vector<128xf32>
      %swap3A = arith.constant 26 : index
      %swap3A_663 = arith.constant 0 : index
      %swap3A_664 = vector.load %arg13[%swap3A, %swap3A_663] : memref<64x128xf32, #tpu.memory_space<vmem>>, vector<1x128xf32>
      %swap3A_665 = vector.shape_cast %swap3A_664 : vector<1x128xf32> to vector<128xf32>
      %swap3A_666 = vector.shape_cast %max3A_662 : vector<128xf32> to vector<1x128xf32>
      tpu.vector_store %arg13[%swap3A, %swap3A_663], %swap3A_666 {strides = array<i32>} : memref<64x128xf32, #tpu.memory_space<vmem>>, vector<1x128xf32>,
    } else {
    }
    %le3A_313 = arith.constant 27 : i32
    %le3A_314 = arith.cmpi sle, %get3A_67, %le3A_313 : i32
    %ge3A_315 = arith.constant 27 : i32
    %ge3A_316 = arith.cmpi sge, %get3A_72, %ge3A_315 : i32
    %and3A_317 = arith.andi %le3A_314, %ge3A_316 : i1
    %convert_element_type3A_318 = arith.extui %and3A_317 : i1 to i32
    %cond3A_319 = arith.constant 0xFF800000 : f32
    %cond3A_320 = arith.constant 0 : i32
    %cond3A_321 = arith.cmpi ne, %convert_element_type3A_318, %cond3A_320 : i32
    scf.if %cond3A_321 {
      %eq3A_651 = arith.constant 27 : i32
      %eq3A_652 = vector.broadcast %eq3A_651 : i32 to vector<1024x1xi32>
      %eq3A_653 = arith.cmpi eq, %get3A_60, %eq3A_652 : vector<1024x1xi32>
      %broadcast_in_dim3A_654 = vector.shape_cast %eq3A_653 : vector<1024x1xi1> to vector<1024x1xi1>
      %broadcast_in_dim3A_655 = vector.broadcast %broadcast_in_dim3A_654 : vector<1024x1xi1> to vector<1024x128xi1>
      %broadcast_in_dim3A_656 = vector.broadcast %cond3A_319 : f32 to vector<1024x128xf32>
      %select_n3A = arith.select %broadcast_in_dim3A_655, %div3A_55, %broadcast_in_dim3A_656 : vector<1024x128xi1>, vector<1024x128xf32>
      %reduce_max3A = arith.constant dense<0xFF800000> : vector<128xf32>
      %reduce_max3A_657 = vector.multi_reduction <maximumf>, %select_n3A, %reduce_max3A [0] : vector<1024x128xf32> to vector<128xf32>
      %get3A_658 = arith.constant 27 : index
      %get3A_659 = arith.constant 0 : index
      %get3A_660 = vector.load %arg13[%get3A_658, %get3A_659] : memref<64x128xf32, #tpu.memory_space<vmem>>, vector<1x128xf32>
      %get3A_661 = vector.shape_cast %get3A_660 : vector<1x128xf32> to vector<128xf32>
      %max3A_662 = arith.maximumf %get3A_661, %reduce_max3A_657 : vector<128xf32>
      %swap3A = arith.constant 27 : index
      %swap3A_663 = arith.constant 0 : index
      %swap3A_664 = vector.load %arg13[%swap3A, %swap3A_663] : memref<64x128xf32, #tpu.memory_space<vmem>>, vector<1x128xf32>
      %swap3A_665 = vector.shape_cast %swap3A_664 : vector<1x128xf32> to vector<128xf32>
      %swap3A_666 = vector.shape_cast %max3A_662 : vector<128xf32> to vector<1x128xf32>
      tpu.vector_store %arg13[%swap3A, %swap3A_663], %swap3A_666 {strides = array<i32>} : memref<64x128xf32, #tpu.memory_space<vmem>>, vector<1x128xf32>,
    } else {
    }
    %le3A_322 = arith.constant 28 : i32
    %le3A_323 = arith.cmpi sle, %get3A_67, %le3A_322 : i32
    %ge3A_324 = arith.constant 28 : i32
    %ge3A_325 = arith.cmpi sge, %get3A_72, %ge3A_324 : i32
    %and3A_326 = arith.andi %le3A_323, %ge3A_325 : i1
    %convert_element_type3A_327 = arith.extui %and3A_326 : i1 to i32
    %cond3A_328 = arith.constant 0xFF800000 : f32
    %cond3A_329 = arith.constant 0 : i32
    %cond3A_330 = arith.cmpi ne, %convert_element_type3A_327, %cond3A_329 : i32
    scf.if %cond3A_330 {
      %eq3A_651 = arith.constant 28 : i32
      %eq3A_652 = vector.broadcast %eq3A_651 : i32 to vector<1024x1xi32>
      %eq3A_653 = arith.cmpi eq, %get3A_60, %eq3A_652 : vector<1024x1xi32>
      %broadcast_in_dim3A_654 = vector.shape_cast %eq3A_653 : vector<1024x1xi1> to vector<1024x1xi1>
      %broadcast_in_dim3A_655 = vector.broadcast %broadcast_in_dim3A_654 : vector<1024x1xi1> to vector<1024x128xi1>
      %broadcast_in_dim3A_656 = vector.broadcast %cond3A_328 : f32 to vector<1024x128xf32>
      %select_n3A = arith.select %broadcast_in_dim3A_655, %div3A_55, %broadcast_in_dim3A_656 : vector<1024x128xi1>, vector<1024x128xf32>
      %reduce_max3A = arith.constant dense<0xFF800000> : vector<128xf32>
      %reduce_max3A_657 = vector.multi_reduction <maximumf>, %select_n3A, %reduce_max3A [0] : vector<1024x128xf32> to vector<128xf32>
      %get3A_658 = arith.constant 28 : index
      %get3A_659 = arith.constant 0 : index
      %get3A_660 = vector.load %arg13[%get3A_658, %get3A_659] : memref<64x128xf32, #tpu.memory_space<vmem>>, vector<1x128xf32>
      %get3A_661 = vector.shape_cast %get3A_660 : vector<1x128xf32> to vector<128xf32>
      %max3A_662 = arith.maximumf %get3A_661, %reduce_max3A_657 : vector<128xf32>
      %swap3A = arith.constant 28 : index
      %swap3A_663 = arith.constant 0 : index
      %swap3A_664 = vector.load %arg13[%swap3A, %swap3A_663] : memref<64x128xf32, #tpu.memory_space<vmem>>, vector<1x128xf32>
      %swap3A_665 = vector.shape_cast %swap3A_664 : vector<1x128xf32> to vector<128xf32>
      %swap3A_666 = vector.shape_cast %max3A_662 : vector<128xf32> to vector<1x128xf32>
      tpu.vector_store %arg13[%swap3A, %swap3A_663], %swap3A_666 {strides = array<i32>} : memref<64x128xf32, #tpu.memory_space<vmem>>, vector<1x128xf32>,
    } else {
    }
    %le3A_331 = arith.constant 29 : i32
    %le3A_332 = arith.cmpi sle, %get3A_67, %le3A_331 : i32
    %ge3A_333 = arith.constant 29 : i32
    %ge3A_334 = arith.cmpi sge, %get3A_72, %ge3A_333 : i32
    %and3A_335 = arith.andi %le3A_332, %ge3A_334 : i1
    %convert_element_type3A_336 = arith.extui %and3A_335 : i1 to i32
    %cond3A_337 = arith.constant 0xFF800000 : f32
    %cond3A_338 = arith.constant 0 : i32
    %cond3A_339 = arith.cmpi ne, %convert_element_type3A_336, %cond3A_338 : i32
    scf.if %cond3A_339 {
      %eq3A_651 = arith.constant 29 : i32
      %eq3A_652 = vector.broadcast %eq3A_651 : i32 to vector<1024x1xi32>
      %eq3A_653 = arith.cmpi eq, %get3A_60, %eq3A_652 : vector<1024x1xi32>
      %broadcast_in_dim3A_654 = vector.shape_cast %eq3A_653 : vector<1024x1xi1> to vector<1024x1xi1>
      %broadcast_in_dim3A_655 = vector.broadcast %broadcast_in_dim3A_654 : vector<1024x1xi1> to vector<1024x128xi1>
      %broadcast_in_dim3A_656 = vector.broadcast %cond3A_337 : f32 to vector<1024x128xf32>
      %select_n3A = arith.select %broadcast_in_dim3A_655, %div3A_55, %broadcast_in_dim3A_656 : vector<1024x128xi1>, vector<1024x128xf32>
      %reduce_max3A = arith.constant dense<0xFF800000> : vector<128xf32>
      %reduce_max3A_657 = vector.multi_reduction <maximumf>, %select_n3A, %reduce_max3A [0] : vector<1024x128xf32> to vector<128xf32>
      %get3A_658 = arith.constant 29 : index
      %get3A_659 = arith.constant 0 : index
      %get3A_660 = vector.load %arg13[%get3A_658, %get3A_659] : memref<64x128xf32, #tpu.memory_space<vmem>>, vector<1x128xf32>
      %get3A_661 = vector.shape_cast %get3A_660 : vector<1x128xf32> to vector<128xf32>
      %max3A_662 = arith.maximumf %get3A_661, %reduce_max3A_657 : vector<128xf32>
      %swap3A = arith.constant 29 : index
      %swap3A_663 = arith.constant 0 : index
      %swap3A_664 = vector.load %arg13[%swap3A, %swap3A_663] : memref<64x128xf32, #tpu.memory_space<vmem>>, vector<1x128xf32>
      %swap3A_665 = vector.shape_cast %swap3A_664 : vector<1x128xf32> to vector<128xf32>
      %swap3A_666 = vector.shape_cast %max3A_662 : vector<128xf32> to vector<1x128xf32>
      tpu.vector_store %arg13[%swap3A, %swap3A_663], %swap3A_666 {strides = array<i32>} : memref<64x128xf32, #tpu.memory_space<vmem>>, vector<1x128xf32>,
    } else {
    }
    %le3A_340 = arith.constant 30 : i32
    %le3A_341 = arith.cmpi sle, %get3A_67, %le3A_340 : i32
    %ge3A_342 = arith.constant 30 : i32
    %ge3A_343 = arith.cmpi sge, %get3A_72, %ge3A_342 : i32
    %and3A_344 = arith.andi %le3A_341, %ge3A_343 : i1
    %convert_element_type3A_345 = arith.extui %and3A_344 : i1 to i32
    %cond3A_346 = arith.constant 0xFF800000 : f32
    %cond3A_347 = arith.constant 0 : i32
    %cond3A_348 = arith.cmpi ne, %convert_element_type3A_345, %cond3A_347 : i32
    scf.if %cond3A_348 {
      %eq3A_651 = arith.constant 30 : i32
      %eq3A_652 = vector.broadcast %eq3A_651 : i32 to vector<1024x1xi32>
      %eq3A_653 = arith.cmpi eq, %get3A_60, %eq3A_652 : vector<1024x1xi32>
      %broadcast_in_dim3A_654 = vector.shape_cast %eq3A_653 : vector<1024x1xi1> to vector<1024x1xi1>
      %broadcast_in_dim3A_655 = vector.broadcast %broadcast_in_dim3A_654 : vector<1024x1xi1> to vector<1024x128xi1>
      %broadcast_in_dim3A_656 = vector.broadcast %cond3A_346 : f32 to vector<1024x128xf32>
      %select_n3A = arith.select %broadcast_in_dim3A_655, %div3A_55, %broadcast_in_dim3A_656 : vector<1024x128xi1>, vector<1024x128xf32>
      %reduce_max3A = arith.constant dense<0xFF800000> : vector<128xf32>
      %reduce_max3A_657 = vector.multi_reduction <maximumf>, %select_n3A, %reduce_max3A [0] : vector<1024x128xf32> to vector<128xf32>
      %get3A_658 = arith.constant 30 : index
      %get3A_659 = arith.constant 0 : index
      %get3A_660 = vector.load %arg13[%get3A_658, %get3A_659] : memref<64x128xf32, #tpu.memory_space<vmem>>, vector<1x128xf32>
      %get3A_661 = vector.shape_cast %get3A_660 : vector<1x128xf32> to vector<128xf32>
      %max3A_662 = arith.maximumf %get3A_661, %reduce_max3A_657 : vector<128xf32>
      %swap3A = arith.constant 30 : index
      %swap3A_663 = arith.constant 0 : index
      %swap3A_664 = vector.load %arg13[%swap3A, %swap3A_663] : memref<64x128xf32, #tpu.memory_space<vmem>>, vector<1x128xf32>
      %swap3A_665 = vector.shape_cast %swap3A_664 : vector<1x128xf32> to vector<128xf32>
      %swap3A_666 = vector.shape_cast %max3A_662 : vector<128xf32> to vector<1x128xf32>
      tpu.vector_store %arg13[%swap3A, %swap3A_663], %swap3A_666 {strides = array<i32>} : memref<64x128xf32, #tpu.memory_space<vmem>>, vector<1x128xf32>,
    } else {
    }
    %le3A_349 = arith.constant 31 : i32
    %le3A_350 = arith.cmpi sle, %get3A_67, %le3A_349 : i32
    %ge3A_351 = arith.constant 31 : i32
    %ge3A_352 = arith.cmpi sge, %get3A_72, %ge3A_351 : i32
    %and3A_353 = arith.andi %le3A_350, %ge3A_352 : i1
    %convert_element_type3A_354 = arith.extui %and3A_353 : i1 to i32
    %cond3A_355 = arith.constant 0xFF800000 : f32
    %cond3A_356 = arith.constant 0 : i32
    %cond3A_357 = arith.cmpi ne, %convert_element_type3A_354, %cond3A_356 : i32
    scf.if %cond3A_357 {
      %eq3A_651 = arith.constant 31 : i32
      %eq3A_652 = vector.broadcast %eq3A_651 : i32 to vector<1024x1xi32>
      %eq3A_653 = arith.cmpi eq, %get3A_60, %eq3A_652 : vector<1024x1xi32>
      %broadcast_in_dim3A_654 = vector.shape_cast %eq3A_653 : vector<1024x1xi1> to vector<1024x1xi1>
      %broadcast_in_dim3A_655 = vector.broadcast %broadcast_in_dim3A_654 : vector<1024x1xi1> to vector<1024x128xi1>
      %broadcast_in_dim3A_656 = vector.broadcast %cond3A_355 : f32 to vector<1024x128xf32>
      %select_n3A = arith.select %broadcast_in_dim3A_655, %div3A_55, %broadcast_in_dim3A_656 : vector<1024x128xi1>, vector<1024x128xf32>
      %reduce_max3A = arith.constant dense<0xFF800000> : vector<128xf32>
      %reduce_max3A_657 = vector.multi_reduction <maximumf>, %select_n3A, %reduce_max3A [0] : vector<1024x128xf32> to vector<128xf32>
      %get3A_658 = arith.constant 31 : index
      %get3A_659 = arith.constant 0 : index
      %get3A_660 = vector.load %arg13[%get3A_658, %get3A_659] : memref<64x128xf32, #tpu.memory_space<vmem>>, vector<1x128xf32>
      %get3A_661 = vector.shape_cast %get3A_660 : vector<1x128xf32> to vector<128xf32>
      %max3A_662 = arith.maximumf %get3A_661, %reduce_max3A_657 : vector<128xf32>
      %swap3A = arith.constant 31 : index
      %swap3A_663 = arith.constant 0 : index
      %swap3A_664 = vector.load %arg13[%swap3A, %swap3A_663] : memref<64x128xf32, #tpu.memory_space<vmem>>, vector<1x128xf32>
      %swap3A_665 = vector.shape_cast %swap3A_664 : vector<1x128xf32> to vector<128xf32>
      %swap3A_666 = vector.shape_cast %max3A_662 : vector<128xf32> to vector<1x128xf32>
      tpu.vector_store %arg13[%swap3A, %swap3A_663], %swap3A_666 {strides = array<i32>} : memref<64x128xf32, #tpu.memory_space<vmem>>, vector<1x128xf32>,
    } else {
    }
    %le3A_358 = arith.constant 32 : i32
    %le3A_359 = arith.cmpi sle, %get3A_67, %le3A_358 : i32
    %ge3A_360 = arith.constant 32 : i32
    %ge3A_361 = arith.cmpi sge, %get3A_72, %ge3A_360 : i32
    %and3A_362 = arith.andi %le3A_359, %ge3A_361 : i1
    %convert_element_type3A_363 = arith.extui %and3A_362 : i1 to i32
    %cond3A_364 = arith.constant 0xFF800000 : f32
    %cond3A_365 = arith.constant 0 : i32
    %cond3A_366 = arith.cmpi ne, %convert_element_type3A_363, %cond3A_365 : i32
    scf.if %cond3A_366 {
      %eq3A_651 = arith.constant 32 : i32
      %eq3A_652 = vector.broadcast %eq3A_651 : i32 to vector<1024x1xi32>
      %eq3A_653 = arith.cmpi eq, %get3A_60, %eq3A_652 : vector<1024x1xi32>
      %broadcast_in_dim3A_654 = vector.shape_cast %eq3A_653 : vector<1024x1xi1> to vector<1024x1xi1>
      %broadcast_in_dim3A_655 = vector.broadcast %broadcast_in_dim3A_654 : vector<1024x1xi1> to vector<1024x128xi1>
      %broadcast_in_dim3A_656 = vector.broadcast %cond3A_364 : f32 to vector<1024x128xf32>
      %select_n3A = arith.select %broadcast_in_dim3A_655, %div3A_55, %broadcast_in_dim3A_656 : vector<1024x128xi1>, vector<1024x128xf32>
      %reduce_max3A = arith.constant dense<0xFF800000> : vector<128xf32>
      %reduce_max3A_657 = vector.multi_reduction <maximumf>, %select_n3A, %reduce_max3A [0] : vector<1024x128xf32> to vector<128xf32>
      %get3A_658 = arith.constant 32 : index
      %get3A_659 = arith.constant 0 : index
      %get3A_660 = vector.load %arg13[%get3A_658, %get3A_659] : memref<64x128xf32, #tpu.memory_space<vmem>>, vector<1x128xf32>
      %get3A_661 = vector.shape_cast %get3A_660 : vector<1x128xf32> to vector<128xf32>
      %max3A_662 = arith.maximumf %get3A_661, %reduce_max3A_657 : vector<128xf32>
      %swap3A = arith.constant 32 : index
      %swap3A_663 = arith.constant 0 : index
      %swap3A_664 = vector.load %arg13[%swap3A, %swap3A_663] : memref<64x128xf32, #tpu.memory_space<vmem>>, vector<1x128xf32>
      %swap3A_665 = vector.shape_cast %swap3A_664 : vector<1x128xf32> to vector<128xf32>
      %swap3A_666 = vector.shape_cast %max3A_662 : vector<128xf32> to vector<1x128xf32>
      tpu.vector_store %arg13[%swap3A, %swap3A_663], %swap3A_666 {strides = array<i32>} : memref<64x128xf32, #tpu.memory_space<vmem>>, vector<1x128xf32>,
    } else {
    }
    %le3A_367 = arith.constant 33 : i32
    %le3A_368 = arith.cmpi sle, %get3A_67, %le3A_367 : i32
    %ge3A_369 = arith.constant 33 : i32
    %ge3A_370 = arith.cmpi sge, %get3A_72, %ge3A_369 : i32
    %and3A_371 = arith.andi %le3A_368, %ge3A_370 : i1
    %convert_element_type3A_372 = arith.extui %and3A_371 : i1 to i32
    %cond3A_373 = arith.constant 0xFF800000 : f32
    %cond3A_374 = arith.constant 0 : i32
    %cond3A_375 = arith.cmpi ne, %convert_element_type3A_372, %cond3A_374 : i32
    scf.if %cond3A_375 {
      %eq3A_651 = arith.constant 33 : i32
      %eq3A_652 = vector.broadcast %eq3A_651 : i32 to vector<1024x1xi32>
      %eq3A_653 = arith.cmpi eq, %get3A_60, %eq3A_652 : vector<1024x1xi32>
      %broadcast_in_dim3A_654 = vector.shape_cast %eq3A_653 : vector<1024x1xi1> to vector<1024x1xi1>
      %broadcast_in_dim3A_655 = vector.broadcast %broadcast_in_dim3A_654 : vector<1024x1xi1> to vector<1024x128xi1>
      %broadcast_in_dim3A_656 = vector.broadcast %cond3A_373 : f32 to vector<1024x128xf32>
      %select_n3A = arith.select %broadcast_in_dim3A_655, %div3A_55, %broadcast_in_dim3A_656 : vector<1024x128xi1>, vector<1024x128xf32>
      %reduce_max3A = arith.constant dense<0xFF800000> : vector<128xf32>
      %reduce_max3A_657 = vector.multi_reduction <maximumf>, %select_n3A, %reduce_max3A [0] : vector<1024x128xf32> to vector<128xf32>
      %get3A_658 = arith.constant 33 : index
      %get3A_659 = arith.constant 0 : index
      %get3A_660 = vector.load %arg13[%get3A_658, %get3A_659] : memref<64x128xf32, #tpu.memory_space<vmem>>, vector<1x128xf32>
      %get3A_661 = vector.shape_cast %get3A_660 : vector<1x128xf32> to vector<128xf32>
      %max3A_662 = arith.maximumf %get3A_661, %reduce_max3A_657 : vector<128xf32>
      %swap3A = arith.constant 33 : index
      %swap3A_663 = arith.constant 0 : index
      %swap3A_664 = vector.load %arg13[%swap3A, %swap3A_663] : memref<64x128xf32, #tpu.memory_space<vmem>>, vector<1x128xf32>
      %swap3A_665 = vector.shape_cast %swap3A_664 : vector<1x128xf32> to vector<128xf32>
      %swap3A_666 = vector.shape_cast %max3A_662 : vector<128xf32> to vector<1x128xf32>
      tpu.vector_store %arg13[%swap3A, %swap3A_663], %swap3A_666 {strides = array<i32>} : memref<64x128xf32, #tpu.memory_space<vmem>>, vector<1x128xf32>,
    } else {
    }
    %le3A_376 = arith.constant 34 : i32
    %le3A_377 = arith.cmpi sle, %get3A_67, %le3A_376 : i32
    %ge3A_378 = arith.constant 34 : i32
    %ge3A_379 = arith.cmpi sge, %get3A_72, %ge3A_378 : i32
    %and3A_380 = arith.andi %le3A_377, %ge3A_379 : i1
    %convert_element_type3A_381 = arith.extui %and3A_380 : i1 to i32
    %cond3A_382 = arith.constant 0xFF800000 : f32
    %cond3A_383 = arith.constant 0 : i32
    %cond3A_384 = arith.cmpi ne, %convert_element_type3A_381, %cond3A_383 : i32
    scf.if %cond3A_384 {
      %eq3A_651 = arith.constant 34 : i32
      %eq3A_652 = vector.broadcast %eq3A_651 : i32 to vector<1024x1xi32>
      %eq3A_653 = arith.cmpi eq, %get3A_60, %eq3A_652 : vector<1024x1xi32>
      %broadcast_in_dim3A_654 = vector.shape_cast %eq3A_653 : vector<1024x1xi1> to vector<1024x1xi1>
      %broadcast_in_dim3A_655 = vector.broadcast %broadcast_in_dim3A_654 : vector<1024x1xi1> to vector<1024x128xi1>
      %broadcast_in_dim3A_656 = vector.broadcast %cond3A_382 : f32 to vector<1024x128xf32>
      %select_n3A = arith.select %broadcast_in_dim3A_655, %div3A_55, %broadcast_in_dim3A_656 : vector<1024x128xi1>, vector<1024x128xf32>
      %reduce_max3A = arith.constant dense<0xFF800000> : vector<128xf32>
      %reduce_max3A_657 = vector.multi_reduction <maximumf>, %select_n3A, %reduce_max3A [0] : vector<1024x128xf32> to vector<128xf32>
      %get3A_658 = arith.constant 34 : index
      %get3A_659 = arith.constant 0 : index
      %get3A_660 = vector.load %arg13[%get3A_658, %get3A_659] : memref<64x128xf32, #tpu.memory_space<vmem>>, vector<1x128xf32>
      %get3A_661 = vector.shape_cast %get3A_660 : vector<1x128xf32> to vector<128xf32>
      %max3A_662 = arith.maximumf %get3A_661, %reduce_max3A_657 : vector<128xf32>
      %swap3A = arith.constant 34 : index
      %swap3A_663 = arith.constant 0 : index
      %swap3A_664 = vector.load %arg13[%swap3A, %swap3A_663] : memref<64x128xf32, #tpu.memory_space<vmem>>, vector<1x128xf32>
      %swap3A_665 = vector.shape_cast %swap3A_664 : vector<1x128xf32> to vector<128xf32>
      %swap3A_666 = vector.shape_cast %max3A_662 : vector<128xf32> to vector<1x128xf32>
      tpu.vector_store %arg13[%swap3A, %swap3A_663], %swap3A_666 {strides = array<i32>} : memref<64x128xf32, #tpu.memory_space<vmem>>, vector<1x128xf32>,
    } else {
    }
    %le3A_385 = arith.constant 35 : i32
    %le3A_386 = arith.cmpi sle, %get3A_67, %le3A_385 : i32
    %ge3A_387 = arith.constant 35 : i32
    %ge3A_388 = arith.cmpi sge, %get3A_72, %ge3A_387 : i32
    %and3A_389 = arith.andi %le3A_386, %ge3A_388 : i1
    %convert_element_type3A_390 = arith.extui %and3A_389 : i1 to i32
    %cond3A_391 = arith.constant 0xFF800000 : f32
    %cond3A_392 = arith.constant 0 : i32
    %cond3A_393 = arith.cmpi ne, %convert_element_type3A_390, %cond3A_392 : i32
    scf.if %cond3A_393 {
      %eq3A_651 = arith.constant 35 : i32
      %eq3A_652 = vector.broadcast %eq3A_651 : i32 to vector<1024x1xi32>
      %eq3A_653 = arith.cmpi eq, %get3A_60, %eq3A_652 : vector<1024x1xi32>
      %broadcast_in_dim3A_654 = vector.shape_cast %eq3A_653 : vector<1024x1xi1> to vector<1024x1xi1>
      %broadcast_in_dim3A_655 = vector.broadcast %broadcast_in_dim3A_654 : vector<1024x1xi1> to vector<1024x128xi1>
      %broadcast_in_dim3A_656 = vector.broadcast %cond3A_391 : f32 to vector<1024x128xf32>
      %select_n3A = arith.select %broadcast_in_dim3A_655, %div3A_55, %broadcast_in_dim3A_656 : vector<1024x128xi1>, vector<1024x128xf32>
      %reduce_max3A = arith.constant dense<0xFF800000> : vector<128xf32>
      %reduce_max3A_657 = vector.multi_reduction <maximumf>, %select_n3A, %reduce_max3A [0] : vector<1024x128xf32> to vector<128xf32>
      %get3A_658 = arith.constant 35 : index
      %get3A_659 = arith.constant 0 : index
      %get3A_660 = vector.load %arg13[%get3A_658, %get3A_659] : memref<64x128xf32, #tpu.memory_space<vmem>>, vector<1x128xf32>
      %get3A_661 = vector.shape_cast %get3A_660 : vector<1x128xf32> to vector<128xf32>
      %max3A_662 = arith.maximumf %get3A_661, %reduce_max3A_657 : vector<128xf32>
      %swap3A = arith.constant 35 : index
      %swap3A_663 = arith.constant 0 : index
      %swap3A_664 = vector.load %arg13[%swap3A, %swap3A_663] : memref<64x128xf32, #tpu.memory_space<vmem>>, vector<1x128xf32>
      %swap3A_665 = vector.shape_cast %swap3A_664 : vector<1x128xf32> to vector<128xf32>
      %swap3A_666 = vector.shape_cast %max3A_662 : vector<128xf32> to vector<1x128xf32>
      tpu.vector_store %arg13[%swap3A, %swap3A_663], %swap3A_666 {strides = array<i32>} : memref<64x128xf32, #tpu.memory_space<vmem>>, vector<1x128xf32>,
    } else {
    }
    %le3A_394 = arith.constant 36 : i32
    %le3A_395 = arith.cmpi sle, %get3A_67, %le3A_394 : i32
    %ge3A_396 = arith.constant 36 : i32
    %ge3A_397 = arith.cmpi sge, %get3A_72, %ge3A_396 : i32
    %and3A_398 = arith.andi %le3A_395, %ge3A_397 : i1
    %convert_element_type3A_399 = arith.extui %and3A_398 : i1 to i32
    %cond3A_400 = arith.constant 0xFF800000 : f32
    %cond3A_401 = arith.constant 0 : i32
    %cond3A_402 = arith.cmpi ne, %convert_element_type3A_399, %cond3A_401 : i32
    scf.if %cond3A_402 {
      %eq3A_651 = arith.constant 36 : i32
      %eq3A_652 = vector.broadcast %eq3A_651 : i32 to vector<1024x1xi32>
      %eq3A_653 = arith.cmpi eq, %get3A_60, %eq3A_652 : vector<1024x1xi32>
      %broadcast_in_dim3A_654 = vector.shape_cast %eq3A_653 : vector<1024x1xi1> to vector<1024x1xi1>
      %broadcast_in_dim3A_655 = vector.broadcast %broadcast_in_dim3A_654 : vector<1024x1xi1> to vector<1024x128xi1>
      %broadcast_in_dim3A_656 = vector.broadcast %cond3A_400 : f32 to vector<1024x128xf32>
      %select_n3A = arith.select %broadcast_in_dim3A_655, %div3A_55, %broadcast_in_dim3A_656 : vector<1024x128xi1>, vector<1024x128xf32>
      %reduce_max3A = arith.constant dense<0xFF800000> : vector<128xf32>
      %reduce_max3A_657 = vector.multi_reduction <maximumf>, %select_n3A, %reduce_max3A [0] : vector<1024x128xf32> to vector<128xf32>
      %get3A_658 = arith.constant 36 : index
      %get3A_659 = arith.constant 0 : index
      %get3A_660 = vector.load %arg13[%get3A_658, %get3A_659] : memref<64x128xf32, #tpu.memory_space<vmem>>, vector<1x128xf32>
      %get3A_661 = vector.shape_cast %get3A_660 : vector<1x128xf32> to vector<128xf32>
      %max3A_662 = arith.maximumf %get3A_661, %reduce_max3A_657 : vector<128xf32>
      %swap3A = arith.constant 36 : index
      %swap3A_663 = arith.constant 0 : index
      %swap3A_664 = vector.load %arg13[%swap3A, %swap3A_663] : memref<64x128xf32, #tpu.memory_space<vmem>>, vector<1x128xf32>
      %swap3A_665 = vector.shape_cast %swap3A_664 : vector<1x128xf32> to vector<128xf32>
      %swap3A_666 = vector.shape_cast %max3A_662 : vector<128xf32> to vector<1x128xf32>
      tpu.vector_store %arg13[%swap3A, %swap3A_663], %swap3A_666 {strides = array<i32>} : memref<64x128xf32, #tpu.memory_space<vmem>>, vector<1x128xf32>,
    } else {
    }
    %le3A_403 = arith.constant 37 : i32
    %le3A_404 = arith.cmpi sle, %get3A_67, %le3A_403 : i32
    %ge3A_405 = arith.constant 37 : i32
    %ge3A_406 = arith.cmpi sge, %get3A_72, %ge3A_405 : i32
    %and3A_407 = arith.andi %le3A_404, %ge3A_406 : i1
    %convert_element_type3A_408 = arith.extui %and3A_407 : i1 to i32
    %cond3A_409 = arith.constant 0xFF800000 : f32
    %cond3A_410 = arith.constant 0 : i32
    %cond3A_411 = arith.cmpi ne, %convert_element_type3A_408, %cond3A_410 : i32
    scf.if %cond3A_411 {
      %eq3A_651 = arith.constant 37 : i32
      %eq3A_652 = vector.broadcast %eq3A_651 : i32 to vector<1024x1xi32>
      %eq3A_653 = arith.cmpi eq, %get3A_60, %eq3A_652 : vector<1024x1xi32>
      %broadcast_in_dim3A_654 = vector.shape_cast %eq3A_653 : vector<1024x1xi1> to vector<1024x1xi1>
      %broadcast_in_dim3A_655 = vector.broadcast %broadcast_in_dim3A_654 : vector<1024x1xi1> to vector<1024x128xi1>
      %broadcast_in_dim3A_656 = vector.broadcast %cond3A_409 : f32 to vector<1024x128xf32>
      %select_n3A = arith.select %broadcast_in_dim3A_655, %div3A_55, %broadcast_in_dim3A_656 : vector<1024x128xi1>, vector<1024x128xf32>
      %reduce_max3A = arith.constant dense<0xFF800000> : vector<128xf32>
      %reduce_max3A_657 = vector.multi_reduction <maximumf>, %select_n3A, %reduce_max3A [0] : vector<1024x128xf32> to vector<128xf32>
      %get3A_658 = arith.constant 37 : index
      %get3A_659 = arith.constant 0 : index
      %get3A_660 = vector.load %arg13[%get3A_658, %get3A_659] : memref<64x128xf32, #tpu.memory_space<vmem>>, vector<1x128xf32>
      %get3A_661 = vector.shape_cast %get3A_660 : vector<1x128xf32> to vector<128xf32>
      %max3A_662 = arith.maximumf %get3A_661, %reduce_max3A_657 : vector<128xf32>
      %swap3A = arith.constant 37 : index
      %swap3A_663 = arith.constant 0 : index
      %swap3A_664 = vector.load %arg13[%swap3A, %swap3A_663] : memref<64x128xf32, #tpu.memory_space<vmem>>, vector<1x128xf32>
      %swap3A_665 = vector.shape_cast %swap3A_664 : vector<1x128xf32> to vector<128xf32>
      %swap3A_666 = vector.shape_cast %max3A_662 : vector<128xf32> to vector<1x128xf32>
      tpu.vector_store %arg13[%swap3A, %swap3A_663], %swap3A_666 {strides = array<i32>} : memref<64x128xf32, #tpu.memory_space<vmem>>, vector<1x128xf32>,
    } else {
    }
    %le3A_412 = arith.constant 38 : i32
    %le3A_413 = arith.cmpi sle, %get3A_67, %le3A_412 : i32
    %ge3A_414 = arith.constant 38 : i32
    %ge3A_415 = arith.cmpi sge, %get3A_72, %ge3A_414 : i32
    %and3A_416 = arith.andi %le3A_413, %ge3A_415 : i1
    %convert_element_type3A_417 = arith.extui %and3A_416 : i1 to i32
    %cond3A_418 = arith.constant 0xFF800000 : f32
    %cond3A_419 = arith.constant 0 : i32
    %cond3A_420 = arith.cmpi ne, %convert_element_type3A_417, %cond3A_419 : i32
    scf.if %cond3A_420 {
      %eq3A_651 = arith.constant 38 : i32
      %eq3A_652 = vector.broadcast %eq3A_651 : i32 to vector<1024x1xi32>
      %eq3A_653 = arith.cmpi eq, %get3A_60, %eq3A_652 : vector<1024x1xi32>
      %broadcast_in_dim3A_654 = vector.shape_cast %eq3A_653 : vector<1024x1xi1> to vector<1024x1xi1>
      %broadcast_in_dim3A_655 = vector.broadcast %broadcast_in_dim3A_654 : vector<1024x1xi1> to vector<1024x128xi1>
      %broadcast_in_dim3A_656 = vector.broadcast %cond3A_418 : f32 to vector<1024x128xf32>
      %select_n3A = arith.select %broadcast_in_dim3A_655, %div3A_55, %broadcast_in_dim3A_656 : vector<1024x128xi1>, vector<1024x128xf32>
      %reduce_max3A = arith.constant dense<0xFF800000> : vector<128xf32>
      %reduce_max3A_657 = vector.multi_reduction <maximumf>, %select_n3A, %reduce_max3A [0] : vector<1024x128xf32> to vector<128xf32>
      %get3A_658 = arith.constant 38 : index
      %get3A_659 = arith.constant 0 : index
      %get3A_660 = vector.load %arg13[%get3A_658, %get3A_659] : memref<64x128xf32, #tpu.memory_space<vmem>>, vector<1x128xf32>
      %get3A_661 = vector.shape_cast %get3A_660 : vector<1x128xf32> to vector<128xf32>
      %max3A_662 = arith.maximumf %get3A_661, %reduce_max3A_657 : vector<128xf32>
      %swap3A = arith.constant 38 : index
      %swap3A_663 = arith.constant 0 : index
      %swap3A_664 = vector.load %arg13[%swap3A, %swap3A_663] : memref<64x128xf32, #tpu.memory_space<vmem>>, vector<1x128xf32>
      %swap3A_665 = vector.shape_cast %swap3A_664 : vector<1x128xf32> to vector<128xf32>
      %swap3A_666 = vector.shape_cast %max3A_662 : vector<128xf32> to vector<1x128xf32>
      tpu.vector_store %arg13[%swap3A, %swap3A_663], %swap3A_666 {strides = array<i32>} : memref<64x128xf32, #tpu.memory_space<vmem>>, vector<1x128xf32>,
    } else {
    }
    %le3A_421 = arith.constant 39 : i32
    %le3A_422 = arith.cmpi sle, %get3A_67, %le3A_421 : i32
    %ge3A_423 = arith.constant 39 : i32
    %ge3A_424 = arith.cmpi sge, %get3A_72, %ge3A_423 : i32
    %and3A_425 = arith.andi %le3A_422, %ge3A_424 : i1
    %convert_element_type3A_426 = arith.extui %and3A_425 : i1 to i32
    %cond3A_427 = arith.constant 0xFF800000 : f32
    %cond3A_428 = arith.constant 0 : i32
    %cond3A_429 = arith.cmpi ne, %convert_element_type3A_426, %cond3A_428 : i32
    scf.if %cond3A_429 {
      %eq3A_651 = arith.constant 39 : i32
      %eq3A_652 = vector.broadcast %eq3A_651 : i32 to vector<1024x1xi32>
      %eq3A_653 = arith.cmpi eq, %get3A_60, %eq3A_652 : vector<1024x1xi32>
      %broadcast_in_dim3A_654 = vector.shape_cast %eq3A_653 : vector<1024x1xi1> to vector<1024x1xi1>
      %broadcast_in_dim3A_655 = vector.broadcast %broadcast_in_dim3A_654 : vector<1024x1xi1> to vector<1024x128xi1>
      %broadcast_in_dim3A_656 = vector.broadcast %cond3A_427 : f32 to vector<1024x128xf32>
      %select_n3A = arith.select %broadcast_in_dim3A_655, %div3A_55, %broadcast_in_dim3A_656 : vector<1024x128xi1>, vector<1024x128xf32>
      %reduce_max3A = arith.constant dense<0xFF800000> : vector<128xf32>
      %reduce_max3A_657 = vector.multi_reduction <maximumf>, %select_n3A, %reduce_max3A [0] : vector<1024x128xf32> to vector<128xf32>
      %get3A_658 = arith.constant 39 : index
      %get3A_659 = arith.constant 0 : index
      %get3A_660 = vector.load %arg13[%get3A_658, %get3A_659] : memref<64x128xf32, #tpu.memory_space<vmem>>, vector<1x128xf32>
      %get3A_661 = vector.shape_cast %get3A_660 : vector<1x128xf32> to vector<128xf32>
      %max3A_662 = arith.maximumf %get3A_661, %reduce_max3A_657 : vector<128xf32>
      %swap3A = arith.constant 39 : index
      %swap3A_663 = arith.constant 0 : index
      %swap3A_664 = vector.load %arg13[%swap3A, %swap3A_663] : memref<64x128xf32, #tpu.memory_space<vmem>>, vector<1x128xf32>
      %swap3A_665 = vector.shape_cast %swap3A_664 : vector<1x128xf32> to vector<128xf32>
      %swap3A_666 = vector.shape_cast %max3A_662 : vector<128xf32> to vector<1x128xf32>
      tpu.vector_store %arg13[%swap3A, %swap3A_663], %swap3A_666 {strides = array<i32>} : memref<64x128xf32, #tpu.memory_space<vmem>>, vector<1x128xf32>,
    } else {
    }
    %le3A_430 = arith.constant 40 : i32
    %le3A_431 = arith.cmpi sle, %get3A_67, %le3A_430 : i32
    %ge3A_432 = arith.constant 40 : i32
    %ge3A_433 = arith.cmpi sge, %get3A_72, %ge3A_432 : i32
    %and3A_434 = arith.andi %le3A_431, %ge3A_433 : i1
    %convert_element_type3A_435 = arith.extui %and3A_434 : i1 to i32
    %cond3A_436 = arith.constant 0xFF800000 : f32
    %cond3A_437 = arith.constant 0 : i32
    %cond3A_438 = arith.cmpi ne, %convert_element_type3A_435, %cond3A_437 : i32
    scf.if %cond3A_438 {
      %eq3A_651 = arith.constant 40 : i32
      %eq3A_652 = vector.broadcast %eq3A_651 : i32 to vector<1024x1xi32>
      %eq3A_653 = arith.cmpi eq, %get3A_60, %eq3A_652 : vector<1024x1xi32>
      %broadcast_in_dim3A_654 = vector.shape_cast %eq3A_653 : vector<1024x1xi1> to vector<1024x1xi1>
      %broadcast_in_dim3A_655 = vector.broadcast %broadcast_in_dim3A_654 : vector<1024x1xi1> to vector<1024x128xi1>
      %broadcast_in_dim3A_656 = vector.broadcast %cond3A_436 : f32 to vector<1024x128xf32>
      %select_n3A = arith.select %broadcast_in_dim3A_655, %div3A_55, %broadcast_in_dim3A_656 : vector<1024x128xi1>, vector<1024x128xf32>
      %reduce_max3A = arith.constant dense<0xFF800000> : vector<128xf32>
      %reduce_max3A_657 = vector.multi_reduction <maximumf>, %select_n3A, %reduce_max3A [0] : vector<1024x128xf32> to vector<128xf32>
      %get3A_658 = arith.constant 40 : index
      %get3A_659 = arith.constant 0 : index
      %get3A_660 = vector.load %arg13[%get3A_658, %get3A_659] : memref<64x128xf32, #tpu.memory_space<vmem>>, vector<1x128xf32>
      %get3A_661 = vector.shape_cast %get3A_660 : vector<1x128xf32> to vector<128xf32>
      %max3A_662 = arith.maximumf %get3A_661, %reduce_max3A_657 : vector<128xf32>
      %swap3A = arith.constant 40 : index
      %swap3A_663 = arith.constant 0 : index
      %swap3A_664 = vector.load %arg13[%swap3A, %swap3A_663] : memref<64x128xf32, #tpu.memory_space<vmem>>, vector<1x128xf32>
      %swap3A_665 = vector.shape_cast %swap3A_664 : vector<1x128xf32> to vector<128xf32>
      %swap3A_666 = vector.shape_cast %max3A_662 : vector<128xf32> to vector<1x128xf32>
      tpu.vector_store %arg13[%swap3A, %swap3A_663], %swap3A_666 {strides = array<i32>} : memref<64x128xf32, #tpu.memory_space<vmem>>, vector<1x128xf32>,
    } else {
    }
    %le3A_439 = arith.constant 41 : i32
    %le3A_440 = arith.cmpi sle, %get3A_67, %le3A_439 : i32
    %ge3A_441 = arith.constant 41 : i32
    %ge3A_442 = arith.cmpi sge, %get3A_72, %ge3A_441 : i32
    %and3A_443 = arith.andi %le3A_440, %ge3A_442 : i1
    %convert_element_type3A_444 = arith.extui %and3A_443 : i1 to i32
    %cond3A_445 = arith.constant 0xFF800000 : f32
    %cond3A_446 = arith.constant 0 : i32
    %cond3A_447 = arith.cmpi ne, %convert_element_type3A_444, %cond3A_446 : i32
    scf.if %cond3A_447 {
      %eq3A_651 = arith.constant 41 : i32
      %eq3A_652 = vector.broadcast %eq3A_651 : i32 to vector<1024x1xi32>
      %eq3A_653 = arith.cmpi eq, %get3A_60, %eq3A_652 : vector<1024x1xi32>
      %broadcast_in_dim3A_654 = vector.shape_cast %eq3A_653 : vector<1024x1xi1> to vector<1024x1xi1>
      %broadcast_in_dim3A_655 = vector.broadcast %broadcast_in_dim3A_654 : vector<1024x1xi1> to vector<1024x128xi1>
      %broadcast_in_dim3A_656 = vector.broadcast %cond3A_445 : f32 to vector<1024x128xf32>
      %select_n3A = arith.select %broadcast_in_dim3A_655, %div3A_55, %broadcast_in_dim3A_656 : vector<1024x128xi1>, vector<1024x128xf32>
      %reduce_max3A = arith.constant dense<0xFF800000> : vector<128xf32>
      %reduce_max3A_657 = vector.multi_reduction <maximumf>, %select_n3A, %reduce_max3A [0] : vector<1024x128xf32> to vector<128xf32>
      %get3A_658 = arith.constant 41 : index
      %get3A_659 = arith.constant 0 : index
      %get3A_660 = vector.load %arg13[%get3A_658, %get3A_659] : memref<64x128xf32, #tpu.memory_space<vmem>>, vector<1x128xf32>
      %get3A_661 = vector.shape_cast %get3A_660 : vector<1x128xf32> to vector<128xf32>
      %max3A_662 = arith.maximumf %get3A_661, %reduce_max3A_657 : vector<128xf32>
      %swap3A = arith.constant 41 : index
      %swap3A_663 = arith.constant 0 : index
      %swap3A_664 = vector.load %arg13[%swap3A, %swap3A_663] : memref<64x128xf32, #tpu.memory_space<vmem>>, vector<1x128xf32>
      %swap3A_665 = vector.shape_cast %swap3A_664 : vector<1x128xf32> to vector<128xf32>
      %swap3A_666 = vector.shape_cast %max3A_662 : vector<128xf32> to vector<1x128xf32>
      tpu.vector_store %arg13[%swap3A, %swap3A_663], %swap3A_666 {strides = array<i32>} : memref<64x128xf32, #tpu.memory_space<vmem>>, vector<1x128xf32>,
    } else {
    }
    %le3A_448 = arith.constant 42 : i32
    %le3A_449 = arith.cmpi sle, %get3A_67, %le3A_448 : i32
    %ge3A_450 = arith.constant 42 : i32
    %ge3A_451 = arith.cmpi sge, %get3A_72, %ge3A_450 : i32
    %and3A_452 = arith.andi %le3A_449, %ge3A_451 : i1
    %convert_element_type3A_453 = arith.extui %and3A_452 : i1 to i32
    %cond3A_454 = arith.constant 0xFF800000 : f32
    %cond3A_455 = arith.constant 0 : i32
    %cond3A_456 = arith.cmpi ne, %convert_element_type3A_453, %cond3A_455 : i32
    scf.if %cond3A_456 {
      %eq3A_651 = arith.constant 42 : i32
      %eq3A_652 = vector.broadcast %eq3A_651 : i32 to vector<1024x1xi32>
      %eq3A_653 = arith.cmpi eq, %get3A_60, %eq3A_652 : vector<1024x1xi32>
      %broadcast_in_dim3A_654 = vector.shape_cast %eq3A_653 : vector<1024x1xi1> to vector<1024x1xi1>
      %broadcast_in_dim3A_655 = vector.broadcast %broadcast_in_dim3A_654 : vector<1024x1xi1> to vector<1024x128xi1>
      %broadcast_in_dim3A_656 = vector.broadcast %cond3A_454 : f32 to vector<1024x128xf32>
      %select_n3A = arith.select %broadcast_in_dim3A_655, %div3A_55, %broadcast_in_dim3A_656 : vector<1024x128xi1>, vector<1024x128xf32>
      %reduce_max3A = arith.constant dense<0xFF800000> : vector<128xf32>
      %reduce_max3A_657 = vector.multi_reduction <maximumf>, %select_n3A, %reduce_max3A [0] : vector<1024x128xf32> to vector<128xf32>
      %get3A_658 = arith.constant 42 : index
      %get3A_659 = arith.constant 0 : index
      %get3A_660 = vector.load %arg13[%get3A_658, %get3A_659] : memref<64x128xf32, #tpu.memory_space<vmem>>, vector<1x128xf32>
      %get3A_661 = vector.shape_cast %get3A_660 : vector<1x128xf32> to vector<128xf32>
      %max3A_662 = arith.maximumf %get3A_661, %reduce_max3A_657 : vector<128xf32>
      %swap3A = arith.constant 42 : index
      %swap3A_663 = arith.constant 0 : index
      %swap3A_664 = vector.load %arg13[%swap3A, %swap3A_663] : memref<64x128xf32, #tpu.memory_space<vmem>>, vector<1x128xf32>
      %swap3A_665 = vector.shape_cast %swap3A_664 : vector<1x128xf32> to vector<128xf32>
      %swap3A_666 = vector.shape_cast %max3A_662 : vector<128xf32> to vector<1x128xf32>
      tpu.vector_store %arg13[%swap3A, %swap3A_663], %swap3A_666 {strides = array<i32>} : memref<64x128xf32, #tpu.memory_space<vmem>>, vector<1x128xf32>,
    } else {
    }
    %le3A_457 = arith.constant 43 : i32
    %le3A_458 = arith.cmpi sle, %get3A_67, %le3A_457 : i32
    %ge3A_459 = arith.constant 43 : i32
    %ge3A_460 = arith.cmpi sge, %get3A_72, %ge3A_459 : i32
    %and3A_461 = arith.andi %le3A_458, %ge3A_460 : i1
    %convert_element_type3A_462 = arith.extui %and3A_461 : i1 to i32
    %cond3A_463 = arith.constant 0xFF800000 : f32
    %cond3A_464 = arith.constant 0 : i32
    %cond3A_465 = arith.cmpi ne, %convert_element_type3A_462, %cond3A_464 : i32
    scf.if %cond3A_465 {
      %eq3A_651 = arith.constant 43 : i32
      %eq3A_652 = vector.broadcast %eq3A_651 : i32 to vector<1024x1xi32>
      %eq3A_653 = arith.cmpi eq, %get3A_60, %eq3A_652 : vector<1024x1xi32>
      %broadcast_in_dim3A_654 = vector.shape_cast %eq3A_653 : vector<1024x1xi1> to vector<1024x1xi1>
      %broadcast_in_dim3A_655 = vector.broadcast %broadcast_in_dim3A_654 : vector<1024x1xi1> to vector<1024x128xi1>
      %broadcast_in_dim3A_656 = vector.broadcast %cond3A_463 : f32 to vector<1024x128xf32>
      %select_n3A = arith.select %broadcast_in_dim3A_655, %div3A_55, %broadcast_in_dim3A_656 : vector<1024x128xi1>, vector<1024x128xf32>
      %reduce_max3A = arith.constant dense<0xFF800000> : vector<128xf32>
      %reduce_max3A_657 = vector.multi_reduction <maximumf>, %select_n3A, %reduce_max3A [0] : vector<1024x128xf32> to vector<128xf32>
      %get3A_658 = arith.constant 43 : index
      %get3A_659 = arith.constant 0 : index
      %get3A_660 = vector.load %arg13[%get3A_658, %get3A_659] : memref<64x128xf32, #tpu.memory_space<vmem>>, vector<1x128xf32>
      %get3A_661 = vector.shape_cast %get3A_660 : vector<1x128xf32> to vector<128xf32>
      %max3A_662 = arith.maximumf %get3A_661, %reduce_max3A_657 : vector<128xf32>
      %swap3A = arith.constant 43 : index
      %swap3A_663 = arith.constant 0 : index
      %swap3A_664 = vector.load %arg13[%swap3A, %swap3A_663] : memref<64x128xf32, #tpu.memory_space<vmem>>, vector<1x128xf32>
      %swap3A_665 = vector.shape_cast %swap3A_664 : vector<1x128xf32> to vector<128xf32>
      %swap3A_666 = vector.shape_cast %max3A_662 : vector<128xf32> to vector<1x128xf32>
      tpu.vector_store %arg13[%swap3A, %swap3A_663], %swap3A_666 {strides = array<i32>} : memref<64x128xf32, #tpu.memory_space<vmem>>, vector<1x128xf32>,
    } else {
    }
    %le3A_466 = arith.constant 44 : i32
    %le3A_467 = arith.cmpi sle, %get3A_67, %le3A_466 : i32
    %ge3A_468 = arith.constant 44 : i32
    %ge3A_469 = arith.cmpi sge, %get3A_72, %ge3A_468 : i32
    %and3A_470 = arith.andi %le3A_467, %ge3A_469 : i1
    %convert_element_type3A_471 = arith.extui %and3A_470 : i1 to i32
    %cond3A_472 = arith.constant 0xFF800000 : f32
    %cond3A_473 = arith.constant 0 : i32
    %cond3A_474 = arith.cmpi ne, %convert_element_type3A_471, %cond3A_473 : i32
    scf.if %cond3A_474 {
      %eq3A_651 = arith.constant 44 : i32
      %eq3A_652 = vector.broadcast %eq3A_651 : i32 to vector<1024x1xi32>
      %eq3A_653 = arith.cmpi eq, %get3A_60, %eq3A_652 : vector<1024x1xi32>
      %broadcast_in_dim3A_654 = vector.shape_cast %eq3A_653 : vector<1024x1xi1> to vector<1024x1xi1>
      %broadcast_in_dim3A_655 = vector.broadcast %broadcast_in_dim3A_654 : vector<1024x1xi1> to vector<1024x128xi1>
      %broadcast_in_dim3A_656 = vector.broadcast %cond3A_472 : f32 to vector<1024x128xf32>
      %select_n3A = arith.select %broadcast_in_dim3A_655, %div3A_55, %broadcast_in_dim3A_656 : vector<1024x128xi1>, vector<1024x128xf32>
      %reduce_max3A = arith.constant dense<0xFF800000> : vector<128xf32>
      %reduce_max3A_657 = vector.multi_reduction <maximumf>, %select_n3A, %reduce_max3A [0] : vector<1024x128xf32> to vector<128xf32>
      %get3A_658 = arith.constant 44 : index
      %get3A_659 = arith.constant 0 : index
      %get3A_660 = vector.load %arg13[%get3A_658, %get3A_659] : memref<64x128xf32, #tpu.memory_space<vmem>>, vector<1x128xf32>
      %get3A_661 = vector.shape_cast %get3A_660 : vector<1x128xf32> to vector<128xf32>
      %max3A_662 = arith.maximumf %get3A_661, %reduce_max3A_657 : vector<128xf32>
      %swap3A = arith.constant 44 : index
      %swap3A_663 = arith.constant 0 : index
      %swap3A_664 = vector.load %arg13[%swap3A, %swap3A_663] : memref<64x128xf32, #tpu.memory_space<vmem>>, vector<1x128xf32>
      %swap3A_665 = vector.shape_cast %swap3A_664 : vector<1x128xf32> to vector<128xf32>
      %swap3A_666 = vector.shape_cast %max3A_662 : vector<128xf32> to vector<1x128xf32>
      tpu.vector_store %arg13[%swap3A, %swap3A_663], %swap3A_666 {strides = array<i32>} : memref<64x128xf32, #tpu.memory_space<vmem>>, vector<1x128xf32>,
    } else {
    }
    %le3A_475 = arith.constant 45 : i32
    %le3A_476 = arith.cmpi sle, %get3A_67, %le3A_475 : i32
    %ge3A_477 = arith.constant 45 : i32
    %ge3A_478 = arith.cmpi sge, %get3A_72, %ge3A_477 : i32
    %and3A_479 = arith.andi %le3A_476, %ge3A_478 : i1
    %convert_element_type3A_480 = arith.extui %and3A_479 : i1 to i32
    %cond3A_481 = arith.constant 0xFF800000 : f32
    %cond3A_482 = arith.constant 0 : i32
    %cond3A_483 = arith.cmpi ne, %convert_element_type3A_480, %cond3A_482 : i32
    scf.if %cond3A_483 {
      %eq3A_651 = arith.constant 45 : i32
      %eq3A_652 = vector.broadcast %eq3A_651 : i32 to vector<1024x1xi32>
      %eq3A_653 = arith.cmpi eq, %get3A_60, %eq3A_652 : vector<1024x1xi32>
      %broadcast_in_dim3A_654 = vector.shape_cast %eq3A_653 : vector<1024x1xi1> to vector<1024x1xi1>
      %broadcast_in_dim3A_655 = vector.broadcast %broadcast_in_dim3A_654 : vector<1024x1xi1> to vector<1024x128xi1>
      %broadcast_in_dim3A_656 = vector.broadcast %cond3A_481 : f32 to vector<1024x128xf32>
      %select_n3A = arith.select %broadcast_in_dim3A_655, %div3A_55, %broadcast_in_dim3A_656 : vector<1024x128xi1>, vector<1024x128xf32>
      %reduce_max3A = arith.constant dense<0xFF800000> : vector<128xf32>
      %reduce_max3A_657 = vector.multi_reduction <maximumf>, %select_n3A, %reduce_max3A [0] : vector<1024x128xf32> to vector<128xf32>
      %get3A_658 = arith.constant 45 : index
      %get3A_659 = arith.constant 0 : index
      %get3A_660 = vector.load %arg13[%get3A_658, %get3A_659] : memref<64x128xf32, #tpu.memory_space<vmem>>, vector<1x128xf32>
      %get3A_661 = vector.shape_cast %get3A_660 : vector<1x128xf32> to vector<128xf32>
      %max3A_662 = arith.maximumf %get3A_661, %reduce_max3A_657 : vector<128xf32>
      %swap3A = arith.constant 45 : index
      %swap3A_663 = arith.constant 0 : index
      %swap3A_664 = vector.load %arg13[%swap3A, %swap3A_663] : memref<64x128xf32, #tpu.memory_space<vmem>>, vector<1x128xf32>
      %swap3A_665 = vector.shape_cast %swap3A_664 : vector<1x128xf32> to vector<128xf32>
      %swap3A_666 = vector.shape_cast %max3A_662 : vector<128xf32> to vector<1x128xf32>
      tpu.vector_store %arg13[%swap3A, %swap3A_663], %swap3A_666 {strides = array<i32>} : memref<64x128xf32, #tpu.memory_space<vmem>>, vector<1x128xf32>,
    } else {
    }
    %le3A_484 = arith.constant 46 : i32
    %le3A_485 = arith.cmpi sle, %get3A_67, %le3A_484 : i32
    %ge3A_486 = arith.constant 46 : i32
    %ge3A_487 = arith.cmpi sge, %get3A_72, %ge3A_486 : i32
    %and3A_488 = arith.andi %le3A_485, %ge3A_487 : i1
    %convert_element_type3A_489 = arith.extui %and3A_488 : i1 to i32
    %cond3A_490 = arith.constant 0xFF800000 : f32
    %cond3A_491 = arith.constant 0 : i32
    %cond3A_492 = arith.cmpi ne, %convert_element_type3A_489, %cond3A_491 : i32
    scf.if %cond3A_492 {
      %eq3A_651 = arith.constant 46 : i32
      %eq3A_652 = vector.broadcast %eq3A_651 : i32 to vector<1024x1xi32>
      %eq3A_653 = arith.cmpi eq, %get3A_60, %eq3A_652 : vector<1024x1xi32>
      %broadcast_in_dim3A_654 = vector.shape_cast %eq3A_653 : vector<1024x1xi1> to vector<1024x1xi1>
      %broadcast_in_dim3A_655 = vector.broadcast %broadcast_in_dim3A_654 : vector<1024x1xi1> to vector<1024x128xi1>
      %broadcast_in_dim3A_656 = vector.broadcast %cond3A_490 : f32 to vector<1024x128xf32>
      %select_n3A = arith.select %broadcast_in_dim3A_655, %div3A_55, %broadcast_in_dim3A_656 : vector<1024x128xi1>, vector<1024x128xf32>
      %reduce_max3A = arith.constant dense<0xFF800000> : vector<128xf32>
      %reduce_max3A_657 = vector.multi_reduction <maximumf>, %select_n3A, %reduce_max3A [0] : vector<1024x128xf32> to vector<128xf32>
      %get3A_658 = arith.constant 46 : index
      %get3A_659 = arith.constant 0 : index
      %get3A_660 = vector.load %arg13[%get3A_658, %get3A_659] : memref<64x128xf32, #tpu.memory_space<vmem>>, vector<1x128xf32>
      %get3A_661 = vector.shape_cast %get3A_660 : vector<1x128xf32> to vector<128xf32>
      %max3A_662 = arith.maximumf %get3A_661, %reduce_max3A_657 : vector<128xf32>
      %swap3A = arith.constant 46 : index
      %swap3A_663 = arith.constant 0 : index
      %swap3A_664 = vector.load %arg13[%swap3A, %swap3A_663] : memref<64x128xf32, #tpu.memory_space<vmem>>, vector<1x128xf32>
      %swap3A_665 = vector.shape_cast %swap3A_664 : vector<1x128xf32> to vector<128xf32>
      %swap3A_666 = vector.shape_cast %max3A_662 : vector<128xf32> to vector<1x128xf32>
      tpu.vector_store %arg13[%swap3A, %swap3A_663], %swap3A_666 {strides = array<i32>} : memref<64x128xf32, #tpu.memory_space<vmem>>, vector<1x128xf32>,
    } else {
    }
    %le3A_493 = arith.constant 47 : i32
    %le3A_494 = arith.cmpi sle, %get3A_67, %le3A_493 : i32
    %ge3A_495 = arith.constant 47 : i32
    %ge3A_496 = arith.cmpi sge, %get3A_72, %ge3A_495 : i32
    %and3A_497 = arith.andi %le3A_494, %ge3A_496 : i1
    %convert_element_type3A_498 = arith.extui %and3A_497 : i1 to i32
    %cond3A_499 = arith.constant 0xFF800000 : f32
    %cond3A_500 = arith.constant 0 : i32
    %cond3A_501 = arith.cmpi ne, %convert_element_type3A_498, %cond3A_500 : i32
    scf.if %cond3A_501 {
      %eq3A_651 = arith.constant 47 : i32
      %eq3A_652 = vector.broadcast %eq3A_651 : i32 to vector<1024x1xi32>
      %eq3A_653 = arith.cmpi eq, %get3A_60, %eq3A_652 : vector<1024x1xi32>
      %broadcast_in_dim3A_654 = vector.shape_cast %eq3A_653 : vector<1024x1xi1> to vector<1024x1xi1>
      %broadcast_in_dim3A_655 = vector.broadcast %broadcast_in_dim3A_654 : vector<1024x1xi1> to vector<1024x128xi1>
      %broadcast_in_dim3A_656 = vector.broadcast %cond3A_499 : f32 to vector<1024x128xf32>
      %select_n3A = arith.select %broadcast_in_dim3A_655, %div3A_55, %broadcast_in_dim3A_656 : vector<1024x128xi1>, vector<1024x128xf32>
      %reduce_max3A = arith.constant dense<0xFF800000> : vector<128xf32>
      %reduce_max3A_657 = vector.multi_reduction <maximumf>, %select_n3A, %reduce_max3A [0] : vector<1024x128xf32> to vector<128xf32>
      %get3A_658 = arith.constant 47 : index
      %get3A_659 = arith.constant 0 : index
      %get3A_660 = vector.load %arg13[%get3A_658, %get3A_659] : memref<64x128xf32, #tpu.memory_space<vmem>>, vector<1x128xf32>
      %get3A_661 = vector.shape_cast %get3A_660 : vector<1x128xf32> to vector<128xf32>
      %max3A_662 = arith.maximumf %get3A_661, %reduce_max3A_657 : vector<128xf32>
      %swap3A = arith.constant 47 : index
      %swap3A_663 = arith.constant 0 : index
      %swap3A_664 = vector.load %arg13[%swap3A, %swap3A_663] : memref<64x128xf32, #tpu.memory_space<vmem>>, vector<1x128xf32>
      %swap3A_665 = vector.shape_cast %swap3A_664 : vector<1x128xf32> to vector<128xf32>
      %swap3A_666 = vector.shape_cast %max3A_662 : vector<128xf32> to vector<1x128xf32>
      tpu.vector_store %arg13[%swap3A, %swap3A_663], %swap3A_666 {strides = array<i32>} : memref<64x128xf32, #tpu.memory_space<vmem>>, vector<1x128xf32>,
    } else {
    }
    %le3A_502 = arith.constant 48 : i32
    %le3A_503 = arith.cmpi sle, %get3A_67, %le3A_502 : i32
    %ge3A_504 = arith.constant 48 : i32
    %ge3A_505 = arith.cmpi sge, %get3A_72, %ge3A_504 : i32
    %and3A_506 = arith.andi %le3A_503, %ge3A_505 : i1
    %convert_element_type3A_507 = arith.extui %and3A_506 : i1 to i32
    %cond3A_508 = arith.constant 0xFF800000 : f32
    %cond3A_509 = arith.constant 0 : i32
    %cond3A_510 = arith.cmpi ne, %convert_element_type3A_507, %cond3A_509 : i32
    scf.if %cond3A_510 {
      %eq3A_651 = arith.constant 48 : i32
      %eq3A_652 = vector.broadcast %eq3A_651 : i32 to vector<1024x1xi32>
      %eq3A_653 = arith.cmpi eq, %get3A_60, %eq3A_652 : vector<1024x1xi32>
      %broadcast_in_dim3A_654 = vector.shape_cast %eq3A_653 : vector<1024x1xi1> to vector<1024x1xi1>
      %broadcast_in_dim3A_655 = vector.broadcast %broadcast_in_dim3A_654 : vector<1024x1xi1> to vector<1024x128xi1>
      %broadcast_in_dim3A_656 = vector.broadcast %cond3A_508 : f32 to vector<1024x128xf32>
      %select_n3A = arith.select %broadcast_in_dim3A_655, %div3A_55, %broadcast_in_dim3A_656 : vector<1024x128xi1>, vector<1024x128xf32>
      %reduce_max3A = arith.constant dense<0xFF800000> : vector<128xf32>
      %reduce_max3A_657 = vector.multi_reduction <maximumf>, %select_n3A, %reduce_max3A [0] : vector<1024x128xf32> to vector<128xf32>
      %get3A_658 = arith.constant 48 : index
      %get3A_659 = arith.constant 0 : index
      %get3A_660 = vector.load %arg13[%get3A_658, %get3A_659] : memref<64x128xf32, #tpu.memory_space<vmem>>, vector<1x128xf32>
      %get3A_661 = vector.shape_cast %get3A_660 : vector<1x128xf32> to vector<128xf32>
      %max3A_662 = arith.maximumf %get3A_661, %reduce_max3A_657 : vector<128xf32>
      %swap3A = arith.constant 48 : index
      %swap3A_663 = arith.constant 0 : index
      %swap3A_664 = vector.load %arg13[%swap3A, %swap3A_663] : memref<64x128xf32, #tpu.memory_space<vmem>>, vector<1x128xf32>
      %swap3A_665 = vector.shape_cast %swap3A_664 : vector<1x128xf32> to vector<128xf32>
      %swap3A_666 = vector.shape_cast %max3A_662 : vector<128xf32> to vector<1x128xf32>
      tpu.vector_store %arg13[%swap3A, %swap3A_663], %swap3A_666 {strides = array<i32>} : memref<64x128xf32, #tpu.memory_space<vmem>>, vector<1x128xf32>,
    } else {
    }
    %le3A_511 = arith.constant 49 : i32
    %le3A_512 = arith.cmpi sle, %get3A_67, %le3A_511 : i32
    %ge3A_513 = arith.constant 49 : i32
    %ge3A_514 = arith.cmpi sge, %get3A_72, %ge3A_513 : i32
    %and3A_515 = arith.andi %le3A_512, %ge3A_514 : i1
    %convert_element_type3A_516 = arith.extui %and3A_515 : i1 to i32
    %cond3A_517 = arith.constant 0xFF800000 : f32
    %cond3A_518 = arith.constant 0 : i32
    %cond3A_519 = arith.cmpi ne, %convert_element_type3A_516, %cond3A_518 : i32
    scf.if %cond3A_519 {
      %eq3A_651 = arith.constant 49 : i32
      %eq3A_652 = vector.broadcast %eq3A_651 : i32 to vector<1024x1xi32>
      %eq3A_653 = arith.cmpi eq, %get3A_60, %eq3A_652 : vector<1024x1xi32>
      %broadcast_in_dim3A_654 = vector.shape_cast %eq3A_653 : vector<1024x1xi1> to vector<1024x1xi1>
      %broadcast_in_dim3A_655 = vector.broadcast %broadcast_in_dim3A_654 : vector<1024x1xi1> to vector<1024x128xi1>
      %broadcast_in_dim3A_656 = vector.broadcast %cond3A_517 : f32 to vector<1024x128xf32>
      %select_n3A = arith.select %broadcast_in_dim3A_655, %div3A_55, %broadcast_in_dim3A_656 : vector<1024x128xi1>, vector<1024x128xf32>
      %reduce_max3A = arith.constant dense<0xFF800000> : vector<128xf32>
      %reduce_max3A_657 = vector.multi_reduction <maximumf>, %select_n3A, %reduce_max3A [0] : vector<1024x128xf32> to vector<128xf32>
      %get3A_658 = arith.constant 49 : index
      %get3A_659 = arith.constant 0 : index
      %get3A_660 = vector.load %arg13[%get3A_658, %get3A_659] : memref<64x128xf32, #tpu.memory_space<vmem>>, vector<1x128xf32>
      %get3A_661 = vector.shape_cast %get3A_660 : vector<1x128xf32> to vector<128xf32>
      %max3A_662 = arith.maximumf %get3A_661, %reduce_max3A_657 : vector<128xf32>
      %swap3A = arith.constant 49 : index
      %swap3A_663 = arith.constant 0 : index
      %swap3A_664 = vector.load %arg13[%swap3A, %swap3A_663] : memref<64x128xf32, #tpu.memory_space<vmem>>, vector<1x128xf32>
      %swap3A_665 = vector.shape_cast %swap3A_664 : vector<1x128xf32> to vector<128xf32>
      %swap3A_666 = vector.shape_cast %max3A_662 : vector<128xf32> to vector<1x128xf32>
      tpu.vector_store %arg13[%swap3A, %swap3A_663], %swap3A_666 {strides = array<i32>} : memref<64x128xf32, #tpu.memory_space<vmem>>, vector<1x128xf32>,
    } else {
    }
    %le3A_520 = arith.constant 50 : i32
    %le3A_521 = arith.cmpi sle, %get3A_67, %le3A_520 : i32
    %ge3A_522 = arith.constant 50 : i32
    %ge3A_523 = arith.cmpi sge, %get3A_72, %ge3A_522 : i32
    %and3A_524 = arith.andi %le3A_521, %ge3A_523 : i1
    %convert_element_type3A_525 = arith.extui %and3A_524 : i1 to i32
    %cond3A_526 = arith.constant 0xFF800000 : f32
    %cond3A_527 = arith.constant 0 : i32
    %cond3A_528 = arith.cmpi ne, %convert_element_type3A_525, %cond3A_527 : i32
    scf.if %cond3A_528 {
      %eq3A_651 = arith.constant 50 : i32
      %eq3A_652 = vector.broadcast %eq3A_651 : i32 to vector<1024x1xi32>
      %eq3A_653 = arith.cmpi eq, %get3A_60, %eq3A_652 : vector<1024x1xi32>
      %broadcast_in_dim3A_654 = vector.shape_cast %eq3A_653 : vector<1024x1xi1> to vector<1024x1xi1>
      %broadcast_in_dim3A_655 = vector.broadcast %broadcast_in_dim3A_654 : vector<1024x1xi1> to vector<1024x128xi1>
      %broadcast_in_dim3A_656 = vector.broadcast %cond3A_526 : f32 to vector<1024x128xf32>
      %select_n3A = arith.select %broadcast_in_dim3A_655, %div3A_55, %broadcast_in_dim3A_656 : vector<1024x128xi1>, vector<1024x128xf32>
      %reduce_max3A = arith.constant dense<0xFF800000> : vector<128xf32>
      %reduce_max3A_657 = vector.multi_reduction <maximumf>, %select_n3A, %reduce_max3A [0] : vector<1024x128xf32> to vector<128xf32>
      %get3A_658 = arith.constant 50 : index
      %get3A_659 = arith.constant 0 : index
      %get3A_660 = vector.load %arg13[%get3A_658, %get3A_659] : memref<64x128xf32, #tpu.memory_space<vmem>>, vector<1x128xf32>
      %get3A_661 = vector.shape_cast %get3A_660 : vector<1x128xf32> to vector<128xf32>
      %max3A_662 = arith.maximumf %get3A_661, %reduce_max3A_657 : vector<128xf32>
      %swap3A = arith.constant 50 : index
      %swap3A_663 = arith.constant 0 : index
      %swap3A_664 = vector.load %arg13[%swap3A, %swap3A_663] : memref<64x128xf32, #tpu.memory_space<vmem>>, vector<1x128xf32>
      %swap3A_665 = vector.shape_cast %swap3A_664 : vector<1x128xf32> to vector<128xf32>
      %swap3A_666 = vector.shape_cast %max3A_662 : vector<128xf32> to vector<1x128xf32>
      tpu.vector_store %arg13[%swap3A, %swap3A_663], %swap3A_666 {strides = array<i32>} : memref<64x128xf32, #tpu.memory_space<vmem>>, vector<1x128xf32>,
    } else {
    }
    %le3A_529 = arith.constant 51 : i32
    %le3A_530 = arith.cmpi sle, %get3A_67, %le3A_529 : i32
    %ge3A_531 = arith.constant 51 : i32
    %ge3A_532 = arith.cmpi sge, %get3A_72, %ge3A_531 : i32
    %and3A_533 = arith.andi %le3A_530, %ge3A_532 : i1
    %convert_element_type3A_534 = arith.extui %and3A_533 : i1 to i32
    %cond3A_535 = arith.constant 0xFF800000 : f32
    %cond3A_536 = arith.constant 0 : i32
    %cond3A_537 = arith.cmpi ne, %convert_element_type3A_534, %cond3A_536 : i32
    scf.if %cond3A_537 {
      %eq3A_651 = arith.constant 51 : i32
      %eq3A_652 = vector.broadcast %eq3A_651 : i32 to vector<1024x1xi32>
      %eq3A_653 = arith.cmpi eq, %get3A_60, %eq3A_652 : vector<1024x1xi32>
      %broadcast_in_dim3A_654 = vector.shape_cast %eq3A_653 : vector<1024x1xi1> to vector<1024x1xi1>
      %broadcast_in_dim3A_655 = vector.broadcast %broadcast_in_dim3A_654 : vector<1024x1xi1> to vector<1024x128xi1>
      %broadcast_in_dim3A_656 = vector.broadcast %cond3A_535 : f32 to vector<1024x128xf32>
      %select_n3A = arith.select %broadcast_in_dim3A_655, %div3A_55, %broadcast_in_dim3A_656 : vector<1024x128xi1>, vector<1024x128xf32>
      %reduce_max3A = arith.constant dense<0xFF800000> : vector<128xf32>
      %reduce_max3A_657 = vector.multi_reduction <maximumf>, %select_n3A, %reduce_max3A [0] : vector<1024x128xf32> to vector<128xf32>
      %get3A_658 = arith.constant 51 : index
      %get3A_659 = arith.constant 0 : index
      %get3A_660 = vector.load %arg13[%get3A_658, %get3A_659] : memref<64x128xf32, #tpu.memory_space<vmem>>, vector<1x128xf32>
      %get3A_661 = vector.shape_cast %get3A_660 : vector<1x128xf32> to vector<128xf32>
      %max3A_662 = arith.maximumf %get3A_661, %reduce_max3A_657 : vector<128xf32>
      %swap3A = arith.constant 51 : index
      %swap3A_663 = arith.constant 0 : index
      %swap3A_664 = vector.load %arg13[%swap3A, %swap3A_663] : memref<64x128xf32, #tpu.memory_space<vmem>>, vector<1x128xf32>
      %swap3A_665 = vector.shape_cast %swap3A_664 : vector<1x128xf32> to vector<128xf32>
      %swap3A_666 = vector.shape_cast %max3A_662 : vector<128xf32> to vector<1x128xf32>
      tpu.vector_store %arg13[%swap3A, %swap3A_663], %swap3A_666 {strides = array<i32>} : memref<64x128xf32, #tpu.memory_space<vmem>>, vector<1x128xf32>,
    } else {
    }
    %le3A_538 = arith.constant 52 : i32
    %le3A_539 = arith.cmpi sle, %get3A_67, %le3A_538 : i32
    %ge3A_540 = arith.constant 52 : i32
    %ge3A_541 = arith.cmpi sge, %get3A_72, %ge3A_540 : i32
    %and3A_542 = arith.andi %le3A_539, %ge3A_541 : i1
    %convert_element_type3A_543 = arith.extui %and3A_542 : i1 to i32
    %cond3A_544 = arith.constant 0xFF800000 : f32
    %cond3A_545 = arith.constant 0 : i32
    %cond3A_546 = arith.cmpi ne, %convert_element_type3A_543, %cond3A_545 : i32
    scf.if %cond3A_546 {
      %eq3A_651 = arith.constant 52 : i32
      %eq3A_652 = vector.broadcast %eq3A_651 : i32 to vector<1024x1xi32>
      %eq3A_653 = arith.cmpi eq, %get3A_60, %eq3A_652 : vector<1024x1xi32>
      %broadcast_in_dim3A_654 = vector.shape_cast %eq3A_653 : vector<1024x1xi1> to vector<1024x1xi1>
      %broadcast_in_dim3A_655 = vector.broadcast %broadcast_in_dim3A_654 : vector<1024x1xi1> to vector<1024x128xi1>
      %broadcast_in_dim3A_656 = vector.broadcast %cond3A_544 : f32 to vector<1024x128xf32>
      %select_n3A = arith.select %broadcast_in_dim3A_655, %div3A_55, %broadcast_in_dim3A_656 : vector<1024x128xi1>, vector<1024x128xf32>
      %reduce_max3A = arith.constant dense<0xFF800000> : vector<128xf32>
      %reduce_max3A_657 = vector.multi_reduction <maximumf>, %select_n3A, %reduce_max3A [0] : vector<1024x128xf32> to vector<128xf32>
      %get3A_658 = arith.constant 52 : index
      %get3A_659 = arith.constant 0 : index
      %get3A_660 = vector.load %arg13[%get3A_658, %get3A_659] : memref<64x128xf32, #tpu.memory_space<vmem>>, vector<1x128xf32>
      %get3A_661 = vector.shape_cast %get3A_660 : vector<1x128xf32> to vector<128xf32>
      %max3A_662 = arith.maximumf %get3A_661, %reduce_max3A_657 : vector<128xf32>
      %swap3A = arith.constant 52 : index
      %swap3A_663 = arith.constant 0 : index
      %swap3A_664 = vector.load %arg13[%swap3A, %swap3A_663] : memref<64x128xf32, #tpu.memory_space<vmem>>, vector<1x128xf32>
      %swap3A_665 = vector.shape_cast %swap3A_664 : vector<1x128xf32> to vector<128xf32>
      %swap3A_666 = vector.shape_cast %max3A_662 : vector<128xf32> to vector<1x128xf32>
      tpu.vector_store %arg13[%swap3A, %swap3A_663], %swap3A_666 {strides = array<i32>} : memref<64x128xf32, #tpu.memory_space<vmem>>, vector<1x128xf32>,
    } else {
    }
    %le3A_547 = arith.constant 53 : i32
    %le3A_548 = arith.cmpi sle, %get3A_67, %le3A_547 : i32
    %ge3A_549 = arith.constant 53 : i32
    %ge3A_550 = arith.cmpi sge, %get3A_72, %ge3A_549 : i32
    %and3A_551 = arith.andi %le3A_548, %ge3A_550 : i1
    %convert_element_type3A_552 = arith.extui %and3A_551 : i1 to i32
    %cond3A_553 = arith.constant 0xFF800000 : f32
    %cond3A_554 = arith.constant 0 : i32
    %cond3A_555 = arith.cmpi ne, %convert_element_type3A_552, %cond3A_554 : i32
    scf.if %cond3A_555 {
      %eq3A_651 = arith.constant 53 : i32
      %eq3A_652 = vector.broadcast %eq3A_651 : i32 to vector<1024x1xi32>
      %eq3A_653 = arith.cmpi eq, %get3A_60, %eq3A_652 : vector<1024x1xi32>
      %broadcast_in_dim3A_654 = vector.shape_cast %eq3A_653 : vector<1024x1xi1> to vector<1024x1xi1>
      %broadcast_in_dim3A_655 = vector.broadcast %broadcast_in_dim3A_654 : vector<1024x1xi1> to vector<1024x128xi1>
      %broadcast_in_dim3A_656 = vector.broadcast %cond3A_553 : f32 to vector<1024x128xf32>
      %select_n3A = arith.select %broadcast_in_dim3A_655, %div3A_55, %broadcast_in_dim3A_656 : vector<1024x128xi1>, vector<1024x128xf32>
      %reduce_max3A = arith.constant dense<0xFF800000> : vector<128xf32>
      %reduce_max3A_657 = vector.multi_reduction <maximumf>, %select_n3A, %reduce_max3A [0] : vector<1024x128xf32> to vector<128xf32>
      %get3A_658 = arith.constant 53 : index
      %get3A_659 = arith.constant 0 : index
      %get3A_660 = vector.load %arg13[%get3A_658, %get3A_659] : memref<64x128xf32, #tpu.memory_space<vmem>>, vector<1x128xf32>
      %get3A_661 = vector.shape_cast %get3A_660 : vector<1x128xf32> to vector<128xf32>
      %max3A_662 = arith.maximumf %get3A_661, %reduce_max3A_657 : vector<128xf32>
      %swap3A = arith.constant 53 : index
      %swap3A_663 = arith.constant 0 : index
      %swap3A_664 = vector.load %arg13[%swap3A, %swap3A_663] : memref<64x128xf32, #tpu.memory_space<vmem>>, vector<1x128xf32>
      %swap3A_665 = vector.shape_cast %swap3A_664 : vector<1x128xf32> to vector<128xf32>
      %swap3A_666 = vector.shape_cast %max3A_662 : vector<128xf32> to vector<1x128xf32>
      tpu.vector_store %arg13[%swap3A, %swap3A_663], %swap3A_666 {strides = array<i32>} : memref<64x128xf32, #tpu.memory_space<vmem>>, vector<1x128xf32>,
    } else {
    }
    %le3A_556 = arith.constant 54 : i32
    %le3A_557 = arith.cmpi sle, %get3A_67, %le3A_556 : i32
    %ge3A_558 = arith.constant 54 : i32
    %ge3A_559 = arith.cmpi sge, %get3A_72, %ge3A_558 : i32
    %and3A_560 = arith.andi %le3A_557, %ge3A_559 : i1
    %convert_element_type3A_561 = arith.extui %and3A_560 : i1 to i32
    %cond3A_562 = arith.constant 0xFF800000 : f32
    %cond3A_563 = arith.constant 0 : i32
    %cond3A_564 = arith.cmpi ne, %convert_element_type3A_561, %cond3A_563 : i32
    scf.if %cond3A_564 {
      %eq3A_651 = arith.constant 54 : i32
      %eq3A_652 = vector.broadcast %eq3A_651 : i32 to vector<1024x1xi32>
      %eq3A_653 = arith.cmpi eq, %get3A_60, %eq3A_652 : vector<1024x1xi32>
      %broadcast_in_dim3A_654 = vector.shape_cast %eq3A_653 : vector<1024x1xi1> to vector<1024x1xi1>
      %broadcast_in_dim3A_655 = vector.broadcast %broadcast_in_dim3A_654 : vector<1024x1xi1> to vector<1024x128xi1>
      %broadcast_in_dim3A_656 = vector.broadcast %cond3A_562 : f32 to vector<1024x128xf32>
      %select_n3A = arith.select %broadcast_in_dim3A_655, %div3A_55, %broadcast_in_dim3A_656 : vector<1024x128xi1>, vector<1024x128xf32>
      %reduce_max3A = arith.constant dense<0xFF800000> : vector<128xf32>
      %reduce_max3A_657 = vector.multi_reduction <maximumf>, %select_n3A, %reduce_max3A [0] : vector<1024x128xf32> to vector<128xf32>
      %get3A_658 = arith.constant 54 : index
      %get3A_659 = arith.constant 0 : index
      %get3A_660 = vector.load %arg13[%get3A_658, %get3A_659] : memref<64x128xf32, #tpu.memory_space<vmem>>, vector<1x128xf32>
      %get3A_661 = vector.shape_cast %get3A_660 : vector<1x128xf32> to vector<128xf32>
      %max3A_662 = arith.maximumf %get3A_661, %reduce_max3A_657 : vector<128xf32>
      %swap3A = arith.constant 54 : index
      %swap3A_663 = arith.constant 0 : index
      %swap3A_664 = vector.load %arg13[%swap3A, %swap3A_663] : memref<64x128xf32, #tpu.memory_space<vmem>>, vector<1x128xf32>
      %swap3A_665 = vector.shape_cast %swap3A_664 : vector<1x128xf32> to vector<128xf32>
      %swap3A_666 = vector.shape_cast %max3A_662 : vector<128xf32> to vector<1x128xf32>
      tpu.vector_store %arg13[%swap3A, %swap3A_663], %swap3A_666 {strides = array<i32>} : memref<64x128xf32, #tpu.memory_space<vmem>>, vector<1x128xf32>,
    } else {
    }
    %le3A_565 = arith.constant 55 : i32
    %le3A_566 = arith.cmpi sle, %get3A_67, %le3A_565 : i32
    %ge3A_567 = arith.constant 55 : i32
    %ge3A_568 = arith.cmpi sge, %get3A_72, %ge3A_567 : i32
    %and3A_569 = arith.andi %le3A_566, %ge3A_568 : i1
    %convert_element_type3A_570 = arith.extui %and3A_569 : i1 to i32
    %cond3A_571 = arith.constant 0xFF800000 : f32
    %cond3A_572 = arith.constant 0 : i32
    %cond3A_573 = arith.cmpi ne, %convert_element_type3A_570, %cond3A_572 : i32
    scf.if %cond3A_573 {
      %eq3A_651 = arith.constant 55 : i32
      %eq3A_652 = vector.broadcast %eq3A_651 : i32 to vector<1024x1xi32>
      %eq3A_653 = arith.cmpi eq, %get3A_60, %eq3A_652 : vector<1024x1xi32>
      %broadcast_in_dim3A_654 = vector.shape_cast %eq3A_653 : vector<1024x1xi1> to vector<1024x1xi1>
      %broadcast_in_dim3A_655 = vector.broadcast %broadcast_in_dim3A_654 : vector<1024x1xi1> to vector<1024x128xi1>
      %broadcast_in_dim3A_656 = vector.broadcast %cond3A_571 : f32 to vector<1024x128xf32>
      %select_n3A = arith.select %broadcast_in_dim3A_655, %div3A_55, %broadcast_in_dim3A_656 : vector<1024x128xi1>, vector<1024x128xf32>
      %reduce_max3A = arith.constant dense<0xFF800000> : vector<128xf32>
      %reduce_max3A_657 = vector.multi_reduction <maximumf>, %select_n3A, %reduce_max3A [0] : vector<1024x128xf32> to vector<128xf32>
      %get3A_658 = arith.constant 55 : index
      %get3A_659 = arith.constant 0 : index
      %get3A_660 = vector.load %arg13[%get3A_658, %get3A_659] : memref<64x128xf32, #tpu.memory_space<vmem>>, vector<1x128xf32>
      %get3A_661 = vector.shape_cast %get3A_660 : vector<1x128xf32> to vector<128xf32>
      %max3A_662 = arith.maximumf %get3A_661, %reduce_max3A_657 : vector<128xf32>
      %swap3A = arith.constant 55 : index
      %swap3A_663 = arith.constant 0 : index
      %swap3A_664 = vector.load %arg13[%swap3A, %swap3A_663] : memref<64x128xf32, #tpu.memory_space<vmem>>, vector<1x128xf32>
      %swap3A_665 = vector.shape_cast %swap3A_664 : vector<1x128xf32> to vector<128xf32>
      %swap3A_666 = vector.shape_cast %max3A_662 : vector<128xf32> to vector<1x128xf32>
      tpu.vector_store %arg13[%swap3A, %swap3A_663], %swap3A_666 {strides = array<i32>} : memref<64x128xf32, #tpu.memory_space<vmem>>, vector<1x128xf32>,
    } else {
    }
    %le3A_574 = arith.constant 56 : i32
    %le3A_575 = arith.cmpi sle, %get3A_67, %le3A_574 : i32
    %ge3A_576 = arith.constant 56 : i32
    %ge3A_577 = arith.cmpi sge, %get3A_72, %ge3A_576 : i32
    %and3A_578 = arith.andi %le3A_575, %ge3A_577 : i1
    %convert_element_type3A_579 = arith.extui %and3A_578 : i1 to i32
    %cond3A_580 = arith.constant 0xFF800000 : f32
    %cond3A_581 = arith.constant 0 : i32
    %cond3A_582 = arith.cmpi ne, %convert_element_type3A_579, %cond3A_581 : i32
    scf.if %cond3A_582 {
      %eq3A_651 = arith.constant 56 : i32
      %eq3A_652 = vector.broadcast %eq3A_651 : i32 to vector<1024x1xi32>
      %eq3A_653 = arith.cmpi eq, %get3A_60, %eq3A_652 : vector<1024x1xi32>
      %broadcast_in_dim3A_654 = vector.shape_cast %eq3A_653 : vector<1024x1xi1> to vector<1024x1xi1>
      %broadcast_in_dim3A_655 = vector.broadcast %broadcast_in_dim3A_654 : vector<1024x1xi1> to vector<1024x128xi1>
      %broadcast_in_dim3A_656 = vector.broadcast %cond3A_580 : f32 to vector<1024x128xf32>
      %select_n3A = arith.select %broadcast_in_dim3A_655, %div3A_55, %broadcast_in_dim3A_656 : vector<1024x128xi1>, vector<1024x128xf32>
      %reduce_max3A = arith.constant dense<0xFF800000> : vector<128xf32>
      %reduce_max3A_657 = vector.multi_reduction <maximumf>, %select_n3A, %reduce_max3A [0] : vector<1024x128xf32> to vector<128xf32>
      %get3A_658 = arith.constant 56 : index
      %get3A_659 = arith.constant 0 : index
      %get3A_660 = vector.load %arg13[%get3A_658, %get3A_659] : memref<64x128xf32, #tpu.memory_space<vmem>>, vector<1x128xf32>
      %get3A_661 = vector.shape_cast %get3A_660 : vector<1x128xf32> to vector<128xf32>
      %max3A_662 = arith.maximumf %get3A_661, %reduce_max3A_657 : vector<128xf32>
      %swap3A = arith.constant 56 : index
      %swap3A_663 = arith.constant 0 : index
      %swap3A_664 = vector.load %arg13[%swap3A, %swap3A_663] : memref<64x128xf32, #tpu.memory_space<vmem>>, vector<1x128xf32>
      %swap3A_665 = vector.shape_cast %swap3A_664 : vector<1x128xf32> to vector<128xf32>
      %swap3A_666 = vector.shape_cast %max3A_662 : vector<128xf32> to vector<1x128xf32>
      tpu.vector_store %arg13[%swap3A, %swap3A_663], %swap3A_666 {strides = array<i32>} : memref<64x128xf32, #tpu.memory_space<vmem>>, vector<1x128xf32>,
    } else {
    }
    %le3A_583 = arith.constant 57 : i32
    %le3A_584 = arith.cmpi sle, %get3A_67, %le3A_583 : i32
    %ge3A_585 = arith.constant 57 : i32
    %ge3A_586 = arith.cmpi sge, %get3A_72, %ge3A_585 : i32
    %and3A_587 = arith.andi %le3A_584, %ge3A_586 : i1
    %convert_element_type3A_588 = arith.extui %and3A_587 : i1 to i32
    %cond3A_589 = arith.constant 0xFF800000 : f32
    %cond3A_590 = arith.constant 0 : i32
    %cond3A_591 = arith.cmpi ne, %convert_element_type3A_588, %cond3A_590 : i32
    scf.if %cond3A_591 {
      %eq3A_651 = arith.constant 57 : i32
      %eq3A_652 = vector.broadcast %eq3A_651 : i32 to vector<1024x1xi32>
      %eq3A_653 = arith.cmpi eq, %get3A_60, %eq3A_652 : vector<1024x1xi32>
      %broadcast_in_dim3A_654 = vector.shape_cast %eq3A_653 : vector<1024x1xi1> to vector<1024x1xi1>
      %broadcast_in_dim3A_655 = vector.broadcast %broadcast_in_dim3A_654 : vector<1024x1xi1> to vector<1024x128xi1>
      %broadcast_in_dim3A_656 = vector.broadcast %cond3A_589 : f32 to vector<1024x128xf32>
      %select_n3A = arith.select %broadcast_in_dim3A_655, %div3A_55, %broadcast_in_dim3A_656 : vector<1024x128xi1>, vector<1024x128xf32>
      %reduce_max3A = arith.constant dense<0xFF800000> : vector<128xf32>
      %reduce_max3A_657 = vector.multi_reduction <maximumf>, %select_n3A, %reduce_max3A [0] : vector<1024x128xf32> to vector<128xf32>
      %get3A_658 = arith.constant 57 : index
      %get3A_659 = arith.constant 0 : index
      %get3A_660 = vector.load %arg13[%get3A_658, %get3A_659] : memref<64x128xf32, #tpu.memory_space<vmem>>, vector<1x128xf32>
      %get3A_661 = vector.shape_cast %get3A_660 : vector<1x128xf32> to vector<128xf32>
      %max3A_662 = arith.maximumf %get3A_661, %reduce_max3A_657 : vector<128xf32>
      %swap3A = arith.constant 57 : index
      %swap3A_663 = arith.constant 0 : index
      %swap3A_664 = vector.load %arg13[%swap3A, %swap3A_663] : memref<64x128xf32, #tpu.memory_space<vmem>>, vector<1x128xf32>
      %swap3A_665 = vector.shape_cast %swap3A_664 : vector<1x128xf32> to vector<128xf32>
      %swap3A_666 = vector.shape_cast %max3A_662 : vector<128xf32> to vector<1x128xf32>
      tpu.vector_store %arg13[%swap3A, %swap3A_663], %swap3A_666 {strides = array<i32>} : memref<64x128xf32, #tpu.memory_space<vmem>>, vector<1x128xf32>,
    } else {
    }
    %le3A_592 = arith.constant 58 : i32
    %le3A_593 = arith.cmpi sle, %get3A_67, %le3A_592 : i32
    %ge3A_594 = arith.constant 58 : i32
    %ge3A_595 = arith.cmpi sge, %get3A_72, %ge3A_594 : i32
    %and3A_596 = arith.andi %le3A_593, %ge3A_595 : i1
    %convert_element_type3A_597 = arith.extui %and3A_596 : i1 to i32
    %cond3A_598 = arith.constant 0xFF800000 : f32
    %cond3A_599 = arith.constant 0 : i32
    %cond3A_600 = arith.cmpi ne, %convert_element_type3A_597, %cond3A_599 : i32
    scf.if %cond3A_600 {
      %eq3A_651 = arith.constant 58 : i32
      %eq3A_652 = vector.broadcast %eq3A_651 : i32 to vector<1024x1xi32>
      %eq3A_653 = arith.cmpi eq, %get3A_60, %eq3A_652 : vector<1024x1xi32>
      %broadcast_in_dim3A_654 = vector.shape_cast %eq3A_653 : vector<1024x1xi1> to vector<1024x1xi1>
      %broadcast_in_dim3A_655 = vector.broadcast %broadcast_in_dim3A_654 : vector<1024x1xi1> to vector<1024x128xi1>
      %broadcast_in_dim3A_656 = vector.broadcast %cond3A_598 : f32 to vector<1024x128xf32>
      %select_n3A = arith.select %broadcast_in_dim3A_655, %div3A_55, %broadcast_in_dim3A_656 : vector<1024x128xi1>, vector<1024x128xf32>
      %reduce_max3A = arith.constant dense<0xFF800000> : vector<128xf32>
      %reduce_max3A_657 = vector.multi_reduction <maximumf>, %select_n3A, %reduce_max3A [0] : vector<1024x128xf32> to vector<128xf32>
      %get3A_658 = arith.constant 58 : index
      %get3A_659 = arith.constant 0 : index
      %get3A_660 = vector.load %arg13[%get3A_658, %get3A_659] : memref<64x128xf32, #tpu.memory_space<vmem>>, vector<1x128xf32>
      %get3A_661 = vector.shape_cast %get3A_660 : vector<1x128xf32> to vector<128xf32>
      %max3A_662 = arith.maximumf %get3A_661, %reduce_max3A_657 : vector<128xf32>
      %swap3A = arith.constant 58 : index
      %swap3A_663 = arith.constant 0 : index
      %swap3A_664 = vector.load %arg13[%swap3A, %swap3A_663] : memref<64x128xf32, #tpu.memory_space<vmem>>, vector<1x128xf32>
      %swap3A_665 = vector.shape_cast %swap3A_664 : vector<1x128xf32> to vector<128xf32>
      %swap3A_666 = vector.shape_cast %max3A_662 : vector<128xf32> to vector<1x128xf32>
      tpu.vector_store %arg13[%swap3A, %swap3A_663], %swap3A_666 {strides = array<i32>} : memref<64x128xf32, #tpu.memory_space<vmem>>, vector<1x128xf32>,
    } else {
    }
    %le3A_601 = arith.constant 59 : i32
    %le3A_602 = arith.cmpi sle, %get3A_67, %le3A_601 : i32
    %ge3A_603 = arith.constant 59 : i32
    %ge3A_604 = arith.cmpi sge, %get3A_72, %ge3A_603 : i32
    %and3A_605 = arith.andi %le3A_602, %ge3A_604 : i1
    %convert_element_type3A_606 = arith.extui %and3A_605 : i1 to i32
    %cond3A_607 = arith.constant 0xFF800000 : f32
    %cond3A_608 = arith.constant 0 : i32
    %cond3A_609 = arith.cmpi ne, %convert_element_type3A_606, %cond3A_608 : i32
    scf.if %cond3A_609 {
      %eq3A_651 = arith.constant 59 : i32
      %eq3A_652 = vector.broadcast %eq3A_651 : i32 to vector<1024x1xi32>
      %eq3A_653 = arith.cmpi eq, %get3A_60, %eq3A_652 : vector<1024x1xi32>
      %broadcast_in_dim3A_654 = vector.shape_cast %eq3A_653 : vector<1024x1xi1> to vector<1024x1xi1>
      %broadcast_in_dim3A_655 = vector.broadcast %broadcast_in_dim3A_654 : vector<1024x1xi1> to vector<1024x128xi1>
      %broadcast_in_dim3A_656 = vector.broadcast %cond3A_607 : f32 to vector<1024x128xf32>
      %select_n3A = arith.select %broadcast_in_dim3A_655, %div3A_55, %broadcast_in_dim3A_656 : vector<1024x128xi1>, vector<1024x128xf32>
      %reduce_max3A = arith.constant dense<0xFF800000> : vector<128xf32>
      %reduce_max3A_657 = vector.multi_reduction <maximumf>, %select_n3A, %reduce_max3A [0] : vector<1024x128xf32> to vector<128xf32>
      %get3A_658 = arith.constant 59 : index
      %get3A_659 = arith.constant 0 : index
      %get3A_660 = vector.load %arg13[%get3A_658, %get3A_659] : memref<64x128xf32, #tpu.memory_space<vmem>>, vector<1x128xf32>
      %get3A_661 = vector.shape_cast %get3A_660 : vector<1x128xf32> to vector<128xf32>
      %max3A_662 = arith.maximumf %get3A_661, %reduce_max3A_657 : vector<128xf32>
      %swap3A = arith.constant 59 : index
      %swap3A_663 = arith.constant 0 : index
      %swap3A_664 = vector.load %arg13[%swap3A, %swap3A_663] : memref<64x128xf32, #tpu.memory_space<vmem>>, vector<1x128xf32>
      %swap3A_665 = vector.shape_cast %swap3A_664 : vector<1x128xf32> to vector<128xf32>
      %swap3A_666 = vector.shape_cast %max3A_662 : vector<128xf32> to vector<1x128xf32>
      tpu.vector_store %arg13[%swap3A, %swap3A_663], %swap3A_666 {strides = array<i32>} : memref<64x128xf32, #tpu.memory_space<vmem>>, vector<1x128xf32>,
    } else {
    }
    %le3A_610 = arith.constant 60 : i32
    %le3A_611 = arith.cmpi sle, %get3A_67, %le3A_610 : i32
    %ge3A_612 = arith.constant 60 : i32
    %ge3A_613 = arith.cmpi sge, %get3A_72, %ge3A_612 : i32
    %and3A_614 = arith.andi %le3A_611, %ge3A_613 : i1
    %convert_element_type3A_615 = arith.extui %and3A_614 : i1 to i32
    %cond3A_616 = arith.constant 0xFF800000 : f32
    %cond3A_617 = arith.constant 0 : i32
    %cond3A_618 = arith.cmpi ne, %convert_element_type3A_615, %cond3A_617 : i32
    scf.if %cond3A_618 {
      %eq3A_651 = arith.constant 60 : i32
      %eq3A_652 = vector.broadcast %eq3A_651 : i32 to vector<1024x1xi32>
      %eq3A_653 = arith.cmpi eq, %get3A_60, %eq3A_652 : vector<1024x1xi32>
      %broadcast_in_dim3A_654 = vector.shape_cast %eq3A_653 : vector<1024x1xi1> to vector<1024x1xi1>
      %broadcast_in_dim3A_655 = vector.broadcast %broadcast_in_dim3A_654 : vector<1024x1xi1> to vector<1024x128xi1>
      %broadcast_in_dim3A_656 = vector.broadcast %cond3A_616 : f32 to vector<1024x128xf32>
      %select_n3A = arith.select %broadcast_in_dim3A_655, %div3A_55, %broadcast_in_dim3A_656 : vector<1024x128xi1>, vector<1024x128xf32>
      %reduce_max3A = arith.constant dense<0xFF800000> : vector<128xf32>
      %reduce_max3A_657 = vector.multi_reduction <maximumf>, %select_n3A, %reduce_max3A [0] : vector<1024x128xf32> to vector<128xf32>
      %get3A_658 = arith.constant 60 : index
      %get3A_659 = arith.constant 0 : index
      %get3A_660 = vector.load %arg13[%get3A_658, %get3A_659] : memref<64x128xf32, #tpu.memory_space<vmem>>, vector<1x128xf32>
      %get3A_661 = vector.shape_cast %get3A_660 : vector<1x128xf32> to vector<128xf32>
      %max3A_662 = arith.maximumf %get3A_661, %reduce_max3A_657 : vector<128xf32>
      %swap3A = arith.constant 60 : index
      %swap3A_663 = arith.constant 0 : index
      %swap3A_664 = vector.load %arg13[%swap3A, %swap3A_663] : memref<64x128xf32, #tpu.memory_space<vmem>>, vector<1x128xf32>
      %swap3A_665 = vector.shape_cast %swap3A_664 : vector<1x128xf32> to vector<128xf32>
      %swap3A_666 = vector.shape_cast %max3A_662 : vector<128xf32> to vector<1x128xf32>
      tpu.vector_store %arg13[%swap3A, %swap3A_663], %swap3A_666 {strides = array<i32>} : memref<64x128xf32, #tpu.memory_space<vmem>>, vector<1x128xf32>,
    } else {
    }
    %le3A_619 = arith.constant 61 : i32
    %le3A_620 = arith.cmpi sle, %get3A_67, %le3A_619 : i32
    %ge3A_621 = arith.constant 61 : i32
    %ge3A_622 = arith.cmpi sge, %get3A_72, %ge3A_621 : i32
    %and3A_623 = arith.andi %le3A_620, %ge3A_622 : i1
    %convert_element_type3A_624 = arith.extui %and3A_623 : i1 to i32
    %cond3A_625 = arith.constant 0xFF800000 : f32
    %cond3A_626 = arith.constant 0 : i32
    %cond3A_627 = arith.cmpi ne, %convert_element_type3A_624, %cond3A_626 : i32
    scf.if %cond3A_627 {
      %eq3A_651 = arith.constant 61 : i32
      %eq3A_652 = vector.broadcast %eq3A_651 : i32 to vector<1024x1xi32>
      %eq3A_653 = arith.cmpi eq, %get3A_60, %eq3A_652 : vector<1024x1xi32>
      %broadcast_in_dim3A_654 = vector.shape_cast %eq3A_653 : vector<1024x1xi1> to vector<1024x1xi1>
      %broadcast_in_dim3A_655 = vector.broadcast %broadcast_in_dim3A_654 : vector<1024x1xi1> to vector<1024x128xi1>
      %broadcast_in_dim3A_656 = vector.broadcast %cond3A_625 : f32 to vector<1024x128xf32>
      %select_n3A = arith.select %broadcast_in_dim3A_655, %div3A_55, %broadcast_in_dim3A_656 : vector<1024x128xi1>, vector<1024x128xf32>
      %reduce_max3A = arith.constant dense<0xFF800000> : vector<128xf32>
      %reduce_max3A_657 = vector.multi_reduction <maximumf>, %select_n3A, %reduce_max3A [0] : vector<1024x128xf32> to vector<128xf32>
      %get3A_658 = arith.constant 61 : index
      %get3A_659 = arith.constant 0 : index
      %get3A_660 = vector.load %arg13[%get3A_658, %get3A_659] : memref<64x128xf32, #tpu.memory_space<vmem>>, vector<1x128xf32>
      %get3A_661 = vector.shape_cast %get3A_660 : vector<1x128xf32> to vector<128xf32>
      %max3A_662 = arith.maximumf %get3A_661, %reduce_max3A_657 : vector<128xf32>
      %swap3A = arith.constant 61 : index
      %swap3A_663 = arith.constant 0 : index
      %swap3A_664 = vector.load %arg13[%swap3A, %swap3A_663] : memref<64x128xf32, #tpu.memory_space<vmem>>, vector<1x128xf32>
      %swap3A_665 = vector.shape_cast %swap3A_664 : vector<1x128xf32> to vector<128xf32>
      %swap3A_666 = vector.shape_cast %max3A_662 : vector<128xf32> to vector<1x128xf32>
      tpu.vector_store %arg13[%swap3A, %swap3A_663], %swap3A_666 {strides = array<i32>} : memref<64x128xf32, #tpu.memory_space<vmem>>, vector<1x128xf32>,
    } else {
    }
    %le3A_628 = arith.constant 62 : i32
    %le3A_629 = arith.cmpi sle, %get3A_67, %le3A_628 : i32
    %ge3A_630 = arith.constant 62 : i32
    %ge3A_631 = arith.cmpi sge, %get3A_72, %ge3A_630 : i32
    %and3A_632 = arith.andi %le3A_629, %ge3A_631 : i1
    %convert_element_type3A_633 = arith.extui %and3A_632 : i1 to i32
    %cond3A_634 = arith.constant 0xFF800000 : f32
    %cond3A_635 = arith.constant 0 : i32
    %cond3A_636 = arith.cmpi ne, %convert_element_type3A_633, %cond3A_635 : i32
    scf.if %cond3A_636 {
      %eq3A_651 = arith.constant 62 : i32
      %eq3A_652 = vector.broadcast %eq3A_651 : i32 to vector<1024x1xi32>
      %eq3A_653 = arith.cmpi eq, %get3A_60, %eq3A_652 : vector<1024x1xi32>
      %broadcast_in_dim3A_654 = vector.shape_cast %eq3A_653 : vector<1024x1xi1> to vector<1024x1xi1>
      %broadcast_in_dim3A_655 = vector.broadcast %broadcast_in_dim3A_654 : vector<1024x1xi1> to vector<1024x128xi1>
      %broadcast_in_dim3A_656 = vector.broadcast %cond3A_634 : f32 to vector<1024x128xf32>
      %select_n3A = arith.select %broadcast_in_dim3A_655, %div3A_55, %broadcast_in_dim3A_656 : vector<1024x128xi1>, vector<1024x128xf32>
      %reduce_max3A = arith.constant dense<0xFF800000> : vector<128xf32>
      %reduce_max3A_657 = vector.multi_reduction <maximumf>, %select_n3A, %reduce_max3A [0] : vector<1024x128xf32> to vector<128xf32>
      %get3A_658 = arith.constant 62 : index
      %get3A_659 = arith.constant 0 : index
      %get3A_660 = vector.load %arg13[%get3A_658, %get3A_659] : memref<64x128xf32, #tpu.memory_space<vmem>>, vector<1x128xf32>
      %get3A_661 = vector.shape_cast %get3A_660 : vector<1x128xf32> to vector<128xf32>
      %max3A_662 = arith.maximumf %get3A_661, %reduce_max3A_657 : vector<128xf32>
      %swap3A = arith.constant 62 : index
      %swap3A_663 = arith.constant 0 : index
      %swap3A_664 = vector.load %arg13[%swap3A, %swap3A_663] : memref<64x128xf32, #tpu.memory_space<vmem>>, vector<1x128xf32>
      %swap3A_665 = vector.shape_cast %swap3A_664 : vector<1x128xf32> to vector<128xf32>
      %swap3A_666 = vector.shape_cast %max3A_662 : vector<128xf32> to vector<1x128xf32>
      tpu.vector_store %arg13[%swap3A, %swap3A_663], %swap3A_666 {strides = array<i32>} : memref<64x128xf32, #tpu.memory_space<vmem>>, vector<1x128xf32>,
    } else {
    }
    %le3A_637 = arith.constant 63 : i32
    %le3A_638 = arith.cmpi sle, %get3A_67, %le3A_637 : i32
    %ge3A_639 = arith.constant 63 : i32
    %ge3A_640 = arith.cmpi sge, %get3A_72, %ge3A_639 : i32
    %and3A_641 = arith.andi %le3A_638, %ge3A_640 : i1
    %convert_element_type3A_642 = arith.extui %and3A_641 : i1 to i32
    %cond3A_643 = arith.constant 0xFF800000 : f32
    %cond3A_644 = arith.constant 0 : i32
    %cond3A_645 = arith.cmpi ne, %convert_element_type3A_642, %cond3A_644 : i32
    scf.if %cond3A_645 {
      %eq3A_651 = arith.constant 63 : i32
      %eq3A_652 = vector.broadcast %eq3A_651 : i32 to vector<1024x1xi32>
      %eq3A_653 = arith.cmpi eq, %get3A_60, %eq3A_652 : vector<1024x1xi32>
      %broadcast_in_dim3A_654 = vector.shape_cast %eq3A_653 : vector<1024x1xi1> to vector<1024x1xi1>
      %broadcast_in_dim3A_655 = vector.broadcast %broadcast_in_dim3A_654 : vector<1024x1xi1> to vector<1024x128xi1>
      %broadcast_in_dim3A_656 = vector.broadcast %cond3A_643 : f32 to vector<1024x128xf32>
      %select_n3A = arith.select %broadcast_in_dim3A_655, %div3A_55, %broadcast_in_dim3A_656 : vector<1024x128xi1>, vector<1024x128xf32>
      %reduce_max3A = arith.constant dense<0xFF800000> : vector<128xf32>
      %reduce_max3A_657 = vector.multi_reduction <maximumf>, %select_n3A, %reduce_max3A [0] : vector<1024x128xf32> to vector<128xf32>
      %get3A_658 = arith.constant 63 : index
      %get3A_659 = arith.constant 0 : index
      %get3A_660 = vector.load %arg13[%get3A_658, %get3A_659] : memref<64x128xf32, #tpu.memory_space<vmem>>, vector<1x128xf32>
      %get3A_661 = vector.shape_cast %get3A_660 : vector<1x128xf32> to vector<128xf32>
      %max3A_662 = arith.maximumf %get3A_661, %reduce_max3A_657 : vector<128xf32>
      %swap3A = arith.constant 63 : index
      %swap3A_663 = arith.constant 0 : index
      %swap3A_664 = vector.load %arg13[%swap3A, %swap3A_663] : memref<64x128xf32, #tpu.memory_space<vmem>>, vector<1x128xf32>
      %swap3A_665 = vector.shape_cast %swap3A_664 : vector<1x128xf32> to vector<128xf32>
      %swap3A_666 = vector.shape_cast %max3A_662 : vector<128xf32> to vector<1x128xf32>
      tpu.vector_store %arg13[%swap3A, %swap3A_663], %swap3A_666 {strides = array<i32>} : memref<64x128xf32, #tpu.memory_space<vmem>>, vector<1x128xf32>,
    } else {
    }
    %eq3A_646 = arith.constant 9 : i32
    %eq3A_647 = arith.cmpi eq, %arg0, %eq3A_646 : i32
    %convert_element_type3A_648 = arith.extui %eq3A_647 : i1 to i32
    %cond3A_649 = arith.constant 0 : i32
    %cond3A_650 = arith.cmpi ne, %convert_element_type3A_648, %cond3A_649 : i32
    scf.if %cond3A_650 {
      %get3A_651 = arith.constant 0 : index
      %get3A_652 = arith.constant 0 : index
      %get3A_653 = vector.load %arg13[%get3A_651, %get3A_652] : memref<64x128xf32, #tpu.memory_space<vmem>>, vector<64x128xf32>
      %get3A_654 = arith.constant 0 : index
      %get3A_655 = arith.constant 0 : index
      %get3A_656 = vector.load %arg8[%get3A_654, %get3A_655] : memref<128x128xf32, #tpu.memory_space<vmem>>, vector<128x128xf32>
      %dot_general3A_657 = arith.constant dense<0.000000e+00> : vector<64x128xf32>
      %dot_general3A_658 = tpu.matmul %get3A_653, %get3A_656, %dot_general3A_657 {dimension_numbers = #tpu.dot_dimension_numbers<[1], [0], [0], [1], [0, 0, 1, 1], [], []>, transpose_lhs_hint = false} : vector<64x128xf32>, vector<128x128xf32>, vector<64x128xf32> -> vector<64x128xf32>
      %get3A_659 = arith.constant 0 : index
      %get3A_660 = arith.constant 0 : index
      %get3A_661 = vector.load %arg9[%get3A_659, %get3A_660] : memref<1x128xf32, #tpu.memory_space<vmem>>, vector<1x128xf32>
      %add3A_662 = vector.broadcast %get3A_661 : vector<1x128xf32> to vector<64x128xf32>
      %add3A_663 = arith.addf %dot_general3A_658, %add3A_662 : vector<64x128xf32>
      %get3A_664 = arith.constant 0 : index
      %get3A_665 = arith.constant 0 : index
      %get3A_666 = vector.load %arg10[%get3A_664, %get3A_665] : memref<128x16xf32, #tpu.memory_space<vmem>>, vector<128x16xf32>
      %dot_general3A_667 = arith.constant dense<0.000000e+00> : vector<64x16xf32>
      %dot_general3A_668 = tpu.matmul %add3A_663, %get3A_666, %dot_general3A_667 {dimension_numbers = #tpu.dot_dimension_numbers<[1], [0], [0], [1], [0, 0, 1, 1], [], []>, transpose_lhs_hint = false} : vector<64x128xf32>, vector<128x16xf32>, vector<64x16xf32> -> vector<64x16xf32>
      %get3A_669 = arith.constant 0 : index
      %get3A_670 = arith.constant 0 : index
      %get3A_671 = vector.load %arg11[%get3A_669, %get3A_670] : memref<1x16xf32, #tpu.memory_space<vmem>>, vector<1x16xf32>
      %add3A_672 = vector.broadcast %get3A_671 : vector<1x16xf32> to vector<64x16xf32>
      %add3A_673 = arith.addf %dot_general3A_668, %add3A_672 : vector<64x16xf32>
      %reduce_max3A = arith.constant dense<0xFF800000> : vector<64xf32>
      %reduce_max3A_674 = vector.multi_reduction <maximumf>, %add3A_673, %reduce_max3A [1] : vector<64x16xf32> to vector<64xf32>
      %broadcast_in_dim3A_675 = vector.shape_cast %reduce_max3A_674 : vector<64xf32> to vector<64x1xf32>
      %sub3A = vector.broadcast %broadcast_in_dim3A_675 : vector<64x1xf32> to vector<64x16xf32>
      %sub3A_676 = arith.subf %add3A_673, %sub3A : vector<64x16xf32>
      %exp3A = math.exp %sub3A_676 : vector<64x16xf32>
      %reduce_sum3A_677 = arith.constant dense<0.000000e+00> : vector<64xf32>
      %reduce_sum3A_678 = vector.multi_reduction <add>, %exp3A, %reduce_sum3A_677 [1] : vector<64x16xf32> to vector<64xf32>
      %broadcast_in_dim3A_679 = vector.shape_cast %reduce_sum3A_678 : vector<64xf32> to vector<64x1xf32>
      %log3A = math.log %broadcast_in_dim3A_679 : vector<64x1xf32>
      %sub3A_680 = vector.broadcast %log3A : vector<64x1xf32> to vector<64x16xf32>
      %sub3A_681 = arith.subf %sub3A_676, %sub3A_680 : vector<64x16xf32>
      %swap3A = arith.constant 0 : index
      %swap3A_682 = arith.constant 0 : index
      %swap3A_683 = vector.load %arg12[%swap3A, %swap3A_682] : memref<64x16xf32, #tpu.memory_space<vmem>>, vector<64x16xf32>
      tpu.vector_store %arg12[%swap3A, %swap3A_682], %sub3A_681 {strides = array<i32>} : memref<64x16xf32, #tpu.memory_space<vmem>>, vector<64x16xf32>,
    } else {
    }
    return
  }
  func.func @transform_0(%arg0: i32) -> (i32, i32, i32) {
    %c0_i32 = arith.constant 0 : i32
    %c0_i32_0 = arith.constant 0 : i32
    %c0_i32_1 = arith.constant 0 : i32
    return %c0_i32, %arg0, %c0_i32_0 : i32, i32, i32
  }
  func.func @transform_1(%arg0: i32) -> (i32, i32, i32, i32) {
    %c0_i32 = arith.constant 0 : i32
    %c0_i32_0 = arith.constant 0 : i32
    %c0_i32_1 = arith.constant 0 : i32
    %c0_i32_2 = arith.constant 0 : i32
    return %c0_i32, %arg0, %c0_i32_0, %c0_i32_1 : i32, i32, i32, i32
  }
  func.func @transform_2(%arg0: i32) -> (i32, i32) {
    %c0_i32 = arith.constant 0 : i32
    %c0_i32_0 = arith.constant 0 : i32
    return %arg0, %c0_i32 : i32, i32
  }
  func.func @transform_3(%arg0: i32) -> (i32, i32) {
    %c0_i32 = arith.constant 0 : i32
    %c0_i32_0 = arith.constant 0 : i32
    %c0_i32_1 = arith.constant 0 : i32
    return %c0_i32, %c0_i32_0 : i32, i32
  }
  func.func @transform_4(%arg0: i32) -> (i32, i32) {
    %c0_i32 = arith.constant 0 : i32
    %c0_i32_0 = arith.constant 0 : i32
    %c0_i32_1 = arith.constant 0 : i32
    return %c0_i32, %c0_i32_0 : i32, i32
  }
  func.func @transform_5(%arg0: i32) -> (i32, i32) {
    %c0_i32 = arith.constant 0 : i32
    %c0_i32_0 = arith.constant 0 : i32
    %c0_i32_1 = arith.constant 0 : i32
    return %c0_i32, %c0_i32_0 : i32, i32
  }
  func.func @transform_6(%arg0: i32) -> (i32, i32, i32) {
    %c0_i32 = arith.constant 0 : i32
    %c0_i32_0 = arith.constant 0 : i32
    %c0_i32_1 = arith.constant 0 : i32
    return %arg0, %c0_i32, %c0_i32_0 : i32, i32, i32
  }
  func.func @transform_7(%arg0: i32) -> (i32, i32) {
    %c0_i32 = arith.constant 0 : i32
    %c0_i32_0 = arith.constant 0 : i32
    %c0_i32_1 = arith.constant 0 : i32
    return %c0_i32, %c0_i32_0 : i32, i32
  }
  func.func @transform_8(%arg0: i32) -> (i32, i32) {
    %c0_i32 = arith.constant 0 : i32
    %c0_i32_0 = arith.constant 0 : i32
    %c0_i32_1 = arith.constant 0 : i32
    return %c0_i32, %c0_i32_0 : i32, i32
  }
  func.func @transform_9(%arg0: i32) -> (i32, i32) {
    %c0_i32 = arith.constant 0 : i32
    %c0_i32_0 = arith.constant 0 : i32
    %c0_i32_1 = arith.constant 0 : i32
    return %c0_i32, %c0_i32_0 : i32, i32
  }
  func.func @transform_10(%arg0: i32) -> (i32, i32) {
    %c0_i32 = arith.constant 0 : i32
    %c0_i32_0 = arith.constant 0 : i32
    %c0_i32_1 = arith.constant 0 : i32
    return %c0_i32, %c0_i32_0 : i32, i32
  }
  func.func @transform_11(%arg0: i32) -> (i32, i32) {
    %c0_i32 = arith.constant 0 : i32
    %c0_i32_0 = arith.constant 0 : i32
    %c0_i32_1 = arith.constant 0 : i32
    return %c0_i32, %c0_i32_0 : i32, i32
  }
}

</mosaic_0001>

<sc_bundles>
// kernel: kernel.10.cloned.1.call-start
scs
__scs_entry_jumppad:
0x0: {  	(pc) =	sbr.rel $0x88, $3  }
0x1: {  	(tag) =	ssettag $0x0;
	lr =	simm.s32 $0x1  }
0x2: {  	[smem:$0x3F92] =	sst lr;
	_ =	strace $0xD0000000  }
0x3: {  	_ = 	snop  }
0x4: {  	_ = 	snop  }
0x5: {  	_ = 	snop  }
0x6: {  	_ = 	snop  }
0x7: {  	_ = 	snop  }
__scs_overlays_trampoline_lowered:
0x8: {  	[smem:$0x3FA1] =	sst s0  }
0x9: {  	[smem:$0x3FA2] =	sst s1  }
0xa: {  	[smem:$0x3FA3] =	sst s2  }
0xb: {  	[smem:$0x3FA4] =	sst s3  }
0xc: {  	[smem:$0x3FA5] =	sst s4  }
0xd: {  	[smem:$0x3FA6] =	sst s5  }
0xe: {  	[smem:$0x3FA7] =	sst s6  }
0xf: {  	[smem:$0x3FA8] =	sst s7  }
0x10: {  	[smem:$0x3FA9] =	sst s8  }
0x11: {  	[smem:$0x3FAA] =	sst s9;
	s0 =	simm.s32 @!p0 $0x0  }
0x12: {  	s1 =	sld [smem:$0x3F90];
	s0 =	simm.s32 @p0 $0x1  }
0x13: {  	[smem:$0x3FAB] =	sst s0;
	s0 =	simm.s32 @!p1 $0x0  }
0x14: {  	s2 =	sld [smem:$0x3F8F];
	s0 =	simm.s32 @p1 $0x1  }
0x15: {  	[smem:$0x3FAC] =	sst s0;
	s0 =	simm.s32 @!p2 $0x0  }
0x16: {  	s3 =	sld [smem:$0x3FDB];
	s0 =	simm.s32 @p2 $0x1  }
0x17: {  	s4 =	simm.s32 $0x1BF5;
	[smem:$0x3FAE] =	sst s0  }
0x18: {  	s0 =	sld [smem:$0x3F91];
	_ =	swait.ge [sflag:s4], $0x0  }
0x19: {  	s7 =	sld [smem:$0x3F92]  }
0x1a: {  	s8 =	sadd.s32 $0xFFFFE003, lr  }
0x1b: {  	s9 =	sadd.s32 $0xFFFFFEF7, lr;
	s5 =	simm.s32 $0xFFFFFFFF;
	p2 =	slt.u32 s8, $0xFFFFF086  }
0x1c: {  	p1 =	slt.u32 s9, $0xF7A;
	s5 =	simm.s32 @!p2 $0x0  }
0x1d: {  	s5 =	simm.s32 @p1 $0x1;
	p0 =	seq.s32 s7, s2  }
0x1e: {  	s7 =	smul.u32 @!p0 $0xF7A, s2;
	p2 =	seq.s32 @!p0 s5, $0x0  }
0x1f: {  	s9 =	smul.u32 $0xF7A, s1;
	s8 =	simm.s32 @!p0 $0x1BF5;
	p2 =	por !p2, p0  }
0x20: {  	[sflag:s8] =	ssyncset.s32 @!p0 $0xFFFFF086;
	s6 =	sadd.s32 @!p0 s3, s7;
	s7 =	simm.s32 @!p0 $0x108  }
0x21: {  	s3 =	sadd.s32 s3, s9;
	s6 =	sadd.s32 @!p0 $0x88, s6;
	s7 =	simm.s32 @p2 $0x1082  }
0x22: {  	[simem:s7], [sflag:s8] =	dma.local @!p0 [hbm:s6], $0xF7A  }
0x23: {  	s9 =	sor.u32 $0xD0000000, s2;
	s6 =	simm.s32 $0x108;
	_ =	swait.ge @!p0 [sflag:s8], $0x0  }
0x24: {  	s3 =	sadd.s32 $0x88, s3;
	s6 =	simm.s32 @!p1 $0x1082;
	[sflag:s4] =	ssyncset.s32 $0xFFFFF086  }
0x25: {  	[simem:s6], [sflag:s4] =	dma.local [hbm:s3], $0xF7A  }
0x26: {  	[smem:$0x3F92] =	sst s1;
	(tag) =	ssettag s2;
	_ =	strace s9  }
0x27: {  	s1 =	sld [smem:$0x3FA2]  }
0x28: {  	s2 =	sld [smem:$0x3FA3]  }
0x29: {  	s4 =	sld [smem:$0x3FA5]  }
0x2a: {  	p0 =	seq.s32 s5, $0x0;
	s5 =	sld [smem:$0x3FA6]  }
0x2b: {  	s6 =	sld [smem:$0x3FA7]  }
0x2c: {  	s7 =	sld [smem:$0x3FA8]  }
0x2d: {  	s3 =	simm.s32 $0x108;
	s8 =	sld [smem:$0x3FA9]  }
0x2e: {  	s3 =	simm.s32 @!p0 $0x1082;
	s9 =	sld [smem:$0x3FAA]  }
0x2f: {  	lr =	sadd.s32 s0, s3;
	s0 =	sld [smem:$0x3FA1]  }
0x30: {  	s3 =	sld [smem:$0x3FA4]  }
0x31: {  	[smem:$0x3FAD] =	sst s10  }
0x32: {  	s10 =	sld [smem:$0x3FAB];
	_ =	sdelay $0x3  }
0x33: {  	p0 =	seq.s32 s10, $0x1;
	s10 =	sld [smem:$0x3FAD];
	_ =	sdelay $0x3  }
0x34: {  	[smem:$0x3FAD] =	sst s10  }
0x35: {  	s10 =	sld [smem:$0x3FAC];
	_ =	sdelay $0x3  }
0x36: {  	p1 =	seq.s32 s10, $0x1;
	s10 =	sld [smem:$0x3FAD];
	_ =	sdelay $0x3  }
0x37: {  	[smem:$0x3FAD] =	sst s10  }
0x38: {  	s10 =	sld [smem:$0x3FAE]  }
0x39: {  	_ = 	snop;
	(pc) =	sbr.ind lr, $3  }
0x3a: {  	_ = 	snop  }
0x3b: {  	_ = 	snop  }
0x3c: {  	p2 =	seq.s32 s10, $0x1;
	s10 =	sld [smem:$0x3FAD]  }
0x3d: {  	_ =	shalt  }
0x3e: {  	_ =	shalt  }
0x3f: {  	_ =	shalt  }
0x40: {  	_ =	shalt  }
0x41: {  	_ =	shalt  }
0x42: {  	_ =	shalt  }
0x43: {  	_ =	shalt  }
0x44: {  	_ =	shalt  }
0x45: {  	_ =	shalt  }
0x46: {  	_ =	shalt  }
0x47: {  	_ =	shalt  }
0x48: {  	_ =	shalt  }
0x49: {  	_ =	shalt  }
0x4a: {  	_ =	shalt  }
0x4b: {  	_ =	shalt  }
0x4c: {  	_ =	shalt  }
0x4d: {  	_ =	shalt  }
0x4e: {  	_ =	shalt  }
0x4f: {  	_ =	shalt  }
0x50: {  	_ =	shalt  }
0x51: {  	_ =	shalt  }
0x52: {  	_ =	shalt  }
0x53: {  	_ =	shalt  }
0x54: {  	_ =	shalt  }
0x55: {  	_ =	shalt  }
0x56: {  	_ =	shalt  }
0x57: {  	_ =	shalt  }
0x58: {  	_ =	shalt  }
0x59: {  	_ =	shalt  }
0x5a: {  	_ =	shalt  }
0x5b: {  	_ =	shalt  }
0x5c: {  	_ =	shalt  }
0x5d: {  	_ =	shalt  }
0x5e: {  	_ =	shalt  }
0x5f: {  	_ =	shalt  }
0x60: {  	_ =	shalt  }
0x61: {  	_ =	shalt  }
0x62: {  	_ =	shalt  }
0x63: {  	_ =	shalt  }
0x64: {  	_ =	shalt  }
0x65: {  	_ =	shalt  }
0x66: {  	_ =	shalt  }
0x67: {  	_ =	shalt  }
0x68: {  	_ =	shalt  }
0x69: {  	_ =	shalt  }
0x6a: {  	_ =	shalt  }
0x6b: {  	_ =	shalt  }
0x6c: {  	_ =	shalt  }
0x6d: {  	_ =	shalt  }
0x6e: {  	_ =	shalt  }
0x6f: {  	_ =	shalt  }
0x70: {  	_ =	shalt  }
0x71: {  	_ =	shalt  }
0x72: {  	_ =	shalt  }
0x73: {  	_ =	shalt  }
0x74: {  	_ =	shalt  }
0x75: {  	_ =	shalt  }
0x76: {  	_ =	shalt  }
0x77: {  	_ =	shalt  }
0x78: {  	_ =	shalt  }
0x79: {  	_ =	shalt  }
0x7a: {  	_ =	shalt  }
0x7b: {  	_ =	shalt  }
0x7c: {  	_ =	shalt  }
0x7d: {  	_ =	shalt  }
0x7e: {  	_ =	shalt  }
0x7f: {  	_ =	shalt  }
0x80: {  	_ =	shalt  }
0x81: {  	_ =	shalt  }
0x82: {  	_ =	shalt  }
0x83: {  	_ =	shalt  }
0x84: {  	_ =	shalt  }
0x85: {  	_ =	shalt  }
0x86: {  	_ =	shalt  }
0x87: {  	_ =	shalt  }
.Lfunc_end0:
.L_simem_size_0:
called_computation.1_lowered:
.L_overlay_start_0:
0x88: {  	s2 =	sld [smem:$0x3FD9]  }
0x89: {  	s3 =	sld [smem:$0x3FFE];
	_ =	sdelay $0x1  }
0x8a: {  	s1 =	srdreg.scid  }
0x8b: {  	s0 =	sand.u32 $0x1, s1  }
0x8c: {  	s16 =	sshll.u32 s0, $0xA;
	s2 =	sadd.s32 s3, s2  }
0x8d: {  	s2 =	sadd.s32 s2, s16  }
0x8e: {  	[smem:$0x3FB9] =	sst s2  }
0x8f: {  	_ = 	snop  }
0x90: {  	(tm) =	ssettm $0x1  }
0x91: {  	s17 =	sld [smem:$0x3FFB];
	_ =	sdelay $0x3  }
0x92: {  	_ =	strace s17  }
0x93: {  	s2 =	sld [smem:$0x3FFC];
	_ =	sdelay $0x3  }
0x94: {  	_ =	strace s2  }
0x95: {  	s2 =	sld [smem:$0x3FFD];
	_ =	sdelay $0x3  }
0x96: {  	_ =	strace s2  }
0x97: {  	_ =	strace $0x8FFFFFFF  }
0x98: {  	s18 =	sld [smem:$0x3FDB];
	_ =	sdelay $0x1  }
0x99: {  	s19 =	simm.s32 $_scs_section_size  }
0x9a: {  	s4 =	simm.s32 $_size__tile_overlayer_lowered;
	s5 =	simm.s32 $_tile_overlayer_lowered  }
0x9b: {  	s22 =	simm.s32 $0x1BFF;
	s21 =	sshll.u32 s5, $0x1;
	s2 =	sadd.s32 s19, s18  }
0x9c: {  	s6 =	simm.s32 $0x0;
	s20 =	sshll.u32 s4, $0x1;
	s4 =	sadd.s32 s21, s2  }
0x9d: {  	[timem:s6], [sflag:s22] =	dma.local [hbm:s4], s20  }
0x9e: {  	_ =	swait.ge [sflag:s22], s20  }
0x9f: {  	s3 =	ssub.s32 $0x0, s20;
	[sflag:s22] =	ssyncset.done $0x0  }
0xa0: {  	[sflag:s22] =	ssyncadd.s32 s3;
	_ =	sdelay $0x1  }
0xa1: {  	s23 =	simm.s32 $0x1B8B  }
0xa2: {  	_ =	swait.ge [sflag:s23], $0x1  }
0xa3: {  	[sflag:s23] =	ssyncset.done $0x0  }
0xa4: {  	s25 =	simm.s32 $0x1B8E;
	s24 =	sld [smem:$0x3FFE];
	[sflag:s23] =	ssyncadd.s32 $0xFFFFFFFF  }
0xa5: {  	s26 =	simm.s32 $execute0_lowered;
	[smem:$0x3FD2] =	sst s25  }
0xa6: {  	s4 =	sshll.u32 s26, $0x1;
	_ =	strace $0x80000049;
	[dreg:$0x1] =	wrdreg $0xFFFFFFFF  }
0xa7: {  	s28 =	simm.s32 $_size_execute0_lowered;
	s2 =	sadd.s32 s2, s4;
	[dreg:$0x0] =	wrdreg $0x0  }
0xa8: {  	s4 =	sshll.u32 s28, $0x1;
	[dreg:$0x2] =	wrdreg s2  }
0xa9: {  	[dreg:$0x3] =	wrdreg s4  }
0xaa: {  	[dreg:$0x4] =	wrdreg $0xC0  }
0xab: {  	_ =	task [dreg:s6], $0x5FFFF  }
0xac: {  	[dreg:$0x1] =	wrdreg $0xFFFFFFFF  }
0xad: {  	[dreg:$0x0] =	wrdreg $0x60  }
0xae: {  	[dreg:$0x2] =	wrdreg s24  }
0xaf: {  	[dreg:$0x3] =	wrdreg $0xA8000  }
0xb0: {  	[dreg:$0x4] =	wrdreg $0x9  }
0xb1: {  	_ =	task.clear_ibuf [dreg:s6], $0x5FFFF;
	_ =	strace $0x90000049  }
0xb2: {  	s29 =	simm.s32 $0x9;
	_ =	strace $0x8000004B  }
0xb3: {  	_ =	swait.ge [sflag:s29], $0x1  }
0xb4: {  	[sflag:s29] =	ssyncadd.s32 $0xFFFFFFFF  }
0xb5: {  	_ =	strace $0x9000004B  }
0xb6: {  	_ =	sfence  }
0xb7: {  	s30 =	sld [smem:$0x0];
	_ =	sdelay $0x2  }
0xb8: {  	s31 =	sshll.u32 s1, $0xD;
	s1 =	sshrl.u32 s1, $0x2  }
0xb9: {  	s3 =	sand.u32 $0x4000, s31;
	s1 =	sadd.s32 s1, s30  }
0xba: {  	s0 =	sor.u32 s3, s0;
	s1 =	sshll.u32 s1, $0x11  }
0xbb: {  	s0 =	sor.u32 s1, s0  }
0xbc: {  	s0 =	sadd.s32 $0x8F2B, s0  }
0xbd: {  	[sflag:s0] =	ssyncadd.remote.s32 $0x1  }
0xbe: {  	_ =	sfence.sel $0xFFFF  }
0xbf: {  	[dreg:$0x0] =	wrdreg $0xFFFFFFFF;
	(pc) =	sbr.abs _section_cstart, $3  }
0xc0: {  	[dreg:$0x1] =	wrdreg $0xFFFFFFFF  }
0xc1: {  	_ =	task.clear_ibuf [dreg:s6], $0x2FFFF;
	_ =	strace $0x9FFFFFFF  }
0xc2: {  	(tm) =	ssettm $0x7FFFFFFF  }
0xc3: {  	_ =	shalt  }
tec
execute0_lowered:
.L_overlay_start_1:
0x0: {  	(tag) =	ssettag $0x1  }
0x1: {  	s0 =	rddreg [dreg:$0x0]  }
0x2: {  	s1 =	rddreg [dreg:$0x1]  }
0x3: {  	s3 =	simm.s32 $0x0;
	s2 =	srdreg.scid;
	s9 =	stileid.u32  }
0x4: {  	s21 =	simm.s32 $0x6800;
	s28 =	simm.s32 $0x2;
	s29 =	simm.s32 $0x1380  }
0x5: {  	s30 =	simm.s32 $0x2700;
	s31 =	simm.s32 $0x2780;
	[smem:$0x7FF] =	sst s3  }
0x6: {  	s4 =	sadd.s32 $0x2E00, s0;
	s2 =	sand.u32 $0x1, s2;
	s5 =	sshll.u32 s9, $0x1  }
0x7: {  	s13 =	sadd.s32 $0x2AE00, s0;
	s14 =	sadd.s32 $0x34E00, s0;
	s10 =	sadd.s32 $0x3EE00, s0  }
0x8: {  	s0 =	sadd.s32 $0x3F600, s0;
	s15 =	sshll.u32 s9, $0xE;
	_ =	strace $0x8000004A  }
0x9: {  	s6 =	ssub.s32 $0x2, s2;
	s5 =	sor.u32 s2, s5;
	[dreg:$0x3] =	wrdreg s10  }
0xa: {  	s16 =	sor.u32 $0x40000, s15;
	s17 =	sor.u32 $0x80000, s15;
	s18 =	sor.u32 $0xC0000, s15  }
0xb: {  	s19 =	sor.u32 $0x100000, s15;
	s2 =	smul.u32 $0x140000, s2;
	s7 =	sshrl.u32 s6, $0x1  }
0xc: {  	s8 =	smul.u32 $0x500, s5;
	s9 =	sadd.s32 s16, s1;
	s10 =	sadd.s32 s17, s1  }
0xd: {  	s5 =	smul.u32 $0x2800, s5;
	s11 =	sadd.s32 s18, s1;
	s12 =	sadd.s32 s19, s1  }
0xe: {  	s20 =	ssub.s32 s6, s7;
	s16 =	sadd.s32 s2, s16;
	s25 =	sadd.s32 s2, s17  }
0xf: {  	s26 =	sadd.s32 s2, s18;
	s22 =	sadd.s32 s13, s8;
	s23 =	sadd.s32 s14, s8  }
0x10: {  	s8 =	sadd.s32 s15, s1;
	s5 =	sshrl.u32 s5, $0x3;
	s15 =	sor.u32 s15, s2  }
0x11: {  	s16 =	sshrl.u32 s16, $0x3;
	s2 =	sadd.s32 s2, s19;
	s18 =	sshrl.u32 s26, $0x3  }
0x12: {  	s20 =	smax.u32 s20, $0x1;
	s26 =	simm.s32 $0x1;
	[dreg:$0x4] =	wrdreg s22  }
0x13: {  	[dreg:$0x5] =	wrdreg s23;
	s5 =	sadd.s32 $0x280, s5;
	s15 =	sshrl.u32 s15, $0x3  }
0x14: {  	s16 =	sadd.s32 s0, s16;
	s2 =	sshrl.u32 s2, $0x3;
	s18 =	sadd.s32 s0, s18  }
0x15: {  	s22 =	simm.s32 $0x3;
	s23 =	simm.s32 $0x1400;
	s24 =	sadd.s32 s13, s5  }
0x16: {  	s14 =	sadd.s32 s14, s5;
	s15 =	sadd.s32 s0, s15;
	s5 =	sshrl.u32 s25, $0x3  }
0x17: {  	s19 =	sadd.s32 s0, s2;
	s25 =	simm.s32 $0x2800;
	[dreg:$0x6] =	wrdreg s24  }
0x18: {  	s17 =	sadd.s32 s0, s5;
	s24 =	simm.s32 $0x80;
	s0 =	simm.s32 $0x0  }
.LBB2_1:
0x19: {  	s2 =	rddreg [dreg:$0x3]  }
0x1a: {  	[tilespmem:s21], [sflag:$0x3] =	stream.linear.gather [hbm4b:s2+s3], $0x4000, $0x38;
	[tilespmem:$0x1E800] =	vst v63  }
0x1b: {  	_ =	swait.ge [sflag:s22], $0x4000  }
0x1c: {  	[sflag:s22] =	ssyncset.done $0x0  }
0x1d: {  	s7 =	rddreg [dreg:$0x4];
	[sflag:s22] =	ssyncadd.s32 $0xFFFFC000  }
0x1e: {  	[tilespmem:s3], [sflag:$0x3] =	stream.linear.gather [hbm4b:s7+s3], $0x1400, $0x38;
	[tilespmem:$0x1E800] =	vst v63  }
0x1f: {  	_ =	swait.ge [sflag:s22], $0x1400  }
0x20: {  	[sflag:s22] =	ssyncset.done $0x0  }
0x21: {  	s13 =	rddreg [dreg:$0x5];
	[sflag:s22] =	ssyncadd.s32 $0xFFFFEC00  }
0x22: {  	[tilespmem:s23], [sflag:$0x3] =	stream.linear.gather [hbm4b:s13+s3], $0x1400, $0x38;
	[tilespmem:$0x1E800] =	vst v63  }
0x23: {  	_ =	swait.ge [sflag:s22], $0x1400  }
0x24: {  	[sflag:s22] =	ssyncset.done $0x0  }
0x25: {  	[sflag:s22] =	ssyncadd.s32 $0xFFFFEC00  }
0x26: {  	[tilespmem:s25], [sflag:$0x1] =	stream.indirect.gather [hbm4b:s4+s24], $0x80, s3, s24, $0xb8;
	[tilespmem:$0x1E800] =	vst v63  }
0x27: {  	_ = 	snop  }
0x28: {  	[spmem:s8] =	stream.linear.scatter [tilespmem:s21], [sflag:$0x3], $0x4000, $0x38;
	[tilespmem:$0x1E800] =	vst v63  }
0x29: {  	_ =	swait.ge [sflag:s22], $0x4000  }
0x2a: {  	[sflag:s22] =	ssyncset.done $0x0  }
0x2b: {  	[sflag:s22] =	ssyncadd.s32 $0xFFFFC000  }
0x2c: {  	[spmem:s9] =	stream.linear.scatter [tilespmem:s21], [sflag:$0x3], $0x4000, $0x38;
	[tilespmem:$0x1E800] =	vst v63  }
0x2d: {  	_ =	swait.ge [sflag:s22], $0x4000  }
0x2e: {  	[sflag:s22] =	ssyncset.done $0x0  }
0x2f: {  	[sflag:s22] =	ssyncadd.s32 $0xFFFFC000  }
0x30: {  	[spmem:s10] =	stream.linear.scatter [tilespmem:s21], [sflag:$0x3], $0x4000, $0x38;
	[tilespmem:$0x1E800] =	vst v63  }
0x31: {  	_ =	swait.ge [sflag:s22], $0x4000  }
0x32: {  	[sflag:s22] =	ssyncset.done $0x0  }
0x33: {  	[sflag:s22] =	ssyncadd.s32 $0xFFFFC000  }
0x34: {  	[spmem:s11] =	stream.linear.scatter [tilespmem:s21], [sflag:$0x3], $0x4000, $0x38;
	[tilespmem:$0x1E800] =	vst v63  }
0x35: {  	_ =	swait.ge [sflag:s22], $0x4000  }
0x36: {  	[sflag:s22] =	ssyncset.done $0x0  }
0x37: {  	[sflag:s22] =	ssyncadd.s32 $0xFFFFC000  }
0x38: {  	[spmem:s12] =	stream.linear.scatter [tilespmem:s21], [sflag:$0x3], $0x4000, $0x38;
	[tilespmem:$0x1E800] =	vst v63  }
0x39: {  	_ =	swait.ge [sflag:s22], $0x4000  }
0x3a: {  	[sflag:s22] =	ssyncset.done $0x0  }
0x3b: {  	[sflag:s22] =	ssyncadd.s32 $0xFFFFC000  }
0x3c: {  	s5 =	simm.s32 $0x80;
	[bflag:$0x0] =	sbarrier.arrive $0xFFFF  }
0x3d: {  	[tilespmem:s21], [sflag:$0x2] =	stream.indirect.gather [hbm4b:s4+s24], $0x80, s5, s24, $0xb8;
	[tilespmem:$0x1E800] =	vst v63  }
0x3e: {  	_ =	swait.ge [sflag:s26], $0x4000  }
0x3f: {  	[sflag:s26] =	ssyncset.done $0x0  }
0x40: {  	s6 =	simm.s32 $0x1400;
	[sflag:s26] =	ssyncadd.s32 $0xFFFFC000  }
0x41: {  	[spmem:s1] =	stream.indirect.scatter.add.f32 [tilespmem:s25], [sflag:$0x3], $0x80, s6, s24, $0xb8;
	[tilespmem:$0x1E800] =	vst v63  }
0x42: {  	_ =	swait.ge [sflag:s22], $0x4000  }
0x43: {  	[sflag:s22] =	ssyncset.done $0x0  }
0x44: {  	s7 =	simm.s32 $0x100;
	[sflag:s22] =	ssyncadd.s32 $0xFFFFC000  }
0x45: {  	[tilespmem:s25], [sflag:$0x1] =	stream.indirect.gather [hbm4b:s4+s24], $0x80, s7, s24, $0xb8;
	[tilespmem:$0x1E800] =	vst v63  }
0x46: {  	_ =	swait.ge [sflag:s28], $0x4000  }
0x47: {  	[sflag:s28] =	ssyncset.done $0x0  }
0x48: {  	s13 =	simm.s32 $0x1480;
	[sflag:s28] =	ssyncadd.s32 $0xFFFFC000  }
0x49: {  	[spmem:s1] =	stream.indirect.scatter.add.f32 [tilespmem:s21], [sflag:$0x3], $0x80, s13, s24, $0xb8;
	[tilespmem:$0x1E800] =	vst v63  }
0x4a: {  	_ =	swait.ge [sflag:s22], $0x4000  }
0x4b: {  	s2 =	simm.s32 $0x100;
	s5 =	simm.s32 $0x800;
	[sflag:s22] =	ssyncset.done $0x0  }
.LBB2_2:
0x4c: {  	s6 =	sadd.s32 $0x80, s2  }
0x4d: {  	[sflag:s22] =	ssyncadd.s32 $0xFFFFC000;
	s7 =	smov.u32 s5;
	s13 =	sadd.s32 $0x400, s5  }
0x4e: {  	[tilespmem:s21], [sflag:$0x2] =	stream.indirect.gather [hbm4b:s4+s24], $0x80, s6, s24, $0xb8;
	[tilespmem:$0x1E800] =	vst v63  }
0x4f: {  	p0 =	sne.s32 s5, $0x4800;
	_ =	swait.ge [sflag:s26], $0x4000  }
0x50: {  	[sflag:s26] =	ssyncset.done $0x0  }
0x51: {  	s5 =	sadd.s32 $0x1400, s2;
	[sflag:s26] =	ssyncadd.s32 $0xFFFFC000  }
0x52: {  	[spmem:s1] =	stream.indirect.scatter.add.f32 [tilespmem:s25], [sflag:$0x3], $0x80, s5, s24, $0xb8;
	[tilespmem:$0x1E800] =	vst v63  }
0x53: {  	_ =	swait.ge [sflag:s22], $0x4000  }
0x54: {  	[sflag:s22] =	ssyncset.done $0x0  }
0x55: {  	s5 =	sadd.s32 $0x100, s2;
	[sflag:s22] =	ssyncadd.s32 $0xFFFFC000  }
0x56: {  	[tilespmem:s25], [sflag:$0x1] =	stream.indirect.gather [hbm4b:s4+s24], $0x80, s5, s24, $0xb8;
	[tilespmem:$0x1E800] =	vst v63  }
0x57: {  	_ =	swait.ge [sflag:s28], $0x4000  }
.Ltmp0:
0x58: {  	[sflag:s28] =	ssyncset.done $0x0;
	(pc) =	sbr.rel @p0 .LBB2_2-.Ltmp0, $4  }
0x59: {  	s2 =	sadd.s32 $0x1480, s2;
	[sflag:s28] =	ssyncadd.s32 $0xFFFFC000  }
0x5a: {  	[spmem:s1] =	stream.indirect.scatter.add.f32 [tilespmem:s21], [sflag:$0x3], $0x80, s2, s24, $0xb8;
	[tilespmem:$0x1E800] =	vst v63  }
0x5b: {  	_ =	swait.ge [sflag:s22], $0x4000  }
0x5c: {  	s5 =	smov.u32 s13;
	s2 =	sshra.s32 s7, $0x2;
	[sflag:s22] =	ssyncset.done $0x0  }
0x5d: {  	s5 =	sadd.s32 $0x80, s2;
	[sflag:s22] =	ssyncadd.s32 $0xFFFFC000  }
0x5e: {  	[tilespmem:s21], [sflag:$0x2] =	stream.indirect.gather [hbm4b:s4+s24], $0x80, s5, s24, $0xb8;
	[tilespmem:$0x1E800] =	vst v63  }
0x5f: {  	_ =	swait.ge [sflag:s26], $0x4000  }
0x60: {  	[sflag:s26] =	ssyncset.done $0x0  }
0x61: {  	s7 =	sadd.s32 $0x1400, s2;
	[sflag:s26] =	ssyncadd.s32 $0xFFFFC000  }
0x62: {  	[spmem:s1] =	stream.indirect.scatter.add.f32 [tilespmem:s25], [sflag:$0x3], $0x80, s7, s24, $0xb8;
	[tilespmem:$0x1E800] =	vst v63  }
0x63: {  	_ =	swait.ge [sflag:s22], $0x4000  }
0x64: {  	[sflag:s22] =	ssyncset.done $0x0  }
0x65: {  	s13 =	sadd.s32 $0x100, s2;
	[sflag:s22] =	ssyncadd.s32 $0xFFFFC000  }
0x66: {  	[tilespmem:s25], [sflag:$0x1] =	stream.indirect.gather [hbm4b:s4+s24], $0x80, s13, s24, $0xb8;
	[tilespmem:$0x1E800] =	vst v63  }
0x67: {  	_ =	swait.ge [sflag:s28], $0x4000  }
0x68: {  	[sflag:s28] =	ssyncset.done $0x0  }
0x69: {  	s6 =	sadd.s32 $0x1480, s2;
	[sflag:s28] =	ssyncadd.s32 $0xFFFFC000  }
0x6a: {  	[spmem:s1] =	stream.indirect.scatter.add.f32 [tilespmem:s21], [sflag:$0x3], $0x80, s6, s24, $0xb8;
	[tilespmem:$0x1E800] =	vst v63  }
0x6b: {  	_ =	swait.ge [sflag:s22], $0x4000  }
0x6c: {  	[sflag:s22] =	ssyncset.done $0x0  }
0x6d: {  	[sflag:s22] =	ssyncadd.s32 $0xFFFFC000  }
0x6e: {  	[tilespmem:s21], [sflag:$0x2] =	stream.indirect.gather [hbm4b:s4+s24], $0x80, s29, s24, $0xb8;
	[tilespmem:$0x1E800] =	vst v63  }
0x6f: {  	_ =	swait.ge [sflag:s26], $0x4000  }
0x70: {  	[sflag:s26] =	ssyncset.done $0x0  }
0x71: {  	[sflag:s26] =	ssyncadd.s32 $0xFFFFC000  }
0x72: {  	[spmem:s1] =	stream.indirect.scatter.add.f32 [tilespmem:s25], [sflag:$0x3], $0x80, s30, s24, $0xb8;
	[tilespmem:$0x1E800] =	vst v63  }
0x73: {  	_ =	swait.ge [sflag:s22], $0x4000  }
0x74: {  	[sflag:s22] =	ssyncset.done $0x0  }
0x75: {  	[sflag:s22] =	ssyncadd.s32 $0xFFFFC000  }
0x76: {  	_ =	swait.ge [sflag:s28], $0x4000  }
0x77: {  	[sflag:s28] =	ssyncset.done $0x0  }
0x78: {  	[sflag:s28] =	ssyncadd.s32 $0xFFFFC000  }
0x79: {  	[spmem:s1] =	stream.indirect.scatter.add.f32 [tilespmem:s21], [sflag:$0x3], $0x80, s31, s24, $0xb8;
	[tilespmem:$0x1E800] =	vst v63  }
0x7a: {  	_ =	swait.ge [sflag:s22], $0x4000  }
0x7b: {  	[sflag:s22] =	ssyncset.done $0x0  }
0x7c: {  	s7 =	simm.s32 $0x0;
	s13 =	rddreg [dreg:$0x6];
	[sflag:s22] =	ssyncadd.s32 $0xFFFFC000  }
0x7d: {  	[tilespmem:s7], [sflag:$0x3] =	stream.linear.gather [hbm4b:s13+s7], $0x1400, $0x38;
	[tilespmem:$0x1E800] =	vst v63  }
0x7e: {  	_ =	swait.ge [sflag:s22], $0x1400  }
0x7f: {  	[sflag:s22] =	ssyncset.done $0x0  }
0x80: {  	[sflag:s22] =	ssyncadd.s32 $0xFFFFEC00  }
0x81: {  	[tilespmem:s23], [sflag:$0x3] =	stream.linear.gather [hbm4b:s14+s7], $0x1400, $0x38;
	[tilespmem:$0x1E800] =	vst v63  }
0x82: {  	_ =	swait.ge [sflag:s22], $0x1400  }
0x83: {  	[sflag:s22] =	ssyncset.done $0x0  }
0x84: {  	[sflag:s22] =	ssyncadd.s32 $0xFFFFEC00  }
0x85: {  	[tilespmem:s25], [sflag:$0x1] =	stream.indirect.gather [hbm4b:s4+s24], $0x80, s7, s24, $0xb8;
	[tilespmem:$0x1E800] =	vst v63  }
0x86: {  	s5 =	simm.s32 $0x80  }
0x87: {  	[tilespmem:s21], [sflag:$0x2] =	stream.indirect.gather [hbm4b:s4+s24], $0x80, s5, s24, $0xb8;
	[tilespmem:$0x1E800] =	vst v63  }
0x88: {  	_ =	swait.ge [sflag:s26], $0x4000  }
0x89: {  	[sflag:s26] =	ssyncset.done $0x0  }
0x8a: {  	s6 =	simm.s32 $0x1400;
	[sflag:s26] =	ssyncadd.s32 $0xFFFFC000  }
0x8b: {  	[spmem:s1] =	stream.indirect.scatter.add.f32 [tilespmem:s25], [sflag:$0x3], $0x80, s6, s24, $0xb8;
	[tilespmem:$0x1E800] =	vst v63  }
0x8c: {  	_ =	swait.ge [sflag:s22], $0x4000  }
0x8d: {  	[sflag:s22] =	ssyncset.done $0x0  }
0x8e: {  	s7 =	simm.s32 $0x100;
	[sflag:s22] =	ssyncadd.s32 $0xFFFFC000  }
0x8f: {  	[tilespmem:s25], [sflag:$0x1] =	stream.indirect.gather [hbm4b:s4+s24], $0x80, s7, s24, $0xb8;
	[tilespmem:$0x1E800] =	vst v63  }
0x90: {  	_ =	swait.ge [sflag:s28], $0x4000  }
0x91: {  	[sflag:s28] =	ssyncset.done $0x0  }
0x92: {  	s13 =	simm.s32 $0x1480;
	[sflag:s28] =	ssyncadd.s32 $0xFFFFC000  }
0x93: {  	[spmem:s1] =	stream.indirect.scatter.add.f32 [tilespmem:s21], [sflag:$0x3], $0x80, s13, s24, $0xb8;
	[tilespmem:$0x1E800] =	vst v63  }
0x94: {  	_ =	swait.ge [sflag:s22], $0x4000  }
0x95: {  	s2 =	simm.s32 $0x100;
	s5 =	simm.s32 $0x800;
	[sflag:s22] =	ssyncset.done $0x0  }
.LBB2_4:
0x96: {  	s6 =	sadd.s32 $0x80, s2  }
0x97: {  	[sflag:s22] =	ssyncadd.s32 $0xFFFFC000;
	s7 =	smov.u32 s5;
	s13 =	sadd.s32 $0x400, s5  }
0x98: {  	[tilespmem:s21], [sflag:$0x2] =	stream.indirect.gather [hbm4b:s4+s24], $0x80, s6, s24, $0xb8;
	[tilespmem:$0x1E800] =	vst v63  }
0x99: {  	p0 =	sne.s32 s5, $0x4800;
	_ =	swait.ge [sflag:s26], $0x4000  }
0x9a: {  	[sflag:s26] =	ssyncset.done $0x0  }
0x9b: {  	s5 =	sadd.s32 $0x1400, s2;
	[sflag:s26] =	ssyncadd.s32 $0xFFFFC000  }
0x9c: {  	[spmem:s1] =	stream.indirect.scatter.add.f32 [tilespmem:s25], [sflag:$0x3], $0x80, s5, s24, $0xb8;
	[tilespmem:$0x1E800] =	vst v63  }
0x9d: {  	_ =	swait.ge [sflag:s22], $0x4000  }
0x9e: {  	[sflag:s22] =	ssyncset.done $0x0  }
0x9f: {  	s5 =	sadd.s32 $0x100, s2;
	[sflag:s22] =	ssyncadd.s32 $0xFFFFC000  }
0xa0: {  	[tilespmem:s25], [sflag:$0x1] =	stream.indirect.gather [hbm4b:s4+s24], $0x80, s5, s24, $0xb8;
	[tilespmem:$0x1E800] =	vst v63  }
0xa1: {  	_ =	swait.ge [sflag:s28], $0x4000  }
.Ltmp1:
0xa2: {  	[sflag:s28] =	ssyncset.done $0x0;
	(pc) =	sbr.rel @p0 .LBB2_4-.Ltmp1, $4  }
0xa3: {  	s2 =	sadd.s32 $0x1480, s2;
	[sflag:s28] =	ssyncadd.s32 $0xFFFFC000  }
0xa4: {  	[spmem:s1] =	stream.indirect.scatter.add.f32 [tilespmem:s21], [sflag:$0x3], $0x80, s2, s24, $0xb8;
	[tilespmem:$0x1E800] =	vst v63  }
0xa5: {  	_ =	swait.ge [sflag:s22], $0x4000  }
0xa6: {  	s5 =	smov.u32 s13;
	s2 =	sshra.s32 s7, $0x2;
	[sflag:s22] =	ssyncset.done $0x0  }
0xa7: {  	s5 =	sadd.s32 $0x80, s2;
	[sflag:s22] =	ssyncadd.s32 $0xFFFFC000  }
0xa8: {  	[tilespmem:s21], [sflag:$0x2] =	stream.indirect.gather [hbm4b:s4+s24], $0x80, s5, s24, $0xb8;
	[tilespmem:$0x1E800] =	vst v63  }
0xa9: {  	_ =	swait.ge [sflag:s26], $0x4000  }
0xaa: {  	[sflag:s26] =	ssyncset.done $0x0  }
0xab: {  	s6 =	sadd.s32 $0x1400, s2;
	[sflag:s26] =	ssyncadd.s32 $0xFFFFC000  }
0xac: {  	[spmem:s1] =	stream.indirect.scatter.add.f32 [tilespmem:s25], [sflag:$0x3], $0x80, s6, s24, $0xb8;
	[tilespmem:$0x1E800] =	vst v63  }
0xad: {  	_ =	swait.ge [sflag:s22], $0x4000  }
0xae: {  	[sflag:s22] =	ssyncset.done $0x0  }
0xaf: {  	s7 =	sadd.s32 $0x100, s2;
	[sflag:s22] =	ssyncadd.s32 $0xFFFFC000  }
0xb0: {  	[tilespmem:s25], [sflag:$0x1] =	stream.indirect.gather [hbm4b:s4+s24], $0x80, s7, s24, $0xb8;
	[tilespmem:$0x1E800] =	vst v63  }
0xb1: {  	_ =	swait.ge [sflag:s28], $0x4000  }
0xb2: {  	[sflag:s28] =	ssyncset.done $0x0  }
0xb3: {  	s13 =	sadd.s32 $0x1480, s2;
	[sflag:s28] =	ssyncadd.s32 $0xFFFFC000  }
0xb4: {  	[spmem:s1] =	stream.indirect.scatter.add.f32 [tilespmem:s21], [sflag:$0x3], $0x80, s13, s24, $0xb8;
	[tilespmem:$0x1E800] =	vst v63  }
0xb5: {  	_ =	swait.ge [sflag:s22], $0x4000  }
0xb6: {  	[sflag:s22] =	ssyncset.done $0x0  }
0xb7: {  	[sflag:s22] =	ssyncadd.s32 $0xFFFFC000  }
0xb8: {  	[tilespmem:s21], [sflag:$0x2] =	stream.indirect.gather [hbm4b:s4+s24], $0x80, s29, s24, $0xb8;
	[tilespmem:$0x1E800] =	vst v63  }
0xb9: {  	_ =	swait.ge [sflag:s26], $0x4000  }
0xba: {  	[sflag:s26] =	ssyncset.done $0x0  }
0xbb: {  	[sflag:s26] =	ssyncadd.s32 $0xFFFFC000  }
0xbc: {  	[spmem:s1] =	stream.indirect.scatter.add.f32 [tilespmem:s25], [sflag:$0x3], $0x80, s30, s24, $0xb8;
	[tilespmem:$0x1E800] =	vst v63  }
0xbd: {  	_ =	swait.ge [sflag:s22], $0x4000  }
0xbe: {  	[sflag:s22] =	ssyncset.done $0x0  }
0xbf: {  	[sflag:s22] =	ssyncadd.s32 $0xFFFFC000  }
0xc0: {  	_ =	swait.ge [sflag:s28], $0x4000  }
0xc1: {  	[sflag:s28] =	ssyncset.done $0x0  }
0xc2: {  	[sflag:s28] =	ssyncadd.s32 $0xFFFFC000  }
0xc3: {  	[spmem:s1] =	stream.indirect.scatter.add.f32 [tilespmem:s21], [sflag:$0x3], $0x80, s31, s24, $0xb8;
	[tilespmem:$0x1E800] =	vst v63  }
0xc4: {  	_ =	swait.ge [sflag:s22], $0x4000  }
0xc5: {  	[sflag:s22] =	ssyncset.done $0x0  }
0xc6: {  	[sflag:s22] =	ssyncadd.s32 $0xFFFFC000  }
0xc7: {  	[bflag:$0x0] =	sbarrier.arrive $0xFFFF  }
0xc8: {  	[tilespmem:s25], [sflag:$0x3] =	stream.linear.gather [spmem:s8], $0x4000, $0x38;
	[tilespmem:$0x1E800] =	vst v63  }
0xc9: {  	_ =	swait.ge [sflag:s22], $0x4000  }
0xca: {  	[sflag:s22] =	ssyncset.done $0x0  }
0xcb: {  	[sflag:s22] =	ssyncadd.s32 $0xFFFFC000  }
0xcc: {  	[hbm4b:s15+s3] =	stream.linear.scatter [tilespmem:s25], [sflag:$0x1], $0x4000, $0x38;
	[tilespmem:$0x1E800] =	vst v63  }
0xcd: {  	_ = 	snop  }
0xce: {  	[tilespmem:s21], [sflag:$0x3] =	stream.linear.gather [spmem:s9], $0x4000, $0x38;
	[tilespmem:$0x1E800] =	vst v63  }
0xcf: {  	_ =	swait.ge [sflag:s22], $0x4000  }
0xd0: {  	[sflag:s22] =	ssyncset.done $0x0  }
0xd1: {  	[sflag:s22] =	ssyncadd.s32 $0xFFFFC000  }
0xd2: {  	[hbm4b:s16+s3] =	stream.linear.scatter [tilespmem:s21], [sflag:$0x2], $0x4000, $0x38;
	[tilespmem:$0x1E800] =	vst v63  }
0xd3: {  	_ =	swait.ge [sflag:s26], $0x4000  }
0xd4: {  	[sflag:s26] =	ssyncset.done $0x0  }
0xd5: {  	[sflag:s26] =	ssyncadd.s32 $0xFFFFC000  }
0xd6: {  	[tilespmem:s25], [sflag:$0x3] =	stream.linear.gather [spmem:s10], $0x4000, $0x38;
	[tilespmem:$0x1E800] =	vst v63  }
0xd7: {  	_ =	swait.ge [sflag:s22], $0x4000  }
0xd8: {  	[sflag:s22] =	ssyncset.done $0x0  }
0xd9: {  	[sflag:s22] =	ssyncadd.s32 $0xFFFFC000  }
0xda: {  	[hbm4b:s17+s3] =	stream.linear.scatter [tilespmem:s25], [sflag:$0x1], $0x4000, $0x38;
	[tilespmem:$0x1E800] =	vst v63  }
0xdb: {  	_ =	swait.ge [sflag:s28], $0x4000  }
0xdc: {  	[sflag:s28] =	ssyncset.done $0x0  }
0xdd: {  	[sflag:s28] =	ssyncadd.s32 $0xFFFFC000  }
0xde: {  	[tilespmem:s21], [sflag:$0x3] =	stream.linear.gather [spmem:s11], $0x4000, $0x38;
	[tilespmem:$0x1E800] =	vst v63  }
0xdf: {  	_ =	swait.ge [sflag:s22], $0x4000  }
0xe0: {  	[sflag:s22] =	ssyncset.done $0x0  }
0xe1: {  	[sflag:s22] =	ssyncadd.s32 $0xFFFFC000  }
0xe2: {  	[hbm4b:s18+s3] =	stream.linear.scatter [tilespmem:s21], [sflag:$0x2], $0x4000, $0x38;
	[tilespmem:$0x1E800] =	vst v63  }
0xe3: {  	_ =	swait.ge [sflag:s26], $0x4000  }
0xe4: {  	[sflag:s26] =	ssyncset.done $0x0  }
0xe5: {  	[sflag:s26] =	ssyncadd.s32 $0xFFFFC000  }
0xe6: {  	[tilespmem:s25], [sflag:$0x3] =	stream.linear.gather [spmem:s12], $0x4000, $0x38;
	[tilespmem:$0x1E800] =	vst v63  }
0xe7: {  	_ =	swait.ge [sflag:s22], $0x4000  }
0xe8: {  	[sflag:s22] =	ssyncset.done $0x0  }
0xe9: {  	s0 =	sadd.s32 $0x1, s0;
	[sflag:s22] =	ssyncadd.s32 $0xFFFFC000  }
0xea: {  	[hbm4b:s19+s3] =	stream.linear.scatter [tilespmem:s25], [sflag:$0x1], $0x4000, $0x38;
	[tilespmem:$0x1E800] =	vst v63  }
0xeb: {  	p0 =	sne.s32 s0, s20;
	_ =	swait.ge [sflag:s28], $0x4000  }
.Ltmp2:
0xec: {  	[sflag:s28] =	ssyncset.done $0x0;
	(pc) =	sbr.rel @p0 .LBB2_1-.Ltmp2, $4  }
0xed: {  	[sflag:s28] =	ssyncadd.s32 $0xFFFFC000  }
0xee: {  	_ =	swait.ge [sflag:s26], $0x4000  }
0xef: {  	[sflag:s26] =	ssyncset.done $0x0  }
0xf0: {  	[sflag:s26] =	ssyncadd.s32 $0xFFFFC000  }
0xf1: {  	_ =	sfence.sel $0x180000  }
0xf2: {  	[bflag:$0x0] =	sbarrier.arrive $0xFFFF  }
0xf3: {  	_ =	strace $0x9000004A  }
0xf4: {  	s0 =	stileid.u32;
	[bflag:$0x2] =	sbarrier.arrive $0xFFFF  }
0xf5: {  	p0 =	sne.s32 s0, $0x0;
	s0 =	rddreg [dreg:$0x2]  }
0xf6: {  	s0 =	sadd.s32 @!p0 $0x100000, s0  }
0xf7: {  	[sflag:s0] =	ssyncadd.tile.s32 @!p0 $0x1;
	_ =	shalt  }
.Lfunc_end2:
_tile_overlayer_lowered:
.L_overlay_start_2:
0xf8: {  	(tag) =	ssettag $0x2  }
0xf9: {  	s0 =	rddreg [dreg:$0x0];
	s2 =	stileid.u32  }
0xfa: {  	s1 =	rddreg [dreg:$0x1];
	p0 =	sne.s32 s2, $0x0  }
0xfb: {  	s3 =	rddreg [dreg:$0x2];
	[bflag:$0x3] =	sbarrier.arrive $0xFFFF;
	s2 =	simm.s32 @!p0 $0x1C03  }
0xfc: {  	[timem:s3], [sflag:s2] =	dma.local @!p0 [hbm:s0], s1  }
0xfd: {  	s0 =	simm.s32 @!p0 $0x3  }
0xfe: {  	_ =	swait.ge @!p0 [sflag:s0], s1  }
0xff: {  	s1 =	ssub.s32 @!p0 $0x0, s1;
	[sflag:s0] =	ssyncset.done @!p0 $0x0  }
0x100: {  	[sflag:s0] =	ssyncadd.s32 @!p0 s1  }
0x101: {  	[bflag:$0x3] =	sbarrier.arrive $0xFFFF  }
0x102: {  	_ =	shalt  }

// kernel: kernel.7.cloned.1.call-start
scs
__scs_entry_jumppad:
0x0: {  	(pc) =	sbr.rel $0x88, $3  }
0x1: {  	(tag) =	ssettag $0x0;
	lr =	simm.s32 $0x1  }
0x2: {  	[smem:$0x3F92] =	sst lr;
	_ =	strace $0xD0000000  }
0x3: {  	_ = 	snop  }
0x4: {  	_ = 	snop  }
0x5: {  	_ = 	snop  }
0x6: {  	_ = 	snop  }
0x7: {  	_ = 	snop  }
__scs_overlays_trampoline_lowered:
0x8: {  	[smem:$0x3FA1] =	sst s0  }
0x9: {  	[smem:$0x3FA2] =	sst s1  }
0xa: {  	[smem:$0x3FA3] =	sst s2  }
0xb: {  	[smem:$0x3FA4] =	sst s3  }
0xc: {  	[smem:$0x3FA5] =	sst s4  }
0xd: {  	[smem:$0x3FA6] =	sst s5  }
0xe: {  	[smem:$0x3FA7] =	sst s6  }
0xf: {  	[smem:$0x3FA8] =	sst s7  }
0x10: {  	[smem:$0x3FA9] =	sst s8  }
0x11: {  	[smem:$0x3FAA] =	sst s9;
	s0 =	simm.s32 @!p0 $0x0  }
0x12: {  	s1 =	sld [smem:$0x3F90];
	s0 =	simm.s32 @p0 $0x1  }
0x13: {  	[smem:$0x3FAB] =	sst s0;
	s0 =	simm.s32 @!p1 $0x0  }
0x14: {  	s2 =	sld [smem:$0x3F8F];
	s0 =	simm.s32 @p1 $0x1  }
0x15: {  	[smem:$0x3FAC] =	sst s0;
	s0 =	simm.s32 @!p2 $0x0  }
0x16: {  	s3 =	sld [smem:$0x3FDB];
	s0 =	simm.s32 @p2 $0x1  }
0x17: {  	s4 =	simm.s32 $0x1BF5;
	[smem:$0x3FAE] =	sst s0  }
0x18: {  	s0 =	sld [smem:$0x3F91];
	_ =	swait.ge [sflag:s4], $0x0  }
0x19: {  	s7 =	sld [smem:$0x3F92]  }
0x1a: {  	s8 =	sadd.s32 $0xFFFFE003, lr  }
0x1b: {  	s9 =	sadd.s32 $0xFFFFFEF7, lr;
	s5 =	simm.s32 $0xFFFFFFFF;
	p2 =	slt.u32 s8, $0xFFFFF086  }
0x1c: {  	p1 =	slt.u32 s9, $0xF7A;
	s5 =	simm.s32 @!p2 $0x0  }
0x1d: {  	s5 =	simm.s32 @p1 $0x1;
	p0 =	seq.s32 s7, s2  }
0x1e: {  	s7 =	smul.u32 @!p0 $0xF7A, s2;
	p2 =	seq.s32 @!p0 s5, $0x0  }
0x1f: {  	s9 =	smul.u32 $0xF7A, s1;
	s8 =	simm.s32 @!p0 $0x1BF5;
	p2 =	por !p2, p0  }
0x20: {  	[sflag:s8] =	ssyncset.s32 @!p0 $0xFFFFF086;
	s6 =	sadd.s32 @!p0 s3, s7;
	s7 =	simm.s32 @!p0 $0x108  }
0x21: {  	s3 =	sadd.s32 s3, s9;
	s6 =	sadd.s32 @!p0 $0x88, s6;
	s7 =	simm.s32 @p2 $0x1082  }
0x22: {  	[simem:s7], [sflag:s8] =	dma.local @!p0 [hbm:s6], $0xF7A  }
0x23: {  	s9 =	sor.u32 $0xD0000000, s2;
	s6 =	simm.s32 $0x108;
	_ =	swait.ge @!p0 [sflag:s8], $0x0  }
0x24: {  	s3 =	sadd.s32 $0x88, s3;
	s6 =	simm.s32 @!p1 $0x1082;
	[sflag:s4] =	ssyncset.s32 $0xFFFFF086  }
0x25: {  	[simem:s6], [sflag:s4] =	dma.local [hbm:s3], $0xF7A  }
0x26: {  	[smem:$0x3F92] =	sst s1;
	(tag) =	ssettag s2;
	_ =	strace s9  }
0x27: {  	s1 =	sld [smem:$0x3FA2]  }
0x28: {  	s2 =	sld [smem:$0x3FA3]  }
0x29: {  	s4 =	sld [smem:$0x3FA5]  }
0x2a: {  	p0 =	seq.s32 s5, $0x0;
	s5 =	sld [smem:$0x3FA6]  }
0x2b: {  	s6 =	sld [smem:$0x3FA7]  }
0x2c: {  	s7 =	sld [smem:$0x3FA8]  }
0x2d: {  	s3 =	simm.s32 $0x108;
	s8 =	sld [smem:$0x3FA9]  }
0x2e: {  	s3 =	simm.s32 @!p0 $0x1082;
	s9 =	sld [smem:$0x3FAA]  }
0x2f: {  	lr =	sadd.s32 s0, s3;
	s0 =	sld [smem:$0x3FA1]  }
0x30: {  	s3 =	sld [smem:$0x3FA4]  }
0x31: {  	[smem:$0x3FAD] =	sst s10  }
0x32: {  	s10 =	sld [smem:$0x3FAB];
	_ =	sdelay $0x3  }
0x33: {  	p0 =	seq.s32 s10, $0x1;
	s10 =	sld [smem:$0x3FAD];
	_ =	sdelay $0x3  }
0x34: {  	[smem:$0x3FAD] =	sst s10  }
0x35: {  	s10 =	sld [smem:$0x3FAC];
	_ =	sdelay $0x3  }
0x36: {  	p1 =	seq.s32 s10, $0x1;
	s10 =	sld [smem:$0x3FAD];
	_ =	sdelay $0x3  }
0x37: {  	[smem:$0x3FAD] =	sst s10  }
0x38: {  	s10 =	sld [smem:$0x3FAE]  }
0x39: {  	_ = 	snop;
	(pc) =	sbr.ind lr, $3  }
0x3a: {  	_ = 	snop  }
0x3b: {  	_ = 	snop  }
0x3c: {  	p2 =	seq.s32 s10, $0x1;
	s10 =	sld [smem:$0x3FAD]  }
0x3d: {  	_ =	shalt  }
0x3e: {  	_ =	shalt  }
0x3f: {  	_ =	shalt  }
0x40: {  	_ =	shalt  }
0x41: {  	_ =	shalt  }
0x42: {  	_ =	shalt  }
0x43: {  	_ =	shalt  }
0x44: {  	_ =	shalt  }
0x45: {  	_ =	shalt  }
0x46: {  	_ =	shalt  }
0x47: {  	_ =	shalt  }
0x48: {  	_ =	shalt  }
0x49: {  	_ =	shalt  }
0x4a: {  	_ =	shalt  }
0x4b: {  	_ =	shalt  }
0x4c: {  	_ =	shalt  }
0x4d: {  	_ =	shalt  }
0x4e: {  	_ =	shalt  }
0x4f: {  	_ =	shalt  }
0x50: {  	_ =	shalt  }
0x51: {  	_ =	shalt  }
0x52: {  	_ =	shalt  }
0x53: {  	_ =	shalt  }
0x54: {  	_ =	shalt  }
0x55: {  	_ =	shalt  }
0x56: {  	_ =	shalt  }
0x57: {  	_ =	shalt  }
0x58: {  	_ =	shalt  }
0x59: {  	_ =	shalt  }
0x5a: {  	_ =	shalt  }
0x5b: {  	_ =	shalt  }
0x5c: {  	_ =	shalt  }
0x5d: {  	_ =	shalt  }
0x5e: {  	_ =	shalt  }
0x5f: {  	_ =	shalt  }
0x60: {  	_ =	shalt  }
0x61: {  	_ =	shalt  }
0x62: {  	_ =	shalt  }
0x63: {  	_ =	shalt  }
0x64: {  	_ =	shalt  }
0x65: {  	_ =	shalt  }
0x66: {  	_ =	shalt  }
0x67: {  	_ =	shalt  }
0x68: {  	_ =	shalt  }
0x69: {  	_ =	shalt  }
0x6a: {  	_ =	shalt  }
0x6b: {  	_ =	shalt  }
0x6c: {  	_ =	shalt  }
0x6d: {  	_ =	shalt  }
0x6e: {  	_ =	shalt  }
0x6f: {  	_ =	shalt  }
0x70: {  	_ =	shalt  }
0x71: {  	_ =	shalt  }
0x72: {  	_ =	shalt  }
0x73: {  	_ =	shalt  }
0x74: {  	_ =	shalt  }
0x75: {  	_ =	shalt  }
0x76: {  	_ =	shalt  }
0x77: {  	_ =	shalt  }
0x78: {  	_ =	shalt  }
0x79: {  	_ =	shalt  }
0x7a: {  	_ =	shalt  }
0x7b: {  	_ =	shalt  }
0x7c: {  	_ =	shalt  }
0x7d: {  	_ =	shalt  }
0x7e: {  	_ =	shalt  }
0x7f: {  	_ =	shalt  }
0x80: {  	_ =	shalt  }
0x81: {  	_ =	shalt  }
0x82: {  	_ =	shalt  }
0x83: {  	_ =	shalt  }
0x84: {  	_ =	shalt  }
0x85: {  	_ =	shalt  }
0x86: {  	_ =	shalt  }
0x87: {  	_ =	shalt  }
.Lfunc_end0:
.L_simem_size_0:
called_computation_lowered:
.L_overlay_start_0:
0x88: {  	s2 =	sld [smem:$0x3FD9]  }
0x89: {  	s3 =	sld [smem:$0x3FFE];
	_ =	sdelay $0x1  }
0x8a: {  	s1 =	srdreg.scid  }
0x8b: {  	s0 =	sand.u32 $0x1, s1  }
0x8c: {  	s17 =	sshll.u32 s0, $0xA;
	s2 =	sadd.s32 s3, s2  }
0x8d: {  	s2 =	sadd.s32 s2, s17  }
0x8e: {  	[smem:$0x3FB9] =	sst s2  }
0x8f: {  	_ = 	snop  }
0x90: {  	s2 =	sld [smem:$0x3FD0];
	(tm) =	ssettm $0x1  }
0x91: {  	s18 =	sld [smem:$0x3FFB];
	_ =	sdelay $0x3  }
0x92: {  	_ =	strace s18  }
0x93: {  	s3 =	sld [smem:$0x3FFC];
	_ =	sdelay $0x3  }
0x94: {  	_ =	strace s3  }
0x95: {  	s3 =	sld [smem:$0x3FFD];
	_ =	sdelay $0x3  }
0x96: {  	_ =	strace s3  }
0x97: {  	_ =	strace $0x8FFFFFFF  }
0x98: {  	s19 =	sld [smem:$0x3FDB];
	_ =	sdelay $0x1  }
0x99: {  	s4 =	simm.s32 $_scs_section_size  }
0x9a: {  	s5 =	simm.s32 $_size__tile_overlayer_lowered;
	s6 =	simm.s32 $_tile_overlayer_lowered  }
0x9b: {  	s22 =	simm.s32 $0x1BFF;
	s21 =	sshll.u32 s6, $0x1;
	s3 =	sadd.s32 s4, s19  }
0x9c: {  	s7 =	simm.s32 $0x0;
	s20 =	sshll.u32 s5, $0x1;
	s5 =	sadd.s32 s21, s3  }
0x9d: {  	[timem:s7], [sflag:s22] =	dma.local [hbm:s5], s20  }
0x9e: {  	_ =	swait.ge [sflag:s22], s20  }
0x9f: {  	s4 =	ssub.s32 $0x0, s20;
	[sflag:s22] =	ssyncset.done $0x0  }
0xa0: {  	[sflag:s22] =	ssyncadd.s32 s4;
	_ =	sdelay $0x1  }
0xa1: {  	s23 =	simm.s32 $0x1B8B  }
0xa2: {  	_ =	swait.ge [sflag:s23], $0x1  }
0xa3: {  	[sflag:s23] =	ssyncset.done $0x0  }
0xa4: {  	s25 =	simm.s32 $0x1B8E;
	s24 =	sld [smem:$0x3FFE];
	[sflag:s23] =	ssyncadd.s32 $0xFFFFFFFF  }
0xa5: {  	s26 =	simm.s32 $execute0_lowered;
	[smem:$0x3FD2] =	sst s25  }
0xa6: {  	s5 =	sshll.u32 s26, $0x1;
	_ =	strace $0x80000046;
	[dreg:$0x1] =	wrdreg $0xFFFFFFFF  }
0xa7: {  	s28 =	simm.s32 $_size_execute0_lowered;
	s3 =	sadd.s32 s3, s5;
	[dreg:$0x0] =	wrdreg $0x0  }
0xa8: {  	s5 =	sshll.u32 s28, $0x1;
	[dreg:$0x2] =	wrdreg s3  }
0xa9: {  	[dreg:$0x3] =	wrdreg s5  }
0xaa: {  	[dreg:$0x4] =	wrdreg $0xC0  }
0xab: {  	_ =	task [dreg:s7], $0x5FFFF  }
0xac: {  	[dreg:$0x1] =	wrdreg $0xFFFFFFFF  }
0xad: {  	[dreg:$0x0] =	wrdreg $0x60  }
0xae: {  	[dreg:$0x2] =	wrdreg s24  }
0xaf: {  	[dreg:$0x3] =	wrdreg s2  }
0xb0: {  	[dreg:$0x4] =	wrdreg $0xA8000  }
0xb1: {  	[dreg:$0x5] =	wrdreg $0x1E9000  }
0xb2: {  	[dreg:$0x6] =	wrdreg $0x9  }
0xb3: {  	_ =	task.clear_ibuf [dreg:s7], $0x7FFFF;
	_ =	strace $0x90000046  }
0xb4: {  	s29 =	simm.s32 $0x9;
	_ =	strace $0x80000048  }
0xb5: {  	_ =	swait.ge [sflag:s29], $0x1  }
0xb6: {  	[sflag:s29] =	ssyncadd.s32 $0xFFFFFFFF  }
0xb7: {  	_ =	strace $0x90000048  }
0xb8: {  	_ =	sfence  }
0xb9: {  	s30 =	sld [smem:$0x0];
	_ =	sdelay $0x2  }
0xba: {  	s31 =	sshll.u32 s1, $0xD;
	s1 =	sshrl.u32 s1, $0x2  }
0xbb: {  	s3 =	sand.u32 $0x4000, s31;
	s1 =	sadd.s32 s1, s30  }
0xbc: {  	s0 =	sor.u32 s3, s0;
	s1 =	sshll.u32 s1, $0x11  }
0xbd: {  	s0 =	sor.u32 s1, s0  }
0xbe: {  	s0 =	sadd.s32 $0x8F2B, s0  }
0xbf: {  	[sflag:s0] =	ssyncadd.remote.s32 $0x1  }
0xc0: {  	_ =	sfence.sel $0xFFFF  }
0xc1: {  	[dreg:$0x0] =	wrdreg $0xFFFFFFFF;
	(pc) =	sbr.abs _section_cstart, $3  }
0xc2: {  	[dreg:$0x1] =	wrdreg $0xFFFFFFFF  }
0xc3: {  	_ =	task.clear_ibuf [dreg:s7], $0x2FFFF;
	_ =	strace $0x9FFFFFFF  }
0xc4: {  	(tm) =	ssettm $0x7FFFFFFF  }
0xc5: {  	_ =	shalt  }
tec
execute0_lowered:
.L_overlay_start_1:
0x0: {  	(tag) =	ssettag $0x1  }
0x1: {  	s0 =	srdreg.scid  }
0x2: {  	s16 =	stileid.u32;
	s1 =	rddreg [dreg:$0x0];
	s5 =	sand.u32 $0x1, s0  }
0x3: {  	s25 =	sshll.u32 s16, $0x1;
	s6 =	sadd.s32 $0x2AE00, s1;
	s7 =	sadd.s32 $0x34E00, s1  }
0x4: {  	s8 =	sadd.s32 $0x40000, s1;
	s11 =	sshll.u32 s16, $0x7;
	s20 =	sshll.u32 s16, $0x8  }
0x5: {  	s4 =	sor.u32 s5, s25;
	s26 =	ssub.s32 $0x2, s5;
	s15 =	smul.u32 $0x140000, s5  }
0x6: {  	s14 =	sor.u32 $0x1800, s11;
	s5 =	sshll.u32 s5, $0x7;
	s2 =	smul.u32 $0x500, s4  }
0x7: {  	s3 =	sshrl.u32 s26, $0x1;
	s10 =	smul.u32 $0x2800, s4;
	s4 =	sor.u32 $0x2000, s11  }
0x8: {  	s18 =	sshll.u32 s14, $0x7;
	s0 =	ssub.s32 s26, s3;
	s3 =	sor.u32 $0x800, s11  }
0x9: {  	s19 =	sshll.u32 s4, $0x7;
	s25 =	sadd.s32 s15, s18;
	s9 =	sadd.s32 s6, s2  }
0xa: {  	s2 =	sadd.s32 s7, s2;
	s12 =	sshll.u32 s3, $0x7;
	s10 =	sshrl.u32 s10, $0x3  }
0xb: {  	s23 =	sshll.u32 s3, $0x1;
	s0 =	smax.u32 s0, $0x1;
	[dreg:$0x5] =	wrdreg s9  }
0xc: {  	[dreg:$0x6] =	wrdreg s2;
	s9 =	sshll.u32 s16, $0xE;
	s2 =	sor.u32 $0x1000, s11  }
0xd: {  	s10 =	sadd.s32 $0x280, s10;
	s21 =	sadd.s32 s15, s12;
	s16 =	sshrl.u32 s25, $0x3  }
0xe: {  	s13 =	sshll.u32 s2, $0x7;
	s6 =	sadd.s32 s6, s10;
	s10 =	sadd.s32 s7, s10  }
0xf: {  	s17 =	sor.u32 s9, s15;
	s7 =	sor.u32 s5, s20;
	[dreg:$0x7] =	wrdreg s6  }
0x10: {  	s26 =	sadd.s32 s8, s16;
	s20 =	sshll.u32 s14, $0x1;
	[dreg:$0x8] =	wrdreg s10  }
0x11: {  	s6 =	sshrl.u32 s17, $0x3;
	s10 =	sshrl.u32 s21, $0x3;
	s24 =	sadd.s32 s15, s13  }
0x12: {  	s15 =	sadd.s32 s15, s19;
	[dreg:$0xc] =	wrdreg s26;
	s17 =	sshll.u32 s2, $0x1  }
0x13: {  	s21 =	sor.u32 s5, s20;
	s20 =	sadd.s32 $0x3F600, s1;
	s6 =	sadd.s32 s8, s6  }
0x14: {  	s22 =	sadd.s32 s8, s10;
	s10 =	sshrl.u32 s24, $0x3;
	[dreg:$0x9] =	wrdreg s6  }
0x15: {  	s16 =	sshrl.u32 s15, $0x3;
	s26 =	sshrl.u32 s21, $0x3;
	[dreg:$0xa] =	wrdreg s22  }
0x16: {  	s10 =	sadd.s32 s8, s10;
	s8 =	sadd.s32 s8, s16;
	s16 =	rddreg [dreg:$0x2]  }
0x17: {  	s21 =	sadd.s32 $0x3EE00, s1;
	s6 =	sshrl.u32 s7, $0x3;
	[dreg:$0xb] =	wrdreg s10  }
0x18: {  	s7 =	sor.u32 s5, s23;
	s22 =	sshll.u32 s4, $0x1;
	[dreg:$0xd] =	wrdreg s8  }
0x19: {  	s8 =	sor.u32 s5, s17;
	s10 =	simm.s32 $0x0;
	s5 =	sor.u32 s5, s22  }
0x1a: {  	s6 =	sadd.s32 s20, s6;
	s23 =	sshrl.u32 s7, $0x3;
	s17 =	rddreg [dreg:$0x3]  }
0x1b: {  	s22 =	sadd.s32 s9, s16;
	s29 =	sadd.s32 s18, s16;
	[smem:$0x7FF] =	sst s10  }
0x1c: {  	s31 =	sadd.s32 s19, s16;
	s7 =	simm.s32 $0x1;
	[dreg:$0xe] =	wrdreg s6  }
0x1d: {  	s24 =	sshrl.u32 s8, $0x3;
	s6 =	sadd.s32 s20, s23;
	s5 =	sshrl.u32 s5, $0x3  }
0x1e: {  	s23 =	sadd.s32 s11, s17;
	s28 =	sadd.s32 s2, s17;
	s30 =	sadd.s32 s14, s17  }
0x1f: {  	s15 =	sadd.s32 s4, s17;
	s2 =	simm.s32 $0x1E800;
	s8 =	simm.s32 $0x2  }
0x20: {  	s11 =	simm.s32 $0x2700;
	s14 =	simm.s32 $0x0;
	[dreg:$0xf] =	wrdreg s6  }
0x21: {  	s25 =	sadd.s32 s20, s24;
	s6 =	sadd.s32 s20, s26;
	s5 =	sadd.s32 s20, s5  }
0x22: {  	s20 =	sadd.s32 $0x2E00, s1;
	s24 =	sadd.s32 s12, s16;
	[dreg:$0x10] =	wrdreg s25  }
0x23: {  	s26 =	sadd.s32 s13, s16;
	s12 =	simm.s32 $0x6800;
	[dreg:$0x11] =	wrdreg s6  }
0x24: {  	s1 =	simm.s32 $0x3;
	s13 =	simm.s32 $0x2780;
	[dreg:$0x12] =	wrdreg s5  }
0x25: {  	s25 =	sadd.s32 s3, s17;
	s3 =	simm.s32 $0x1E880;
	s5 =	simm.s32 $0x80  }
0x26: {  	s6 =	simm.s32 $0x2800;
	_ =	strace $0x80000047;
	[dreg:$0x13] =	wrdreg s0  }
.LBB2_1:
0x27: {  	[tilespmem:s12], [sflag:$0x3] =	stream.linear.gather [hbm4b:s21+s10], $0x4000, $0x38;
	[tilespmem:$0x1EB80] =	vst v63  }
0x28: {  	_ =	swait.ge [sflag:s1], $0x4000  }
0x29: {  	[sflag:s1] =	ssyncset.done $0x0  }
0x2a: {  	[sflag:s1] =	ssyncadd.s32 $0xFFFFC000  }
0x2b: {  	s0 =	rddreg [dreg:$0x1]  }
0x2c: {  	[tilespmem:s2], [sflag:$0x3] =	stream.linear.gather [hbm4b:s0+s10], $0x80, $0x38;
	[tilespmem:$0x1EB80] =	vst v63  }
0x2d: {  	_ =	swait.ge [sflag:s1], $0x80  }
0x2e: {  	[sflag:s1] =	ssyncset.done $0x0  }
0x2f: {  	[sflag:s1] =	ssyncadd.s32 $0xFFFFFF80  }
0x30: {  	[tilespmem:s3], [sflag:$0x3] =	stream.linear.gather [hbm4b:s21+s10], $0x80, $0x38;
	[tilespmem:$0x1EB80] =	vst v63  }
0x31: {  	_ =	swait.ge [sflag:s1], $0x80  }
0x32: {  	[sflag:s1] =	ssyncset.done $0x0  }
0x33: {  	s18 =	rddreg [dreg:$0x5];
	[sflag:s1] =	ssyncadd.s32 $0xFFFFFF80  }
0x34: {  	[tilespmem:s10], [sflag:$0x3] =	stream.linear.gather [hbm4b:s18+s10], $0x1400, $0x38;
	[tilespmem:$0x1EB80] =	vst v63  }
0x35: {  	_ =	swait.ge [sflag:s1], $0x1400  }
0x36: {  	[sflag:s1] =	ssyncset.done $0x0  }
0x37: {  	s4 =	simm.s32 $0x1400;
	s19 =	rddreg [dreg:$0x6];
	[sflag:s1] =	ssyncadd.s32 $0xFFFFEC00  }
0x38: {  	[tilespmem:s4], [sflag:$0x3] =	stream.linear.gather [hbm4b:s19+s10], $0x1400, $0x38;
	[tilespmem:$0x1EB80] =	vst v63  }
0x39: {  	_ =	swait.ge [sflag:s1], $0x1400  }
0x3a: {  	[sflag:s1] =	ssyncset.done $0x0  }
0x3b: {  	[sflag:s1] =	ssyncadd.s32 $0xFFFFEC00  }
0x3c: {  	[tilespmem:s6], [sflag:$0x1] =	stream.indirect.gather [hbm4b:s20+s5], $0x80, s10, s5, $0xb8;
	[tilespmem:$0x1EB80] =	vst v63  }
0x3d: {  	_ = 	snop  }
0x3e: {  	[spmem:s22] =	stream.linear.scatter [tilespmem:s12], [sflag:$0x3], $0x4000, $0x38;
	[tilespmem:$0x1EB80] =	vst v63  }
0x3f: {  	_ =	swait.ge [sflag:s1], $0x4000  }
0x40: {  	[sflag:s1] =	ssyncset.done $0x0  }
0x41: {  	[sflag:s1] =	ssyncadd.s32 $0xFFFFC000  }
0x42: {  	[spmem:s23] =	stream.linear.scatter [tilespmem:s3], [sflag:$0x3], $0x80, $0x38;
	[tilespmem:$0x1EB80] =	vst v63  }
0x43: {  	_ =	swait.ge [sflag:s1], $0x80  }
0x44: {  	[sflag:s1] =	ssyncset.done $0x0  }
0x45: {  	[sflag:s1] =	ssyncadd.s32 $0xFFFFFF80  }
0x46: {  	[spmem:s24] =	stream.linear.scatter [tilespmem:s12], [sflag:$0x3], $0x4000, $0x38;
	[tilespmem:$0x1EB80] =	vst v63  }
0x47: {  	_ =	swait.ge [sflag:s1], $0x4000  }
0x48: {  	[sflag:s1] =	ssyncset.done $0x0  }
0x49: {  	[sflag:s1] =	ssyncadd.s32 $0xFFFFC000  }
0x4a: {  	[spmem:s25] =	stream.linear.scatter [tilespmem:s3], [sflag:$0x3], $0x80, $0x38;
	[tilespmem:$0x1EB80] =	vst v63  }
0x4b: {  	_ =	swait.ge [sflag:s1], $0x80  }
0x4c: {  	[sflag:s1] =	ssyncset.done $0x0  }
0x4d: {  	[sflag:s1] =	ssyncadd.s32 $0xFFFFFF80  }
0x4e: {  	[spmem:s26] =	stream.linear.scatter [tilespmem:s12], [sflag:$0x3], $0x4000, $0x38;
	[tilespmem:$0x1EB80] =	vst v63  }
0x4f: {  	_ =	swait.ge [sflag:s1], $0x4000  }
0x50: {  	[sflag:s1] =	ssyncset.done $0x0  }
0x51: {  	[sflag:s1] =	ssyncadd.s32 $0xFFFFC000  }
0x52: {  	[spmem:s28] =	stream.linear.scatter [tilespmem:s3], [sflag:$0x3], $0x80, $0x38;
	[tilespmem:$0x1EB80] =	vst v63  }
0x53: {  	_ =	swait.ge [sflag:s1], $0x80  }
0x54: {  	[sflag:s1] =	ssyncset.done $0x0  }
0x55: {  	[sflag:s1] =	ssyncadd.s32 $0xFFFFFF80  }
0x56: {  	[spmem:s29] =	stream.linear.scatter [tilespmem:s12], [sflag:$0x3], $0x4000, $0x38;
	[tilespmem:$0x1EB80] =	vst v63  }
0x57: {  	_ =	swait.ge [sflag:s1], $0x4000  }
0x58: {  	[sflag:s1] =	ssyncset.done $0x0  }
0x59: {  	[sflag:s1] =	ssyncadd.s32 $0xFFFFC000  }
0x5a: {  	[spmem:s30] =	stream.linear.scatter [tilespmem:s3], [sflag:$0x3], $0x80, $0x38;
	[tilespmem:$0x1EB80] =	vst v63  }
0x5b: {  	_ =	swait.ge [sflag:s1], $0x80  }
0x5c: {  	[sflag:s1] =	ssyncset.done $0x0  }
0x5d: {  	[sflag:s1] =	ssyncadd.s32 $0xFFFFFF80  }
0x5e: {  	[spmem:s31] =	stream.linear.scatter [tilespmem:s12], [sflag:$0x3], $0x4000, $0x38;
	[tilespmem:$0x1EB80] =	vst v63  }
0x5f: {  	_ =	swait.ge [sflag:s1], $0x4000  }
0x60: {  	[sflag:s1] =	ssyncset.done $0x0  }
0x61: {  	[sflag:s1] =	ssyncadd.s32 $0xFFFFC000  }
0x62: {  	[spmem:s15] =	stream.linear.scatter [tilespmem:s3], [sflag:$0x3], $0x80, $0x38;
	[tilespmem:$0x1EB80] =	vst v63  }
0x63: {  	_ =	swait.ge [sflag:s1], $0x80  }
0x64: {  	[sflag:s1] =	ssyncset.done $0x0  }
0x65: {  	[sflag:s1] =	ssyncadd.s32 $0xFFFFFF80  }
0x66: {  	s18 =	simm.s32 $0x80;
	[bflag:$0x0] =	sbarrier.arrive $0xFFFF  }
0x67: {  	[tilespmem:s12], [sflag:$0x2] =	stream.indirect.gather [hbm4b:s20+s5], $0x80, s18, s5, $0xb8;
	[tilespmem:$0x1EB80] =	vst v63  }
0x68: {  	_ =	swait.ge [sflag:s7], $0x4000  }
0x69: {  	[sflag:s7] =	ssyncset.done $0x0  }
0x6a: {  	s4 =	simm.s32 $0x1400;
	[sflag:s7] =	ssyncadd.s32 $0xFFFFC000  }
0x6b: {  	[spmem:s16] =	stream.indirect.scatter.add.f32 [tilespmem:s6], [sflag:$0x3], $0x80, s4, s5, $0xb8;
	[tilespmem:$0x1EB80] =	vst v63  }
0x6c: {  	_ =	swait.ge [sflag:s1], $0x4000  }
0x6d: {  	[sflag:s1] =	ssyncset.done $0x0  }
0x6e: {  	[sflag:s1] =	ssyncadd.s32 $0xFFFFC000  }
0x6f: {  	[spmem:s17] =	stream.indirect.scatter.add.f32 [tilespmem:s2], [sflag:$0x3], $0x1, s4, s5, $0xb8;
	[tilespmem:$0x1EB80] =	vst v63  }
0x70: {  	_ =	swait.ge [sflag:s1], $0x80  }
0x71: {  	[sflag:s1] =	ssyncset.done $0x0  }
0x72: {  	s9 =	simm.s32 $0x100;
	[sflag:s1] =	ssyncadd.s32 $0xFFFFFF80  }
0x73: {  	[tilespmem:s6], [sflag:$0x1] =	stream.indirect.gather [hbm4b:s20+s5], $0x80, s9, s5, $0xb8;
	[tilespmem:$0x1EB80] =	vst v63  }
0x74: {  	_ =	swait.ge [sflag:s8], $0x4000  }
0x75: {  	[sflag:s8] =	ssyncset.done $0x0  }
0x76: {  	s19 =	simm.s32 $0x1480;
	[sflag:s8] =	ssyncadd.s32 $0xFFFFC000  }
0x77: {  	[spmem:s16] =	stream.indirect.scatter.add.f32 [tilespmem:s12], [sflag:$0x3], $0x80, s19, s5, $0xb8;
	[tilespmem:$0x1EB80] =	vst v63  }
0x78: {  	_ =	swait.ge [sflag:s1], $0x4000  }
0x79: {  	[sflag:s1] =	ssyncset.done $0x0  }
0x7a: {  	[sflag:s1] =	ssyncadd.s32 $0xFFFFC000  }
0x7b: {  	[spmem:s17] =	stream.indirect.scatter.add.f32 [tilespmem:s2], [sflag:$0x3], $0x1, s19, s5, $0xb8;
	[tilespmem:$0x1EB80] =	vst v63  }
0x7c: {  	_ =	swait.ge [sflag:s1], $0x80  }
0x7d: {  	s18 =	simm.s32 $0x100;
	s19 =	simm.s32 $0x800;
	[sflag:s1] =	ssyncset.done $0x0  }
.LBB2_2:
0x7e: {  	s4 =	sadd.s32 $0x80, s18  }
0x7f: {  	[sflag:s1] =	ssyncadd.s32 $0xFFFFFF80;
	s0 =	smov.u32 s19;
	s9 =	sadd.s32 $0x400, s19  }
0x80: {  	[tilespmem:s12], [sflag:$0x2] =	stream.indirect.gather [hbm4b:s20+s5], $0x80, s4, s5, $0xb8;
	[tilespmem:$0x1EB80] =	vst v63  }
0x81: {  	p0 =	sne.s32 s19, $0x4800;
	_ =	swait.ge [sflag:s7], $0x4000  }
0x82: {  	[sflag:s7] =	ssyncset.done $0x0  }
0x83: {  	s4 =	sadd.s32 $0x1400, s18;
	[sflag:s7] =	ssyncadd.s32 $0xFFFFC000  }
0x84: {  	[spmem:s16] =	stream.indirect.scatter.add.f32 [tilespmem:s6], [sflag:$0x3], $0x80, s4, s5, $0xb8;
	[tilespmem:$0x1EB80] =	vst v63  }
0x85: {  	_ =	swait.ge [sflag:s1], $0x4000  }
0x86: {  	[sflag:s1] =	ssyncset.done $0x0  }
0x87: {  	[sflag:s1] =	ssyncadd.s32 $0xFFFFC000  }
0x88: {  	[spmem:s17] =	stream.indirect.scatter.add.f32 [tilespmem:s2], [sflag:$0x3], $0x1, s4, s5, $0xb8;
	[tilespmem:$0x1EB80] =	vst v63  }
0x89: {  	_ =	swait.ge [sflag:s1], $0x80  }
0x8a: {  	[sflag:s1] =	ssyncset.done $0x0  }
0x8b: {  	s4 =	sadd.s32 $0x100, s18;
	[sflag:s1] =	ssyncadd.s32 $0xFFFFFF80  }
0x8c: {  	[tilespmem:s6], [sflag:$0x1] =	stream.indirect.gather [hbm4b:s20+s5], $0x80, s4, s5, $0xb8;
	[tilespmem:$0x1EB80] =	vst v63  }
0x8d: {  	_ =	swait.ge [sflag:s8], $0x4000  }
0x8e: {  	[sflag:s8] =	ssyncset.done $0x0  }
0x8f: {  	s4 =	sadd.s32 $0x1480, s18;
	[sflag:s8] =	ssyncadd.s32 $0xFFFFC000  }
0x90: {  	[spmem:s16] =	stream.indirect.scatter.add.f32 [tilespmem:s12], [sflag:$0x3], $0x80, s4, s5, $0xb8;
	[tilespmem:$0x1EB80] =	vst v63  }
0x91: {  	_ =	swait.ge [sflag:s1], $0x4000  }
.Ltmp0:
0x92: {  	[sflag:s1] =	ssyncset.done $0x0;
	(pc) =	sbr.rel @p0 .LBB2_2-.Ltmp0, $4  }
0x93: {  	[sflag:s1] =	ssyncadd.s32 $0xFFFFC000  }
0x94: {  	[spmem:s17] =	stream.indirect.scatter.add.f32 [tilespmem:s2], [sflag:$0x3], $0x1, s4, s5, $0xb8;
	[tilespmem:$0x1EB80] =	vst v63  }
0x95: {  	_ =	swait.ge [sflag:s1], $0x80  }
0x96: {  	s19 =	smov.u32 s9;
	s18 =	sshra.s32 s0, $0x2;
	[sflag:s1] =	ssyncset.done $0x0  }
0x97: {  	s0 =	sadd.s32 $0x80, s18;
	[sflag:s1] =	ssyncadd.s32 $0xFFFFFF80  }
0x98: {  	[tilespmem:s12], [sflag:$0x2] =	stream.indirect.gather [hbm4b:s20+s5], $0x80, s0, s5, $0xb8;
	[tilespmem:$0x1EB80] =	vst v63  }
0x99: {  	_ =	swait.ge [sflag:s7], $0x4000  }
0x9a: {  	[sflag:s7] =	ssyncset.done $0x0  }
0x9b: {  	s9 =	sadd.s32 $0x1400, s18;
	[sflag:s7] =	ssyncadd.s32 $0xFFFFC000  }
0x9c: {  	[spmem:s16] =	stream.indirect.scatter.add.f32 [tilespmem:s6], [sflag:$0x3], $0x80, s9, s5, $0xb8;
	[tilespmem:$0x1EB80] =	vst v63  }
0x9d: {  	_ =	swait.ge [sflag:s1], $0x4000  }
0x9e: {  	[sflag:s1] =	ssyncset.done $0x0  }
0x9f: {  	[sflag:s1] =	ssyncadd.s32 $0xFFFFC000  }
0xa0: {  	[spmem:s17] =	stream.indirect.scatter.add.f32 [tilespmem:s2], [sflag:$0x3], $0x1, s9, s5, $0xb8;
	[tilespmem:$0x1EB80] =	vst v63  }
0xa1: {  	_ =	swait.ge [sflag:s1], $0x80  }
0xa2: {  	[sflag:s1] =	ssyncset.done $0x0  }
0xa3: {  	s19 =	sadd.s32 $0x100, s18;
	[sflag:s1] =	ssyncadd.s32 $0xFFFFFF80  }
0xa4: {  	[tilespmem:s6], [sflag:$0x1] =	stream.indirect.gather [hbm4b:s20+s5], $0x80, s19, s5, $0xb8;
	[tilespmem:$0x1EB80] =	vst v63  }
0xa5: {  	_ =	swait.ge [sflag:s8], $0x4000  }
0xa6: {  	[sflag:s8] =	ssyncset.done $0x0  }
0xa7: {  	s4 =	sadd.s32 $0x1480, s18;
	[sflag:s8] =	ssyncadd.s32 $0xFFFFC000  }
0xa8: {  	[spmem:s16] =	stream.indirect.scatter.add.f32 [tilespmem:s12], [sflag:$0x3], $0x80, s4, s5, $0xb8;
	[tilespmem:$0x1EB80] =	vst v63  }
0xa9: {  	_ =	swait.ge [sflag:s1], $0x4000  }
0xaa: {  	[sflag:s1] =	ssyncset.done $0x0  }
0xab: {  	[sflag:s1] =	ssyncadd.s32 $0xFFFFC000  }
0xac: {  	[spmem:s17] =	stream.indirect.scatter.add.f32 [tilespmem:s2], [sflag:$0x3], $0x1, s4, s5, $0xb8;
	[tilespmem:$0x1EB80] =	vst v63  }
0xad: {  	_ =	swait.ge [sflag:s1], $0x80  }
0xae: {  	[sflag:s1] =	ssyncset.done $0x0  }
0xaf: {  	s9 =	simm.s32 $0x1380;
	[sflag:s1] =	ssyncadd.s32 $0xFFFFFF80  }
0xb0: {  	[tilespmem:s12], [sflag:$0x2] =	stream.indirect.gather [hbm4b:s20+s5], $0x80, s9, s5, $0xb8;
	[tilespmem:$0x1EB80] =	vst v63  }
0xb1: {  	_ =	swait.ge [sflag:s7], $0x4000  }
0xb2: {  	[sflag:s7] =	ssyncset.done $0x0  }
0xb3: {  	[sflag:s7] =	ssyncadd.s32 $0xFFFFC000  }
0xb4: {  	[spmem:s16] =	stream.indirect.scatter.add.f32 [tilespmem:s6], [sflag:$0x3], $0x80, s11, s5, $0xb8;
	[tilespmem:$0x1EB80] =	vst v63  }
0xb5: {  	_ =	swait.ge [sflag:s1], $0x4000  }
0xb6: {  	[sflag:s1] =	ssyncset.done $0x0  }
0xb7: {  	[sflag:s1] =	ssyncadd.s32 $0xFFFFC000  }
0xb8: {  	[spmem:s17] =	stream.indirect.scatter.add.f32 [tilespmem:s2], [sflag:$0x3], $0x1, s11, s5, $0xb8;
	[tilespmem:$0x1EB80] =	vst v63  }
0xb9: {  	_ =	swait.ge [sflag:s1], $0x80  }
0xba: {  	[sflag:s1] =	ssyncset.done $0x0  }
0xbb: {  	[sflag:s1] =	ssyncadd.s32 $0xFFFFFF80  }
0xbc: {  	_ =	swait.ge [sflag:s8], $0x4000  }
0xbd: {  	[sflag:s8] =	ssyncset.done $0x0  }
0xbe: {  	[sflag:s8] =	ssyncadd.s32 $0xFFFFC000  }
0xbf: {  	[spmem:s16] =	stream.indirect.scatter.add.f32 [tilespmem:s12], [sflag:$0x3], $0x80, s13, s5, $0xb8;
	[tilespmem:$0x1EB80] =	vst v63  }
0xc0: {  	_ =	swait.ge [sflag:s1], $0x4000  }
0xc1: {  	[sflag:s1] =	ssyncset.done $0x0  }
0xc2: {  	[sflag:s1] =	ssyncadd.s32 $0xFFFFC000  }
0xc3: {  	[spmem:s17] =	stream.indirect.scatter.add.f32 [tilespmem:s2], [sflag:$0x3], $0x1, s13, s5, $0xb8;
	[tilespmem:$0x1EB80] =	vst v63  }
0xc4: {  	_ =	swait.ge [sflag:s1], $0x80  }
0xc5: {  	[sflag:s1] =	ssyncset.done $0x0  }
0xc6: {  	s18 =	simm.s32 $0x0;
	s4 =	rddreg [dreg:$0x7];
	[sflag:s1] =	ssyncadd.s32 $0xFFFFFF80  }
0xc7: {  	[tilespmem:s18], [sflag:$0x3] =	stream.linear.gather [hbm4b:s4+s18], $0x1400, $0x38;
	[tilespmem:$0x1EB80] =	vst v63  }
0xc8: {  	_ =	swait.ge [sflag:s1], $0x1400  }
0xc9: {  	[sflag:s1] =	ssyncset.done $0x0  }
0xca: {  	s9 =	simm.s32 $0x1400;
	s19 =	rddreg [dreg:$0x8];
	[sflag:s1] =	ssyncadd.s32 $0xFFFFEC00  }
0xcb: {  	[tilespmem:s9], [sflag:$0x3] =	stream.linear.gather [hbm4b:s19+s18], $0x1400, $0x38;
	[tilespmem:$0x1EB80] =	vst v63  }
0xcc: {  	_ =	swait.ge [sflag:s1], $0x1400  }
0xcd: {  	[sflag:s1] =	ssyncset.done $0x0  }
0xce: {  	[sflag:s1] =	ssyncadd.s32 $0xFFFFEC00  }
0xcf: {  	[tilespmem:s6], [sflag:$0x1] =	stream.indirect.gather [hbm4b:s20+s5], $0x80, s18, s5, $0xb8;
	[tilespmem:$0x1EB80] =	vst v63  }
0xd0: {  	s4 =	simm.s32 $0x80  }
0xd1: {  	[tilespmem:s12], [sflag:$0x2] =	stream.indirect.gather [hbm4b:s20+s5], $0x80, s4, s5, $0xb8;
	[tilespmem:$0x1EB80] =	vst v63  }
0xd2: {  	_ =	swait.ge [sflag:s7], $0x4000  }
0xd3: {  	[sflag:s7] =	ssyncset.done $0x0  }
0xd4: {  	s9 =	simm.s32 $0x1400;
	[sflag:s7] =	ssyncadd.s32 $0xFFFFC000  }
0xd5: {  	[spmem:s16] =	stream.indirect.scatter.add.f32 [tilespmem:s6], [sflag:$0x3], $0x80, s9, s5, $0xb8;
	[tilespmem:$0x1EB80] =	vst v63  }
0xd6: {  	_ =	swait.ge [sflag:s1], $0x4000  }
0xd7: {  	[sflag:s1] =	ssyncset.done $0x0  }
0xd8: {  	[sflag:s1] =	ssyncadd.s32 $0xFFFFC000  }
0xd9: {  	[spmem:s17] =	stream.indirect.scatter.add.f32 [tilespmem:s2], [sflag:$0x3], $0x1, s9, s5, $0xb8;
	[tilespmem:$0x1EB80] =	vst v63  }
0xda: {  	_ =	swait.ge [sflag:s1], $0x80  }
0xdb: {  	[sflag:s1] =	ssyncset.done $0x0  }
0xdc: {  	s18 =	simm.s32 $0x100;
	[sflag:s1] =	ssyncadd.s32 $0xFFFFFF80  }
0xdd: {  	[tilespmem:s6], [sflag:$0x1] =	stream.indirect.gather [hbm4b:s20+s5], $0x80, s18, s5, $0xb8;
	[tilespmem:$0x1EB80] =	vst v63  }
0xde: {  	_ =	swait.ge [sflag:s8], $0x4000  }
0xdf: {  	[sflag:s8] =	ssyncset.done $0x0  }
0xe0: {  	s19 =	simm.s32 $0x1480;
	[sflag:s8] =	ssyncadd.s32 $0xFFFFC000  }
0xe1: {  	[spmem:s16] =	stream.indirect.scatter.add.f32 [tilespmem:s12], [sflag:$0x3], $0x80, s19, s5, $0xb8;
	[tilespmem:$0x1EB80] =	vst v63  }
0xe2: {  	_ =	swait.ge [sflag:s1], $0x4000  }
0xe3: {  	[sflag:s1] =	ssyncset.done $0x0  }
0xe4: {  	[sflag:s1] =	ssyncadd.s32 $0xFFFFC000  }
0xe5: {  	[spmem:s17] =	stream.indirect.scatter.add.f32 [tilespmem:s2], [sflag:$0x3], $0x1, s19, s5, $0xb8;
	[tilespmem:$0x1EB80] =	vst v63  }
0xe6: {  	_ =	swait.ge [sflag:s1], $0x80  }
0xe7: {  	s18 =	simm.s32 $0x100;
	s19 =	simm.s32 $0x800;
	[sflag:s1] =	ssyncset.done $0x0  }
.LBB2_4:
0xe8: {  	s0 =	sadd.s32 $0x80, s18  }
0xe9: {  	[sflag:s1] =	ssyncadd.s32 $0xFFFFFF80;
	s4 =	smov.u32 s19;
	s9 =	sadd.s32 $0x400, s19  }
0xea: {  	[tilespmem:s12], [sflag:$0x2] =	stream.indirect.gather [hbm4b:s20+s5], $0x80, s0, s5, $0xb8;
	[tilespmem:$0x1EB80] =	vst v63  }
0xeb: {  	p0 =	sne.s32 s19, $0x4800;
	_ =	swait.ge [sflag:s7], $0x4000  }
0xec: {  	[sflag:s7] =	ssyncset.done $0x0  }
0xed: {  	s0 =	sadd.s32 $0x1400, s18;
	[sflag:s7] =	ssyncadd.s32 $0xFFFFC000  }
0xee: {  	[spmem:s16] =	stream.indirect.scatter.add.f32 [tilespmem:s6], [sflag:$0x3], $0x80, s0, s5, $0xb8;
	[tilespmem:$0x1EB80] =	vst v63  }
0xef: {  	_ =	swait.ge [sflag:s1], $0x4000  }
0xf0: {  	[sflag:s1] =	ssyncset.done $0x0  }
0xf1: {  	[sflag:s1] =	ssyncadd.s32 $0xFFFFC000  }
0xf2: {  	[spmem:s17] =	stream.indirect.scatter.add.f32 [tilespmem:s2], [sflag:$0x3], $0x1, s0, s5, $0xb8;
	[tilespmem:$0x1EB80] =	vst v63  }
0xf3: {  	_ =	swait.ge [sflag:s1], $0x80  }
0xf4: {  	[sflag:s1] =	ssyncset.done $0x0  }
0xf5: {  	s0 =	sadd.s32 $0x100, s18;
	[sflag:s1] =	ssyncadd.s32 $0xFFFFFF80  }
0xf6: {  	[tilespmem:s6], [sflag:$0x1] =	stream.indirect.gather [hbm4b:s20+s5], $0x80, s0, s5, $0xb8;
	[tilespmem:$0x1EB80] =	vst v63  }
0xf7: {  	_ =	swait.ge [sflag:s8], $0x4000  }
0xf8: {  	[sflag:s8] =	ssyncset.done $0x0  }
0xf9: {  	s0 =	sadd.s32 $0x1480, s18;
	[sflag:s8] =	ssyncadd.s32 $0xFFFFC000  }
0xfa: {  	[spmem:s16] =	stream.indirect.scatter.add.f32 [tilespmem:s12], [sflag:$0x3], $0x80, s0, s5, $0xb8;
	[tilespmem:$0x1EB80] =	vst v63  }
0xfb: {  	_ =	swait.ge [sflag:s1], $0x4000  }
.Ltmp1:
0xfc: {  	[sflag:s1] =	ssyncset.done $0x0;
	(pc) =	sbr.rel @p0 .LBB2_4-.Ltmp1, $4  }
0xfd: {  	[sflag:s1] =	ssyncadd.s32 $0xFFFFC000  }
0xfe: {  	[spmem:s17] =	stream.indirect.scatter.add.f32 [tilespmem:s2], [sflag:$0x3], $0x1, s0, s5, $0xb8;
	[tilespmem:$0x1EB80] =	vst v63  }
0xff: {  	_ =	swait.ge [sflag:s1], $0x80  }
0x100: {  	s19 =	smov.u32 s9;
	s18 =	sshra.s32 s4, $0x2;
	[sflag:s1] =	ssyncset.done $0x0  }
0x101: {  	s0 =	sadd.s32 $0x80, s18;
	[sflag:s1] =	ssyncadd.s32 $0xFFFFFF80  }
0x102: {  	[tilespmem:s12], [sflag:$0x2] =	stream.indirect.gather [hbm4b:s20+s5], $0x80, s0, s5, $0xb8;
	[tilespmem:$0x1EB80] =	vst v63  }
0x103: {  	_ =	swait.ge [sflag:s7], $0x4000  }
0x104: {  	[sflag:s7] =	ssyncset.done $0x0  }
0x105: {  	s4 =	sadd.s32 $0x1400, s18;
	[sflag:s7] =	ssyncadd.s32 $0xFFFFC000  }
0x106: {  	[spmem:s16] =	stream.indirect.scatter.add.f32 [tilespmem:s6], [sflag:$0x3], $0x80, s4, s5, $0xb8;
	[tilespmem:$0x1EB80] =	vst v63  }
0x107: {  	_ =	swait.ge [sflag:s1], $0x4000  }
0x108: {  	[sflag:s1] =	ssyncset.done $0x0  }
0x109: {  	[sflag:s1] =	ssyncadd.s32 $0xFFFFC000  }
0x10a: {  	[spmem:s17] =	stream.indirect.scatter.add.f32 [tilespmem:s2], [sflag:$0x3], $0x1, s4, s5, $0xb8;
	[tilespmem:$0x1EB80] =	vst v63  }
0x10b: {  	_ =	swait.ge [sflag:s1], $0x80  }
0x10c: {  	[sflag:s1] =	ssyncset.done $0x0  }
0x10d: {  	s9 =	sadd.s32 $0x100, s18;
	[sflag:s1] =	ssyncadd.s32 $0xFFFFFF80  }
0x10e: {  	[tilespmem:s6], [sflag:$0x1] =	stream.indirect.gather [hbm4b:s20+s5], $0x80, s9, s5, $0xb8;
	[tilespmem:$0x1EB80] =	vst v63  }
0x10f: {  	_ =	swait.ge [sflag:s8], $0x4000  }
0x110: {  	[sflag:s8] =	ssyncset.done $0x0  }
0x111: {  	s19 =	sadd.s32 $0x1480, s18;
	[sflag:s8] =	ssyncadd.s32 $0xFFFFC000  }
0x112: {  	[spmem:s16] =	stream.indirect.scatter.add.f32 [tilespmem:s12], [sflag:$0x3], $0x80, s19, s5, $0xb8;
	[tilespmem:$0x1EB80] =	vst v63  }
0x113: {  	_ =	swait.ge [sflag:s1], $0x4000  }
0x114: {  	[sflag:s1] =	ssyncset.done $0x0  }
0x115: {  	[sflag:s1] =	ssyncadd.s32 $0xFFFFC000  }
0x116: {  	[spmem:s17] =	stream.indirect.scatter.add.f32 [tilespmem:s2], [sflag:$0x3], $0x1, s19, s5, $0xb8;
	[tilespmem:$0x1EB80] =	vst v63  }
0x117: {  	_ =	swait.ge [sflag:s1], $0x80  }
0x118: {  	[sflag:s1] =	ssyncset.done $0x0  }
0x119: {  	s4 =	simm.s32 $0x1380;
	[sflag:s1] =	ssyncadd.s32 $0xFFFFFF80  }
0x11a: {  	[tilespmem:s12], [sflag:$0x2] =	stream.indirect.gather [hbm4b:s20+s5], $0x80, s4, s5, $0xb8;
	[tilespmem:$0x1EB80] =	vst v63  }
0x11b: {  	_ =	swait.ge [sflag:s7], $0x4000  }
0x11c: {  	[sflag:s7] =	ssyncset.done $0x0  }
0x11d: {  	[sflag:s7] =	ssyncadd.s32 $0xFFFFC000  }
0x11e: {  	[spmem:s16] =	stream.indirect.scatter.add.f32 [tilespmem:s6], [sflag:$0x3], $0x80, s11, s5, $0xb8;
	[tilespmem:$0x1EB80] =	vst v63  }
0x11f: {  	_ =	swait.ge [sflag:s1], $0x4000  }
0x120: {  	[sflag:s1] =	ssyncset.done $0x0  }
0x121: {  	[sflag:s1] =	ssyncadd.s32 $0xFFFFC000  }
0x122: {  	[spmem:s17] =	stream.indirect.scatter.add.f32 [tilespmem:s2], [sflag:$0x3], $0x1, s11, s5, $0xb8;
	[tilespmem:$0x1EB80] =	vst v63  }
0x123: {  	_ =	swait.ge [sflag:s1], $0x80  }
0x124: {  	[sflag:s1] =	ssyncset.done $0x0  }
0x125: {  	[sflag:s1] =	ssyncadd.s32 $0xFFFFFF80  }
0x126: {  	_ =	swait.ge [sflag:s8], $0x4000  }
0x127: {  	[sflag:s8] =	ssyncset.done $0x0  }
0x128: {  	[sflag:s8] =	ssyncadd.s32 $0xFFFFC000  }
0x129: {  	[spmem:s16] =	stream.indirect.scatter.add.f32 [tilespmem:s12], [sflag:$0x3], $0x80, s13, s5, $0xb8;
	[tilespmem:$0x1EB80] =	vst v63  }
0x12a: {  	_ =	swait.ge [sflag:s1], $0x4000  }
0x12b: {  	[sflag:s1] =	ssyncset.done $0x0  }
0x12c: {  	[sflag:s1] =	ssyncadd.s32 $0xFFFFC000  }
0x12d: {  	[spmem:s17] =	stream.indirect.scatter.add.f32 [tilespmem:s2], [sflag:$0x3], $0x1, s13, s5, $0xb8;
	[tilespmem:$0x1EB80] =	vst v63  }
0x12e: {  	_ =	swait.ge [sflag:s1], $0x80  }
0x12f: {  	[sflag:s1] =	ssyncset.done $0x0  }
0x130: {  	[sflag:s1] =	ssyncadd.s32 $0xFFFFFF80  }
0x131: {  	[bflag:$0x0] =	sbarrier.arrive $0xFFFF  }
0x132: {  	[tilespmem:s6], [sflag:$0x3] =	stream.linear.gather [spmem:s22], $0x4000, $0x38;
	[tilespmem:$0x1EB80] =	vst v63  }
0x133: {  	_ =	swait.ge [sflag:s1], $0x4000  }
0x134: {  	[sflag:s1] =	ssyncset.done $0x0  }
0x135: {  	s9 =	rddreg [dreg:$0x9];
	[sflag:s1] =	ssyncadd.s32 $0xFFFFC000  }
0x136: {  	[hbm4b:s9+s10] =	stream.linear.scatter [tilespmem:s6], [sflag:$0x1], $0x4000, $0x38;
	[tilespmem:$0x1EB80] =	vst v63  }
0x137: {  	_ = 	snop  }
0x138: {  	[tilespmem:s2], [sflag:$0x3] =	stream.linear.gather [spmem:s23], $0x80, $0x38;
	[tilespmem:$0x1EB80] =	vst v63  }
0x139: {  	_ =	swait.ge [sflag:s1], $0x80  }
0x13a: {  	[sflag:s1] =	ssyncset.done $0x0  }
0x13b: {  	s18 =	rddreg [dreg:$0xe];
	[sflag:s1] =	ssyncadd.s32 $0xFFFFFF80  }
0x13c: {  	[hbm4b:s18+s10] =	stream.linear.scatter [tilespmem:s2], [sflag:$0x3], $0x80, $0x38;
	[tilespmem:$0x1EB80] =	vst v63  }
0x13d: {  	_ =	swait.ge [sflag:s1], $0x80  }
0x13e: {  	[sflag:s1] =	ssyncset.done $0x0  }
0x13f: {  	[sflag:s1] =	ssyncadd.s32 $0xFFFFFF80  }
0x140: {  	[tilespmem:s12], [sflag:$0x3] =	stream.linear.gather [spmem:s24], $0x4000, $0x38;
	[tilespmem:$0x1EB80] =	vst v63  }
0x141: {  	_ =	swait.ge [sflag:s1], $0x4000  }
0x142: {  	[sflag:s1] =	ssyncset.done $0x0  }
0x143: {  	s19 =	rddreg [dreg:$0xa];
	[sflag:s1] =	ssyncadd.s32 $0xFFFFC000  }
0x144: {  	[hbm4b:s19+s10] =	stream.linear.scatter [tilespmem:s12], [sflag:$0x2], $0x4000, $0x38;
	[tilespmem:$0x1EB80] =	vst v63  }
0x145: {  	_ = 	snop  }
0x146: {  	[tilespmem:s2], [sflag:$0x3] =	stream.linear.gather [spmem:s25], $0x80, $0x38;
	[tilespmem:$0x1EB80] =	vst v63  }
0x147: {  	_ =	swait.ge [sflag:s1], $0x80  }
0x148: {  	[sflag:s1] =	ssyncset.done $0x0  }
0x149: {  	s4 =	rddreg [dreg:$0xf];
	[sflag:s1] =	ssyncadd.s32 $0xFFFFFF80  }
0x14a: {  	[hbm4b:s4+s10] =	stream.linear.scatter [tilespmem:s2], [sflag:$0x3], $0x80, $0x38;
	[tilespmem:$0x1EB80] =	vst v63  }
0x14b: {  	_ =	swait.ge [sflag:s1], $0x80  }
0x14c: {  	[sflag:s1] =	ssyncset.done $0x0  }
0x14d: {  	[sflag:s1] =	ssyncadd.s32 $0xFFFFFF80  }
0x14e: {  	_ =	swait.ge [sflag:s7], $0x4000  }
0x14f: {  	[sflag:s7] =	ssyncset.done $0x0  }
0x150: {  	[sflag:s7] =	ssyncadd.s32 $0xFFFFC000  }
0x151: {  	[tilespmem:s6], [sflag:$0x3] =	stream.linear.gather [spmem:s26], $0x4000, $0x38;
	[tilespmem:$0x1EB80] =	vst v63  }
0x152: {  	_ =	swait.ge [sflag:s1], $0x4000  }
0x153: {  	[sflag:s1] =	ssyncset.done $0x0  }
0x154: {  	s9 =	rddreg [dreg:$0xb];
	[sflag:s1] =	ssyncadd.s32 $0xFFFFC000  }
0x155: {  	[hbm4b:s9+s10] =	stream.linear.scatter [tilespmem:s6], [sflag:$0x1], $0x4000, $0x38;
	[tilespmem:$0x1EB80] =	vst v63  }
0x156: {  	_ = 	snop  }
0x157: {  	[tilespmem:s2], [sflag:$0x3] =	stream.linear.gather [spmem:s28], $0x80, $0x38;
	[tilespmem:$0x1EB80] =	vst v63  }
0x158: {  	_ =	swait.ge [sflag:s1], $0x80  }
0x159: {  	[sflag:s1] =	ssyncset.done $0x0  }
0x15a: {  	s18 =	rddreg [dreg:$0x10];
	[sflag:s1] =	ssyncadd.s32 $0xFFFFFF80  }
0x15b: {  	[hbm4b:s18+s10] =	stream.linear.scatter [tilespmem:s2], [sflag:$0x3], $0x80, $0x38;
	[tilespmem:$0x1EB80] =	vst v63  }
0x15c: {  	_ =	swait.ge [sflag:s1], $0x80  }
0x15d: {  	[sflag:s1] =	ssyncset.done $0x0  }
0x15e: {  	[sflag:s1] =	ssyncadd.s32 $0xFFFFFF80  }
0x15f: {  	_ =	swait.ge [sflag:s8], $0x4000  }
0x160: {  	[sflag:s8] =	ssyncset.done $0x0  }
0x161: {  	[sflag:s8] =	ssyncadd.s32 $0xFFFFC000  }
0x162: {  	[tilespmem:s12], [sflag:$0x3] =	stream.linear.gather [spmem:s29], $0x4000, $0x38;
	[tilespmem:$0x1EB80] =	vst v63  }
0x163: {  	_ =	swait.ge [sflag:s1], $0x4000  }
0x164: {  	[sflag:s1] =	ssyncset.done $0x0  }
0x165: {  	s19 =	rddreg [dreg:$0xc];
	[sflag:s1] =	ssyncadd.s32 $0xFFFFC000  }
0x166: {  	[hbm4b:s19+s10] =	stream.linear.scatter [tilespmem:s12], [sflag:$0x2], $0x4000, $0x38;
	[tilespmem:$0x1EB80] =	vst v63  }
0x167: {  	_ = 	snop  }
0x168: {  	[tilespmem:s2], [sflag:$0x3] =	stream.linear.gather [spmem:s30], $0x80, $0x38;
	[tilespmem:$0x1EB80] =	vst v63  }
0x169: {  	_ =	swait.ge [sflag:s1], $0x80  }
0x16a: {  	[sflag:s1] =	ssyncset.done $0x0  }
0x16b: {  	s4 =	rddreg [dreg:$0x11];
	[sflag:s1] =	ssyncadd.s32 $0xFFFFFF80  }
0x16c: {  	[hbm4b:s4+s10] =	stream.linear.scatter [tilespmem:s2], [sflag:$0x3], $0x80, $0x38;
	[tilespmem:$0x1EB80] =	vst v63  }
0x16d: {  	_ =	swait.ge [sflag:s1], $0x80  }
0x16e: {  	[sflag:s1] =	ssyncset.done $0x0  }
0x16f: {  	[sflag:s1] =	ssyncadd.s32 $0xFFFFFF80  }
0x170: {  	_ =	swait.ge [sflag:s7], $0x4000  }
0x171: {  	[sflag:s7] =	ssyncset.done $0x0  }
0x172: {  	[sflag:s7] =	ssyncadd.s32 $0xFFFFC000  }
0x173: {  	[tilespmem:s6], [sflag:$0x3] =	stream.linear.gather [spmem:s31], $0x4000, $0x38;
	[tilespmem:$0x1EB80] =	vst v63  }
0x174: {  	_ =	swait.ge [sflag:s1], $0x4000  }
0x175: {  	[sflag:s1] =	ssyncset.done $0x0  }
0x176: {  	s9 =	rddreg [dreg:$0xd];
	[sflag:s1] =	ssyncadd.s32 $0xFFFFC000  }
0x177: {  	[hbm4b:s9+s10] =	stream.linear.scatter [tilespmem:s6], [sflag:$0x1], $0x4000, $0x38;
	[tilespmem:$0x1EB80] =	vst v63  }
0x178: {  	_ = 	snop  }
0x179: {  	[tilespmem:s2], [sflag:$0x3] =	stream.linear.gather [spmem:s15], $0x80, $0x38;
	[tilespmem:$0x1EB80] =	vst v63  }
0x17a: {  	_ =	swait.ge [sflag:s1], $0x80  }
0x17b: {  	[sflag:s1] =	ssyncset.done $0x0  }
0x17c: {  	s18 =	rddreg [dreg:$0x12];
	[sflag:s1] =	ssyncadd.s32 $0xFFFFFF80  }
0x17d: {  	[hbm4b:s18+s10] =	stream.linear.scatter [tilespmem:s2], [sflag:$0x3], $0x80, $0x38;
	[tilespmem:$0x1EB80] =	vst v63  }
0x17e: {  	_ =	swait.ge [sflag:s1], $0x80  }
0x17f: {  	[sflag:s1] =	ssyncset.done $0x0  }
0x180: {  	[sflag:s1] =	ssyncadd.s32 $0xFFFFFF80  }
0x181: {  	_ =	swait.ge [sflag:s8], $0x4000  }
0x182: {  	[sflag:s8] =	ssyncset.done $0x0  }
0x183: {  	[sflag:s8] =	ssyncadd.s32 $0xFFFFC000  }
0x184: {  	_ =	swait.ge [sflag:s7], $0x4000  }
0x185: {  	s14 =	sadd.s32 $0x1, s14;
	s19 =	rddreg [dreg:$0x13]  }
0x186: {  	p0 =	sne.s32 s14, s19  }
.Ltmp2:
0x187: {  	_ = 	snop;
	(pc) =	sbr.rel @p0 .LBB2_1-.Ltmp2, $3  }
0x188: {  	_ =	sdelay $0x1  }
0x189: {  	[sflag:s7] =	ssyncset.done $0x0  }
0x18a: {  	[sflag:s7] =	ssyncadd.s32 $0xFFFFC000  }
0x18b: {  	_ =	sfence.sel $0x180000  }
0x18c: {  	[bflag:$0x0] =	sbarrier.arrive $0xFFFF  }
0x18d: {  	_ =	strace $0x90000047  }
0x18e: {  	s0 =	stileid.u32;
	[bflag:$0x2] =	sbarrier.arrive $0xFFFF  }
0x18f: {  	p0 =	sne.s32 s0, $0x0;
	s0 =	rddreg [dreg:$0x4]  }
0x190: {  	s0 =	sadd.s32 @!p0 $0x100000, s0  }
0x191: {  	[sflag:s0] =	ssyncadd.tile.s32 @!p0 $0x1;
	_ =	shalt  }
.Lfunc_end2:
_tile_overlayer_lowered:
.L_overlay_start_2:
0x192: {  	(tag) =	ssettag $0x2  }
0x193: {  	s0 =	rddreg [dreg:$0x0];
	s2 =	stileid.u32  }
0x194: {  	s1 =	rddreg [dreg:$0x1];
	p0 =	sne.s32 s2, $0x0  }
0x195: {  	s3 =	rddreg [dreg:$0x2];
	[bflag:$0x3] =	sbarrier.arrive $0xFFFF;
	s2 =	simm.s32 @!p0 $0x1C03  }
0x196: {  	[timem:s3], [sflag:s2] =	dma.local @!p0 [hbm:s0], s1  }
0x197: {  	s0 =	simm.s32 @!p0 $0x3  }
0x198: {  	_ =	swait.ge @!p0 [sflag:s0], s1  }
0x199: {  	s1 =	ssub.s32 @!p0 $0x0, s1;
	[sflag:s0] =	ssyncset.done @!p0 $0x0  }
0x19a: {  	[sflag:s0] =	ssyncadd.s32 @!p0 s1  }
0x19b: {  	[bflag:$0x3] =	sbarrier.arrive $0xFFFF  }
0x19c: {  	_ =	shalt  }

</sc_bundles>
